<compile_context>
chip_gen: v7x
topology: tpu7x:2x2x1
jax: 0.10.2.dev20260603
libtpu: 0.0.44.dev20260713+nightly
codegen_flags: <defaults>
</compile_context>

<pallas_src>
import functools

import jax
import jax.numpy as jnp
from jax import lax
from jax.experimental import pallas as pl
from jax.experimental.pallas import tpu as pltpu
from jax.experimental.pallas import tpu_sc as plsc

N = 10000
D = 128
E = 320000
NC = 2
NS = 16
NW = NC * NS
K = 128
C = 80
C0 = 104
C1 = 56
EPAD = NW * C * K
CROWS = EPAD // K
RPS = 632
NPAD = NS * RPS
L = 16
EPS = 1e-5



def _stage1_body(h_ref, w1a_ref, w1b_ref, w2a_ref, b1_ref, b2_ref,
                 ha_ref, hb_ref, hc_ref):
    hblk = h_ref[...]
    ha_ref[...] = jnp.dot(hblk, w1a_ref[...], preferred_element_type=jnp.float32)
    hb_ref[...] = jnp.dot(hblk, w1b_ref[...], preferred_element_type=jnp.float32) + b1_ref[...]
    hc_ref[...] = jnp.dot(hblk, w2a_ref[...], preferred_element_type=jnp.float32) + b2_ref[...]


def _stage1(h2, w1a, w1b, w2a, b1, b2):
    blk = 400
    grid = (N // blk,)
    full = pl.BlockSpec((D, D), lambda i: (0, 0))
    vec = pl.BlockSpec((1, D), lambda i: (0, 0))
    row = pl.BlockSpec((blk, D), lambda i: (i, 0))
    return pl.pallas_call(
        _stage1_body,
        grid=grid,
        in_specs=[row, full, full, full, vec, vec],
        out_specs=[row, row, row],
        out_shape=[jax.ShapeDtypeStruct((N, D), jnp.float32)] * 3,
    )(h2, w1a, w1b, w2a, b1, b2)



def _rsqrt_newton(v):
    i = lax.bitcast_convert_type(v, jnp.int32)
    i = jnp.int32(0x5F3759DF) - lax.shift_right_logical(i, 1)
    y = lax.bitcast_convert_type(i, jnp.float32)
    for _ in range(2):
        y = y * (1.5 - 0.5 * v * y * y)
    return y


def _lane_sum(x):
    lanes = lax.iota(jnp.int32, L)
    for k in (1, 2, 4, 8):
        perm = lanes ^ k
        x = x + x.at[perm].get(mode="promise_in_bounds", unique_indices=True)
    return x


HK = K // 2


def _sc_edge_body(ha_hbm, hb_hbm, idx_hbm, g1_hbm, be1_hbm, zeros_hbm,
                  out_hbm,
                  idx_v, sidx0, didx0, sidx1, didx1,
                  buf_a0, buf_b0, buf_a1, buf_b1, g_v, be_v, agg_sh,
                  sa0, sb0, sa1, sb1):
    c = lax.axis_index("c")
    s = lax.axis_index("s")
    row0 = s * RPS
    base_row = jnp.where(c == 0, s * C0, NS * C0 + s * C1)

    pltpu.sync_copy(zeros_hbm.at[pl.ds(row0, RPS)], agg_sh.at[pl.ds(row0, RPS)])
    pltpu.sync_copy(g1_hbm, g_v)
    pltpu.sync_copy(be1_hbm, be_v)
    plsc.subcore_barrier()

    g_regs = [g_v[pl.ds(L * t, L)] for t in range(D // L)]
    be_regs = [be_v[pl.ds(L * t, L)] for t in range(D // L)]

    def unpack(row, off, sidx, didx):
        for t in range(HK // L):
            p = idx_v[row, pl.ds(off + L * t, L)]
            sidx[pl.ds(L * t, L)] = lax.bitwise_and(p, jnp.int32(0xFFFF))
            didx[pl.ds(L * t, L)] = lax.shift_right_logical(p, 16)

    def start_gathers(sidx, didx, ba, bb, sa, sb):
        pltpu.async_copy(ha_hbm.at[sidx], ba, sa)
        pltpu.async_copy(hb_hbm.at[didx], bb, sb)

    def wait_gathers(sidx, didx, ba, bb, sa, sb):
        pltpu.make_async_copy(ha_hbm.at[sidx], ba, sa).wait()
        pltpu.make_async_copy(hb_hbm.at[didx], bb, sb).wait()

    def compute_scatter(ba, bb, didx):
        def edge_ln(e):
            x = [ba[e, pl.ds(L * t, L)] + bb[e, pl.ds(L * t, L)]
                 for t in range(D // L)]
            sv = ((x[0] + x[1]) + (x[2] + x[3])) + ((x[4] + x[5]) + (x[6] + x[7]))
            q = [xt * xt for xt in x]
            qv = ((q[0] + q[1]) + (q[2] + q[3])) + ((q[4] + q[5]) + (q[6] + q[7]))
            mu = _lane_sum(sv) * (1.0 / D)
            var = _lane_sum(qv) * (1.0 / D) - mu * mu
            r = _rsqrt_newton(var + EPS)
            for t in range(D // L):
                y = (x[t] - mu) * r
                y = y * g_regs[t] + be_regs[t]
                ba[e, pl.ds(L * t, L)] = jnp.maximum(y, 0.0)

        @plsc.parallel_loop(0, HK, step=1, unroll=4)
        def _edge_loop(e):
            edge_ln(e)

        pltpu.sync_copy(ba, agg_sh.at[didx], add=True)

    def run_chunks(n_chunks):
        pltpu.sync_copy(idx_hbm.at[pl.ds(base_row, n_chunks)],
                        idx_v.at[pl.ds(0, n_chunks)])
        unpack(0, 0, sidx0, didx0)
        start_gathers(sidx0, didx0, buf_a0, buf_b0, sa0, sb0)

        def pair_body(jj, carry):
            row = jj
            unpack(row, HK, sidx1, didx1)
            start_gathers(sidx1, didx1, buf_a1, buf_b1, sa1, sb1)
            wait_gathers(sidx0, didx0, buf_a0, buf_b0, sa0, sb0)
            compute_scatter(buf_a0, buf_b0, didx0)

            @pl.when(jj + 1 < n_chunks)
            def _():
                unpack(row + 1, 0, sidx0, didx0)
                start_gathers(sidx0, didx0, buf_a0, buf_b0, sa0, sb0)

            wait_gathers(sidx1, didx1, buf_a1, buf_b1, sa1, sb1)
            compute_scatter(buf_a1, buf_b1, didx1)
            return carry

        lax.fori_loop(0, n_chunks, pair_body, 0, unroll=False)

    @pl.when(c == 0)
    def _():
        run_chunks(C0)

    @pl.when(c == 1)
    def _():
        run_chunks(C1)

    plsc.subcore_barrier()
    pltpu.sync_copy(agg_sh.at[pl.ds(row0, RPS)],
                    out_hbm.at[c, pl.ds(row0, RPS)])


def _sc_edge(ha, hb, idx, g1, be1, zeros):
    mesh = plsc.VectorSubcoreMesh(core_axis_name="c", subcore_axis_name="s")
    f = functools.partial(
        pl.kernel,
        out_type=jax.ShapeDtypeStruct((NC, NPAD, D), jnp.float32),
        mesh=mesh,
        scratch_types=[
            pltpu.VMEM((max(C0, C1), K), jnp.int32),
            pltpu.VMEM((HK,), jnp.int32),
            pltpu.VMEM((HK,), jnp.int32),
            pltpu.VMEM((HK,), jnp.int32),
            pltpu.VMEM((HK,), jnp.int32),
            pltpu.VMEM((HK, D), jnp.float32),
            pltpu.VMEM((HK, D), jnp.float32),
            pltpu.VMEM((HK, D), jnp.float32),
            pltpu.VMEM((HK, D), jnp.float32),
            pltpu.VMEM((D,), jnp.float32),
            pltpu.VMEM((D,), jnp.float32),
            pltpu.VMEM_SHARED((NPAD, D), jnp.float32),
            pltpu.SemaphoreType.DMA,
            pltpu.SemaphoreType.DMA,
            pltpu.SemaphoreType.DMA,
            pltpu.SemaphoreType.DMA,
        ],
    )(_sc_edge_body)
    return f(ha, hb, idx, g1, be1, zeros)



def _stage3_body(hc_ref, agg_ref, h_ref, w2b_ref, g2_ref, be2_ref, out_ref):
    aggsum = agg_ref[0] + agg_ref[1]
    t = hc_ref[...] + jnp.dot(aggsum, w2b_ref[...], preferred_element_type=jnp.float32)
    mu = jnp.mean(t, axis=-1, keepdims=True)
    var = jnp.mean((t - mu) ** 2, axis=-1, keepdims=True)
    y = (t - mu) * lax.rsqrt(var + EPS) * g2_ref[...] + be2_ref[...]
    out_ref[...] = jnp.maximum(y, 0.0) + h_ref[...]


def _stage3(hc, agg, h2, w2b, g2, be2):
    blk = 400
    grid = (N // blk,)
    row = pl.BlockSpec((blk, D), lambda i: (i, 0))
    return pl.pallas_call(
        _stage3_body,
        grid=grid,
        in_specs=[
            row,
            pl.BlockSpec((NC, blk, D), lambda i: (0, i, 0)),
            row,
            pl.BlockSpec((D, D), lambda i: (0, 0)),
            pl.BlockSpec((1, D), lambda i: (0, 0)),
            pl.BlockSpec((1, D), lambda i: (0, 0)),
        ],
        out_specs=row,
        out_shape=jax.ShapeDtypeStruct((N, D), jnp.float32),
    )(hc, agg, h2, w2b, g2, be2)



def kernel(h, edge_index, W1, b1, g1, be1, W2, b2, g2, be2):
    h2 = h.reshape(N, D)
    npad = EPAD - E
    src = jnp.concatenate([edge_index[0], jnp.zeros((npad,), jnp.int32)])
    dst = jnp.concatenate([edge_index[1], jnp.full((npad,), N, jnp.int32)])
    idx = (src | (dst << 16)).reshape(CROWS, K)
    zeros = jnp.zeros((NPAD, D), jnp.float32)
    ha, hb, hc = _stage1(h2, W1[:D], W1[D:], W2[:D],
                         b1.reshape(1, D), b2.reshape(1, D))
    agg = _sc_edge(ha, hb, idx, g1, be1, zeros)
    out = _stage3(hc, agg, h2, W2[D:], g2.reshape(1, D), be2.reshape(1, D))
    return out.reshape(1, N, D)

# --- scband reference (transcript-rebuilt; emitter-appended) ---
"""Pipeline reference for scband-gnnlayer-52226802319684 (READ-ONLY COPY).

The authoritative reference and input builder live on the scoring server;
editing this copy changes nothing except your own understanding.
"""

import jax, jax.numpy as jnp
import numpy as np

B, N, E, D = 1, 10000, 320000, 128

def _layernorm(x, gamma, beta, eps=1e-5):
    mu = jnp.mean(x, axis=-1, keepdims=True)
    var = jnp.mean((x - mu) ** 2, axis=-1, keepdims=True)
    return (x - mu) / jnp.sqrt(var + eps) * gamma + beta

def setup_inputs(seed: int = 0) -> dict:
    key = jax.random.key(seed)
    ks = jax.random.split(key, 10)
    h = jax.random.normal(ks[0], (B, N, D), dtype=jnp.float32)
    edge_index = jax.random.randint(ks[1], (2, E), 0, N, dtype=jnp.int32)
    s1 = 1.0 / np.sqrt(2 * D)
    W1 = jax.random.normal(ks[2], (2 * D, D), dtype=jnp.float32) * s1
    b1 = jax.random.normal(ks[3], (D,), dtype=jnp.float32) * 0.01
    g1 = jnp.ones((D,), dtype=jnp.float32)
    be1 = jnp.zeros((D,), dtype=jnp.float32)
    W2 = jax.random.normal(ks[4], (2 * D, D), dtype=jnp.float32) * s1
    b2 = jax.random.normal(ks[5], (D,), dtype=jnp.float32) * 0.01
    g2 = jnp.ones((D,), dtype=jnp.float32)
    be2 = jnp.zeros((D,), dtype=jnp.float32)
    return {"h": h, "edge_index": edge_index, "W1": W1, "b1": b1, "g1": g1, "be1": be1, "W2": W2, "b2": b2, "g2": g2, "be2": be2}

def reference(h, edge_index, W1, b1, g1, be1, W2, b2, g2, be2):
    src = edge_index[0]
    dst = edge_index[1]
    h_src = h[:, src, :]
    h_dst = h[:, dst, :]
    edge_input = jnp.concatenate([h_src, h_dst], axis=-1)
    messages = jax.nn.relu(_layernorm(edge_input @ W1 + b1, g1, be1))
    aggregated = jnp.zeros_like(h).at[:, dst, :].add(messages)
    node_input = jnp.concatenate([h, aggregated], axis=-1)
    h_new = jax.nn.relu(_layernorm(node_input @ W2 + b2, g2, be2))
    return h_new + h

if __name__ == "__main__":
    import jax
    _d = setup_inputs()
    print(jax.jit(kernel)(*tuple(_d.values())))

</pallas_src>

<mosaic_0001>
#map = affine_map<(d0, d1) -> (0, 0)>
#map1 = affine_map<(d0, d1) -> (0)>
#map2 = affine_map<(d0, d1) -> (0, 0, 0)>
module attributes {stable_mosaic.version = 14 : i64} {
  func.func @_sc_edge_body(%arg0: i32, %arg1: i32, %arg2: memref<10000x128xf32, #tpu.memory_space<hbm>>, %arg3: memref<10000x128xf32, #tpu.memory_space<hbm>>, %arg4: memref<2560x128xi32, #tpu.memory_space<hbm>>, %arg5: memref<128xf32, #tpu.memory_space<hbm>>, %arg6: memref<128xf32, #tpu.memory_space<hbm>>, %arg7: memref<10112x128xf32, #tpu.memory_space<hbm>>, %arg8: memref<2x10112x128xf32, #tpu.memory_space<hbm>>, %arg9: memref<104x128xi32, #tpu.memory_space<vmem>>, %arg10: memref<64xi32, #tpu.memory_space<vmem>>, %arg11: memref<64xi32, #tpu.memory_space<vmem>>, %arg12: memref<64xi32, #tpu.memory_space<vmem>>, %arg13: memref<64xi32, #tpu.memory_space<vmem>>, %arg14: memref<64x128xf32, #tpu.memory_space<vmem>>, %arg15: memref<64x128xf32, #tpu.memory_space<vmem>>, %arg16: memref<64x128xf32, #tpu.memory_space<vmem>>, %arg17: memref<64x128xf32, #tpu.memory_space<vmem>>, %arg18: memref<128xf32, #tpu.memory_space<vmem>>, %arg19: memref<128xf32, #tpu.memory_space<vmem>>, %arg20: memref<10112x128xf32, #tpu.memory_space<vmem_shared>>, %arg21: memref<!tpu.dma_semaphore, #tpu.memory_space<semaphore_mem>>, %arg22: memref<!tpu.dma_semaphore, #tpu.memory_space<semaphore_mem>>, %arg23: memref<!tpu.dma_semaphore, #tpu.memory_space<semaphore_mem>>, %arg24: memref<!tpu.dma_semaphore, #tpu.memory_space<semaphore_mem>>) attributes {dimension_semantics = [#tpu.dimension_semantics<core_parallel>, #tpu.dimension_semantics<subcore_parallel>], iteration_bounds = array<i64: 2, 16>, scalar_prefetch = 0 : i64, scratch_operands = 16 : i64, tpu.core_type = #tpu.core_type<sc_vector_subcore>, window_params = [{transform_indices = #map}, {transform_indices = #map}, {transform_indices = #map}, {transform_indices = #map1}, {transform_indices = #map1}, {transform_indices = #map}, {transform_indices = #map2}]} {
    %mul3A = arith.constant 632 : i32
    %mul3A_0 = arith.muli %arg1, %mul3A : i32
    %eq3A = arith.constant 0 : i32
    %eq3A_1 = arith.cmpi eq, %arg0, %eq3A : i32
    %mul3A_2 = arith.constant 104 : i32
    %mul3A_3 = arith.muli %arg1, %mul3A_2 : i32
    %mul3A_4 = arith.constant 56 : i32
    %mul3A_5 = arith.muli %arg1, %mul3A_4 : i32
    %add3A = arith.constant 1664 : i32
    %add3A_6 = arith.addi %add3A, %mul3A_5 : i32
    %select_n3A = arith.select %eq3A_1, %mul3A_3, %add3A_6 : i32
    "tpu.region"() ({
      %run_scoped3A = tpu.sem_alloc : memref<!tpu.dma_semaphore, #tpu.memory_space<semaphore_mem>>
      %dma_start3A = arith.constant 0 : i32
      %dma_start3A_63 = tpu.memref_slice %arg20[%mul3A_0, %dma_start3A] : memref<10112x128xf32, #tpu.memory_space<vmem_shared>> -> memref<632x128xf32, #tpu.memory_space<vmem_shared>>
      %dma_start3A_64 = arith.constant 0 : i32
      %dma_start3A_65 = tpu.memref_slice %arg7[%mul3A_0, %dma_start3A_64] : memref<10112x128xf32, #tpu.memory_space<hbm>> -> memref<632x128xf32, #tpu.memory_space<hbm>>
      tpu.enqueue_dma source(%dma_start3A_65 : memref<632x128xf32, #tpu.memory_space<hbm>>) target(%dma_start3A_63 : memref<632x128xf32, #tpu.memory_space<vmem_shared>>) target_semaphore(%run_scoped3A : memref<!tpu.dma_semaphore, #tpu.memory_space<semaphore_mem>>)
      %dma_wait3A = arith.constant 0 : i32
      %dma_wait3A_66 = tpu.memref_slice %arg20[%mul3A_0, %dma_wait3A] : memref<10112x128xf32, #tpu.memory_space<vmem_shared>> -> memref<632x128xf32, #tpu.memory_space<vmem_shared>>
      %dma_wait3A_67 = arith.constant 0 : i32
      %dma_wait3A_68 = tpu.memref_slice %arg7[%mul3A_0, %dma_wait3A_67] : memref<10112x128xf32, #tpu.memory_space<hbm>> -> memref<632x128xf32, #tpu.memory_space<hbm>>
      tpu.wait_dma2 semaphore(%run_scoped3A : memref<!tpu.dma_semaphore, #tpu.memory_space<semaphore_mem>>) src(%dma_wait3A_68 : memref<632x128xf32, #tpu.memory_space<hbm>>) dst(%dma_wait3A_66 : memref<632x128xf32, #tpu.memory_space<vmem_shared>>)
      tpu.yield
    }) : () -> ()
    "tpu.region"() ({
      %run_scoped3A = tpu.sem_alloc : memref<!tpu.dma_semaphore, #tpu.memory_space<semaphore_mem>>
      tpu.enqueue_dma source(%arg5 : memref<128xf32, #tpu.memory_space<hbm>>) target(%arg18 : memref<128xf32, #tpu.memory_space<vmem>>) target_semaphore(%run_scoped3A : memref<!tpu.dma_semaphore, #tpu.memory_space<semaphore_mem>>)
      tpu.wait_dma2 semaphore(%run_scoped3A : memref<!tpu.dma_semaphore, #tpu.memory_space<semaphore_mem>>) src(%arg5 : memref<128xf32, #tpu.memory_space<hbm>>) dst(%arg18 : memref<128xf32, #tpu.memory_space<vmem>>)
      tpu.yield
    }) : () -> ()
    "tpu.region"() ({
      %run_scoped3A = tpu.sem_alloc : memref<!tpu.dma_semaphore, #tpu.memory_space<semaphore_mem>>
      tpu.enqueue_dma source(%arg6 : memref<128xf32, #tpu.memory_space<hbm>>) target(%arg19 : memref<128xf32, #tpu.memory_space<vmem>>) target_semaphore(%run_scoped3A : memref<!tpu.dma_semaphore, #tpu.memory_space<semaphore_mem>>)
      tpu.wait_dma2 semaphore(%run_scoped3A : memref<!tpu.dma_semaphore, #tpu.memory_space<semaphore_mem>>) src(%arg6 : memref<128xf32, #tpu.memory_space<hbm>>) dst(%arg19 : memref<128xf32, #tpu.memory_space<vmem>>)
      tpu.yield
    }) : () -> ()
    %barrier3A = arith.constant 0 : index
    tpu.barrier barrier_id(%barrier3A)
    %get3A = arith.constant 0 : index
    %get3A_7 = tpu.vector_load %arg18[%get3A] {strides = array<i32>} : memref<128xf32, #tpu.memory_space<vmem>>, vector<16xf32>,
    %get3A_8 = vector.shape_cast %get3A_7 : vector<16xf32> to vector<16xf32>
    %get3A_9 = arith.constant 16 : index
    %get3A_10 = tpu.vector_load %arg18[%get3A_9] {strides = array<i32>} : memref<128xf32, #tpu.memory_space<vmem>>, vector<16xf32>,
    %get3A_11 = vector.shape_cast %get3A_10 : vector<16xf32> to vector<16xf32>
    %get3A_12 = arith.constant 32 : index
    %get3A_13 = tpu.vector_load %arg18[%get3A_12] {strides = array<i32>} : memref<128xf32, #tpu.memory_space<vmem>>, vector<16xf32>,
    %get3A_14 = vector.shape_cast %get3A_13 : vector<16xf32> to vector<16xf32>
    %get3A_15 = arith.constant 48 : index
    %get3A_16 = tpu.vector_load %arg18[%get3A_15] {strides = array<i32>} : memref<128xf32, #tpu.memory_space<vmem>>, vector<16xf32>,
    %get3A_17 = vector.shape_cast %get3A_16 : vector<16xf32> to vector<16xf32>
    %get3A_18 = arith.constant 64 : index
    %get3A_19 = tpu.vector_load %arg18[%get3A_18] {strides = array<i32>} : memref<128xf32, #tpu.memory_space<vmem>>, vector<16xf32>,
    %get3A_20 = vector.shape_cast %get3A_19 : vector<16xf32> to vector<16xf32>
    %get3A_21 = arith.constant 80 : index
    %get3A_22 = tpu.vector_load %arg18[%get3A_21] {strides = array<i32>} : memref<128xf32, #tpu.memory_space<vmem>>, vector<16xf32>,
    %get3A_23 = vector.shape_cast %get3A_22 : vector<16xf32> to vector<16xf32>
    %get3A_24 = arith.constant 96 : index
    %get3A_25 = tpu.vector_load %arg18[%get3A_24] {strides = array<i32>} : memref<128xf32, #tpu.memory_space<vmem>>, vector<16xf32>,
    %get3A_26 = vector.shape_cast %get3A_25 : vector<16xf32> to vector<16xf32>
    %get3A_27 = arith.constant 112 : index
    %get3A_28 = tpu.vector_load %arg18[%get3A_27] {strides = array<i32>} : memref<128xf32, #tpu.memory_space<vmem>>, vector<16xf32>,
    %get3A_29 = vector.shape_cast %get3A_28 : vector<16xf32> to vector<16xf32>
    %get3A_30 = arith.constant 0 : index
    %get3A_31 = tpu.vector_load %arg19[%get3A_30] {strides = array<i32>} : memref<128xf32, #tpu.memory_space<vmem>>, vector<16xf32>,
    %get3A_32 = vector.shape_cast %get3A_31 : vector<16xf32> to vector<16xf32>
    %get3A_33 = arith.constant 16 : index
    %get3A_34 = tpu.vector_load %arg19[%get3A_33] {strides = array<i32>} : memref<128xf32, #tpu.memory_space<vmem>>, vector<16xf32>,
    %get3A_35 = vector.shape_cast %get3A_34 : vector<16xf32> to vector<16xf32>
    %get3A_36 = arith.constant 32 : index
    %get3A_37 = tpu.vector_load %arg19[%get3A_36] {strides = array<i32>} : memref<128xf32, #tpu.memory_space<vmem>>, vector<16xf32>,
    %get3A_38 = vector.shape_cast %get3A_37 : vector<16xf32> to vector<16xf32>
    %get3A_39 = arith.constant 48 : index
    %get3A_40 = tpu.vector_load %arg19[%get3A_39] {strides = array<i32>} : memref<128xf32, #tpu.memory_space<vmem>>, vector<16xf32>,
    %get3A_41 = vector.shape_cast %get3A_40 : vector<16xf32> to vector<16xf32>
    %get3A_42 = arith.constant 64 : index
    %get3A_43 = tpu.vector_load %arg19[%get3A_42] {strides = array<i32>} : memref<128xf32, #tpu.memory_space<vmem>>, vector<16xf32>,
    %get3A_44 = vector.shape_cast %get3A_43 : vector<16xf32> to vector<16xf32>
    %get3A_45 = arith.constant 80 : index
    %get3A_46 = tpu.vector_load %arg19[%get3A_45] {strides = array<i32>} : memref<128xf32, #tpu.memory_space<vmem>>, vector<16xf32>,
    %get3A_47 = vector.shape_cast %get3A_46 : vector<16xf32> to vector<16xf32>
    %get3A_48 = arith.constant 96 : index
    %get3A_49 = tpu.vector_load %arg19[%get3A_48] {strides = array<i32>} : memref<128xf32, #tpu.memory_space<vmem>>, vector<16xf32>,
    %get3A_50 = vector.shape_cast %get3A_49 : vector<16xf32> to vector<16xf32>
    %get3A_51 = arith.constant 112 : index
    %get3A_52 = tpu.vector_load %arg19[%get3A_51] {strides = array<i32>} : memref<128xf32, #tpu.memory_space<vmem>>, vector<16xf32>,
    %get3A_53 = vector.shape_cast %get3A_52 : vector<16xf32> to vector<16xf32>
    %eq3A_54 = arith.constant 0 : i32
    %eq3A_55 = arith.cmpi eq, %arg0, %eq3A_54 : i32
    %convert_element_type3A = arith.extui %eq3A_55 : i1 to i32
    %cond3A = arith.constant 0 : i32
    %cond3A_56 = arith.cmpi ne, %convert_element_type3A, %cond3A : i32
    scf.if %cond3A_56 {
      "tpu.region"() ({
        %run_scoped3A = tpu.sem_alloc : memref<!tpu.dma_semaphore, #tpu.memory_space<semaphore_mem>>
        %dma_start3A_146 = arith.constant 0 : i32
        %dma_start3A_147 = arith.constant 0 : i32
        %dma_start3A_148 = tpu.memref_slice %arg9[%dma_start3A_146, %dma_start3A_147] : memref<104x128xi32, #tpu.memory_space<vmem>> -> memref<104x128xi32, #tpu.memory_space<vmem>>
        %dma_start3A_149 = arith.constant 0 : i32
        %dma_start3A_150 = tpu.memref_slice %arg4[%select_n3A, %dma_start3A_149] : memref<2560x128xi32, #tpu.memory_space<hbm>> -> memref<104x128xi32, #tpu.memory_space<hbm>>
        %dma_start3A_151 = arith.constant 0 : i32
        %dma_start3A_152 = arith.constant 0 : i32
        %dma_start3A_153 = tpu.memref_slice %arg9[%dma_start3A_151, %dma_start3A_152] : memref<104x128xi32, #tpu.memory_space<vmem>> -> memref<104x128xi32, #tpu.memory_space<vmem>>
        %dma_start3A_154 = arith.constant 0 : i32
        %dma_start3A_155 = tpu.memref_slice %arg4[%select_n3A, %dma_start3A_154] : memref<2560x128xi32, #tpu.memory_space<hbm>> -> memref<104x128xi32, #tpu.memory_space<hbm>>
        tpu.enqueue_dma source(%dma_start3A_155 : memref<104x128xi32, #tpu.memory_space<hbm>>) target(%dma_start3A_153 : memref<104x128xi32, #tpu.memory_space<vmem>>) target_semaphore(%run_scoped3A : memref<!tpu.dma_semaphore, #tpu.memory_space<semaphore_mem>>)
        %dma_wait3A = arith.constant 0 : i32
        %dma_wait3A_156 = arith.constant 0 : i32
        %dma_wait3A_157 = tpu.memref_slice %arg9[%dma_wait3A, %dma_wait3A_156] : memref<104x128xi32, #tpu.memory_space<vmem>> -> memref<104x128xi32, #tpu.memory_space<vmem>>
        %dma_wait3A_158 = arith.constant 0 : i32
        %dma_wait3A_159 = tpu.memref_slice %arg4[%select_n3A, %dma_wait3A_158] : memref<2560x128xi32, #tpu.memory_space<hbm>> -> memref<104x128xi32, #tpu.memory_space<hbm>>
        %dma_wait3A_160 = arith.constant 0 : i32
        %dma_wait3A_161 = arith.constant 0 : i32
        %dma_wait3A_162 = tpu.memref_slice %arg9[%dma_wait3A_160, %dma_wait3A_161] : memref<104x128xi32, #tpu.memory_space<vmem>> -> memref<104x128xi32, #tpu.memory_space<vmem>>
        %dma_wait3A_163 = arith.constant 0 : i32
        %dma_wait3A_164 = tpu.memref_slice %arg4[%select_n3A, %dma_wait3A_163] : memref<2560x128xi32, #tpu.memory_space<hbm>> -> memref<104x128xi32, #tpu.memory_space<hbm>>
        tpu.wait_dma2 semaphore(%run_scoped3A : memref<!tpu.dma_semaphore, #tpu.memory_space<semaphore_mem>>) src(%dma_wait3A_164 : memref<104x128xi32, #tpu.memory_space<hbm>>) dst(%dma_wait3A_162 : memref<104x128xi32, #tpu.memory_space<vmem>>)
        tpu.yield
      }) : () -> ()
      %get3A_63 = arith.constant 0 : i32
      %get3A_64 = arith.index_cast %get3A_63 : i32 to index
      %get3A_65 = arith.constant 0 : index
      %get3A_66 = tpu.vector_load %arg9[%get3A_64, %get3A_65] {strides = array<i32>} : memref<104x128xi32, #tpu.memory_space<vmem>>, vector<1x16xi32>,
      %get3A_67 = vector.shape_cast %get3A_66 : vector<1x16xi32> to vector<16xi32>
      %and3A = arith.constant 65535 : i32
      %and3A_68 = vector.broadcast %and3A : i32 to vector<16xi32>
      %and3A_69 = arith.andi %get3A_67, %and3A_68 : vector<16xi32>
      %swap3A = arith.constant 0 : index
      %swap3A_70 = tpu.vector_load %arg10[%swap3A] {strides = array<i32>} : memref<64xi32, #tpu.memory_space<vmem>>, vector<16xi32>,
      %swap3A_71 = vector.shape_cast %swap3A_70 : vector<16xi32> to vector<16xi32>
      %swap3A_72 = vector.shape_cast %and3A_69 : vector<16xi32> to vector<16xi32>
      tpu.vector_store %arg10[%swap3A], %swap3A_72 {strides = array<i32>} : memref<64xi32, #tpu.memory_space<vmem>>, vector<16xi32>,
      %shift_right_logical3A = arith.constant 16 : i32
      %shift_right_logical3A_73 = vector.broadcast %shift_right_logical3A : i32 to vector<16xi32>
      %shift_right_logical3A_74 = arith.shrui %get3A_67, %shift_right_logical3A_73 : vector<16xi32>
      %swap3A_75 = arith.constant 0 : index
      %swap3A_76 = tpu.vector_load %arg11[%swap3A_75] {strides = array<i32>} : memref<64xi32, #tpu.memory_space<vmem>>, vector<16xi32>,
      %swap3A_77 = vector.shape_cast %swap3A_76 : vector<16xi32> to vector<16xi32>
      %swap3A_78 = vector.shape_cast %shift_right_logical3A_74 : vector<16xi32> to vector<16xi32>
      tpu.vector_store %arg11[%swap3A_75], %swap3A_78 {strides = array<i32>} : memref<64xi32, #tpu.memory_space<vmem>>, vector<16xi32>,
      %get3A_79 = arith.constant 0 : i32
      %get3A_80 = arith.index_cast %get3A_79 : i32 to index
      %get3A_81 = arith.constant 16 : index
      %get3A_82 = tpu.vector_load %arg9[%get3A_80, %get3A_81] {strides = array<i32>} : memref<104x128xi32, #tpu.memory_space<vmem>>, vector<1x16xi32>,
      %get3A_83 = vector.shape_cast %get3A_82 : vector<1x16xi32> to vector<16xi32>
      %and3A_84 = arith.constant 65535 : i32
      %and3A_85 = vector.broadcast %and3A_84 : i32 to vector<16xi32>
      %and3A_86 = arith.andi %get3A_83, %and3A_85 : vector<16xi32>
      %swap3A_87 = arith.constant 16 : index
      %swap3A_88 = tpu.vector_load %arg10[%swap3A_87] {strides = array<i32>} : memref<64xi32, #tpu.memory_space<vmem>>, vector<16xi32>,
      %swap3A_89 = vector.shape_cast %swap3A_88 : vector<16xi32> to vector<16xi32>
      %swap3A_90 = vector.shape_cast %and3A_86 : vector<16xi32> to vector<16xi32>
      tpu.vector_store %arg10[%swap3A_87], %swap3A_90 {strides = array<i32>} : memref<64xi32, #tpu.memory_space<vmem>>, vector<16xi32>,
      %shift_right_logical3A_91 = arith.constant 16 : i32
      %shift_right_logical3A_92 = vector.broadcast %shift_right_logical3A_91 : i32 to vector<16xi32>
      %shift_right_logical3A_93 = arith.shrui %get3A_83, %shift_right_logical3A_92 : vector<16xi32>
      %swap3A_94 = arith.constant 16 : index
      %swap3A_95 = tpu.vector_load %arg11[%swap3A_94] {strides = array<i32>} : memref<64xi32, #tpu.memory_space<vmem>>, vector<16xi32>,
      %swap3A_96 = vector.shape_cast %swap3A_95 : vector<16xi32> to vector<16xi32>
      %swap3A_97 = vector.shape_cast %shift_right_logical3A_93 : vector<16xi32> to vector<16xi32>
      tpu.vector_store %arg11[%swap3A_94], %swap3A_97 {strides = array<i32>} : memref<64xi32, #tpu.memory_space<vmem>>, vector<16xi32>,
      %get3A_98 = arith.constant 0 : i32
      %get3A_99 = arith.index_cast %get3A_98 : i32 to index
      %get3A_100 = arith.constant 32 : index
      %get3A_101 = tpu.vector_load %arg9[%get3A_99, %get3A_100] {strides = array<i32>} : memref<104x128xi32, #tpu.memory_space<vmem>>, vector<1x16xi32>,
      %get3A_102 = vector.shape_cast %get3A_101 : vector<1x16xi32> to vector<16xi32>
      %and3A_103 = arith.constant 65535 : i32
      %and3A_104 = vector.broadcast %and3A_103 : i32 to vector<16xi32>
      %and3A_105 = arith.andi %get3A_102, %and3A_104 : vector<16xi32>
      %swap3A_106 = arith.constant 32 : index
      %swap3A_107 = tpu.vector_load %arg10[%swap3A_106] {strides = array<i32>} : memref<64xi32, #tpu.memory_space<vmem>>, vector<16xi32>,
      %swap3A_108 = vector.shape_cast %swap3A_107 : vector<16xi32> to vector<16xi32>
      %swap3A_109 = vector.shape_cast %and3A_105 : vector<16xi32> to vector<16xi32>
      tpu.vector_store %arg10[%swap3A_106], %swap3A_109 {strides = array<i32>} : memref<64xi32, #tpu.memory_space<vmem>>, vector<16xi32>,
      %shift_right_logical3A_110 = arith.constant 16 : i32
      %shift_right_logical3A_111 = vector.broadcast %shift_right_logical3A_110 : i32 to vector<16xi32>
      %shift_right_logical3A_112 = arith.shrui %get3A_102, %shift_right_logical3A_111 : vector<16xi32>
      %swap3A_113 = arith.constant 32 : index
      %swap3A_114 = tpu.vector_load %arg11[%swap3A_113] {strides = array<i32>} : memref<64xi32, #tpu.memory_space<vmem>>, vector<16xi32>,
      %swap3A_115 = vector.shape_cast %swap3A_114 : vector<16xi32> to vector<16xi32>
      %swap3A_116 = vector.shape_cast %shift_right_logical3A_112 : vector<16xi32> to vector<16xi32>
      tpu.vector_store %arg11[%swap3A_113], %swap3A_116 {strides = array<i32>} : memref<64xi32, #tpu.memory_space<vmem>>, vector<16xi32>,
      %get3A_117 = arith.constant 0 : i32
      %get3A_118 = arith.index_cast %get3A_117 : i32 to index
      %get3A_119 = arith.constant 48 : index
      %get3A_120 = tpu.vector_load %arg9[%get3A_118, %get3A_119] {strides = array<i32>} : memref<104x128xi32, #tpu.memory_space<vmem>>, vector<1x16xi32>,
      %get3A_121 = vector.shape_cast %get3A_120 : vector<1x16xi32> to vector<16xi32>
      %and3A_122 = arith.constant 65535 : i32
      %and3A_123 = vector.broadcast %and3A_122 : i32 to vector<16xi32>
      %and3A_124 = arith.andi %get3A_121, %and3A_123 : vector<16xi32>
      %swap3A_125 = arith.constant 48 : index
      %swap3A_126 = tpu.vector_load %arg10[%swap3A_125] {strides = array<i32>} : memref<64xi32, #tpu.memory_space<vmem>>, vector<16xi32>,
      %swap3A_127 = vector.shape_cast %swap3A_126 : vector<16xi32> to vector<16xi32>
      %swap3A_128 = vector.shape_cast %and3A_124 : vector<16xi32> to vector<16xi32>
      tpu.vector_store %arg10[%swap3A_125], %swap3A_128 {strides = array<i32>} : memref<64xi32, #tpu.memory_space<vmem>>, vector<16xi32>,
      %shift_right_logical3A_129 = arith.constant 16 : i32
      %shift_right_logical3A_130 = vector.broadcast %shift_right_logical3A_129 : i32 to vector<16xi32>
      %shift_right_logical3A_131 = arith.shrui %get3A_121, %shift_right_logical3A_130 : vector<16xi32>
      %swap3A_132 = arith.constant 48 : index
      %swap3A_133 = tpu.vector_load %arg11[%swap3A_132] {strides = array<i32>} : memref<64xi32, #tpu.memory_space<vmem>>, vector<16xi32>,
      %swap3A_134 = vector.shape_cast %swap3A_133 : vector<16xi32> to vector<16xi32>
      %swap3A_135 = vector.shape_cast %shift_right_logical3A_131 : vector<16xi32> to vector<16xi32>
      tpu.vector_store %arg11[%swap3A_132], %swap3A_135 {strides = array<i32>} : memref<64xi32, #tpu.memory_space<vmem>>, vector<16xi32>,
      %dma_start3A = arith.constant 0 : i32
      %dma_start3A_136 = arith.constant 0 : i32
      %dma_start3A_137 = tpu.memref_slice %arg2[%dma_start3A, %dma_start3A_136] : memref<10000x128xf32, #tpu.memory_space<hbm>> -> memref<10000x128xf32, #tpu.memory_space<hbm>>
      tpu.enqueue_indirect_dma source(%dma_start3A_137 : memref<10000x128xf32, #tpu.memory_space<hbm>>) target(%arg14 : memref<64x128xf32, #tpu.memory_space<vmem>>) offsets(%arg10 : memref<64xi32, #tpu.memory_space<vmem>>) semaphore(%arg21 : memref<!tpu.dma_semaphore, #tpu.memory_space<semaphore_mem>>)
      %dma_start3A_138 = arith.constant 0 : i32
      %dma_start3A_139 = arith.constant 0 : i32
      %dma_start3A_140 = tpu.memref_slice %arg3[%dma_start3A_138, %dma_start3A_139] : memref<10000x128xf32, #tpu.memory_space<hbm>> -> memref<10000x128xf32, #tpu.memory_space<hbm>>
      tpu.enqueue_indirect_dma source(%dma_start3A_140 : memref<10000x128xf32, #tpu.memory_space<hbm>>) target(%arg15 : memref<64x128xf32, #tpu.memory_space<vmem>>) offsets(%arg11 : memref<64xi32, #tpu.memory_space<vmem>>) semaphore(%arg22 : memref<!tpu.dma_semaphore, #tpu.memory_space<semaphore_mem>>)
      %scan3A = arith.constant 0 : i32
      %scan3A_141 = arith.constant 0 : i32
      %scan3A_142 = arith.constant 104 : i32
      %scan3A_143 = arith.addi %scan3A_141, %scan3A_142 : i32
      %scan3A_144 = arith.constant 1 : i32
      scf.for %scan3A_146 = %scan3A_141 to %scan3A_143 step %scan3A_144  : i32 {
        %get3A_147 = arith.index_cast %scan3A_146 : i32 to index
        %get3A_148 = arith.constant 64 : index
        %get3A_149 = tpu.vector_load %arg9[%get3A_147, %get3A_148] {strides = array<i32>} : memref<104x128xi32, #tpu.memory_space<vmem>>, vector<1x16xi32>,
        %get3A_150 = vector.shape_cast %get3A_149 : vector<1x16xi32> to vector<16xi32>
        %and3A_151 = arith.constant 65535 : i32
        %and3A_152 = vector.broadcast %and3A_151 : i32 to vector<16xi32>
        %and3A_153 = arith.andi %get3A_150, %and3A_152 : vector<16xi32>
        %swap3A_154 = arith.constant 0 : index
        %swap3A_155 = tpu.vector_load %arg12[%swap3A_154] {strides = array<i32>} : memref<64xi32, #tpu.memory_space<vmem>>, vector<16xi32>,
        %swap3A_156 = vector.shape_cast %swap3A_155 : vector<16xi32> to vector<16xi32>
        %swap3A_157 = vector.shape_cast %and3A_153 : vector<16xi32> to vector<16xi32>
        tpu.vector_store %arg12[%swap3A_154], %swap3A_157 {strides = array<i32>} : memref<64xi32, #tpu.memory_space<vmem>>, vector<16xi32>,
        %shift_right_logical3A_158 = arith.constant 16 : i32
        %shift_right_logical3A_159 = vector.broadcast %shift_right_logical3A_158 : i32 to vector<16xi32>
        %shift_right_logical3A_160 = arith.shrui %get3A_150, %shift_right_logical3A_159 : vector<16xi32>
        %swap3A_161 = arith.constant 0 : index
        %swap3A_162 = tpu.vector_load %arg13[%swap3A_161] {strides = array<i32>} : memref<64xi32, #tpu.memory_space<vmem>>, vector<16xi32>,
        %swap3A_163 = vector.shape_cast %swap3A_162 : vector<16xi32> to vector<16xi32>
        %swap3A_164 = vector.shape_cast %shift_right_logical3A_160 : vector<16xi32> to vector<16xi32>
        tpu.vector_store %arg13[%swap3A_161], %swap3A_164 {strides = array<i32>} : memref<64xi32, #tpu.memory_space<vmem>>, vector<16xi32>,
        %get3A_165 = arith.index_cast %scan3A_146 : i32 to index
        %get3A_166 = arith.constant 80 : index
        %get3A_167 = tpu.vector_load %arg9[%get3A_165, %get3A_166] {strides = array<i32>} : memref<104x128xi32, #tpu.memory_space<vmem>>, vector<1x16xi32>,
        %get3A_168 = vector.shape_cast %get3A_167 : vector<1x16xi32> to vector<16xi32>
        %and3A_169 = arith.constant 65535 : i32
        %and3A_170 = vector.broadcast %and3A_169 : i32 to vector<16xi32>
        %and3A_171 = arith.andi %get3A_168, %and3A_170 : vector<16xi32>
        %swap3A_172 = arith.constant 16 : index
        %swap3A_173 = tpu.vector_load %arg12[%swap3A_172] {strides = array<i32>} : memref<64xi32, #tpu.memory_space<vmem>>, vector<16xi32>,
        %swap3A_174 = vector.shape_cast %swap3A_173 : vector<16xi32> to vector<16xi32>
        %swap3A_175 = vector.shape_cast %and3A_171 : vector<16xi32> to vector<16xi32>
        tpu.vector_store %arg12[%swap3A_172], %swap3A_175 {strides = array<i32>} : memref<64xi32, #tpu.memory_space<vmem>>, vector<16xi32>,
        %shift_right_logical3A_176 = arith.constant 16 : i32
        %shift_right_logical3A_177 = vector.broadcast %shift_right_logical3A_176 : i32 to vector<16xi32>
        %shift_right_logical3A_178 = arith.shrui %get3A_168, %shift_right_logical3A_177 : vector<16xi32>
        %swap3A_179 = arith.constant 16 : index
        %swap3A_180 = tpu.vector_load %arg13[%swap3A_179] {strides = array<i32>} : memref<64xi32, #tpu.memory_space<vmem>>, vector<16xi32>,
        %swap3A_181 = vector.shape_cast %swap3A_180 : vector<16xi32> to vector<16xi32>
        %swap3A_182 = vector.shape_cast %shift_right_logical3A_178 : vector<16xi32> to vector<16xi32>
        tpu.vector_store %arg13[%swap3A_179], %swap3A_182 {strides = array<i32>} : memref<64xi32, #tpu.memory_space<vmem>>, vector<16xi32>,
        %get3A_183 = arith.index_cast %scan3A_146 : i32 to index
        %get3A_184 = arith.constant 96 : index
        %get3A_185 = tpu.vector_load %arg9[%get3A_183, %get3A_184] {strides = array<i32>} : memref<104x128xi32, #tpu.memory_space<vmem>>, vector<1x16xi32>,
        %get3A_186 = vector.shape_cast %get3A_185 : vector<1x16xi32> to vector<16xi32>
        %and3A_187 = arith.constant 65535 : i32
        %and3A_188 = vector.broadcast %and3A_187 : i32 to vector<16xi32>
        %and3A_189 = arith.andi %get3A_186, %and3A_188 : vector<16xi32>
        %swap3A_190 = arith.constant 32 : index
        %swap3A_191 = tpu.vector_load %arg12[%swap3A_190] {strides = array<i32>} : memref<64xi32, #tpu.memory_space<vmem>>, vector<16xi32>,
        %swap3A_192 = vector.shape_cast %swap3A_191 : vector<16xi32> to vector<16xi32>
        %swap3A_193 = vector.shape_cast %and3A_189 : vector<16xi32> to vector<16xi32>
        tpu.vector_store %arg12[%swap3A_190], %swap3A_193 {strides = array<i32>} : memref<64xi32, #tpu.memory_space<vmem>>, vector<16xi32>,
        %shift_right_logical3A_194 = arith.constant 16 : i32
        %shift_right_logical3A_195 = vector.broadcast %shift_right_logical3A_194 : i32 to vector<16xi32>
        %shift_right_logical3A_196 = arith.shrui %get3A_186, %shift_right_logical3A_195 : vector<16xi32>
        %swap3A_197 = arith.constant 32 : index
        %swap3A_198 = tpu.vector_load %arg13[%swap3A_197] {strides = array<i32>} : memref<64xi32, #tpu.memory_space<vmem>>, vector<16xi32>,
        %swap3A_199 = vector.shape_cast %swap3A_198 : vector<16xi32> to vector<16xi32>
        %swap3A_200 = vector.shape_cast %shift_right_logical3A_196 : vector<16xi32> to vector<16xi32>
        tpu.vector_store %arg13[%swap3A_197], %swap3A_200 {strides = array<i32>} : memref<64xi32, #tpu.memory_space<vmem>>, vector<16xi32>,
        %get3A_201 = arith.index_cast %scan3A_146 : i32 to index
        %get3A_202 = arith.constant 112 : index
        %get3A_203 = tpu.vector_load %arg9[%get3A_201, %get3A_202] {strides = array<i32>} : memref<104x128xi32, #tpu.memory_space<vmem>>, vector<1x16xi32>,
        %get3A_204 = vector.shape_cast %get3A_203 : vector<1x16xi32> to vector<16xi32>
        %and3A_205 = arith.constant 65535 : i32
        %and3A_206 = vector.broadcast %and3A_205 : i32 to vector<16xi32>
        %and3A_207 = arith.andi %get3A_204, %and3A_206 : vector<16xi32>
        %swap3A_208 = arith.constant 48 : index
        %swap3A_209 = tpu.vector_load %arg12[%swap3A_208] {strides = array<i32>} : memref<64xi32, #tpu.memory_space<vmem>>, vector<16xi32>,
        %swap3A_210 = vector.shape_cast %swap3A_209 : vector<16xi32> to vector<16xi32>
        %swap3A_211 = vector.shape_cast %and3A_207 : vector<16xi32> to vector<16xi32>
        tpu.vector_store %arg12[%swap3A_208], %swap3A_211 {strides = array<i32>} : memref<64xi32, #tpu.memory_space<vmem>>, vector<16xi32>,
        %shift_right_logical3A_212 = arith.constant 16 : i32
        %shift_right_logical3A_213 = vector.broadcast %shift_right_logical3A_212 : i32 to vector<16xi32>
        %shift_right_logical3A_214 = arith.shrui %get3A_204, %shift_right_logical3A_213 : vector<16xi32>
        %swap3A_215 = arith.constant 48 : index
        %swap3A_216 = tpu.vector_load %arg13[%swap3A_215] {strides = array<i32>} : memref<64xi32, #tpu.memory_space<vmem>>, vector<16xi32>,
        %swap3A_217 = vector.shape_cast %swap3A_216 : vector<16xi32> to vector<16xi32>
        %swap3A_218 = vector.shape_cast %shift_right_logical3A_214 : vector<16xi32> to vector<16xi32>
        tpu.vector_store %arg13[%swap3A_215], %swap3A_218 {strides = array<i32>} : memref<64xi32, #tpu.memory_space<vmem>>, vector<16xi32>,
        %dma_start3A_219 = arith.constant 0 : i32
        %dma_start3A_220 = arith.constant 0 : i32
        %dma_start3A_221 = tpu.memref_slice %arg2[%dma_start3A_219, %dma_start3A_220] : memref<10000x128xf32, #tpu.memory_space<hbm>> -> memref<10000x128xf32, #tpu.memory_space<hbm>>
        tpu.enqueue_indirect_dma source(%dma_start3A_221 : memref<10000x128xf32, #tpu.memory_space<hbm>>) target(%arg16 : memref<64x128xf32, #tpu.memory_space<vmem>>) offsets(%arg12 : memref<64xi32, #tpu.memory_space<vmem>>) semaphore(%arg23 : memref<!tpu.dma_semaphore, #tpu.memory_space<semaphore_mem>>)
        %dma_start3A_222 = arith.constant 0 : i32
        %dma_start3A_223 = arith.constant 0 : i32
        %dma_start3A_224 = tpu.memref_slice %arg3[%dma_start3A_222, %dma_start3A_223] : memref<10000x128xf32, #tpu.memory_space<hbm>> -> memref<10000x128xf32, #tpu.memory_space<hbm>>
        tpu.enqueue_indirect_dma source(%dma_start3A_224 : memref<10000x128xf32, #tpu.memory_space<hbm>>) target(%arg17 : memref<64x128xf32, #tpu.memory_space<vmem>>) offsets(%arg13 : memref<64xi32, #tpu.memory_space<vmem>>) semaphore(%arg24 : memref<!tpu.dma_semaphore, #tpu.memory_space<semaphore_mem>>)
        %dma_wait3A = arith.constant 0 : i32
        %dma_wait3A_225 = arith.constant 0 : i32
        %dma_wait3A_226 = tpu.memref_slice %arg2[%dma_wait3A, %dma_wait3A_225] : memref<10000x128xf32, #tpu.memory_space<hbm>> -> memref<10000x128xf32, #tpu.memory_space<hbm>>
        tpu.wait_indirect_dma semaphore(%arg21 : memref<!tpu.dma_semaphore, #tpu.memory_space<semaphore_mem>>) src(%dma_wait3A_226 : memref<10000x128xf32, #tpu.memory_space<hbm>>) dst(%arg14 : memref<64x128xf32, #tpu.memory_space<vmem>>)
        %dma_wait3A_227 = arith.constant 0 : i32
        %dma_wait3A_228 = arith.constant 0 : i32
        %dma_wait3A_229 = tpu.memref_slice %arg3[%dma_wait3A_227, %dma_wait3A_228] : memref<10000x128xf32, #tpu.memory_space<hbm>> -> memref<10000x128xf32, #tpu.memory_space<hbm>>
        tpu.wait_indirect_dma semaphore(%arg22 : memref<!tpu.dma_semaphore, #tpu.memory_space<semaphore_mem>>) src(%dma_wait3A_229 : memref<10000x128xf32, #tpu.memory_space<hbm>>) dst(%arg15 : memref<64x128xf32, #tpu.memory_space<vmem>>)
        %parallel_loop3A = arith.constant 0 : i32
        %parallel_loop3A_230 = arith.constant 64 : i32
        %parallel_loop3A_231 = arith.constant 1 : i32
        scf.for %parallel_loop3A_247 = %parallel_loop3A to %parallel_loop3A_230 step %parallel_loop3A_231  : i32 {
          %parallel_loop3A_248 = arith.index_cast %parallel_loop3A_247 : i32 to index
          %parallel_loop3A_249 = arith.constant 0 : index
          %parallel_loop3A_250 = tpu.vector_load %arg14[%parallel_loop3A_248, %parallel_loop3A_249] {strides = array<i32>} : memref<64x128xf32, #tpu.memory_space<vmem>>, vector<1x16xf32>,
          %parallel_loop3A_251 = vector.shape_cast %parallel_loop3A_250 : vector<1x16xf32> to vector<16xf32>
          %parallel_loop3A_252 = arith.index_cast %parallel_loop3A_247 : i32 to index
          %parallel_loop3A_253 = arith.constant 0 : index
          %parallel_loop3A_254 = tpu.vector_load %arg15[%parallel_loop3A_252, %parallel_loop3A_253] {strides = array<i32>} : memref<64x128xf32, #tpu.memory_space<vmem>>, vector<1x16xf32>,
          %parallel_loop3A_255 = vector.shape_cast %parallel_loop3A_254 : vector<1x16xf32> to vector<16xf32>
          %parallel_loop3A_256 = arith.addf %parallel_loop3A_251, %parallel_loop3A_255 : vector<16xf32>
          %parallel_loop3A_257 = arith.index_cast %parallel_loop3A_247 : i32 to index
          %parallel_loop3A_258 = arith.constant 16 : index
          %parallel_loop3A_259 = tpu.vector_load %arg14[%parallel_loop3A_257, %parallel_loop3A_258] {strides = array<i32>} : memref<64x128xf32, #tpu.memory_space<vmem>>, vector<1x16xf32>,
          %parallel_loop3A_260 = vector.shape_cast %parallel_loop3A_259 : vector<1x16xf32> to vector<16xf32>
          %parallel_loop3A_261 = arith.index_cast %parallel_loop3A_247 : i32 to index
          %parallel_loop3A_262 = arith.constant 16 : index
          %parallel_loop3A_263 = tpu.vector_load %arg15[%parallel_loop3A_261, %parallel_loop3A_262] {strides = array<i32>} : memref<64x128xf32, #tpu.memory_space<vmem>>, vector<1x16xf32>,
          %parallel_loop3A_264 = vector.shape_cast %parallel_loop3A_263 : vector<1x16xf32> to vector<16xf32>
          %parallel_loop3A_265 = arith.addf %parallel_loop3A_260, %parallel_loop3A_264 : vector<16xf32>
          %parallel_loop3A_266 = arith.index_cast %parallel_loop3A_247 : i32 to index
          %parallel_loop3A_267 = arith.constant 32 : index
          %parallel_loop3A_268 = tpu.vector_load %arg14[%parallel_loop3A_266, %parallel_loop3A_267] {strides = array<i32>} : memref<64x128xf32, #tpu.memory_space<vmem>>, vector<1x16xf32>,
          %parallel_loop3A_269 = vector.shape_cast %parallel_loop3A_268 : vector<1x16xf32> to vector<16xf32>
          %parallel_loop3A_270 = arith.index_cast %parallel_loop3A_247 : i32 to index
          %parallel_loop3A_271 = arith.constant 32 : index
          %parallel_loop3A_272 = tpu.vector_load %arg15[%parallel_loop3A_270, %parallel_loop3A_271] {strides = array<i32>} : memref<64x128xf32, #tpu.memory_space<vmem>>, vector<1x16xf32>,
          %parallel_loop3A_273 = vector.shape_cast %parallel_loop3A_272 : vector<1x16xf32> to vector<16xf32>
          %parallel_loop3A_274 = arith.addf %parallel_loop3A_269, %parallel_loop3A_273 : vector<16xf32>
          %parallel_loop3A_275 = arith.index_cast %parallel_loop3A_247 : i32 to index
          %parallel_loop3A_276 = arith.constant 48 : index
          %parallel_loop3A_277 = tpu.vector_load %arg14[%parallel_loop3A_275, %parallel_loop3A_276] {strides = array<i32>} : memref<64x128xf32, #tpu.memory_space<vmem>>, vector<1x16xf32>,
          %parallel_loop3A_278 = vector.shape_cast %parallel_loop3A_277 : vector<1x16xf32> to vector<16xf32>
          %parallel_loop3A_279 = arith.index_cast %parallel_loop3A_247 : i32 to index
          %parallel_loop3A_280 = arith.constant 48 : index
          %parallel_loop3A_281 = tpu.vector_load %arg15[%parallel_loop3A_279, %parallel_loop3A_280] {strides = array<i32>} : memref<64x128xf32, #tpu.memory_space<vmem>>, vector<1x16xf32>,
          %parallel_loop3A_282 = vector.shape_cast %parallel_loop3A_281 : vector<1x16xf32> to vector<16xf32>
          %parallel_loop3A_283 = arith.addf %parallel_loop3A_278, %parallel_loop3A_282 : vector<16xf32>
          %parallel_loop3A_284 = arith.index_cast %parallel_loop3A_247 : i32 to index
          %parallel_loop3A_285 = arith.constant 64 : index
          %parallel_loop3A_286 = tpu.vector_load %arg14[%parallel_loop3A_284, %parallel_loop3A_285] {strides = array<i32>} : memref<64x128xf32, #tpu.memory_space<vmem>>, vector<1x16xf32>,
          %parallel_loop3A_287 = vector.shape_cast %parallel_loop3A_286 : vector<1x16xf32> to vector<16xf32>
          %parallel_loop3A_288 = arith.index_cast %parallel_loop3A_247 : i32 to index
          %parallel_loop3A_289 = arith.constant 64 : index
          %parallel_loop3A_290 = tpu.vector_load %arg15[%parallel_loop3A_288, %parallel_loop3A_289] {strides = array<i32>} : memref<64x128xf32, #tpu.memory_space<vmem>>, vector<1x16xf32>,
          %parallel_loop3A_291 = vector.shape_cast %parallel_loop3A_290 : vector<1x16xf32> to vector<16xf32>
          %parallel_loop3A_292 = arith.addf %parallel_loop3A_287, %parallel_loop3A_291 : vector<16xf32>
          %parallel_loop3A_293 = arith.index_cast %parallel_loop3A_247 : i32 to index
          %parallel_loop3A_294 = arith.constant 80 : index
          %parallel_loop3A_295 = tpu.vector_load %arg14[%parallel_loop3A_293, %parallel_loop3A_294] {strides = array<i32>} : memref<64x128xf32, #tpu.memory_space<vmem>>, vector<1x16xf32>,
          %parallel_loop3A_296 = vector.shape_cast %parallel_loop3A_295 : vector<1x16xf32> to vector<16xf32>
          %parallel_loop3A_297 = arith.index_cast %parallel_loop3A_247 : i32 to index
          %parallel_loop3A_298 = arith.constant 80 : index
          %parallel_loop3A_299 = tpu.vector_load %arg15[%parallel_loop3A_297, %parallel_loop3A_298] {strides = array<i32>} : memref<64x128xf32, #tpu.memory_space<vmem>>, vector<1x16xf32>,
          %parallel_loop3A_300 = vector.shape_cast %parallel_loop3A_299 : vector<1x16xf32> to vector<16xf32>
          %parallel_loop3A_301 = arith.addf %parallel_loop3A_296, %parallel_loop3A_300 : vector<16xf32>
          %parallel_loop3A_302 = arith.index_cast %parallel_loop3A_247 : i32 to index
          %parallel_loop3A_303 = arith.constant 96 : index
          %parallel_loop3A_304 = tpu.vector_load %arg14[%parallel_loop3A_302, %parallel_loop3A_303] {strides = array<i32>} : memref<64x128xf32, #tpu.memory_space<vmem>>, vector<1x16xf32>,
          %parallel_loop3A_305 = vector.shape_cast %parallel_loop3A_304 : vector<1x16xf32> to vector<16xf32>
          %parallel_loop3A_306 = arith.index_cast %parallel_loop3A_247 : i32 to index
          %parallel_loop3A_307 = arith.constant 96 : index
          %parallel_loop3A_308 = tpu.vector_load %arg15[%parallel_loop3A_306, %parallel_loop3A_307] {strides = array<i32>} : memref<64x128xf32, #tpu.memory_space<vmem>>, vector<1x16xf32>,
          %parallel_loop3A_309 = vector.shape_cast %parallel_loop3A_308 : vector<1x16xf32> to vector<16xf32>
          %parallel_loop3A_310 = arith.addf %parallel_loop3A_305, %parallel_loop3A_309 : vector<16xf32>
          %parallel_loop3A_311 = arith.index_cast %parallel_loop3A_247 : i32 to index
          %parallel_loop3A_312 = arith.constant 112 : index
          %parallel_loop3A_313 = tpu.vector_load %arg14[%parallel_loop3A_311, %parallel_loop3A_312] {strides = array<i32>} : memref<64x128xf32, #tpu.memory_space<vmem>>, vector<1x16xf32>,
          %parallel_loop3A_314 = vector.shape_cast %parallel_loop3A_313 : vector<1x16xf32> to vector<16xf32>
          %parallel_loop3A_315 = arith.index_cast %parallel_loop3A_247 : i32 to index
          %parallel_loop3A_316 = arith.constant 112 : index
          %parallel_loop3A_317 = tpu.vector_load %arg15[%parallel_loop3A_315, %parallel_loop3A_316] {strides = array<i32>} : memref<64x128xf32, #tpu.memory_space<vmem>>, vector<1x16xf32>,
          %parallel_loop3A_318 = vector.shape_cast %parallel_loop3A_317 : vector<1x16xf32> to vector<16xf32>
          %parallel_loop3A_319 = arith.addf %parallel_loop3A_314, %parallel_loop3A_318 : vector<16xf32>
          %parallel_loop3A_320 = arith.addf %parallel_loop3A_256, %parallel_loop3A_265 : vector<16xf32>
          %parallel_loop3A_321 = arith.addf %parallel_loop3A_274, %parallel_loop3A_283 : vector<16xf32>
          %parallel_loop3A_322 = arith.addf %parallel_loop3A_320, %parallel_loop3A_321 : vector<16xf32>
          %parallel_loop3A_323 = arith.addf %parallel_loop3A_292, %parallel_loop3A_301 : vector<16xf32>
          %parallel_loop3A_324 = arith.addf %parallel_loop3A_310, %parallel_loop3A_319 : vector<16xf32>
          %parallel_loop3A_325 = arith.addf %parallel_loop3A_323, %parallel_loop3A_324 : vector<16xf32>
          %parallel_loop3A_326 = arith.addf %parallel_loop3A_322, %parallel_loop3A_325 : vector<16xf32>
          %parallel_loop3A_327 = arith.mulf %parallel_loop3A_256, %parallel_loop3A_256 : vector<16xf32>
          %parallel_loop3A_328 = arith.mulf %parallel_loop3A_265, %parallel_loop3A_265 : vector<16xf32>
          %parallel_loop3A_329 = arith.mulf %parallel_loop3A_274, %parallel_loop3A_274 : vector<16xf32>
          %parallel_loop3A_330 = arith.mulf %parallel_loop3A_283, %parallel_loop3A_283 : vector<16xf32>
          %parallel_loop3A_331 = arith.mulf %parallel_loop3A_292, %parallel_loop3A_292 : vector<16xf32>
          %parallel_loop3A_332 = arith.mulf %parallel_loop3A_301, %parallel_loop3A_301 : vector<16xf32>
          %parallel_loop3A_333 = arith.mulf %parallel_loop3A_310, %parallel_loop3A_310 : vector<16xf32>
          %parallel_loop3A_334 = arith.mulf %parallel_loop3A_319, %parallel_loop3A_319 : vector<16xf32>
          %parallel_loop3A_335 = arith.addf %parallel_loop3A_327, %parallel_loop3A_328 : vector<16xf32>
          %parallel_loop3A_336 = arith.addf %parallel_loop3A_329, %parallel_loop3A_330 : vector<16xf32>
          %parallel_loop3A_337 = arith.addf %parallel_loop3A_335, %parallel_loop3A_336 : vector<16xf32>
          %parallel_loop3A_338 = arith.addf %parallel_loop3A_331, %parallel_loop3A_332 : vector<16xf32>
          %parallel_loop3A_339 = arith.addf %parallel_loop3A_333, %parallel_loop3A_334 : vector<16xf32>
          %parallel_loop3A_340 = arith.addf %parallel_loop3A_338, %parallel_loop3A_339 : vector<16xf32>
          %parallel_loop3A_341 = arith.addf %parallel_loop3A_337, %parallel_loop3A_340 : vector<16xf32>
          %parallel_loop3A_342 = tpu.iota {dimensions = array<i32: 0>} : vector<16xi32>
          %parallel_loop3A_343 = arith.constant 1 : i32
          %parallel_loop3A_344 = vector.broadcast %parallel_loop3A_343 : i32 to vector<16xi32>
          %parallel_loop3A_345 = arith.xori %parallel_loop3A_342, %parallel_loop3A_344 : vector<16xi32>
          %parallel_loop3A_346 = arith.constant 0 : i32
          %parallel_loop3A_347 = vector.broadcast %parallel_loop3A_346 : i32 to vector<16xi32>
          %parallel_loop3A_348 = arith.cmpi slt, %parallel_loop3A_345, %parallel_loop3A_347 : vector<16xi32>
          %parallel_loop3A_349 = arith.constant 16 : i32
          %parallel_loop3A_350 = vector.broadcast %parallel_loop3A_349 : i32 to vector<16xi32>
          %parallel_loop3A_351 = arith.addi %parallel_loop3A_345, %parallel_loop3A_350 : vector<16xi32>
          %parallel_loop3A_352 = arith.select %parallel_loop3A_348, %parallel_loop3A_351, %parallel_loop3A_345 : vector<16xi1>, vector<16xi32>
          %parallel_loop3A_353 = vector.shape_cast %parallel_loop3A_352 : vector<16xi32> to vector<16x1xi32>
          %parallel_loop3A_354 = vector.shape_cast %parallel_loop3A_353 : vector<16x1xi32> to vector<16xi32>
          %parallel_loop3A_355 = tpu.dynamic_gather %parallel_loop3A_326[%parallel_loop3A_354] in [0] : vector<16xf32>, vector<16xi32> -> vector<16xf32>
          %parallel_loop3A_356 = arith.addf %parallel_loop3A_326, %parallel_loop3A_355 : vector<16xf32>
          %parallel_loop3A_357 = arith.constant 2 : i32
          %parallel_loop3A_358 = vector.broadcast %parallel_loop3A_357 : i32 to vector<16xi32>
          %parallel_loop3A_359 = arith.xori %parallel_loop3A_342, %parallel_loop3A_358 : vector<16xi32>
          %parallel_loop3A_360 = arith.constant 0 : i32
          %parallel_loop3A_361 = vector.broadcast %parallel_loop3A_360 : i32 to vector<16xi32>
          %parallel_loop3A_362 = arith.cmpi slt, %parallel_loop3A_359, %parallel_loop3A_361 : vector<16xi32>
          %parallel_loop3A_363 = arith.constant 16 : i32
          %parallel_loop3A_364 = vector.broadcast %parallel_loop3A_363 : i32 to vector<16xi32>
          %parallel_loop3A_365 = arith.addi %parallel_loop3A_359, %parallel_loop3A_364 : vector<16xi32>
          %parallel_loop3A_366 = arith.select %parallel_loop3A_362, %parallel_loop3A_365, %parallel_loop3A_359 : vector<16xi1>, vector<16xi32>
          %parallel_loop3A_367 = vector.shape_cast %parallel_loop3A_366 : vector<16xi32> to vector<16x1xi32>
          %parallel_loop3A_368 = vector.shape_cast %parallel_loop3A_367 : vector<16x1xi32> to vector<16xi32>
          %parallel_loop3A_369 = tpu.dynamic_gather %parallel_loop3A_356[%parallel_loop3A_368] in [0] : vector<16xf32>, vector<16xi32> -> vector<16xf32>
          %parallel_loop3A_370 = arith.addf %parallel_loop3A_356, %parallel_loop3A_369 : vector<16xf32>
          %parallel_loop3A_371 = arith.constant 4 : i32
          %parallel_loop3A_372 = vector.broadcast %parallel_loop3A_371 : i32 to vector<16xi32>
          %parallel_loop3A_373 = arith.xori %parallel_loop3A_342, %parallel_loop3A_372 : vector<16xi32>
          %parallel_loop3A_374 = arith.constant 0 : i32
          %parallel_loop3A_375 = vector.broadcast %parallel_loop3A_374 : i32 to vector<16xi32>
          %parallel_loop3A_376 = arith.cmpi slt, %parallel_loop3A_373, %parallel_loop3A_375 : vector<16xi32>
          %parallel_loop3A_377 = arith.constant 16 : i32
          %parallel_loop3A_378 = vector.broadcast %parallel_loop3A_377 : i32 to vector<16xi32>
          %parallel_loop3A_379 = arith.addi %parallel_loop3A_373, %parallel_loop3A_378 : vector<16xi32>
          %parallel_loop3A_380 = arith.select %parallel_loop3A_376, %parallel_loop3A_379, %parallel_loop3A_373 : vector<16xi1>, vector<16xi32>
          %parallel_loop3A_381 = vector.shape_cast %parallel_loop3A_380 : vector<16xi32> to vector<16x1xi32>
          %parallel_loop3A_382 = vector.shape_cast %parallel_loop3A_381 : vector<16x1xi32> to vector<16xi32>
          %parallel_loop3A_383 = tpu.dynamic_gather %parallel_loop3A_370[%parallel_loop3A_382] in [0] : vector<16xf32>, vector<16xi32> -> vector<16xf32>
          %parallel_loop3A_384 = arith.addf %parallel_loop3A_370, %parallel_loop3A_383 : vector<16xf32>
          %parallel_loop3A_385 = arith.constant 8 : i32
          %parallel_loop3A_386 = vector.broadcast %parallel_loop3A_385 : i32 to vector<16xi32>
          %parallel_loop3A_387 = arith.xori %parallel_loop3A_342, %parallel_loop3A_386 : vector<16xi32>
          %parallel_loop3A_388 = arith.constant 0 : i32
          %parallel_loop3A_389 = vector.broadcast %parallel_loop3A_388 : i32 to vector<16xi32>
          %parallel_loop3A_390 = arith.cmpi slt, %parallel_loop3A_387, %parallel_loop3A_389 : vector<16xi32>
          %parallel_loop3A_391 = arith.constant 16 : i32
          %parallel_loop3A_392 = vector.broadcast %parallel_loop3A_391 : i32 to vector<16xi32>
          %parallel_loop3A_393 = arith.addi %parallel_loop3A_387, %parallel_loop3A_392 : vector<16xi32>
          %parallel_loop3A_394 = arith.select %parallel_loop3A_390, %parallel_loop3A_393, %parallel_loop3A_387 : vector<16xi1>, vector<16xi32>
          %parallel_loop3A_395 = vector.shape_cast %parallel_loop3A_394 : vector<16xi32> to vector<16x1xi32>
          %parallel_loop3A_396 = vector.shape_cast %parallel_loop3A_395 : vector<16x1xi32> to vector<16xi32>
          %parallel_loop3A_397 = tpu.dynamic_gather %parallel_loop3A_384[%parallel_loop3A_396] in [0] : vector<16xf32>, vector<16xi32> -> vector<16xf32>
          %parallel_loop3A_398 = arith.addf %parallel_loop3A_384, %parallel_loop3A_397 : vector<16xf32>
          %parallel_loop3A_399 = arith.constant 7.812500e-03 : f32
          %parallel_loop3A_400 = vector.broadcast %parallel_loop3A_399 : f32 to vector<16xf32>
          %parallel_loop3A_401 = arith.mulf %parallel_loop3A_398, %parallel_loop3A_400 : vector<16xf32>
          %parallel_loop3A_402 = tpu.iota {dimensions = array<i32: 0>} : vector<16xi32>
          %parallel_loop3A_403 = arith.constant 1 : i32
          %parallel_loop3A_404 = vector.broadcast %parallel_loop3A_403 : i32 to vector<16xi32>
          %parallel_loop3A_405 = arith.xori %parallel_loop3A_402, %parallel_loop3A_404 : vector<16xi32>
          %parallel_loop3A_406 = arith.constant 0 : i32
          %parallel_loop3A_407 = vector.broadcast %parallel_loop3A_406 : i32 to vector<16xi32>
          %parallel_loop3A_408 = arith.cmpi slt, %parallel_loop3A_405, %parallel_loop3A_407 : vector<16xi32>
          %parallel_loop3A_409 = arith.constant 16 : i32
          %parallel_loop3A_410 = vector.broadcast %parallel_loop3A_409 : i32 to vector<16xi32>
          %parallel_loop3A_411 = arith.addi %parallel_loop3A_405, %parallel_loop3A_410 : vector<16xi32>
          %parallel_loop3A_412 = arith.select %parallel_loop3A_408, %parallel_loop3A_411, %parallel_loop3A_405 : vector<16xi1>, vector<16xi32>
          %parallel_loop3A_413 = vector.shape_cast %parallel_loop3A_412 : vector<16xi32> to vector<16x1xi32>
          %parallel_loop3A_414 = vector.shape_cast %parallel_loop3A_413 : vector<16x1xi32> to vector<16xi32>
          %parallel_loop3A_415 = tpu.dynamic_gather %parallel_loop3A_341[%parallel_loop3A_414] in [0] : vector<16xf32>, vector<16xi32> -> vector<16xf32>
          %parallel_loop3A_416 = arith.addf %parallel_loop3A_341, %parallel_loop3A_415 : vector<16xf32>
          %parallel_loop3A_417 = arith.constant 2 : i32
          %parallel_loop3A_418 = vector.broadcast %parallel_loop3A_417 : i32 to vector<16xi32>
          %parallel_loop3A_419 = arith.xori %parallel_loop3A_402, %parallel_loop3A_418 : vector<16xi32>
          %parallel_loop3A_420 = arith.constant 0 : i32
          %parallel_loop3A_421 = vector.broadcast %parallel_loop3A_420 : i32 to vector<16xi32>
          %parallel_loop3A_422 = arith.cmpi slt, %parallel_loop3A_419, %parallel_loop3A_421 : vector<16xi32>
          %parallel_loop3A_423 = arith.constant 16 : i32
          %parallel_loop3A_424 = vector.broadcast %parallel_loop3A_423 : i32 to vector<16xi32>
          %parallel_loop3A_425 = arith.addi %parallel_loop3A_419, %parallel_loop3A_424 : vector<16xi32>
          %parallel_loop3A_426 = arith.select %parallel_loop3A_422, %parallel_loop3A_425, %parallel_loop3A_419 : vector<16xi1>, vector<16xi32>
          %parallel_loop3A_427 = vector.shape_cast %parallel_loop3A_426 : vector<16xi32> to vector<16x1xi32>
          %parallel_loop3A_428 = vector.shape_cast %parallel_loop3A_427 : vector<16x1xi32> to vector<16xi32>
          %parallel_loop3A_429 = tpu.dynamic_gather %parallel_loop3A_416[%parallel_loop3A_428] in [0] : vector<16xf32>, vector<16xi32> -> vector<16xf32>
          %parallel_loop3A_430 = arith.addf %parallel_loop3A_416, %parallel_loop3A_429 : vector<16xf32>
          %parallel_loop3A_431 = arith.constant 4 : i32
          %parallel_loop3A_432 = vector.broadcast %parallel_loop3A_431 : i32 to vector<16xi32>
          %parallel_loop3A_433 = arith.xori %parallel_loop3A_402, %parallel_loop3A_432 : vector<16xi32>
          %parallel_loop3A_434 = arith.constant 0 : i32
          %parallel_loop3A_435 = vector.broadcast %parallel_loop3A_434 : i32 to vector<16xi32>
          %parallel_loop3A_436 = arith.cmpi slt, %parallel_loop3A_433, %parallel_loop3A_435 : vector<16xi32>
          %parallel_loop3A_437 = arith.constant 16 : i32
          %parallel_loop3A_438 = vector.broadcast %parallel_loop3A_437 : i32 to vector<16xi32>
          %parallel_loop3A_439 = arith.addi %parallel_loop3A_433, %parallel_loop3A_438 : vector<16xi32>
          %parallel_loop3A_440 = arith.select %parallel_loop3A_436, %parallel_loop3A_439, %parallel_loop3A_433 : vector<16xi1>, vector<16xi32>
          %parallel_loop3A_441 = vector.shape_cast %parallel_loop3A_440 : vector<16xi32> to vector<16x1xi32>
          %parallel_loop3A_442 = vector.shape_cast %parallel_loop3A_441 : vector<16x1xi32> to vector<16xi32>
          %parallel_loop3A_443 = tpu.dynamic_gather %parallel_loop3A_430[%parallel_loop3A_442] in [0] : vector<16xf32>, vector<16xi32> -> vector<16xf32>
          %parallel_loop3A_444 = arith.addf %parallel_loop3A_430, %parallel_loop3A_443 : vector<16xf32>
          %parallel_loop3A_445 = arith.constant 8 : i32
          %parallel_loop3A_446 = vector.broadcast %parallel_loop3A_445 : i32 to vector<16xi32>
          %parallel_loop3A_447 = arith.xori %parallel_loop3A_402, %parallel_loop3A_446 : vector<16xi32>
          %parallel_loop3A_448 = arith.constant 0 : i32
          %parallel_loop3A_449 = vector.broadcast %parallel_loop3A_448 : i32 to vector<16xi32>
          %parallel_loop3A_450 = arith.cmpi slt, %parallel_loop3A_447, %parallel_loop3A_449 : vector<16xi32>
          %parallel_loop3A_451 = arith.constant 16 : i32
          %parallel_loop3A_452 = vector.broadcast %parallel_loop3A_451 : i32 to vector<16xi32>
          %parallel_loop3A_453 = arith.addi %parallel_loop3A_447, %parallel_loop3A_452 : vector<16xi32>
          %parallel_loop3A_454 = arith.select %parallel_loop3A_450, %parallel_loop3A_453, %parallel_loop3A_447 : vector<16xi1>, vector<16xi32>
          %parallel_loop3A_455 = vector.shape_cast %parallel_loop3A_454 : vector<16xi32> to vector<16x1xi32>
          %parallel_loop3A_456 = vector.shape_cast %parallel_loop3A_455 : vector<16x1xi32> to vector<16xi32>
          %parallel_loop3A_457 = tpu.dynamic_gather %parallel_loop3A_444[%parallel_loop3A_456] in [0] : vector<16xf32>, vector<16xi32> -> vector<16xf32>
          %parallel_loop3A_458 = arith.addf %parallel_loop3A_444, %parallel_loop3A_457 : vector<16xf32>
          %parallel_loop3A_459 = arith.constant 7.812500e-03 : f32
          %parallel_loop3A_460 = vector.broadcast %parallel_loop3A_459 : f32 to vector<16xf32>
          %parallel_loop3A_461 = arith.mulf %parallel_loop3A_458, %parallel_loop3A_460 : vector<16xf32>
          %parallel_loop3A_462 = arith.mulf %parallel_loop3A_401, %parallel_loop3A_401 : vector<16xf32>
          %parallel_loop3A_463 = arith.subf %parallel_loop3A_461, %parallel_loop3A_462 : vector<16xf32>
          %parallel_loop3A_464 = arith.constant 9.99999974E-6 : f32
          %parallel_loop3A_465 = vector.broadcast %parallel_loop3A_464 : f32 to vector<16xf32>
          %parallel_loop3A_466 = arith.addf %parallel_loop3A_463, %parallel_loop3A_465 : vector<16xf32>
          %parallel_loop3A_467 = tpu.bitcast %parallel_loop3A_466 : vector<16xf32> -> vector<16xi32>
          %parallel_loop3A_468 = arith.constant 1 : i32
          %parallel_loop3A_469 = vector.broadcast %parallel_loop3A_468 : i32 to vector<16xi32>
          %parallel_loop3A_470 = arith.shrui %parallel_loop3A_467, %parallel_loop3A_469 : vector<16xi32>
          %parallel_loop3A_471 = arith.constant 1597463007 : i32
          %parallel_loop3A_472 = vector.broadcast %parallel_loop3A_471 : i32 to vector<16xi32>
          %parallel_loop3A_473 = arith.subi %parallel_loop3A_472, %parallel_loop3A_470 : vector<16xi32>
          %parallel_loop3A_474 = tpu.bitcast %parallel_loop3A_473 : vector<16xi32> -> vector<16xf32>
          %parallel_loop3A_475 = arith.constant 5.000000e-01 : f32
          %parallel_loop3A_476 = vector.broadcast %parallel_loop3A_475 : f32 to vector<16xf32>
          %parallel_loop3A_477 = arith.mulf %parallel_loop3A_476, %parallel_loop3A_466 : vector<16xf32>
          %parallel_loop3A_478 = arith.mulf %parallel_loop3A_477, %parallel_loop3A_474 : vector<16xf32>
          %parallel_loop3A_479 = arith.mulf %parallel_loop3A_478, %parallel_loop3A_474 : vector<16xf32>
          %parallel_loop3A_480 = arith.constant 1.500000e+00 : f32
          %parallel_loop3A_481 = vector.broadcast %parallel_loop3A_480 : f32 to vector<16xf32>
          %parallel_loop3A_482 = arith.subf %parallel_loop3A_481, %parallel_loop3A_479 : vector<16xf32>
          %parallel_loop3A_483 = arith.mulf %parallel_loop3A_474, %parallel_loop3A_482 : vector<16xf32>
          %parallel_loop3A_484 = arith.constant 5.000000e-01 : f32
          %parallel_loop3A_485 = vector.broadcast %parallel_loop3A_484 : f32 to vector<16xf32>
          %parallel_loop3A_486 = arith.mulf %parallel_loop3A_485, %parallel_loop3A_466 : vector<16xf32>
          %parallel_loop3A_487 = arith.mulf %parallel_loop3A_486, %parallel_loop3A_483 : vector<16xf32>
          %parallel_loop3A_488 = arith.mulf %parallel_loop3A_487, %parallel_loop3A_483 : vector<16xf32>
          %parallel_loop3A_489 = arith.constant 1.500000e+00 : f32
          %parallel_loop3A_490 = vector.broadcast %parallel_loop3A_489 : f32 to vector<16xf32>
          %parallel_loop3A_491 = arith.subf %parallel_loop3A_490, %parallel_loop3A_488 : vector<16xf32>
          %parallel_loop3A_492 = arith.mulf %parallel_loop3A_483, %parallel_loop3A_491 : vector<16xf32>
          %parallel_loop3A_493 = arith.subf %parallel_loop3A_256, %parallel_loop3A_401 : vector<16xf32>
          %parallel_loop3A_494 = arith.mulf %parallel_loop3A_493, %parallel_loop3A_492 : vector<16xf32>
          %parallel_loop3A_495 = arith.mulf %parallel_loop3A_494, %get3A_8 : vector<16xf32>
          %parallel_loop3A_496 = arith.addf %parallel_loop3A_495, %get3A_32 : vector<16xf32>
          %parallel_loop3A_497 = arith.constant 0.000000e+00 : f32
          %parallel_loop3A_498 = vector.broadcast %parallel_loop3A_497 : f32 to vector<16xf32>
          %parallel_loop3A_499 = arith.maximumf %parallel_loop3A_496, %parallel_loop3A_498 : vector<16xf32>
          %parallel_loop3A_500 = arith.index_cast %parallel_loop3A_247 : i32 to index
          %parallel_loop3A_501 = arith.constant 0 : index
          %parallel_loop3A_502 = tpu.vector_load %arg14[%parallel_loop3A_500, %parallel_loop3A_501] {strides = array<i32>} : memref<64x128xf32, #tpu.memory_space<vmem>>, vector<1x16xf32>,
          %parallel_loop3A_503 = vector.shape_cast %parallel_loop3A_502 : vector<1x16xf32> to vector<16xf32>
          %parallel_loop3A_504 = vector.shape_cast %parallel_loop3A_499 : vector<16xf32> to vector<1x16xf32>
          tpu.vector_store %arg14[%parallel_loop3A_500, %parallel_loop3A_501], %parallel_loop3A_504 {strides = array<i32>} : memref<64x128xf32, #tpu.memory_space<vmem>>, vector<1x16xf32>,
          %parallel_loop3A_505 = arith.subf %parallel_loop3A_265, %parallel_loop3A_401 : vector<16xf32>
          %parallel_loop3A_506 = arith.mulf %parallel_loop3A_505, %parallel_loop3A_492 : vector<16xf32>
          %parallel_loop3A_507 = arith.mulf %parallel_loop3A_506, %get3A_11 : vector<16xf32>
          %parallel_loop3A_508 = arith.addf %parallel_loop3A_507, %get3A_35 : vector<16xf32>
          %parallel_loop3A_509 = arith.constant 0.000000e+00 : f32
          %parallel_loop3A_510 = vector.broadcast %parallel_loop3A_509 : f32 to vector<16xf32>
          %parallel_loop3A_511 = arith.maximumf %parallel_loop3A_508, %parallel_loop3A_510 : vector<16xf32>
          %parallel_loop3A_512 = arith.index_cast %parallel_loop3A_247 : i32 to index
          %parallel_loop3A_513 = arith.constant 16 : index
          %parallel_loop3A_514 = tpu.vector_load %arg14[%parallel_loop3A_512, %parallel_loop3A_513] {strides = array<i32>} : memref<64x128xf32, #tpu.memory_space<vmem>>, vector<1x16xf32>,
          %parallel_loop3A_515 = vector.shape_cast %parallel_loop3A_514 : vector<1x16xf32> to vector<16xf32>
          %parallel_loop3A_516 = vector.shape_cast %parallel_loop3A_511 : vector<16xf32> to vector<1x16xf32>
          tpu.vector_store %arg14[%parallel_loop3A_512, %parallel_loop3A_513], %parallel_loop3A_516 {strides = array<i32>} : memref<64x128xf32, #tpu.memory_space<vmem>>, vector<1x16xf32>,
          %parallel_loop3A_517 = arith.subf %parallel_loop3A_274, %parallel_loop3A_401 : vector<16xf32>
          %parallel_loop3A_518 = arith.mulf %parallel_loop3A_517, %parallel_loop3A_492 : vector<16xf32>
          %parallel_loop3A_519 = arith.mulf %parallel_loop3A_518, %get3A_14 : vector<16xf32>
          %parallel_loop3A_520 = arith.addf %parallel_loop3A_519, %get3A_38 : vector<16xf32>
          %parallel_loop3A_521 = arith.constant 0.000000e+00 : f32
          %parallel_loop3A_522 = vector.broadcast %parallel_loop3A_521 : f32 to vector<16xf32>
          %parallel_loop3A_523 = arith.maximumf %parallel_loop3A_520, %parallel_loop3A_522 : vector<16xf32>
          %parallel_loop3A_524 = arith.index_cast %parallel_loop3A_247 : i32 to index
          %parallel_loop3A_525 = arith.constant 32 : index
          %parallel_loop3A_526 = tpu.vector_load %arg14[%parallel_loop3A_524, %parallel_loop3A_525] {strides = array<i32>} : memref<64x128xf32, #tpu.memory_space<vmem>>, vector<1x16xf32>,
          %parallel_loop3A_527 = vector.shape_cast %parallel_loop3A_526 : vector<1x16xf32> to vector<16xf32>
          %parallel_loop3A_528 = vector.shape_cast %parallel_loop3A_523 : vector<16xf32> to vector<1x16xf32>
          tpu.vector_store %arg14[%parallel_loop3A_524, %parallel_loop3A_525], %parallel_loop3A_528 {strides = array<i32>} : memref<64x128xf32, #tpu.memory_space<vmem>>, vector<1x16xf32>,
          %parallel_loop3A_529 = arith.subf %parallel_loop3A_283, %parallel_loop3A_401 : vector<16xf32>
          %parallel_loop3A_530 = arith.mulf %parallel_loop3A_529, %parallel_loop3A_492 : vector<16xf32>
          %parallel_loop3A_531 = arith.mulf %parallel_loop3A_530, %get3A_17 : vector<16xf32>
          %parallel_loop3A_532 = arith.addf %parallel_loop3A_531, %get3A_41 : vector<16xf32>
          %parallel_loop3A_533 = arith.constant 0.000000e+00 : f32
          %parallel_loop3A_534 = vector.broadcast %parallel_loop3A_533 : f32 to vector<16xf32>
          %parallel_loop3A_535 = arith.maximumf %parallel_loop3A_532, %parallel_loop3A_534 : vector<16xf32>
          %parallel_loop3A_536 = arith.index_cast %parallel_loop3A_247 : i32 to index
          %parallel_loop3A_537 = arith.constant 48 : index
          %parallel_loop3A_538 = tpu.vector_load %arg14[%parallel_loop3A_536, %parallel_loop3A_537] {strides = array<i32>} : memref<64x128xf32, #tpu.memory_space<vmem>>, vector<1x16xf32>,
          %parallel_loop3A_539 = vector.shape_cast %parallel_loop3A_538 : vector<1x16xf32> to vector<16xf32>
          %parallel_loop3A_540 = vector.shape_cast %parallel_loop3A_535 : vector<16xf32> to vector<1x16xf32>
          tpu.vector_store %arg14[%parallel_loop3A_536, %parallel_loop3A_537], %parallel_loop3A_540 {strides = array<i32>} : memref<64x128xf32, #tpu.memory_space<vmem>>, vector<1x16xf32>,
          %parallel_loop3A_541 = arith.subf %parallel_loop3A_292, %parallel_loop3A_401 : vector<16xf32>
          %parallel_loop3A_542 = arith.mulf %parallel_loop3A_541, %parallel_loop3A_492 : vector<16xf32>
          %parallel_loop3A_543 = arith.mulf %parallel_loop3A_542, %get3A_20 : vector<16xf32>
          %parallel_loop3A_544 = arith.addf %parallel_loop3A_543, %get3A_44 : vector<16xf32>
          %parallel_loop3A_545 = arith.constant 0.000000e+00 : f32
          %parallel_loop3A_546 = vector.broadcast %parallel_loop3A_545 : f32 to vector<16xf32>
          %parallel_loop3A_547 = arith.maximumf %parallel_loop3A_544, %parallel_loop3A_546 : vector<16xf32>
          %parallel_loop3A_548 = arith.index_cast %parallel_loop3A_247 : i32 to index
          %parallel_loop3A_549 = arith.constant 64 : index
          %parallel_loop3A_550 = tpu.vector_load %arg14[%parallel_loop3A_548, %parallel_loop3A_549] {strides = array<i32>} : memref<64x128xf32, #tpu.memory_space<vmem>>, vector<1x16xf32>,
          %parallel_loop3A_551 = vector.shape_cast %parallel_loop3A_550 : vector<1x16xf32> to vector<16xf32>
          %parallel_loop3A_552 = vector.shape_cast %parallel_loop3A_547 : vector<16xf32> to vector<1x16xf32>
          tpu.vector_store %arg14[%parallel_loop3A_548, %parallel_loop3A_549], %parallel_loop3A_552 {strides = array<i32>} : memref<64x128xf32, #tpu.memory_space<vmem>>, vector<1x16xf32>,
          %parallel_loop3A_553 = arith.subf %parallel_loop3A_301, %parallel_loop3A_401 : vector<16xf32>
          %parallel_loop3A_554 = arith.mulf %parallel_loop3A_553, %parallel_loop3A_492 : vector<16xf32>
          %parallel_loop3A_555 = arith.mulf %parallel_loop3A_554, %get3A_23 : vector<16xf32>
          %parallel_loop3A_556 = arith.addf %parallel_loop3A_555, %get3A_47 : vector<16xf32>
          %parallel_loop3A_557 = arith.constant 0.000000e+00 : f32
          %parallel_loop3A_558 = vector.broadcast %parallel_loop3A_557 : f32 to vector<16xf32>
          %parallel_loop3A_559 = arith.maximumf %parallel_loop3A_556, %parallel_loop3A_558 : vector<16xf32>
          %parallel_loop3A_560 = arith.index_cast %parallel_loop3A_247 : i32 to index
          %parallel_loop3A_561 = arith.constant 80 : index
          %parallel_loop3A_562 = tpu.vector_load %arg14[%parallel_loop3A_560, %parallel_loop3A_561] {strides = array<i32>} : memref<64x128xf32, #tpu.memory_space<vmem>>, vector<1x16xf32>,
          %parallel_loop3A_563 = vector.shape_cast %parallel_loop3A_562 : vector<1x16xf32> to vector<16xf32>
          %parallel_loop3A_564 = vector.shape_cast %parallel_loop3A_559 : vector<16xf32> to vector<1x16xf32>
          tpu.vector_store %arg14[%parallel_loop3A_560, %parallel_loop3A_561], %parallel_loop3A_564 {strides = array<i32>} : memref<64x128xf32, #tpu.memory_space<vmem>>, vector<1x16xf32>,
          %parallel_loop3A_565 = arith.subf %parallel_loop3A_310, %parallel_loop3A_401 : vector<16xf32>
          %parallel_loop3A_566 = arith.mulf %parallel_loop3A_565, %parallel_loop3A_492 : vector<16xf32>
          %parallel_loop3A_567 = arith.mulf %parallel_loop3A_566, %get3A_26 : vector<16xf32>
          %parallel_loop3A_568 = arith.addf %parallel_loop3A_567, %get3A_50 : vector<16xf32>
          %parallel_loop3A_569 = arith.constant 0.000000e+00 : f32
          %parallel_loop3A_570 = vector.broadcast %parallel_loop3A_569 : f32 to vector<16xf32>
          %parallel_loop3A_571 = arith.maximumf %parallel_loop3A_568, %parallel_loop3A_570 : vector<16xf32>
          %parallel_loop3A_572 = arith.index_cast %parallel_loop3A_247 : i32 to index
          %parallel_loop3A_573 = arith.constant 96 : index
          %parallel_loop3A_574 = tpu.vector_load %arg14[%parallel_loop3A_572, %parallel_loop3A_573] {strides = array<i32>} : memref<64x128xf32, #tpu.memory_space<vmem>>, vector<1x16xf32>,
          %parallel_loop3A_575 = vector.shape_cast %parallel_loop3A_574 : vector<1x16xf32> to vector<16xf32>
          %parallel_loop3A_576 = vector.shape_cast %parallel_loop3A_571 : vector<16xf32> to vector<1x16xf32>
          tpu.vector_store %arg14[%parallel_loop3A_572, %parallel_loop3A_573], %parallel_loop3A_576 {strides = array<i32>} : memref<64x128xf32, #tpu.memory_space<vmem>>, vector<1x16xf32>,
          %parallel_loop3A_577 = arith.subf %parallel_loop3A_319, %parallel_loop3A_401 : vector<16xf32>
          %parallel_loop3A_578 = arith.mulf %parallel_loop3A_577, %parallel_loop3A_492 : vector<16xf32>
          %parallel_loop3A_579 = arith.mulf %parallel_loop3A_578, %get3A_29 : vector<16xf32>
          %parallel_loop3A_580 = arith.addf %parallel_loop3A_579, %get3A_53 : vector<16xf32>
          %parallel_loop3A_581 = arith.constant 0.000000e+00 : f32
          %parallel_loop3A_582 = vector.broadcast %parallel_loop3A_581 : f32 to vector<16xf32>
          %parallel_loop3A_583 = arith.maximumf %parallel_loop3A_580, %parallel_loop3A_582 : vector<16xf32>
          %parallel_loop3A_584 = arith.index_cast %parallel_loop3A_247 : i32 to index
          %parallel_loop3A_585 = arith.constant 112 : index
          %parallel_loop3A_586 = tpu.vector_load %arg14[%parallel_loop3A_584, %parallel_loop3A_585] {strides = array<i32>} : memref<64x128xf32, #tpu.memory_space<vmem>>, vector<1x16xf32>,
          %parallel_loop3A_587 = vector.shape_cast %parallel_loop3A_586 : vector<1x16xf32> to vector<16xf32>
          %parallel_loop3A_588 = vector.shape_cast %parallel_loop3A_583 : vector<16xf32> to vector<1x16xf32>
          tpu.vector_store %arg14[%parallel_loop3A_584, %parallel_loop3A_585], %parallel_loop3A_588 {strides = array<i32>} : memref<64x128xf32, #tpu.memory_space<vmem>>, vector<1x16xf32>,
        } {sc.loop_unroll_factor = 4 : i64, sc.parallel_access}
        "tpu.region"() ({
          %run_scoped3A = tpu.sem_alloc : memref<!tpu.dma_semaphore, #tpu.memory_space<semaphore_mem>>
          %dma_start3A_247 = arith.constant 0 : i32
          %dma_start3A_248 = arith.constant 0 : i32
          %dma_start3A_249 = tpu.memref_slice %arg20[%dma_start3A_247, %dma_start3A_248] : memref<10112x128xf32, #tpu.memory_space<vmem_shared>> -> memref<10112x128xf32, #tpu.memory_space<vmem_shared>>
          tpu.enqueue_indirect_dma source(%arg14 : memref<64x128xf32, #tpu.memory_space<vmem>>) target(%dma_start3A_249 : memref<10112x128xf32, #tpu.memory_space<vmem_shared>>) offsets(%arg11 : memref<64xi32, #tpu.memory_space<vmem>>) semaphore(%run_scoped3A : memref<!tpu.dma_semaphore, #tpu.memory_space<semaphore_mem>>) {add = true}
          %dma_wait3A_250 = arith.constant 0 : i32
          %dma_wait3A_251 = arith.constant 0 : i32
          %dma_wait3A_252 = tpu.memref_slice %arg20[%dma_wait3A_250, %dma_wait3A_251] : memref<10112x128xf32, #tpu.memory_space<vmem_shared>> -> memref<10112x128xf32, #tpu.memory_space<vmem_shared>>
          tpu.wait_indirect_dma semaphore(%run_scoped3A : memref<!tpu.dma_semaphore, #tpu.memory_space<semaphore_mem>>) src(%arg14 : memref<64x128xf32, #tpu.memory_space<vmem>>) dst(%dma_wait3A_252 : memref<10112x128xf32, #tpu.memory_space<vmem_shared>>)
          tpu.yield
        }) : () -> ()
        %add3A_232 = arith.constant 1 : i32
        %add3A_233 = arith.addi %scan3A_146, %add3A_232 : i32
        %lt3A = arith.constant 104 : i32
        %lt3A_234 = arith.cmpi slt, %add3A_233, %lt3A : i32
        %convert_element_type3A_235 = arith.extui %lt3A_234 : i1 to i32
        %cond3A_236 = arith.constant 0 : i32
        %cond3A_237 = arith.cmpi ne, %convert_element_type3A_235, %cond3A_236 : i32
        scf.if %cond3A_237 {
          %add3A_247 = arith.constant 1 : i32
          %add3A_248 = arith.addi %scan3A_146, %add3A_247 : i32
          %get3A_249 = arith.index_cast %add3A_248 : i32 to index
          %get3A_250 = arith.constant 0 : index
          %get3A_251 = tpu.vector_load %arg9[%get3A_249, %get3A_250] {strides = array<i32>} : memref<104x128xi32, #tpu.memory_space<vmem>>, vector<1x16xi32>,
          %get3A_252 = vector.shape_cast %get3A_251 : vector<1x16xi32> to vector<16xi32>
          %and3A_253 = arith.constant 65535 : i32
          %and3A_254 = vector.broadcast %and3A_253 : i32 to vector<16xi32>
          %and3A_255 = arith.andi %get3A_252, %and3A_254 : vector<16xi32>
          %swap3A_256 = arith.constant 0 : index
          %swap3A_257 = tpu.vector_load %arg10[%swap3A_256] {strides = array<i32>} : memref<64xi32, #tpu.memory_space<vmem>>, vector<16xi32>,
          %swap3A_258 = vector.shape_cast %swap3A_257 : vector<16xi32> to vector<16xi32>
          %swap3A_259 = vector.shape_cast %and3A_255 : vector<16xi32> to vector<16xi32>
          tpu.vector_store %arg10[%swap3A_256], %swap3A_259 {strides = array<i32>} : memref<64xi32, #tpu.memory_space<vmem>>, vector<16xi32>,
          %shift_right_logical3A_260 = arith.constant 16 : i32
          %shift_right_logical3A_261 = vector.broadcast %shift_right_logical3A_260 : i32 to vector<16xi32>
          %shift_right_logical3A_262 = arith.shrui %get3A_252, %shift_right_logical3A_261 : vector<16xi32>
          %swap3A_263 = arith.constant 0 : index
          %swap3A_264 = tpu.vector_load %arg11[%swap3A_263] {strides = array<i32>} : memref<64xi32, #tpu.memory_space<vmem>>, vector<16xi32>,
          %swap3A_265 = vector.shape_cast %swap3A_264 : vector<16xi32> to vector<16xi32>
          %swap3A_266 = vector.shape_cast %shift_right_logical3A_262 : vector<16xi32> to vector<16xi32>
          tpu.vector_store %arg11[%swap3A_263], %swap3A_266 {strides = array<i32>} : memref<64xi32, #tpu.memory_space<vmem>>, vector<16xi32>,
          %get3A_267 = arith.index_cast %add3A_248 : i32 to index
          %get3A_268 = arith.constant 16 : index
          %get3A_269 = tpu.vector_load %arg9[%get3A_267, %get3A_268] {strides = array<i32>} : memref<104x128xi32, #tpu.memory_space<vmem>>, vector<1x16xi32>,
          %get3A_270 = vector.shape_cast %get3A_269 : vector<1x16xi32> to vector<16xi32>
          %and3A_271 = arith.constant 65535 : i32
          %and3A_272 = vector.broadcast %and3A_271 : i32 to vector<16xi32>
          %and3A_273 = arith.andi %get3A_270, %and3A_272 : vector<16xi32>
          %swap3A_274 = arith.constant 16 : index
          %swap3A_275 = tpu.vector_load %arg10[%swap3A_274] {strides = array<i32>} : memref<64xi32, #tpu.memory_space<vmem>>, vector<16xi32>,
          %swap3A_276 = vector.shape_cast %swap3A_275 : vector<16xi32> to vector<16xi32>
          %swap3A_277 = vector.shape_cast %and3A_273 : vector<16xi32> to vector<16xi32>
          tpu.vector_store %arg10[%swap3A_274], %swap3A_277 {strides = array<i32>} : memref<64xi32, #tpu.memory_space<vmem>>, vector<16xi32>,
          %shift_right_logical3A_278 = arith.constant 16 : i32
          %shift_right_logical3A_279 = vector.broadcast %shift_right_logical3A_278 : i32 to vector<16xi32>
          %shift_right_logical3A_280 = arith.shrui %get3A_270, %shift_right_logical3A_279 : vector<16xi32>
          %swap3A_281 = arith.constant 16 : index
          %swap3A_282 = tpu.vector_load %arg11[%swap3A_281] {strides = array<i32>} : memref<64xi32, #tpu.memory_space<vmem>>, vector<16xi32>,
          %swap3A_283 = vector.shape_cast %swap3A_282 : vector<16xi32> to vector<16xi32>
          %swap3A_284 = vector.shape_cast %shift_right_logical3A_280 : vector<16xi32> to vector<16xi32>
          tpu.vector_store %arg11[%swap3A_281], %swap3A_284 {strides = array<i32>} : memref<64xi32, #tpu.memory_space<vmem>>, vector<16xi32>,
          %get3A_285 = arith.index_cast %add3A_248 : i32 to index
          %get3A_286 = arith.constant 32 : index
          %get3A_287 = tpu.vector_load %arg9[%get3A_285, %get3A_286] {strides = array<i32>} : memref<104x128xi32, #tpu.memory_space<vmem>>, vector<1x16xi32>,
          %get3A_288 = vector.shape_cast %get3A_287 : vector<1x16xi32> to vector<16xi32>
          %and3A_289 = arith.constant 65535 : i32
          %and3A_290 = vector.broadcast %and3A_289 : i32 to vector<16xi32>
          %and3A_291 = arith.andi %get3A_288, %and3A_290 : vector<16xi32>
          %swap3A_292 = arith.constant 32 : index
          %swap3A_293 = tpu.vector_load %arg10[%swap3A_292] {strides = array<i32>} : memref<64xi32, #tpu.memory_space<vmem>>, vector<16xi32>,
          %swap3A_294 = vector.shape_cast %swap3A_293 : vector<16xi32> to vector<16xi32>
          %swap3A_295 = vector.shape_cast %and3A_291 : vector<16xi32> to vector<16xi32>
          tpu.vector_store %arg10[%swap3A_292], %swap3A_295 {strides = array<i32>} : memref<64xi32, #tpu.memory_space<vmem>>, vector<16xi32>,
          %shift_right_logical3A_296 = arith.constant 16 : i32
          %shift_right_logical3A_297 = vector.broadcast %shift_right_logical3A_296 : i32 to vector<16xi32>
          %shift_right_logical3A_298 = arith.shrui %get3A_288, %shift_right_logical3A_297 : vector<16xi32>
          %swap3A_299 = arith.constant 32 : index
          %swap3A_300 = tpu.vector_load %arg11[%swap3A_299] {strides = array<i32>} : memref<64xi32, #tpu.memory_space<vmem>>, vector<16xi32>,
          %swap3A_301 = vector.shape_cast %swap3A_300 : vector<16xi32> to vector<16xi32>
          %swap3A_302 = vector.shape_cast %shift_right_logical3A_298 : vector<16xi32> to vector<16xi32>
          tpu.vector_store %arg11[%swap3A_299], %swap3A_302 {strides = array<i32>} : memref<64xi32, #tpu.memory_space<vmem>>, vector<16xi32>,
          %get3A_303 = arith.index_cast %add3A_248 : i32 to index
          %get3A_304 = arith.constant 48 : index
          %get3A_305 = tpu.vector_load %arg9[%get3A_303, %get3A_304] {strides = array<i32>} : memref<104x128xi32, #tpu.memory_space<vmem>>, vector<1x16xi32>,
          %get3A_306 = vector.shape_cast %get3A_305 : vector<1x16xi32> to vector<16xi32>
          %and3A_307 = arith.constant 65535 : i32
          %and3A_308 = vector.broadcast %and3A_307 : i32 to vector<16xi32>
          %and3A_309 = arith.andi %get3A_306, %and3A_308 : vector<16xi32>
          %swap3A_310 = arith.constant 48 : index
          %swap3A_311 = tpu.vector_load %arg10[%swap3A_310] {strides = array<i32>} : memref<64xi32, #tpu.memory_space<vmem>>, vector<16xi32>,
          %swap3A_312 = vector.shape_cast %swap3A_311 : vector<16xi32> to vector<16xi32>
          %swap3A_313 = vector.shape_cast %and3A_309 : vector<16xi32> to vector<16xi32>
          tpu.vector_store %arg10[%swap3A_310], %swap3A_313 {strides = array<i32>} : memref<64xi32, #tpu.memory_space<vmem>>, vector<16xi32>,
          %shift_right_logical3A_314 = arith.constant 16 : i32
          %shift_right_logical3A_315 = vector.broadcast %shift_right_logical3A_314 : i32 to vector<16xi32>
          %shift_right_logical3A_316 = arith.shrui %get3A_306, %shift_right_logical3A_315 : vector<16xi32>
          %swap3A_317 = arith.constant 48 : index
          %swap3A_318 = tpu.vector_load %arg11[%swap3A_317] {strides = array<i32>} : memref<64xi32, #tpu.memory_space<vmem>>, vector<16xi32>,
          %swap3A_319 = vector.shape_cast %swap3A_318 : vector<16xi32> to vector<16xi32>
          %swap3A_320 = vector.shape_cast %shift_right_logical3A_316 : vector<16xi32> to vector<16xi32>
          tpu.vector_store %arg11[%swap3A_317], %swap3A_320 {strides = array<i32>} : memref<64xi32, #tpu.memory_space<vmem>>, vector<16xi32>,
          %dma_start3A_321 = arith.constant 0 : i32
          %dma_start3A_322 = arith.constant 0 : i32
          %dma_start3A_323 = tpu.memref_slice %arg2[%dma_start3A_321, %dma_start3A_322] : memref<10000x128xf32, #tpu.memory_space<hbm>> -> memref<10000x128xf32, #tpu.memory_space<hbm>>
          tpu.enqueue_indirect_dma source(%dma_start3A_323 : memref<10000x128xf32, #tpu.memory_space<hbm>>) target(%arg14 : memref<64x128xf32, #tpu.memory_space<vmem>>) offsets(%arg10 : memref<64xi32, #tpu.memory_space<vmem>>) semaphore(%arg21 : memref<!tpu.dma_semaphore, #tpu.memory_space<semaphore_mem>>)
          %dma_start3A_324 = arith.constant 0 : i32
          %dma_start3A_325 = arith.constant 0 : i32
          %dma_start3A_326 = tpu.memref_slice %arg3[%dma_start3A_324, %dma_start3A_325] : memref<10000x128xf32, #tpu.memory_space<hbm>> -> memref<10000x128xf32, #tpu.memory_space<hbm>>
          tpu.enqueue_indirect_dma source(%dma_start3A_326 : memref<10000x128xf32, #tpu.memory_space<hbm>>) target(%arg15 : memref<64x128xf32, #tpu.memory_space<vmem>>) offsets(%arg11 : memref<64xi32, #tpu.memory_space<vmem>>) semaphore(%arg22 : memref<!tpu.dma_semaphore, #tpu.memory_space<semaphore_mem>>)
        } else {
        }
        %dma_wait3A_238 = arith.constant 0 : i32
        %dma_wait3A_239 = arith.constant 0 : i32
        %dma_wait3A_240 = tpu.memref_slice %arg2[%dma_wait3A_238, %dma_wait3A_239] : memref<10000x128xf32, #tpu.memory_space<hbm>> -> memref<10000x128xf32, #tpu.memory_space<hbm>>
        tpu.wait_indirect_dma semaphore(%arg23 : memref<!tpu.dma_semaphore, #tpu.memory_space<semaphore_mem>>) src(%dma_wait3A_240 : memref<10000x128xf32, #tpu.memory_space<hbm>>) dst(%arg16 : memref<64x128xf32, #tpu.memory_space<vmem>>)
        %dma_wait3A_241 = arith.constant 0 : i32
        %dma_wait3A_242 = arith.constant 0 : i32
        %dma_wait3A_243 = tpu.memref_slice %arg3[%dma_wait3A_241, %dma_wait3A_242] : memref<10000x128xf32, #tpu.memory_space<hbm>> -> memref<10000x128xf32, #tpu.memory_space<hbm>>
        tpu.wait_indirect_dma semaphore(%arg24 : memref<!tpu.dma_semaphore, #tpu.memory_space<semaphore_mem>>) src(%dma_wait3A_243 : memref<10000x128xf32, #tpu.memory_space<hbm>>) dst(%arg17 : memref<64x128xf32, #tpu.memory_space<vmem>>)
        %parallel_loop3A_244 = arith.constant 0 : i32
        %parallel_loop3A_245 = arith.constant 64 : i32
        %parallel_loop3A_246 = arith.constant 1 : i32
        scf.for %parallel_loop3A_247 = %parallel_loop3A_244 to %parallel_loop3A_245 step %parallel_loop3A_246  : i32 {
          %parallel_loop3A_248 = arith.index_cast %parallel_loop3A_247 : i32 to index
          %parallel_loop3A_249 = arith.constant 0 : index
          %parallel_loop3A_250 = tpu.vector_load %arg16[%parallel_loop3A_248, %parallel_loop3A_249] {strides = array<i32>} : memref<64x128xf32, #tpu.memory_space<vmem>>, vector<1x16xf32>,
          %parallel_loop3A_251 = vector.shape_cast %parallel_loop3A_250 : vector<1x16xf32> to vector<16xf32>
          %parallel_loop3A_252 = arith.index_cast %parallel_loop3A_247 : i32 to index
          %parallel_loop3A_253 = arith.constant 0 : index
          %parallel_loop3A_254 = tpu.vector_load %arg17[%parallel_loop3A_252, %parallel_loop3A_253] {strides = array<i32>} : memref<64x128xf32, #tpu.memory_space<vmem>>, vector<1x16xf32>,
          %parallel_loop3A_255 = vector.shape_cast %parallel_loop3A_254 : vector<1x16xf32> to vector<16xf32>
          %parallel_loop3A_256 = arith.addf %parallel_loop3A_251, %parallel_loop3A_255 : vector<16xf32>
          %parallel_loop3A_257 = arith.index_cast %parallel_loop3A_247 : i32 to index
          %parallel_loop3A_258 = arith.constant 16 : index
          %parallel_loop3A_259 = tpu.vector_load %arg16[%parallel_loop3A_257, %parallel_loop3A_258] {strides = array<i32>} : memref<64x128xf32, #tpu.memory_space<vmem>>, vector<1x16xf32>,
          %parallel_loop3A_260 = vector.shape_cast %parallel_loop3A_259 : vector<1x16xf32> to vector<16xf32>
          %parallel_loop3A_261 = arith.index_cast %parallel_loop3A_247 : i32 to index
          %parallel_loop3A_262 = arith.constant 16 : index
          %parallel_loop3A_263 = tpu.vector_load %arg17[%parallel_loop3A_261, %parallel_loop3A_262] {strides = array<i32>} : memref<64x128xf32, #tpu.memory_space<vmem>>, vector<1x16xf32>,
          %parallel_loop3A_264 = vector.shape_cast %parallel_loop3A_263 : vector<1x16xf32> to vector<16xf32>
          %parallel_loop3A_265 = arith.addf %parallel_loop3A_260, %parallel_loop3A_264 : vector<16xf32>
          %parallel_loop3A_266 = arith.index_cast %parallel_loop3A_247 : i32 to index
          %parallel_loop3A_267 = arith.constant 32 : index
          %parallel_loop3A_268 = tpu.vector_load %arg16[%parallel_loop3A_266, %parallel_loop3A_267] {strides = array<i32>} : memref<64x128xf32, #tpu.memory_space<vmem>>, vector<1x16xf32>,
          %parallel_loop3A_269 = vector.shape_cast %parallel_loop3A_268 : vector<1x16xf32> to vector<16xf32>
          %parallel_loop3A_270 = arith.index_cast %parallel_loop3A_247 : i32 to index
          %parallel_loop3A_271 = arith.constant 32 : index
          %parallel_loop3A_272 = tpu.vector_load %arg17[%parallel_loop3A_270, %parallel_loop3A_271] {strides = array<i32>} : memref<64x128xf32, #tpu.memory_space<vmem>>, vector<1x16xf32>,
          %parallel_loop3A_273 = vector.shape_cast %parallel_loop3A_272 : vector<1x16xf32> to vector<16xf32>
          %parallel_loop3A_274 = arith.addf %parallel_loop3A_269, %parallel_loop3A_273 : vector<16xf32>
          %parallel_loop3A_275 = arith.index_cast %parallel_loop3A_247 : i32 to index
          %parallel_loop3A_276 = arith.constant 48 : index
          %parallel_loop3A_277 = tpu.vector_load %arg16[%parallel_loop3A_275, %parallel_loop3A_276] {strides = array<i32>} : memref<64x128xf32, #tpu.memory_space<vmem>>, vector<1x16xf32>,
          %parallel_loop3A_278 = vector.shape_cast %parallel_loop3A_277 : vector<1x16xf32> to vector<16xf32>
          %parallel_loop3A_279 = arith.index_cast %parallel_loop3A_247 : i32 to index
          %parallel_loop3A_280 = arith.constant 48 : index
          %parallel_loop3A_281 = tpu.vector_load %arg17[%parallel_loop3A_279, %parallel_loop3A_280] {strides = array<i32>} : memref<64x128xf32, #tpu.memory_space<vmem>>, vector<1x16xf32>,
          %parallel_loop3A_282 = vector.shape_cast %parallel_loop3A_281 : vector<1x16xf32> to vector<16xf32>
          %parallel_loop3A_283 = arith.addf %parallel_loop3A_278, %parallel_loop3A_282 : vector<16xf32>
          %parallel_loop3A_284 = arith.index_cast %parallel_loop3A_247 : i32 to index
          %parallel_loop3A_285 = arith.constant 64 : index
          %parallel_loop3A_286 = tpu.vector_load %arg16[%parallel_loop3A_284, %parallel_loop3A_285] {strides = array<i32>} : memref<64x128xf32, #tpu.memory_space<vmem>>, vector<1x16xf32>,
          %parallel_loop3A_287 = vector.shape_cast %parallel_loop3A_286 : vector<1x16xf32> to vector<16xf32>
          %parallel_loop3A_288 = arith.index_cast %parallel_loop3A_247 : i32 to index
          %parallel_loop3A_289 = arith.constant 64 : index
          %parallel_loop3A_290 = tpu.vector_load %arg17[%parallel_loop3A_288, %parallel_loop3A_289] {strides = array<i32>} : memref<64x128xf32, #tpu.memory_space<vmem>>, vector<1x16xf32>,
          %parallel_loop3A_291 = vector.shape_cast %parallel_loop3A_290 : vector<1x16xf32> to vector<16xf32>
          %parallel_loop3A_292 = arith.addf %parallel_loop3A_287, %parallel_loop3A_291 : vector<16xf32>
          %parallel_loop3A_293 = arith.index_cast %parallel_loop3A_247 : i32 to index
          %parallel_loop3A_294 = arith.constant 80 : index
          %parallel_loop3A_295 = tpu.vector_load %arg16[%parallel_loop3A_293, %parallel_loop3A_294] {strides = array<i32>} : memref<64x128xf32, #tpu.memory_space<vmem>>, vector<1x16xf32>,
          %parallel_loop3A_296 = vector.shape_cast %parallel_loop3A_295 : vector<1x16xf32> to vector<16xf32>
          %parallel_loop3A_297 = arith.index_cast %parallel_loop3A_247 : i32 to index
          %parallel_loop3A_298 = arith.constant 80 : index
          %parallel_loop3A_299 = tpu.vector_load %arg17[%parallel_loop3A_297, %parallel_loop3A_298] {strides = array<i32>} : memref<64x128xf32, #tpu.memory_space<vmem>>, vector<1x16xf32>,
          %parallel_loop3A_300 = vector.shape_cast %parallel_loop3A_299 : vector<1x16xf32> to vector<16xf32>
          %parallel_loop3A_301 = arith.addf %parallel_loop3A_296, %parallel_loop3A_300 : vector<16xf32>
          %parallel_loop3A_302 = arith.index_cast %parallel_loop3A_247 : i32 to index
          %parallel_loop3A_303 = arith.constant 96 : index
          %parallel_loop3A_304 = tpu.vector_load %arg16[%parallel_loop3A_302, %parallel_loop3A_303] {strides = array<i32>} : memref<64x128xf32, #tpu.memory_space<vmem>>, vector<1x16xf32>,
          %parallel_loop3A_305 = vector.shape_cast %parallel_loop3A_304 : vector<1x16xf32> to vector<16xf32>
          %parallel_loop3A_306 = arith.index_cast %parallel_loop3A_247 : i32 to index
          %parallel_loop3A_307 = arith.constant 96 : index
          %parallel_loop3A_308 = tpu.vector_load %arg17[%parallel_loop3A_306, %parallel_loop3A_307] {strides = array<i32>} : memref<64x128xf32, #tpu.memory_space<vmem>>, vector<1x16xf32>,
          %parallel_loop3A_309 = vector.shape_cast %parallel_loop3A_308 : vector<1x16xf32> to vector<16xf32>
          %parallel_loop3A_310 = arith.addf %parallel_loop3A_305, %parallel_loop3A_309 : vector<16xf32>
          %parallel_loop3A_311 = arith.index_cast %parallel_loop3A_247 : i32 to index
          %parallel_loop3A_312 = arith.constant 112 : index
          %parallel_loop3A_313 = tpu.vector_load %arg16[%parallel_loop3A_311, %parallel_loop3A_312] {strides = array<i32>} : memref<64x128xf32, #tpu.memory_space<vmem>>, vector<1x16xf32>,
          %parallel_loop3A_314 = vector.shape_cast %parallel_loop3A_313 : vector<1x16xf32> to vector<16xf32>
          %parallel_loop3A_315 = arith.index_cast %parallel_loop3A_247 : i32 to index
          %parallel_loop3A_316 = arith.constant 112 : index
          %parallel_loop3A_317 = tpu.vector_load %arg17[%parallel_loop3A_315, %parallel_loop3A_316] {strides = array<i32>} : memref<64x128xf32, #tpu.memory_space<vmem>>, vector<1x16xf32>,
          %parallel_loop3A_318 = vector.shape_cast %parallel_loop3A_317 : vector<1x16xf32> to vector<16xf32>
          %parallel_loop3A_319 = arith.addf %parallel_loop3A_314, %parallel_loop3A_318 : vector<16xf32>
          %parallel_loop3A_320 = arith.addf %parallel_loop3A_256, %parallel_loop3A_265 : vector<16xf32>
          %parallel_loop3A_321 = arith.addf %parallel_loop3A_274, %parallel_loop3A_283 : vector<16xf32>
          %parallel_loop3A_322 = arith.addf %parallel_loop3A_320, %parallel_loop3A_321 : vector<16xf32>
          %parallel_loop3A_323 = arith.addf %parallel_loop3A_292, %parallel_loop3A_301 : vector<16xf32>
          %parallel_loop3A_324 = arith.addf %parallel_loop3A_310, %parallel_loop3A_319 : vector<16xf32>
          %parallel_loop3A_325 = arith.addf %parallel_loop3A_323, %parallel_loop3A_324 : vector<16xf32>
          %parallel_loop3A_326 = arith.addf %parallel_loop3A_322, %parallel_loop3A_325 : vector<16xf32>
          %parallel_loop3A_327 = arith.mulf %parallel_loop3A_256, %parallel_loop3A_256 : vector<16xf32>
          %parallel_loop3A_328 = arith.mulf %parallel_loop3A_265, %parallel_loop3A_265 : vector<16xf32>
          %parallel_loop3A_329 = arith.mulf %parallel_loop3A_274, %parallel_loop3A_274 : vector<16xf32>
          %parallel_loop3A_330 = arith.mulf %parallel_loop3A_283, %parallel_loop3A_283 : vector<16xf32>
          %parallel_loop3A_331 = arith.mulf %parallel_loop3A_292, %parallel_loop3A_292 : vector<16xf32>
          %parallel_loop3A_332 = arith.mulf %parallel_loop3A_301, %parallel_loop3A_301 : vector<16xf32>
          %parallel_loop3A_333 = arith.mulf %parallel_loop3A_310, %parallel_loop3A_310 : vector<16xf32>
          %parallel_loop3A_334 = arith.mulf %parallel_loop3A_319, %parallel_loop3A_319 : vector<16xf32>
          %parallel_loop3A_335 = arith.addf %parallel_loop3A_327, %parallel_loop3A_328 : vector<16xf32>
          %parallel_loop3A_336 = arith.addf %parallel_loop3A_329, %parallel_loop3A_330 : vector<16xf32>
          %parallel_loop3A_337 = arith.addf %parallel_loop3A_335, %parallel_loop3A_336 : vector<16xf32>
          %parallel_loop3A_338 = arith.addf %parallel_loop3A_331, %parallel_loop3A_332 : vector<16xf32>
          %parallel_loop3A_339 = arith.addf %parallel_loop3A_333, %parallel_loop3A_334 : vector<16xf32>
          %parallel_loop3A_340 = arith.addf %parallel_loop3A_338, %parallel_loop3A_339 : vector<16xf32>
          %parallel_loop3A_341 = arith.addf %parallel_loop3A_337, %parallel_loop3A_340 : vector<16xf32>
          %parallel_loop3A_342 = tpu.iota {dimensions = array<i32: 0>} : vector<16xi32>
          %parallel_loop3A_343 = arith.constant 1 : i32
          %parallel_loop3A_344 = vector.broadcast %parallel_loop3A_343 : i32 to vector<16xi32>
          %parallel_loop3A_345 = arith.xori %parallel_loop3A_342, %parallel_loop3A_344 : vector<16xi32>
          %parallel_loop3A_346 = arith.constant 0 : i32
          %parallel_loop3A_347 = vector.broadcast %parallel_loop3A_346 : i32 to vector<16xi32>
          %parallel_loop3A_348 = arith.cmpi slt, %parallel_loop3A_345, %parallel_loop3A_347 : vector<16xi32>
          %parallel_loop3A_349 = arith.constant 16 : i32
          %parallel_loop3A_350 = vector.broadcast %parallel_loop3A_349 : i32 to vector<16xi32>
          %parallel_loop3A_351 = arith.addi %parallel_loop3A_345, %parallel_loop3A_350 : vector<16xi32>
          %parallel_loop3A_352 = arith.select %parallel_loop3A_348, %parallel_loop3A_351, %parallel_loop3A_345 : vector<16xi1>, vector<16xi32>
          %parallel_loop3A_353 = vector.shape_cast %parallel_loop3A_352 : vector<16xi32> to vector<16x1xi32>
          %parallel_loop3A_354 = vector.shape_cast %parallel_loop3A_353 : vector<16x1xi32> to vector<16xi32>
          %parallel_loop3A_355 = tpu.dynamic_gather %parallel_loop3A_326[%parallel_loop3A_354] in [0] : vector<16xf32>, vector<16xi32> -> vector<16xf32>
          %parallel_loop3A_356 = arith.addf %parallel_loop3A_326, %parallel_loop3A_355 : vector<16xf32>
          %parallel_loop3A_357 = arith.constant 2 : i32
          %parallel_loop3A_358 = vector.broadcast %parallel_loop3A_357 : i32 to vector<16xi32>
          %parallel_loop3A_359 = arith.xori %parallel_loop3A_342, %parallel_loop3A_358 : vector<16xi32>
          %parallel_loop3A_360 = arith.constant 0 : i32
          %parallel_loop3A_361 = vector.broadcast %parallel_loop3A_360 : i32 to vector<16xi32>
          %parallel_loop3A_362 = arith.cmpi slt, %parallel_loop3A_359, %parallel_loop3A_361 : vector<16xi32>
          %parallel_loop3A_363 = arith.constant 16 : i32
          %parallel_loop3A_364 = vector.broadcast %parallel_loop3A_363 : i32 to vector<16xi32>
          %parallel_loop3A_365 = arith.addi %parallel_loop3A_359, %parallel_loop3A_364 : vector<16xi32>
          %parallel_loop3A_366 = arith.select %parallel_loop3A_362, %parallel_loop3A_365, %parallel_loop3A_359 : vector<16xi1>, vector<16xi32>
          %parallel_loop3A_367 = vector.shape_cast %parallel_loop3A_366 : vector<16xi32> to vector<16x1xi32>
          %parallel_loop3A_368 = vector.shape_cast %parallel_loop3A_367 : vector<16x1xi32> to vector<16xi32>
          %parallel_loop3A_369 = tpu.dynamic_gather %parallel_loop3A_356[%parallel_loop3A_368] in [0] : vector<16xf32>, vector<16xi32> -> vector<16xf32>
          %parallel_loop3A_370 = arith.addf %parallel_loop3A_356, %parallel_loop3A_369 : vector<16xf32>
          %parallel_loop3A_371 = arith.constant 4 : i32
          %parallel_loop3A_372 = vector.broadcast %parallel_loop3A_371 : i32 to vector<16xi32>
          %parallel_loop3A_373 = arith.xori %parallel_loop3A_342, %parallel_loop3A_372 : vector<16xi32>
          %parallel_loop3A_374 = arith.constant 0 : i32
          %parallel_loop3A_375 = vector.broadcast %parallel_loop3A_374 : i32 to vector<16xi32>
          %parallel_loop3A_376 = arith.cmpi slt, %parallel_loop3A_373, %parallel_loop3A_375 : vector<16xi32>
          %parallel_loop3A_377 = arith.constant 16 : i32
          %parallel_loop3A_378 = vector.broadcast %parallel_loop3A_377 : i32 to vector<16xi32>
          %parallel_loop3A_379 = arith.addi %parallel_loop3A_373, %parallel_loop3A_378 : vector<16xi32>
          %parallel_loop3A_380 = arith.select %parallel_loop3A_376, %parallel_loop3A_379, %parallel_loop3A_373 : vector<16xi1>, vector<16xi32>
          %parallel_loop3A_381 = vector.shape_cast %parallel_loop3A_380 : vector<16xi32> to vector<16x1xi32>
          %parallel_loop3A_382 = vector.shape_cast %parallel_loop3A_381 : vector<16x1xi32> to vector<16xi32>
          %parallel_loop3A_383 = tpu.dynamic_gather %parallel_loop3A_370[%parallel_loop3A_382] in [0] : vector<16xf32>, vector<16xi32> -> vector<16xf32>
          %parallel_loop3A_384 = arith.addf %parallel_loop3A_370, %parallel_loop3A_383 : vector<16xf32>
          %parallel_loop3A_385 = arith.constant 8 : i32
          %parallel_loop3A_386 = vector.broadcast %parallel_loop3A_385 : i32 to vector<16xi32>
          %parallel_loop3A_387 = arith.xori %parallel_loop3A_342, %parallel_loop3A_386 : vector<16xi32>
          %parallel_loop3A_388 = arith.constant 0 : i32
          %parallel_loop3A_389 = vector.broadcast %parallel_loop3A_388 : i32 to vector<16xi32>
          %parallel_loop3A_390 = arith.cmpi slt, %parallel_loop3A_387, %parallel_loop3A_389 : vector<16xi32>
          %parallel_loop3A_391 = arith.constant 16 : i32
          %parallel_loop3A_392 = vector.broadcast %parallel_loop3A_391 : i32 to vector<16xi32>
          %parallel_loop3A_393 = arith.addi %parallel_loop3A_387, %parallel_loop3A_392 : vector<16xi32>
          %parallel_loop3A_394 = arith.select %parallel_loop3A_390, %parallel_loop3A_393, %parallel_loop3A_387 : vector<16xi1>, vector<16xi32>
          %parallel_loop3A_395 = vector.shape_cast %parallel_loop3A_394 : vector<16xi32> to vector<16x1xi32>
          %parallel_loop3A_396 = vector.shape_cast %parallel_loop3A_395 : vector<16x1xi32> to vector<16xi32>
          %parallel_loop3A_397 = tpu.dynamic_gather %parallel_loop3A_384[%parallel_loop3A_396] in [0] : vector<16xf32>, vector<16xi32> -> vector<16xf32>
          %parallel_loop3A_398 = arith.addf %parallel_loop3A_384, %parallel_loop3A_397 : vector<16xf32>
          %parallel_loop3A_399 = arith.constant 7.812500e-03 : f32
          %parallel_loop3A_400 = vector.broadcast %parallel_loop3A_399 : f32 to vector<16xf32>
          %parallel_loop3A_401 = arith.mulf %parallel_loop3A_398, %parallel_loop3A_400 : vector<16xf32>
          %parallel_loop3A_402 = tpu.iota {dimensions = array<i32: 0>} : vector<16xi32>
          %parallel_loop3A_403 = arith.constant 1 : i32
          %parallel_loop3A_404 = vector.broadcast %parallel_loop3A_403 : i32 to vector<16xi32>
          %parallel_loop3A_405 = arith.xori %parallel_loop3A_402, %parallel_loop3A_404 : vector<16xi32>
          %parallel_loop3A_406 = arith.constant 0 : i32
          %parallel_loop3A_407 = vector.broadcast %parallel_loop3A_406 : i32 to vector<16xi32>
          %parallel_loop3A_408 = arith.cmpi slt, %parallel_loop3A_405, %parallel_loop3A_407 : vector<16xi32>
          %parallel_loop3A_409 = arith.constant 16 : i32
          %parallel_loop3A_410 = vector.broadcast %parallel_loop3A_409 : i32 to vector<16xi32>
          %parallel_loop3A_411 = arith.addi %parallel_loop3A_405, %parallel_loop3A_410 : vector<16xi32>
          %parallel_loop3A_412 = arith.select %parallel_loop3A_408, %parallel_loop3A_411, %parallel_loop3A_405 : vector<16xi1>, vector<16xi32>
          %parallel_loop3A_413 = vector.shape_cast %parallel_loop3A_412 : vector<16xi32> to vector<16x1xi32>
          %parallel_loop3A_414 = vector.shape_cast %parallel_loop3A_413 : vector<16x1xi32> to vector<16xi32>
          %parallel_loop3A_415 = tpu.dynamic_gather %parallel_loop3A_341[%parallel_loop3A_414] in [0] : vector<16xf32>, vector<16xi32> -> vector<16xf32>
          %parallel_loop3A_416 = arith.addf %parallel_loop3A_341, %parallel_loop3A_415 : vector<16xf32>
          %parallel_loop3A_417 = arith.constant 2 : i32
          %parallel_loop3A_418 = vector.broadcast %parallel_loop3A_417 : i32 to vector<16xi32>
          %parallel_loop3A_419 = arith.xori %parallel_loop3A_402, %parallel_loop3A_418 : vector<16xi32>
          %parallel_loop3A_420 = arith.constant 0 : i32
          %parallel_loop3A_421 = vector.broadcast %parallel_loop3A_420 : i32 to vector<16xi32>
          %parallel_loop3A_422 = arith.cmpi slt, %parallel_loop3A_419, %parallel_loop3A_421 : vector<16xi32>
          %parallel_loop3A_423 = arith.constant 16 : i32
          %parallel_loop3A_424 = vector.broadcast %parallel_loop3A_423 : i32 to vector<16xi32>
          %parallel_loop3A_425 = arith.addi %parallel_loop3A_419, %parallel_loop3A_424 : vector<16xi32>
          %parallel_loop3A_426 = arith.select %parallel_loop3A_422, %parallel_loop3A_425, %parallel_loop3A_419 : vector<16xi1>, vector<16xi32>
          %parallel_loop3A_427 = vector.shape_cast %parallel_loop3A_426 : vector<16xi32> to vector<16x1xi32>
          %parallel_loop3A_428 = vector.shape_cast %parallel_loop3A_427 : vector<16x1xi32> to vector<16xi32>
          %parallel_loop3A_429 = tpu.dynamic_gather %parallel_loop3A_416[%parallel_loop3A_428] in [0] : vector<16xf32>, vector<16xi32> -> vector<16xf32>
          %parallel_loop3A_430 = arith.addf %parallel_loop3A_416, %parallel_loop3A_429 : vector<16xf32>
          %parallel_loop3A_431 = arith.constant 4 : i32
          %parallel_loop3A_432 = vector.broadcast %parallel_loop3A_431 : i32 to vector<16xi32>
          %parallel_loop3A_433 = arith.xori %parallel_loop3A_402, %parallel_loop3A_432 : vector<16xi32>
          %parallel_loop3A_434 = arith.constant 0 : i32
          %parallel_loop3A_435 = vector.broadcast %parallel_loop3A_434 : i32 to vector<16xi32>
          %parallel_loop3A_436 = arith.cmpi slt, %parallel_loop3A_433, %parallel_loop3A_435 : vector<16xi32>
          %parallel_loop3A_437 = arith.constant 16 : i32
          %parallel_loop3A_438 = vector.broadcast %parallel_loop3A_437 : i32 to vector<16xi32>
          %parallel_loop3A_439 = arith.addi %parallel_loop3A_433, %parallel_loop3A_438 : vector<16xi32>
          %parallel_loop3A_440 = arith.select %parallel_loop3A_436, %parallel_loop3A_439, %parallel_loop3A_433 : vector<16xi1>, vector<16xi32>
          %parallel_loop3A_441 = vector.shape_cast %parallel_loop3A_440 : vector<16xi32> to vector<16x1xi32>
          %parallel_loop3A_442 = vector.shape_cast %parallel_loop3A_441 : vector<16x1xi32> to vector<16xi32>
          %parallel_loop3A_443 = tpu.dynamic_gather %parallel_loop3A_430[%parallel_loop3A_442] in [0] : vector<16xf32>, vector<16xi32> -> vector<16xf32>
          %parallel_loop3A_444 = arith.addf %parallel_loop3A_430, %parallel_loop3A_443 : vector<16xf32>
          %parallel_loop3A_445 = arith.constant 8 : i32
          %parallel_loop3A_446 = vector.broadcast %parallel_loop3A_445 : i32 to vector<16xi32>
          %parallel_loop3A_447 = arith.xori %parallel_loop3A_402, %parallel_loop3A_446 : vector<16xi32>
          %parallel_loop3A_448 = arith.constant 0 : i32
          %parallel_loop3A_449 = vector.broadcast %parallel_loop3A_448 : i32 to vector<16xi32>
          %parallel_loop3A_450 = arith.cmpi slt, %parallel_loop3A_447, %parallel_loop3A_449 : vector<16xi32>
          %parallel_loop3A_451 = arith.constant 16 : i32
          %parallel_loop3A_452 = vector.broadcast %parallel_loop3A_451 : i32 to vector<16xi32>
          %parallel_loop3A_453 = arith.addi %parallel_loop3A_447, %parallel_loop3A_452 : vector<16xi32>
          %parallel_loop3A_454 = arith.select %parallel_loop3A_450, %parallel_loop3A_453, %parallel_loop3A_447 : vector<16xi1>, vector<16xi32>
          %parallel_loop3A_455 = vector.shape_cast %parallel_loop3A_454 : vector<16xi32> to vector<16x1xi32>
          %parallel_loop3A_456 = vector.shape_cast %parallel_loop3A_455 : vector<16x1xi32> to vector<16xi32>
          %parallel_loop3A_457 = tpu.dynamic_gather %parallel_loop3A_444[%parallel_loop3A_456] in [0] : vector<16xf32>, vector<16xi32> -> vector<16xf32>
          %parallel_loop3A_458 = arith.addf %parallel_loop3A_444, %parallel_loop3A_457 : vector<16xf32>
          %parallel_loop3A_459 = arith.constant 7.812500e-03 : f32
          %parallel_loop3A_460 = vector.broadcast %parallel_loop3A_459 : f32 to vector<16xf32>
          %parallel_loop3A_461 = arith.mulf %parallel_loop3A_458, %parallel_loop3A_460 : vector<16xf32>
          %parallel_loop3A_462 = arith.mulf %parallel_loop3A_401, %parallel_loop3A_401 : vector<16xf32>
          %parallel_loop3A_463 = arith.subf %parallel_loop3A_461, %parallel_loop3A_462 : vector<16xf32>
          %parallel_loop3A_464 = arith.constant 9.99999974E-6 : f32
          %parallel_loop3A_465 = vector.broadcast %parallel_loop3A_464 : f32 to vector<16xf32>
          %parallel_loop3A_466 = arith.addf %parallel_loop3A_463, %parallel_loop3A_465 : vector<16xf32>
          %parallel_loop3A_467 = tpu.bitcast %parallel_loop3A_466 : vector<16xf32> -> vector<16xi32>
          %parallel_loop3A_468 = arith.constant 1 : i32
          %parallel_loop3A_469 = vector.broadcast %parallel_loop3A_468 : i32 to vector<16xi32>
          %parallel_loop3A_470 = arith.shrui %parallel_loop3A_467, %parallel_loop3A_469 : vector<16xi32>
          %parallel_loop3A_471 = arith.constant 1597463007 : i32
          %parallel_loop3A_472 = vector.broadcast %parallel_loop3A_471 : i32 to vector<16xi32>
          %parallel_loop3A_473 = arith.subi %parallel_loop3A_472, %parallel_loop3A_470 : vector<16xi32>
          %parallel_loop3A_474 = tpu.bitcast %parallel_loop3A_473 : vector<16xi32> -> vector<16xf32>
          %parallel_loop3A_475 = arith.constant 5.000000e-01 : f32
          %parallel_loop3A_476 = vector.broadcast %parallel_loop3A_475 : f32 to vector<16xf32>
          %parallel_loop3A_477 = arith.mulf %parallel_loop3A_476, %parallel_loop3A_466 : vector<16xf32>
          %parallel_loop3A_478 = arith.mulf %parallel_loop3A_477, %parallel_loop3A_474 : vector<16xf32>
          %parallel_loop3A_479 = arith.mulf %parallel_loop3A_478, %parallel_loop3A_474 : vector<16xf32>
          %parallel_loop3A_480 = arith.constant 1.500000e+00 : f32
          %parallel_loop3A_481 = vector.broadcast %parallel_loop3A_480 : f32 to vector<16xf32>
          %parallel_loop3A_482 = arith.subf %parallel_loop3A_481, %parallel_loop3A_479 : vector<16xf32>
          %parallel_loop3A_483 = arith.mulf %parallel_loop3A_474, %parallel_loop3A_482 : vector<16xf32>
          %parallel_loop3A_484 = arith.constant 5.000000e-01 : f32
          %parallel_loop3A_485 = vector.broadcast %parallel_loop3A_484 : f32 to vector<16xf32>
          %parallel_loop3A_486 = arith.mulf %parallel_loop3A_485, %parallel_loop3A_466 : vector<16xf32>
          %parallel_loop3A_487 = arith.mulf %parallel_loop3A_486, %parallel_loop3A_483 : vector<16xf32>
          %parallel_loop3A_488 = arith.mulf %parallel_loop3A_487, %parallel_loop3A_483 : vector<16xf32>
          %parallel_loop3A_489 = arith.constant 1.500000e+00 : f32
          %parallel_loop3A_490 = vector.broadcast %parallel_loop3A_489 : f32 to vector<16xf32>
          %parallel_loop3A_491 = arith.subf %parallel_loop3A_490, %parallel_loop3A_488 : vector<16xf32>
          %parallel_loop3A_492 = arith.mulf %parallel_loop3A_483, %parallel_loop3A_491 : vector<16xf32>
          %parallel_loop3A_493 = arith.subf %parallel_loop3A_256, %parallel_loop3A_401 : vector<16xf32>
          %parallel_loop3A_494 = arith.mulf %parallel_loop3A_493, %parallel_loop3A_492 : vector<16xf32>
          %parallel_loop3A_495 = arith.mulf %parallel_loop3A_494, %get3A_8 : vector<16xf32>
          %parallel_loop3A_496 = arith.addf %parallel_loop3A_495, %get3A_32 : vector<16xf32>
          %parallel_loop3A_497 = arith.constant 0.000000e+00 : f32
          %parallel_loop3A_498 = vector.broadcast %parallel_loop3A_497 : f32 to vector<16xf32>
          %parallel_loop3A_499 = arith.maximumf %parallel_loop3A_496, %parallel_loop3A_498 : vector<16xf32>
          %parallel_loop3A_500 = arith.index_cast %parallel_loop3A_247 : i32 to index
          %parallel_loop3A_501 = arith.constant 0 : index
          %parallel_loop3A_502 = tpu.vector_load %arg16[%parallel_loop3A_500, %parallel_loop3A_501] {strides = array<i32>} : memref<64x128xf32, #tpu.memory_space<vmem>>, vector<1x16xf32>,
          %parallel_loop3A_503 = vector.shape_cast %parallel_loop3A_502 : vector<1x16xf32> to vector<16xf32>
          %parallel_loop3A_504 = vector.shape_cast %parallel_loop3A_499 : vector<16xf32> to vector<1x16xf32>
          tpu.vector_store %arg16[%parallel_loop3A_500, %parallel_loop3A_501], %parallel_loop3A_504 {strides = array<i32>} : memref<64x128xf32, #tpu.memory_space<vmem>>, vector<1x16xf32>,
          %parallel_loop3A_505 = arith.subf %parallel_loop3A_265, %parallel_loop3A_401 : vector<16xf32>
          %parallel_loop3A_506 = arith.mulf %parallel_loop3A_505, %parallel_loop3A_492 : vector<16xf32>
          %parallel_loop3A_507 = arith.mulf %parallel_loop3A_506, %get3A_11 : vector<16xf32>
          %parallel_loop3A_508 = arith.addf %parallel_loop3A_507, %get3A_35 : vector<16xf32>
          %parallel_loop3A_509 = arith.constant 0.000000e+00 : f32
          %parallel_loop3A_510 = vector.broadcast %parallel_loop3A_509 : f32 to vector<16xf32>
          %parallel_loop3A_511 = arith.maximumf %parallel_loop3A_508, %parallel_loop3A_510 : vector<16xf32>
          %parallel_loop3A_512 = arith.index_cast %parallel_loop3A_247 : i32 to index
          %parallel_loop3A_513 = arith.constant 16 : index
          %parallel_loop3A_514 = tpu.vector_load %arg16[%parallel_loop3A_512, %parallel_loop3A_513] {strides = array<i32>} : memref<64x128xf32, #tpu.memory_space<vmem>>, vector<1x16xf32>,
          %parallel_loop3A_515 = vector.shape_cast %parallel_loop3A_514 : vector<1x16xf32> to vector<16xf32>
          %parallel_loop3A_516 = vector.shape_cast %parallel_loop3A_511 : vector<16xf32> to vector<1x16xf32>
          tpu.vector_store %arg16[%parallel_loop3A_512, %parallel_loop3A_513], %parallel_loop3A_516 {strides = array<i32>} : memref<64x128xf32, #tpu.memory_space<vmem>>, vector<1x16xf32>,
          %parallel_loop3A_517 = arith.subf %parallel_loop3A_274, %parallel_loop3A_401 : vector<16xf32>
          %parallel_loop3A_518 = arith.mulf %parallel_loop3A_517, %parallel_loop3A_492 : vector<16xf32>
          %parallel_loop3A_519 = arith.mulf %parallel_loop3A_518, %get3A_14 : vector<16xf32>
          %parallel_loop3A_520 = arith.addf %parallel_loop3A_519, %get3A_38 : vector<16xf32>
          %parallel_loop3A_521 = arith.constant 0.000000e+00 : f32
          %parallel_loop3A_522 = vector.broadcast %parallel_loop3A_521 : f32 to vector<16xf32>
          %parallel_loop3A_523 = arith.maximumf %parallel_loop3A_520, %parallel_loop3A_522 : vector<16xf32>
          %parallel_loop3A_524 = arith.index_cast %parallel_loop3A_247 : i32 to index
          %parallel_loop3A_525 = arith.constant 32 : index
          %parallel_loop3A_526 = tpu.vector_load %arg16[%parallel_loop3A_524, %parallel_loop3A_525] {strides = array<i32>} : memref<64x128xf32, #tpu.memory_space<vmem>>, vector<1x16xf32>,
          %parallel_loop3A_527 = vector.shape_cast %parallel_loop3A_526 : vector<1x16xf32> to vector<16xf32>
          %parallel_loop3A_528 = vector.shape_cast %parallel_loop3A_523 : vector<16xf32> to vector<1x16xf32>
          tpu.vector_store %arg16[%parallel_loop3A_524, %parallel_loop3A_525], %parallel_loop3A_528 {strides = array<i32>} : memref<64x128xf32, #tpu.memory_space<vmem>>, vector<1x16xf32>,
          %parallel_loop3A_529 = arith.subf %parallel_loop3A_283, %parallel_loop3A_401 : vector<16xf32>
          %parallel_loop3A_530 = arith.mulf %parallel_loop3A_529, %parallel_loop3A_492 : vector<16xf32>
          %parallel_loop3A_531 = arith.mulf %parallel_loop3A_530, %get3A_17 : vector<16xf32>
          %parallel_loop3A_532 = arith.addf %parallel_loop3A_531, %get3A_41 : vector<16xf32>
          %parallel_loop3A_533 = arith.constant 0.000000e+00 : f32
          %parallel_loop3A_534 = vector.broadcast %parallel_loop3A_533 : f32 to vector<16xf32>
          %parallel_loop3A_535 = arith.maximumf %parallel_loop3A_532, %parallel_loop3A_534 : vector<16xf32>
          %parallel_loop3A_536 = arith.index_cast %parallel_loop3A_247 : i32 to index
          %parallel_loop3A_537 = arith.constant 48 : index
          %parallel_loop3A_538 = tpu.vector_load %arg16[%parallel_loop3A_536, %parallel_loop3A_537] {strides = array<i32>} : memref<64x128xf32, #tpu.memory_space<vmem>>, vector<1x16xf32>,
          %parallel_loop3A_539 = vector.shape_cast %parallel_loop3A_538 : vector<1x16xf32> to vector<16xf32>
          %parallel_loop3A_540 = vector.shape_cast %parallel_loop3A_535 : vector<16xf32> to vector<1x16xf32>
          tpu.vector_store %arg16[%parallel_loop3A_536, %parallel_loop3A_537], %parallel_loop3A_540 {strides = array<i32>} : memref<64x128xf32, #tpu.memory_space<vmem>>, vector<1x16xf32>,
          %parallel_loop3A_541 = arith.subf %parallel_loop3A_292, %parallel_loop3A_401 : vector<16xf32>
          %parallel_loop3A_542 = arith.mulf %parallel_loop3A_541, %parallel_loop3A_492 : vector<16xf32>
          %parallel_loop3A_543 = arith.mulf %parallel_loop3A_542, %get3A_20 : vector<16xf32>
          %parallel_loop3A_544 = arith.addf %parallel_loop3A_543, %get3A_44 : vector<16xf32>
          %parallel_loop3A_545 = arith.constant 0.000000e+00 : f32
          %parallel_loop3A_546 = vector.broadcast %parallel_loop3A_545 : f32 to vector<16xf32>
          %parallel_loop3A_547 = arith.maximumf %parallel_loop3A_544, %parallel_loop3A_546 : vector<16xf32>
          %parallel_loop3A_548 = arith.index_cast %parallel_loop3A_247 : i32 to index
          %parallel_loop3A_549 = arith.constant 64 : index
          %parallel_loop3A_550 = tpu.vector_load %arg16[%parallel_loop3A_548, %parallel_loop3A_549] {strides = array<i32>} : memref<64x128xf32, #tpu.memory_space<vmem>>, vector<1x16xf32>,
          %parallel_loop3A_551 = vector.shape_cast %parallel_loop3A_550 : vector<1x16xf32> to vector<16xf32>
          %parallel_loop3A_552 = vector.shape_cast %parallel_loop3A_547 : vector<16xf32> to vector<1x16xf32>
          tpu.vector_store %arg16[%parallel_loop3A_548, %parallel_loop3A_549], %parallel_loop3A_552 {strides = array<i32>} : memref<64x128xf32, #tpu.memory_space<vmem>>, vector<1x16xf32>,
          %parallel_loop3A_553 = arith.subf %parallel_loop3A_301, %parallel_loop3A_401 : vector<16xf32>
          %parallel_loop3A_554 = arith.mulf %parallel_loop3A_553, %parallel_loop3A_492 : vector<16xf32>
          %parallel_loop3A_555 = arith.mulf %parallel_loop3A_554, %get3A_23 : vector<16xf32>
          %parallel_loop3A_556 = arith.addf %parallel_loop3A_555, %get3A_47 : vector<16xf32>
          %parallel_loop3A_557 = arith.constant 0.000000e+00 : f32
          %parallel_loop3A_558 = vector.broadcast %parallel_loop3A_557 : f32 to vector<16xf32>
          %parallel_loop3A_559 = arith.maximumf %parallel_loop3A_556, %parallel_loop3A_558 : vector<16xf32>
          %parallel_loop3A_560 = arith.index_cast %parallel_loop3A_247 : i32 to index
          %parallel_loop3A_561 = arith.constant 80 : index
          %parallel_loop3A_562 = tpu.vector_load %arg16[%parallel_loop3A_560, %parallel_loop3A_561] {strides = array<i32>} : memref<64x128xf32, #tpu.memory_space<vmem>>, vector<1x16xf32>,
          %parallel_loop3A_563 = vector.shape_cast %parallel_loop3A_562 : vector<1x16xf32> to vector<16xf32>
          %parallel_loop3A_564 = vector.shape_cast %parallel_loop3A_559 : vector<16xf32> to vector<1x16xf32>
          tpu.vector_store %arg16[%parallel_loop3A_560, %parallel_loop3A_561], %parallel_loop3A_564 {strides = array<i32>} : memref<64x128xf32, #tpu.memory_space<vmem>>, vector<1x16xf32>,
          %parallel_loop3A_565 = arith.subf %parallel_loop3A_310, %parallel_loop3A_401 : vector<16xf32>
          %parallel_loop3A_566 = arith.mulf %parallel_loop3A_565, %parallel_loop3A_492 : vector<16xf32>
          %parallel_loop3A_567 = arith.mulf %parallel_loop3A_566, %get3A_26 : vector<16xf32>
          %parallel_loop3A_568 = arith.addf %parallel_loop3A_567, %get3A_50 : vector<16xf32>
          %parallel_loop3A_569 = arith.constant 0.000000e+00 : f32
          %parallel_loop3A_570 = vector.broadcast %parallel_loop3A_569 : f32 to vector<16xf32>
          %parallel_loop3A_571 = arith.maximumf %parallel_loop3A_568, %parallel_loop3A_570 : vector<16xf32>
          %parallel_loop3A_572 = arith.index_cast %parallel_loop3A_247 : i32 to index
          %parallel_loop3A_573 = arith.constant 96 : index
          %parallel_loop3A_574 = tpu.vector_load %arg16[%parallel_loop3A_572, %parallel_loop3A_573] {strides = array<i32>} : memref<64x128xf32, #tpu.memory_space<vmem>>, vector<1x16xf32>,
          %parallel_loop3A_575 = vector.shape_cast %parallel_loop3A_574 : vector<1x16xf32> to vector<16xf32>
          %parallel_loop3A_576 = vector.shape_cast %parallel_loop3A_571 : vector<16xf32> to vector<1x16xf32>
          tpu.vector_store %arg16[%parallel_loop3A_572, %parallel_loop3A_573], %parallel_loop3A_576 {strides = array<i32>} : memref<64x128xf32, #tpu.memory_space<vmem>>, vector<1x16xf32>,
          %parallel_loop3A_577 = arith.subf %parallel_loop3A_319, %parallel_loop3A_401 : vector<16xf32>
          %parallel_loop3A_578 = arith.mulf %parallel_loop3A_577, %parallel_loop3A_492 : vector<16xf32>
          %parallel_loop3A_579 = arith.mulf %parallel_loop3A_578, %get3A_29 : vector<16xf32>
          %parallel_loop3A_580 = arith.addf %parallel_loop3A_579, %get3A_53 : vector<16xf32>
          %parallel_loop3A_581 = arith.constant 0.000000e+00 : f32
          %parallel_loop3A_582 = vector.broadcast %parallel_loop3A_581 : f32 to vector<16xf32>
          %parallel_loop3A_583 = arith.maximumf %parallel_loop3A_580, %parallel_loop3A_582 : vector<16xf32>
          %parallel_loop3A_584 = arith.index_cast %parallel_loop3A_247 : i32 to index
          %parallel_loop3A_585 = arith.constant 112 : index
          %parallel_loop3A_586 = tpu.vector_load %arg16[%parallel_loop3A_584, %parallel_loop3A_585] {strides = array<i32>} : memref<64x128xf32, #tpu.memory_space<vmem>>, vector<1x16xf32>,
          %parallel_loop3A_587 = vector.shape_cast %parallel_loop3A_586 : vector<1x16xf32> to vector<16xf32>
          %parallel_loop3A_588 = vector.shape_cast %parallel_loop3A_583 : vector<16xf32> to vector<1x16xf32>
          tpu.vector_store %arg16[%parallel_loop3A_584, %parallel_loop3A_585], %parallel_loop3A_588 {strides = array<i32>} : memref<64x128xf32, #tpu.memory_space<vmem>>, vector<1x16xf32>,
        } {sc.loop_unroll_factor = 4 : i64, sc.parallel_access}
        "tpu.region"() ({
          %run_scoped3A = tpu.sem_alloc : memref<!tpu.dma_semaphore, #tpu.memory_space<semaphore_mem>>
          %dma_start3A_247 = arith.constant 0 : i32
          %dma_start3A_248 = arith.constant 0 : i32
          %dma_start3A_249 = tpu.memref_slice %arg20[%dma_start3A_247, %dma_start3A_248] : memref<10112x128xf32, #tpu.memory_space<vmem_shared>> -> memref<10112x128xf32, #tpu.memory_space<vmem_shared>>
          tpu.enqueue_indirect_dma source(%arg16 : memref<64x128xf32, #tpu.memory_space<vmem>>) target(%dma_start3A_249 : memref<10112x128xf32, #tpu.memory_space<vmem_shared>>) offsets(%arg13 : memref<64xi32, #tpu.memory_space<vmem>>) semaphore(%run_scoped3A : memref<!tpu.dma_semaphore, #tpu.memory_space<semaphore_mem>>) {add = true}
          %dma_wait3A_250 = arith.constant 0 : i32
          %dma_wait3A_251 = arith.constant 0 : i32
          %dma_wait3A_252 = tpu.memref_slice %arg20[%dma_wait3A_250, %dma_wait3A_251] : memref<10112x128xf32, #tpu.memory_space<vmem_shared>> -> memref<10112x128xf32, #tpu.memory_space<vmem_shared>>
          tpu.wait_indirect_dma semaphore(%run_scoped3A : memref<!tpu.dma_semaphore, #tpu.memory_space<semaphore_mem>>) src(%arg16 : memref<64x128xf32, #tpu.memory_space<vmem>>) dst(%dma_wait3A_252 : memref<10112x128xf32, #tpu.memory_space<vmem_shared>>)
          tpu.yield
        }) : () -> ()
      }
      %scan3A_145 = arith.constant 104 : i32
    } else {
    }
    %eq3A_57 = arith.constant 1 : i32
    %eq3A_58 = arith.cmpi eq, %arg0, %eq3A_57 : i32
    %convert_element_type3A_59 = arith.extui %eq3A_58 : i1 to i32
    %cond3A_60 = arith.constant 0 : i32
    %cond3A_61 = arith.cmpi ne, %convert_element_type3A_59, %cond3A_60 : i32
    scf.if %cond3A_61 {
      "tpu.region"() ({
        %run_scoped3A = tpu.sem_alloc : memref<!tpu.dma_semaphore, #tpu.memory_space<semaphore_mem>>
        %dma_start3A_146 = arith.constant 0 : i32
        %dma_start3A_147 = arith.constant 0 : i32
        %dma_start3A_148 = tpu.memref_slice %arg9[%dma_start3A_146, %dma_start3A_147] : memref<104x128xi32, #tpu.memory_space<vmem>> -> memref<56x128xi32, #tpu.memory_space<vmem>>
        %dma_start3A_149 = arith.constant 0 : i32
        %dma_start3A_150 = tpu.memref_slice %arg4[%select_n3A, %dma_start3A_149] : memref<2560x128xi32, #tpu.memory_space<hbm>> -> memref<56x128xi32, #tpu.memory_space<hbm>>
        %dma_start3A_151 = arith.constant 0 : i32
        %dma_start3A_152 = arith.constant 0 : i32
        %dma_start3A_153 = tpu.memref_slice %arg9[%dma_start3A_151, %dma_start3A_152] : memref<104x128xi32, #tpu.memory_space<vmem>> -> memref<56x128xi32, #tpu.memory_space<vmem>>
        %dma_start3A_154 = arith.constant 0 : i32
        %dma_start3A_155 = tpu.memref_slice %arg4[%select_n3A, %dma_start3A_154] : memref<2560x128xi32, #tpu.memory_space<hbm>> -> memref<56x128xi32, #tpu.memory_space<hbm>>
        tpu.enqueue_dma source(%dma_start3A_155 : memref<56x128xi32, #tpu.memory_space<hbm>>) target(%dma_start3A_153 : memref<56x128xi32, #tpu.memory_space<vmem>>) target_semaphore(%run_scoped3A : memref<!tpu.dma_semaphore, #tpu.memory_space<semaphore_mem>>)
        %dma_wait3A = arith.constant 0 : i32
        %dma_wait3A_156 = arith.constant 0 : i32
        %dma_wait3A_157 = tpu.memref_slice %arg9[%dma_wait3A, %dma_wait3A_156] : memref<104x128xi32, #tpu.memory_space<vmem>> -> memref<56x128xi32, #tpu.memory_space<vmem>>
        %dma_wait3A_158 = arith.constant 0 : i32
        %dma_wait3A_159 = tpu.memref_slice %arg4[%select_n3A, %dma_wait3A_158] : memref<2560x128xi32, #tpu.memory_space<hbm>> -> memref<56x128xi32, #tpu.memory_space<hbm>>
        %dma_wait3A_160 = arith.constant 0 : i32
        %dma_wait3A_161 = arith.constant 0 : i32
        %dma_wait3A_162 = tpu.memref_slice %arg9[%dma_wait3A_160, %dma_wait3A_161] : memref<104x128xi32, #tpu.memory_space<vmem>> -> memref<56x128xi32, #tpu.memory_space<vmem>>
        %dma_wait3A_163 = arith.constant 0 : i32
        %dma_wait3A_164 = tpu.memref_slice %arg4[%select_n3A, %dma_wait3A_163] : memref<2560x128xi32, #tpu.memory_space<hbm>> -> memref<56x128xi32, #tpu.memory_space<hbm>>
        tpu.wait_dma2 semaphore(%run_scoped3A : memref<!tpu.dma_semaphore, #tpu.memory_space<semaphore_mem>>) src(%dma_wait3A_164 : memref<56x128xi32, #tpu.memory_space<hbm>>) dst(%dma_wait3A_162 : memref<56x128xi32, #tpu.memory_space<vmem>>)
        tpu.yield
      }) : () -> ()
      %get3A_63 = arith.constant 0 : i32
      %get3A_64 = arith.index_cast %get3A_63 : i32 to index
      %get3A_65 = arith.constant 0 : index
      %get3A_66 = tpu.vector_load %arg9[%get3A_64, %get3A_65] {strides = array<i32>} : memref<104x128xi32, #tpu.memory_space<vmem>>, vector<1x16xi32>,
      %get3A_67 = vector.shape_cast %get3A_66 : vector<1x16xi32> to vector<16xi32>
      %and3A = arith.constant 65535 : i32
      %and3A_68 = vector.broadcast %and3A : i32 to vector<16xi32>
      %and3A_69 = arith.andi %get3A_67, %and3A_68 : vector<16xi32>
      %swap3A = arith.constant 0 : index
      %swap3A_70 = tpu.vector_load %arg10[%swap3A] {strides = array<i32>} : memref<64xi32, #tpu.memory_space<vmem>>, vector<16xi32>,
      %swap3A_71 = vector.shape_cast %swap3A_70 : vector<16xi32> to vector<16xi32>
      %swap3A_72 = vector.shape_cast %and3A_69 : vector<16xi32> to vector<16xi32>
      tpu.vector_store %arg10[%swap3A], %swap3A_72 {strides = array<i32>} : memref<64xi32, #tpu.memory_space<vmem>>, vector<16xi32>,
      %shift_right_logical3A = arith.constant 16 : i32
      %shift_right_logical3A_73 = vector.broadcast %shift_right_logical3A : i32 to vector<16xi32>
      %shift_right_logical3A_74 = arith.shrui %get3A_67, %shift_right_logical3A_73 : vector<16xi32>
      %swap3A_75 = arith.constant 0 : index
      %swap3A_76 = tpu.vector_load %arg11[%swap3A_75] {strides = array<i32>} : memref<64xi32, #tpu.memory_space<vmem>>, vector<16xi32>,
      %swap3A_77 = vector.shape_cast %swap3A_76 : vector<16xi32> to vector<16xi32>
      %swap3A_78 = vector.shape_cast %shift_right_logical3A_74 : vector<16xi32> to vector<16xi32>
      tpu.vector_store %arg11[%swap3A_75], %swap3A_78 {strides = array<i32>} : memref<64xi32, #tpu.memory_space<vmem>>, vector<16xi32>,
      %get3A_79 = arith.constant 0 : i32
      %get3A_80 = arith.index_cast %get3A_79 : i32 to index
      %get3A_81 = arith.constant 16 : index
      %get3A_82 = tpu.vector_load %arg9[%get3A_80, %get3A_81] {strides = array<i32>} : memref<104x128xi32, #tpu.memory_space<vmem>>, vector<1x16xi32>,
      %get3A_83 = vector.shape_cast %get3A_82 : vector<1x16xi32> to vector<16xi32>
      %and3A_84 = arith.constant 65535 : i32
      %and3A_85 = vector.broadcast %and3A_84 : i32 to vector<16xi32>
      %and3A_86 = arith.andi %get3A_83, %and3A_85 : vector<16xi32>
      %swap3A_87 = arith.constant 16 : index
      %swap3A_88 = tpu.vector_load %arg10[%swap3A_87] {strides = array<i32>} : memref<64xi32, #tpu.memory_space<vmem>>, vector<16xi32>,
      %swap3A_89 = vector.shape_cast %swap3A_88 : vector<16xi32> to vector<16xi32>
      %swap3A_90 = vector.shape_cast %and3A_86 : vector<16xi32> to vector<16xi32>
      tpu.vector_store %arg10[%swap3A_87], %swap3A_90 {strides = array<i32>} : memref<64xi32, #tpu.memory_space<vmem>>, vector<16xi32>,
      %shift_right_logical3A_91 = arith.constant 16 : i32
      %shift_right_logical3A_92 = vector.broadcast %shift_right_logical3A_91 : i32 to vector<16xi32>
      %shift_right_logical3A_93 = arith.shrui %get3A_83, %shift_right_logical3A_92 : vector<16xi32>
      %swap3A_94 = arith.constant 16 : index
      %swap3A_95 = tpu.vector_load %arg11[%swap3A_94] {strides = array<i32>} : memref<64xi32, #tpu.memory_space<vmem>>, vector<16xi32>,
      %swap3A_96 = vector.shape_cast %swap3A_95 : vector<16xi32> to vector<16xi32>
      %swap3A_97 = vector.shape_cast %shift_right_logical3A_93 : vector<16xi32> to vector<16xi32>
      tpu.vector_store %arg11[%swap3A_94], %swap3A_97 {strides = array<i32>} : memref<64xi32, #tpu.memory_space<vmem>>, vector<16xi32>,
      %get3A_98 = arith.constant 0 : i32
      %get3A_99 = arith.index_cast %get3A_98 : i32 to index
      %get3A_100 = arith.constant 32 : index
      %get3A_101 = tpu.vector_load %arg9[%get3A_99, %get3A_100] {strides = array<i32>} : memref<104x128xi32, #tpu.memory_space<vmem>>, vector<1x16xi32>,
      %get3A_102 = vector.shape_cast %get3A_101 : vector<1x16xi32> to vector<16xi32>
      %and3A_103 = arith.constant 65535 : i32
      %and3A_104 = vector.broadcast %and3A_103 : i32 to vector<16xi32>
      %and3A_105 = arith.andi %get3A_102, %and3A_104 : vector<16xi32>
      %swap3A_106 = arith.constant 32 : index
      %swap3A_107 = tpu.vector_load %arg10[%swap3A_106] {strides = array<i32>} : memref<64xi32, #tpu.memory_space<vmem>>, vector<16xi32>,
      %swap3A_108 = vector.shape_cast %swap3A_107 : vector<16xi32> to vector<16xi32>
      %swap3A_109 = vector.shape_cast %and3A_105 : vector<16xi32> to vector<16xi32>
      tpu.vector_store %arg10[%swap3A_106], %swap3A_109 {strides = array<i32>} : memref<64xi32, #tpu.memory_space<vmem>>, vector<16xi32>,
      %shift_right_logical3A_110 = arith.constant 16 : i32
      %shift_right_logical3A_111 = vector.broadcast %shift_right_logical3A_110 : i32 to vector<16xi32>
      %shift_right_logical3A_112 = arith.shrui %get3A_102, %shift_right_logical3A_111 : vector<16xi32>
      %swap3A_113 = arith.constant 32 : index
      %swap3A_114 = tpu.vector_load %arg11[%swap3A_113] {strides = array<i32>} : memref<64xi32, #tpu.memory_space<vmem>>, vector<16xi32>,
      %swap3A_115 = vector.shape_cast %swap3A_114 : vector<16xi32> to vector<16xi32>
      %swap3A_116 = vector.shape_cast %shift_right_logical3A_112 : vector<16xi32> to vector<16xi32>
      tpu.vector_store %arg11[%swap3A_113], %swap3A_116 {strides = array<i32>} : memref<64xi32, #tpu.memory_space<vmem>>, vector<16xi32>,
      %get3A_117 = arith.constant 0 : i32
      %get3A_118 = arith.index_cast %get3A_117 : i32 to index
      %get3A_119 = arith.constant 48 : index
      %get3A_120 = tpu.vector_load %arg9[%get3A_118, %get3A_119] {strides = array<i32>} : memref<104x128xi32, #tpu.memory_space<vmem>>, vector<1x16xi32>,
      %get3A_121 = vector.shape_cast %get3A_120 : vector<1x16xi32> to vector<16xi32>
      %and3A_122 = arith.constant 65535 : i32
      %and3A_123 = vector.broadcast %and3A_122 : i32 to vector<16xi32>
      %and3A_124 = arith.andi %get3A_121, %and3A_123 : vector<16xi32>
      %swap3A_125 = arith.constant 48 : index
      %swap3A_126 = tpu.vector_load %arg10[%swap3A_125] {strides = array<i32>} : memref<64xi32, #tpu.memory_space<vmem>>, vector<16xi32>,
      %swap3A_127 = vector.shape_cast %swap3A_126 : vector<16xi32> to vector<16xi32>
      %swap3A_128 = vector.shape_cast %and3A_124 : vector<16xi32> to vector<16xi32>
      tpu.vector_store %arg10[%swap3A_125], %swap3A_128 {strides = array<i32>} : memref<64xi32, #tpu.memory_space<vmem>>, vector<16xi32>,
      %shift_right_logical3A_129 = arith.constant 16 : i32
      %shift_right_logical3A_130 = vector.broadcast %shift_right_logical3A_129 : i32 to vector<16xi32>
      %shift_right_logical3A_131 = arith.shrui %get3A_121, %shift_right_logical3A_130 : vector<16xi32>
      %swap3A_132 = arith.constant 48 : index
      %swap3A_133 = tpu.vector_load %arg11[%swap3A_132] {strides = array<i32>} : memref<64xi32, #tpu.memory_space<vmem>>, vector<16xi32>,
      %swap3A_134 = vector.shape_cast %swap3A_133 : vector<16xi32> to vector<16xi32>
      %swap3A_135 = vector.shape_cast %shift_right_logical3A_131 : vector<16xi32> to vector<16xi32>
      tpu.vector_store %arg11[%swap3A_132], %swap3A_135 {strides = array<i32>} : memref<64xi32, #tpu.memory_space<vmem>>, vector<16xi32>,
      %dma_start3A = arith.constant 0 : i32
      %dma_start3A_136 = arith.constant 0 : i32
      %dma_start3A_137 = tpu.memref_slice %arg2[%dma_start3A, %dma_start3A_136] : memref<10000x128xf32, #tpu.memory_space<hbm>> -> memref<10000x128xf32, #tpu.memory_space<hbm>>
      tpu.enqueue_indirect_dma source(%dma_start3A_137 : memref<10000x128xf32, #tpu.memory_space<hbm>>) target(%arg14 : memref<64x128xf32, #tpu.memory_space<vmem>>) offsets(%arg10 : memref<64xi32, #tpu.memory_space<vmem>>) semaphore(%arg21 : memref<!tpu.dma_semaphore, #tpu.memory_space<semaphore_mem>>)
      %dma_start3A_138 = arith.constant 0 : i32
      %dma_start3A_139 = arith.constant 0 : i32
      %dma_start3A_140 = tpu.memref_slice %arg3[%dma_start3A_138, %dma_start3A_139] : memref<10000x128xf32, #tpu.memory_space<hbm>> -> memref<10000x128xf32, #tpu.memory_space<hbm>>
      tpu.enqueue_indirect_dma source(%dma_start3A_140 : memref<10000x128xf32, #tpu.memory_space<hbm>>) target(%arg15 : memref<64x128xf32, #tpu.memory_space<vmem>>) offsets(%arg11 : memref<64xi32, #tpu.memory_space<vmem>>) semaphore(%arg22 : memref<!tpu.dma_semaphore, #tpu.memory_space<semaphore_mem>>)
      %scan3A = arith.constant 0 : i32
      %scan3A_141 = arith.constant 0 : i32
      %scan3A_142 = arith.constant 56 : i32
      %scan3A_143 = arith.addi %scan3A_141, %scan3A_142 : i32
      %scan3A_144 = arith.constant 1 : i32
      scf.for %scan3A_146 = %scan3A_141 to %scan3A_143 step %scan3A_144  : i32 {
        %get3A_147 = arith.index_cast %scan3A_146 : i32 to index
        %get3A_148 = arith.constant 64 : index
        %get3A_149 = tpu.vector_load %arg9[%get3A_147, %get3A_148] {strides = array<i32>} : memref<104x128xi32, #tpu.memory_space<vmem>>, vector<1x16xi32>,
        %get3A_150 = vector.shape_cast %get3A_149 : vector<1x16xi32> to vector<16xi32>
        %and3A_151 = arith.constant 65535 : i32
        %and3A_152 = vector.broadcast %and3A_151 : i32 to vector<16xi32>
        %and3A_153 = arith.andi %get3A_150, %and3A_152 : vector<16xi32>
        %swap3A_154 = arith.constant 0 : index
        %swap3A_155 = tpu.vector_load %arg12[%swap3A_154] {strides = array<i32>} : memref<64xi32, #tpu.memory_space<vmem>>, vector<16xi32>,
        %swap3A_156 = vector.shape_cast %swap3A_155 : vector<16xi32> to vector<16xi32>
        %swap3A_157 = vector.shape_cast %and3A_153 : vector<16xi32> to vector<16xi32>
        tpu.vector_store %arg12[%swap3A_154], %swap3A_157 {strides = array<i32>} : memref<64xi32, #tpu.memory_space<vmem>>, vector<16xi32>,
        %shift_right_logical3A_158 = arith.constant 16 : i32
        %shift_right_logical3A_159 = vector.broadcast %shift_right_logical3A_158 : i32 to vector<16xi32>
        %shift_right_logical3A_160 = arith.shrui %get3A_150, %shift_right_logical3A_159 : vector<16xi32>
        %swap3A_161 = arith.constant 0 : index
        %swap3A_162 = tpu.vector_load %arg13[%swap3A_161] {strides = array<i32>} : memref<64xi32, #tpu.memory_space<vmem>>, vector<16xi32>,
        %swap3A_163 = vector.shape_cast %swap3A_162 : vector<16xi32> to vector<16xi32>
        %swap3A_164 = vector.shape_cast %shift_right_logical3A_160 : vector<16xi32> to vector<16xi32>
        tpu.vector_store %arg13[%swap3A_161], %swap3A_164 {strides = array<i32>} : memref<64xi32, #tpu.memory_space<vmem>>, vector<16xi32>,
        %get3A_165 = arith.index_cast %scan3A_146 : i32 to index
        %get3A_166 = arith.constant 80 : index
        %get3A_167 = tpu.vector_load %arg9[%get3A_165, %get3A_166] {strides = array<i32>} : memref<104x128xi32, #tpu.memory_space<vmem>>, vector<1x16xi32>,
        %get3A_168 = vector.shape_cast %get3A_167 : vector<1x16xi32> to vector<16xi32>
        %and3A_169 = arith.constant 65535 : i32
        %and3A_170 = vector.broadcast %and3A_169 : i32 to vector<16xi32>
        %and3A_171 = arith.andi %get3A_168, %and3A_170 : vector<16xi32>
        %swap3A_172 = arith.constant 16 : index
        %swap3A_173 = tpu.vector_load %arg12[%swap3A_172] {strides = array<i32>} : memref<64xi32, #tpu.memory_space<vmem>>, vector<16xi32>,
        %swap3A_174 = vector.shape_cast %swap3A_173 : vector<16xi32> to vector<16xi32>
        %swap3A_175 = vector.shape_cast %and3A_171 : vector<16xi32> to vector<16xi32>
        tpu.vector_store %arg12[%swap3A_172], %swap3A_175 {strides = array<i32>} : memref<64xi32, #tpu.memory_space<vmem>>, vector<16xi32>,
        %shift_right_logical3A_176 = arith.constant 16 : i32
        %shift_right_logical3A_177 = vector.broadcast %shift_right_logical3A_176 : i32 to vector<16xi32>
        %shift_right_logical3A_178 = arith.shrui %get3A_168, %shift_right_logical3A_177 : vector<16xi32>
        %swap3A_179 = arith.constant 16 : index
        %swap3A_180 = tpu.vector_load %arg13[%swap3A_179] {strides = array<i32>} : memref<64xi32, #tpu.memory_space<vmem>>, vector<16xi32>,
        %swap3A_181 = vector.shape_cast %swap3A_180 : vector<16xi32> to vector<16xi32>
        %swap3A_182 = vector.shape_cast %shift_right_logical3A_178 : vector<16xi32> to vector<16xi32>
        tpu.vector_store %arg13[%swap3A_179], %swap3A_182 {strides = array<i32>} : memref<64xi32, #tpu.memory_space<vmem>>, vector<16xi32>,
        %get3A_183 = arith.index_cast %scan3A_146 : i32 to index
        %get3A_184 = arith.constant 96 : index
        %get3A_185 = tpu.vector_load %arg9[%get3A_183, %get3A_184] {strides = array<i32>} : memref<104x128xi32, #tpu.memory_space<vmem>>, vector<1x16xi32>,
        %get3A_186 = vector.shape_cast %get3A_185 : vector<1x16xi32> to vector<16xi32>
        %and3A_187 = arith.constant 65535 : i32
        %and3A_188 = vector.broadcast %and3A_187 : i32 to vector<16xi32>
        %and3A_189 = arith.andi %get3A_186, %and3A_188 : vector<16xi32>
        %swap3A_190 = arith.constant 32 : index
        %swap3A_191 = tpu.vector_load %arg12[%swap3A_190] {strides = array<i32>} : memref<64xi32, #tpu.memory_space<vmem>>, vector<16xi32>,
        %swap3A_192 = vector.shape_cast %swap3A_191 : vector<16xi32> to vector<16xi32>
        %swap3A_193 = vector.shape_cast %and3A_189 : vector<16xi32> to vector<16xi32>
        tpu.vector_store %arg12[%swap3A_190], %swap3A_193 {strides = array<i32>} : memref<64xi32, #tpu.memory_space<vmem>>, vector<16xi32>,
        %shift_right_logical3A_194 = arith.constant 16 : i32
        %shift_right_logical3A_195 = vector.broadcast %shift_right_logical3A_194 : i32 to vector<16xi32>
        %shift_right_logical3A_196 = arith.shrui %get3A_186, %shift_right_logical3A_195 : vector<16xi32>
        %swap3A_197 = arith.constant 32 : index
        %swap3A_198 = tpu.vector_load %arg13[%swap3A_197] {strides = array<i32>} : memref<64xi32, #tpu.memory_space<vmem>>, vector<16xi32>,
        %swap3A_199 = vector.shape_cast %swap3A_198 : vector<16xi32> to vector<16xi32>
        %swap3A_200 = vector.shape_cast %shift_right_logical3A_196 : vector<16xi32> to vector<16xi32>
        tpu.vector_store %arg13[%swap3A_197], %swap3A_200 {strides = array<i32>} : memref<64xi32, #tpu.memory_space<vmem>>, vector<16xi32>,
        %get3A_201 = arith.index_cast %scan3A_146 : i32 to index
        %get3A_202 = arith.constant 112 : index
        %get3A_203 = tpu.vector_load %arg9[%get3A_201, %get3A_202] {strides = array<i32>} : memref<104x128xi32, #tpu.memory_space<vmem>>, vector<1x16xi32>,
        %get3A_204 = vector.shape_cast %get3A_203 : vector<1x16xi32> to vector<16xi32>
        %and3A_205 = arith.constant 65535 : i32
        %and3A_206 = vector.broadcast %and3A_205 : i32 to vector<16xi32>
        %and3A_207 = arith.andi %get3A_204, %and3A_206 : vector<16xi32>
        %swap3A_208 = arith.constant 48 : index
        %swap3A_209 = tpu.vector_load %arg12[%swap3A_208] {strides = array<i32>} : memref<64xi32, #tpu.memory_space<vmem>>, vector<16xi32>,
        %swap3A_210 = vector.shape_cast %swap3A_209 : vector<16xi32> to vector<16xi32>
        %swap3A_211 = vector.shape_cast %and3A_207 : vector<16xi32> to vector<16xi32>
        tpu.vector_store %arg12[%swap3A_208], %swap3A_211 {strides = array<i32>} : memref<64xi32, #tpu.memory_space<vmem>>, vector<16xi32>,
        %shift_right_logical3A_212 = arith.constant 16 : i32
        %shift_right_logical3A_213 = vector.broadcast %shift_right_logical3A_212 : i32 to vector<16xi32>
        %shift_right_logical3A_214 = arith.shrui %get3A_204, %shift_right_logical3A_213 : vector<16xi32>
        %swap3A_215 = arith.constant 48 : index
        %swap3A_216 = tpu.vector_load %arg13[%swap3A_215] {strides = array<i32>} : memref<64xi32, #tpu.memory_space<vmem>>, vector<16xi32>,
        %swap3A_217 = vector.shape_cast %swap3A_216 : vector<16xi32> to vector<16xi32>
        %swap3A_218 = vector.shape_cast %shift_right_logical3A_214 : vector<16xi32> to vector<16xi32>
        tpu.vector_store %arg13[%swap3A_215], %swap3A_218 {strides = array<i32>} : memref<64xi32, #tpu.memory_space<vmem>>, vector<16xi32>,
        %dma_start3A_219 = arith.constant 0 : i32
        %dma_start3A_220 = arith.constant 0 : i32
        %dma_start3A_221 = tpu.memref_slice %arg2[%dma_start3A_219, %dma_start3A_220] : memref<10000x128xf32, #tpu.memory_space<hbm>> -> memref<10000x128xf32, #tpu.memory_space<hbm>>
        tpu.enqueue_indirect_dma source(%dma_start3A_221 : memref<10000x128xf32, #tpu.memory_space<hbm>>) target(%arg16 : memref<64x128xf32, #tpu.memory_space<vmem>>) offsets(%arg12 : memref<64xi32, #tpu.memory_space<vmem>>) semaphore(%arg23 : memref<!tpu.dma_semaphore, #tpu.memory_space<semaphore_mem>>)
        %dma_start3A_222 = arith.constant 0 : i32
        %dma_start3A_223 = arith.constant 0 : i32
        %dma_start3A_224 = tpu.memref_slice %arg3[%dma_start3A_222, %dma_start3A_223] : memref<10000x128xf32, #tpu.memory_space<hbm>> -> memref<10000x128xf32, #tpu.memory_space<hbm>>
        tpu.enqueue_indirect_dma source(%dma_start3A_224 : memref<10000x128xf32, #tpu.memory_space<hbm>>) target(%arg17 : memref<64x128xf32, #tpu.memory_space<vmem>>) offsets(%arg13 : memref<64xi32, #tpu.memory_space<vmem>>) semaphore(%arg24 : memref<!tpu.dma_semaphore, #tpu.memory_space<semaphore_mem>>)
        %dma_wait3A = arith.constant 0 : i32
        %dma_wait3A_225 = arith.constant 0 : i32
        %dma_wait3A_226 = tpu.memref_slice %arg2[%dma_wait3A, %dma_wait3A_225] : memref<10000x128xf32, #tpu.memory_space<hbm>> -> memref<10000x128xf32, #tpu.memory_space<hbm>>
        tpu.wait_indirect_dma semaphore(%arg21 : memref<!tpu.dma_semaphore, #tpu.memory_space<semaphore_mem>>) src(%dma_wait3A_226 : memref<10000x128xf32, #tpu.memory_space<hbm>>) dst(%arg14 : memref<64x128xf32, #tpu.memory_space<vmem>>)
        %dma_wait3A_227 = arith.constant 0 : i32
        %dma_wait3A_228 = arith.constant 0 : i32
        %dma_wait3A_229 = tpu.memref_slice %arg3[%dma_wait3A_227, %dma_wait3A_228] : memref<10000x128xf32, #tpu.memory_space<hbm>> -> memref<10000x128xf32, #tpu.memory_space<hbm>>
        tpu.wait_indirect_dma semaphore(%arg22 : memref<!tpu.dma_semaphore, #tpu.memory_space<semaphore_mem>>) src(%dma_wait3A_229 : memref<10000x128xf32, #tpu.memory_space<hbm>>) dst(%arg15 : memref<64x128xf32, #tpu.memory_space<vmem>>)
        %parallel_loop3A = arith.constant 0 : i32
        %parallel_loop3A_230 = arith.constant 64 : i32
        %parallel_loop3A_231 = arith.constant 1 : i32
        scf.for %parallel_loop3A_247 = %parallel_loop3A to %parallel_loop3A_230 step %parallel_loop3A_231  : i32 {
          %parallel_loop3A_248 = arith.index_cast %parallel_loop3A_247 : i32 to index
          %parallel_loop3A_249 = arith.constant 0 : index
          %parallel_loop3A_250 = tpu.vector_load %arg14[%parallel_loop3A_248, %parallel_loop3A_249] {strides = array<i32>} : memref<64x128xf32, #tpu.memory_space<vmem>>, vector<1x16xf32>,
          %parallel_loop3A_251 = vector.shape_cast %parallel_loop3A_250 : vector<1x16xf32> to vector<16xf32>
          %parallel_loop3A_252 = arith.index_cast %parallel_loop3A_247 : i32 to index
          %parallel_loop3A_253 = arith.constant 0 : index
          %parallel_loop3A_254 = tpu.vector_load %arg15[%parallel_loop3A_252, %parallel_loop3A_253] {strides = array<i32>} : memref<64x128xf32, #tpu.memory_space<vmem>>, vector<1x16xf32>,
          %parallel_loop3A_255 = vector.shape_cast %parallel_loop3A_254 : vector<1x16xf32> to vector<16xf32>
          %parallel_loop3A_256 = arith.addf %parallel_loop3A_251, %parallel_loop3A_255 : vector<16xf32>
          %parallel_loop3A_257 = arith.index_cast %parallel_loop3A_247 : i32 to index
          %parallel_loop3A_258 = arith.constant 16 : index
          %parallel_loop3A_259 = tpu.vector_load %arg14[%parallel_loop3A_257, %parallel_loop3A_258] {strides = array<i32>} : memref<64x128xf32, #tpu.memory_space<vmem>>, vector<1x16xf32>,
          %parallel_loop3A_260 = vector.shape_cast %parallel_loop3A_259 : vector<1x16xf32> to vector<16xf32>
          %parallel_loop3A_261 = arith.index_cast %parallel_loop3A_247 : i32 to index
          %parallel_loop3A_262 = arith.constant 16 : index
          %parallel_loop3A_263 = tpu.vector_load %arg15[%parallel_loop3A_261, %parallel_loop3A_262] {strides = array<i32>} : memref<64x128xf32, #tpu.memory_space<vmem>>, vector<1x16xf32>,
          %parallel_loop3A_264 = vector.shape_cast %parallel_loop3A_263 : vector<1x16xf32> to vector<16xf32>
          %parallel_loop3A_265 = arith.addf %parallel_loop3A_260, %parallel_loop3A_264 : vector<16xf32>
          %parallel_loop3A_266 = arith.index_cast %parallel_loop3A_247 : i32 to index
          %parallel_loop3A_267 = arith.constant 32 : index
          %parallel_loop3A_268 = tpu.vector_load %arg14[%parallel_loop3A_266, %parallel_loop3A_267] {strides = array<i32>} : memref<64x128xf32, #tpu.memory_space<vmem>>, vector<1x16xf32>,
          %parallel_loop3A_269 = vector.shape_cast %parallel_loop3A_268 : vector<1x16xf32> to vector<16xf32>
          %parallel_loop3A_270 = arith.index_cast %parallel_loop3A_247 : i32 to index
          %parallel_loop3A_271 = arith.constant 32 : index
          %parallel_loop3A_272 = tpu.vector_load %arg15[%parallel_loop3A_270, %parallel_loop3A_271] {strides = array<i32>} : memref<64x128xf32, #tpu.memory_space<vmem>>, vector<1x16xf32>,
          %parallel_loop3A_273 = vector.shape_cast %parallel_loop3A_272 : vector<1x16xf32> to vector<16xf32>
          %parallel_loop3A_274 = arith.addf %parallel_loop3A_269, %parallel_loop3A_273 : vector<16xf32>
          %parallel_loop3A_275 = arith.index_cast %parallel_loop3A_247 : i32 to index
          %parallel_loop3A_276 = arith.constant 48 : index
          %parallel_loop3A_277 = tpu.vector_load %arg14[%parallel_loop3A_275, %parallel_loop3A_276] {strides = array<i32>} : memref<64x128xf32, #tpu.memory_space<vmem>>, vector<1x16xf32>,
          %parallel_loop3A_278 = vector.shape_cast %parallel_loop3A_277 : vector<1x16xf32> to vector<16xf32>
          %parallel_loop3A_279 = arith.index_cast %parallel_loop3A_247 : i32 to index
          %parallel_loop3A_280 = arith.constant 48 : index
          %parallel_loop3A_281 = tpu.vector_load %arg15[%parallel_loop3A_279, %parallel_loop3A_280] {strides = array<i32>} : memref<64x128xf32, #tpu.memory_space<vmem>>, vector<1x16xf32>,
          %parallel_loop3A_282 = vector.shape_cast %parallel_loop3A_281 : vector<1x16xf32> to vector<16xf32>
          %parallel_loop3A_283 = arith.addf %parallel_loop3A_278, %parallel_loop3A_282 : vector<16xf32>
          %parallel_loop3A_284 = arith.index_cast %parallel_loop3A_247 : i32 to index
          %parallel_loop3A_285 = arith.constant 64 : index
          %parallel_loop3A_286 = tpu.vector_load %arg14[%parallel_loop3A_284, %parallel_loop3A_285] {strides = array<i32>} : memref<64x128xf32, #tpu.memory_space<vmem>>, vector<1x16xf32>,
          %parallel_loop3A_287 = vector.shape_cast %parallel_loop3A_286 : vector<1x16xf32> to vector<16xf32>
          %parallel_loop3A_288 = arith.index_cast %parallel_loop3A_247 : i32 to index
          %parallel_loop3A_289 = arith.constant 64 : index
          %parallel_loop3A_290 = tpu.vector_load %arg15[%parallel_loop3A_288, %parallel_loop3A_289] {strides = array<i32>} : memref<64x128xf32, #tpu.memory_space<vmem>>, vector<1x16xf32>,
          %parallel_loop3A_291 = vector.shape_cast %parallel_loop3A_290 : vector<1x16xf32> to vector<16xf32>
          %parallel_loop3A_292 = arith.addf %parallel_loop3A_287, %parallel_loop3A_291 : vector<16xf32>
          %parallel_loop3A_293 = arith.index_cast %parallel_loop3A_247 : i32 to index
          %parallel_loop3A_294 = arith.constant 80 : index
          %parallel_loop3A_295 = tpu.vector_load %arg14[%parallel_loop3A_293, %parallel_loop3A_294] {strides = array<i32>} : memref<64x128xf32, #tpu.memory_space<vmem>>, vector<1x16xf32>,
          %parallel_loop3A_296 = vector.shape_cast %parallel_loop3A_295 : vector<1x16xf32> to vector<16xf32>
          %parallel_loop3A_297 = arith.index_cast %parallel_loop3A_247 : i32 to index
          %parallel_loop3A_298 = arith.constant 80 : index
          %parallel_loop3A_299 = tpu.vector_load %arg15[%parallel_loop3A_297, %parallel_loop3A_298] {strides = array<i32>} : memref<64x128xf32, #tpu.memory_space<vmem>>, vector<1x16xf32>,
          %parallel_loop3A_300 = vector.shape_cast %parallel_loop3A_299 : vector<1x16xf32> to vector<16xf32>
          %parallel_loop3A_301 = arith.addf %parallel_loop3A_296, %parallel_loop3A_300 : vector<16xf32>
          %parallel_loop3A_302 = arith.index_cast %parallel_loop3A_247 : i32 to index
          %parallel_loop3A_303 = arith.constant 96 : index
          %parallel_loop3A_304 = tpu.vector_load %arg14[%parallel_loop3A_302, %parallel_loop3A_303] {strides = array<i32>} : memref<64x128xf32, #tpu.memory_space<vmem>>, vector<1x16xf32>,
          %parallel_loop3A_305 = vector.shape_cast %parallel_loop3A_304 : vector<1x16xf32> to vector<16xf32>
          %parallel_loop3A_306 = arith.index_cast %parallel_loop3A_247 : i32 to index
          %parallel_loop3A_307 = arith.constant 96 : index
          %parallel_loop3A_308 = tpu.vector_load %arg15[%parallel_loop3A_306, %parallel_loop3A_307] {strides = array<i32>} : memref<64x128xf32, #tpu.memory_space<vmem>>, vector<1x16xf32>,
          %parallel_loop3A_309 = vector.shape_cast %parallel_loop3A_308 : vector<1x16xf32> to vector<16xf32>
          %parallel_loop3A_310 = arith.addf %parallel_loop3A_305, %parallel_loop3A_309 : vector<16xf32>
          %parallel_loop3A_311 = arith.index_cast %parallel_loop3A_247 : i32 to index
          %parallel_loop3A_312 = arith.constant 112 : index
          %parallel_loop3A_313 = tpu.vector_load %arg14[%parallel_loop3A_311, %parallel_loop3A_312] {strides = array<i32>} : memref<64x128xf32, #tpu.memory_space<vmem>>, vector<1x16xf32>,
          %parallel_loop3A_314 = vector.shape_cast %parallel_loop3A_313 : vector<1x16xf32> to vector<16xf32>
          %parallel_loop3A_315 = arith.index_cast %parallel_loop3A_247 : i32 to index
          %parallel_loop3A_316 = arith.constant 112 : index
          %parallel_loop3A_317 = tpu.vector_load %arg15[%parallel_loop3A_315, %parallel_loop3A_316] {strides = array<i32>} : memref<64x128xf32, #tpu.memory_space<vmem>>, vector<1x16xf32>,
          %parallel_loop3A_318 = vector.shape_cast %parallel_loop3A_317 : vector<1x16xf32> to vector<16xf32>
          %parallel_loop3A_319 = arith.addf %parallel_loop3A_314, %parallel_loop3A_318 : vector<16xf32>
          %parallel_loop3A_320 = arith.addf %parallel_loop3A_256, %parallel_loop3A_265 : vector<16xf32>
          %parallel_loop3A_321 = arith.addf %parallel_loop3A_274, %parallel_loop3A_283 : vector<16xf32>
          %parallel_loop3A_322 = arith.addf %parallel_loop3A_320, %parallel_loop3A_321 : vector<16xf32>
          %parallel_loop3A_323 = arith.addf %parallel_loop3A_292, %parallel_loop3A_301 : vector<16xf32>
          %parallel_loop3A_324 = arith.addf %parallel_loop3A_310, %parallel_loop3A_319 : vector<16xf32>
          %parallel_loop3A_325 = arith.addf %parallel_loop3A_323, %parallel_loop3A_324 : vector<16xf32>
          %parallel_loop3A_326 = arith.addf %parallel_loop3A_322, %parallel_loop3A_325 : vector<16xf32>
          %parallel_loop3A_327 = arith.mulf %parallel_loop3A_256, %parallel_loop3A_256 : vector<16xf32>
          %parallel_loop3A_328 = arith.mulf %parallel_loop3A_265, %parallel_loop3A_265 : vector<16xf32>
          %parallel_loop3A_329 = arith.mulf %parallel_loop3A_274, %parallel_loop3A_274 : vector<16xf32>
          %parallel_loop3A_330 = arith.mulf %parallel_loop3A_283, %parallel_loop3A_283 : vector<16xf32>
          %parallel_loop3A_331 = arith.mulf %parallel_loop3A_292, %parallel_loop3A_292 : vector<16xf32>
          %parallel_loop3A_332 = arith.mulf %parallel_loop3A_301, %parallel_loop3A_301 : vector<16xf32>
          %parallel_loop3A_333 = arith.mulf %parallel_loop3A_310, %parallel_loop3A_310 : vector<16xf32>
          %parallel_loop3A_334 = arith.mulf %parallel_loop3A_319, %parallel_loop3A_319 : vector<16xf32>
          %parallel_loop3A_335 = arith.addf %parallel_loop3A_327, %parallel_loop3A_328 : vector<16xf32>
          %parallel_loop3A_336 = arith.addf %parallel_loop3A_329, %parallel_loop3A_330 : vector<16xf32>
          %parallel_loop3A_337 = arith.addf %parallel_loop3A_335, %parallel_loop3A_336 : vector<16xf32>
          %parallel_loop3A_338 = arith.addf %parallel_loop3A_331, %parallel_loop3A_332 : vector<16xf32>
          %parallel_loop3A_339 = arith.addf %parallel_loop3A_333, %parallel_loop3A_334 : vector<16xf32>
          %parallel_loop3A_340 = arith.addf %parallel_loop3A_338, %parallel_loop3A_339 : vector<16xf32>
          %parallel_loop3A_341 = arith.addf %parallel_loop3A_337, %parallel_loop3A_340 : vector<16xf32>
          %parallel_loop3A_342 = tpu.iota {dimensions = array<i32: 0>} : vector<16xi32>
          %parallel_loop3A_343 = arith.constant 1 : i32
          %parallel_loop3A_344 = vector.broadcast %parallel_loop3A_343 : i32 to vector<16xi32>
          %parallel_loop3A_345 = arith.xori %parallel_loop3A_342, %parallel_loop3A_344 : vector<16xi32>
          %parallel_loop3A_346 = arith.constant 0 : i32
          %parallel_loop3A_347 = vector.broadcast %parallel_loop3A_346 : i32 to vector<16xi32>
          %parallel_loop3A_348 = arith.cmpi slt, %parallel_loop3A_345, %parallel_loop3A_347 : vector<16xi32>
          %parallel_loop3A_349 = arith.constant 16 : i32
          %parallel_loop3A_350 = vector.broadcast %parallel_loop3A_349 : i32 to vector<16xi32>
          %parallel_loop3A_351 = arith.addi %parallel_loop3A_345, %parallel_loop3A_350 : vector<16xi32>
          %parallel_loop3A_352 = arith.select %parallel_loop3A_348, %parallel_loop3A_351, %parallel_loop3A_345 : vector<16xi1>, vector<16xi32>
          %parallel_loop3A_353 = vector.shape_cast %parallel_loop3A_352 : vector<16xi32> to vector<16x1xi32>
          %parallel_loop3A_354 = vector.shape_cast %parallel_loop3A_353 : vector<16x1xi32> to vector<16xi32>
          %parallel_loop3A_355 = tpu.dynamic_gather %parallel_loop3A_326[%parallel_loop3A_354] in [0] : vector<16xf32>, vector<16xi32> -> vector<16xf32>
          %parallel_loop3A_356 = arith.addf %parallel_loop3A_326, %parallel_loop3A_355 : vector<16xf32>
          %parallel_loop3A_357 = arith.constant 2 : i32
          %parallel_loop3A_358 = vector.broadcast %parallel_loop3A_357 : i32 to vector<16xi32>
          %parallel_loop3A_359 = arith.xori %parallel_loop3A_342, %parallel_loop3A_358 : vector<16xi32>
          %parallel_loop3A_360 = arith.constant 0 : i32
          %parallel_loop3A_361 = vector.broadcast %parallel_loop3A_360 : i32 to vector<16xi32>
          %parallel_loop3A_362 = arith.cmpi slt, %parallel_loop3A_359, %parallel_loop3A_361 : vector<16xi32>
          %parallel_loop3A_363 = arith.constant 16 : i32
          %parallel_loop3A_364 = vector.broadcast %parallel_loop3A_363 : i32 to vector<16xi32>
          %parallel_loop3A_365 = arith.addi %parallel_loop3A_359, %parallel_loop3A_364 : vector<16xi32>
          %parallel_loop3A_366 = arith.select %parallel_loop3A_362, %parallel_loop3A_365, %parallel_loop3A_359 : vector<16xi1>, vector<16xi32>
          %parallel_loop3A_367 = vector.shape_cast %parallel_loop3A_366 : vector<16xi32> to vector<16x1xi32>
          %parallel_loop3A_368 = vector.shape_cast %parallel_loop3A_367 : vector<16x1xi32> to vector<16xi32>
          %parallel_loop3A_369 = tpu.dynamic_gather %parallel_loop3A_356[%parallel_loop3A_368] in [0] : vector<16xf32>, vector<16xi32> -> vector<16xf32>
          %parallel_loop3A_370 = arith.addf %parallel_loop3A_356, %parallel_loop3A_369 : vector<16xf32>
          %parallel_loop3A_371 = arith.constant 4 : i32
          %parallel_loop3A_372 = vector.broadcast %parallel_loop3A_371 : i32 to vector<16xi32>
          %parallel_loop3A_373 = arith.xori %parallel_loop3A_342, %parallel_loop3A_372 : vector<16xi32>
          %parallel_loop3A_374 = arith.constant 0 : i32
          %parallel_loop3A_375 = vector.broadcast %parallel_loop3A_374 : i32 to vector<16xi32>
          %parallel_loop3A_376 = arith.cmpi slt, %parallel_loop3A_373, %parallel_loop3A_375 : vector<16xi32>
          %parallel_loop3A_377 = arith.constant 16 : i32
          %parallel_loop3A_378 = vector.broadcast %parallel_loop3A_377 : i32 to vector<16xi32>
          %parallel_loop3A_379 = arith.addi %parallel_loop3A_373, %parallel_loop3A_378 : vector<16xi32>
          %parallel_loop3A_380 = arith.select %parallel_loop3A_376, %parallel_loop3A_379, %parallel_loop3A_373 : vector<16xi1>, vector<16xi32>
          %parallel_loop3A_381 = vector.shape_cast %parallel_loop3A_380 : vector<16xi32> to vector<16x1xi32>
          %parallel_loop3A_382 = vector.shape_cast %parallel_loop3A_381 : vector<16x1xi32> to vector<16xi32>
          %parallel_loop3A_383 = tpu.dynamic_gather %parallel_loop3A_370[%parallel_loop3A_382] in [0] : vector<16xf32>, vector<16xi32> -> vector<16xf32>
          %parallel_loop3A_384 = arith.addf %parallel_loop3A_370, %parallel_loop3A_383 : vector<16xf32>
          %parallel_loop3A_385 = arith.constant 8 : i32
          %parallel_loop3A_386 = vector.broadcast %parallel_loop3A_385 : i32 to vector<16xi32>
          %parallel_loop3A_387 = arith.xori %parallel_loop3A_342, %parallel_loop3A_386 : vector<16xi32>
          %parallel_loop3A_388 = arith.constant 0 : i32
          %parallel_loop3A_389 = vector.broadcast %parallel_loop3A_388 : i32 to vector<16xi32>
          %parallel_loop3A_390 = arith.cmpi slt, %parallel_loop3A_387, %parallel_loop3A_389 : vector<16xi32>
          %parallel_loop3A_391 = arith.constant 16 : i32
          %parallel_loop3A_392 = vector.broadcast %parallel_loop3A_391 : i32 to vector<16xi32>
          %parallel_loop3A_393 = arith.addi %parallel_loop3A_387, %parallel_loop3A_392 : vector<16xi32>
          %parallel_loop3A_394 = arith.select %parallel_loop3A_390, %parallel_loop3A_393, %parallel_loop3A_387 : vector<16xi1>, vector<16xi32>
          %parallel_loop3A_395 = vector.shape_cast %parallel_loop3A_394 : vector<16xi32> to vector<16x1xi32>
          %parallel_loop3A_396 = vector.shape_cast %parallel_loop3A_395 : vector<16x1xi32> to vector<16xi32>
          %parallel_loop3A_397 = tpu.dynamic_gather %parallel_loop3A_384[%parallel_loop3A_396] in [0] : vector<16xf32>, vector<16xi32> -> vector<16xf32>
          %parallel_loop3A_398 = arith.addf %parallel_loop3A_384, %parallel_loop3A_397 : vector<16xf32>
          %parallel_loop3A_399 = arith.constant 7.812500e-03 : f32
          %parallel_loop3A_400 = vector.broadcast %parallel_loop3A_399 : f32 to vector<16xf32>
          %parallel_loop3A_401 = arith.mulf %parallel_loop3A_398, %parallel_loop3A_400 : vector<16xf32>
          %parallel_loop3A_402 = tpu.iota {dimensions = array<i32: 0>} : vector<16xi32>
          %parallel_loop3A_403 = arith.constant 1 : i32
          %parallel_loop3A_404 = vector.broadcast %parallel_loop3A_403 : i32 to vector<16xi32>
          %parallel_loop3A_405 = arith.xori %parallel_loop3A_402, %parallel_loop3A_404 : vector<16xi32>
          %parallel_loop3A_406 = arith.constant 0 : i32
          %parallel_loop3A_407 = vector.broadcast %parallel_loop3A_406 : i32 to vector<16xi32>
          %parallel_loop3A_408 = arith.cmpi slt, %parallel_loop3A_405, %parallel_loop3A_407 : vector<16xi32>
          %parallel_loop3A_409 = arith.constant 16 : i32
          %parallel_loop3A_410 = vector.broadcast %parallel_loop3A_409 : i32 to vector<16xi32>
          %parallel_loop3A_411 = arith.addi %parallel_loop3A_405, %parallel_loop3A_410 : vector<16xi32>
          %parallel_loop3A_412 = arith.select %parallel_loop3A_408, %parallel_loop3A_411, %parallel_loop3A_405 : vector<16xi1>, vector<16xi32>
          %parallel_loop3A_413 = vector.shape_cast %parallel_loop3A_412 : vector<16xi32> to vector<16x1xi32>
          %parallel_loop3A_414 = vector.shape_cast %parallel_loop3A_413 : vector<16x1xi32> to vector<16xi32>
          %parallel_loop3A_415 = tpu.dynamic_gather %parallel_loop3A_341[%parallel_loop3A_414] in [0] : vector<16xf32>, vector<16xi32> -> vector<16xf32>
          %parallel_loop3A_416 = arith.addf %parallel_loop3A_341, %parallel_loop3A_415 : vector<16xf32>
          %parallel_loop3A_417 = arith.constant 2 : i32
          %parallel_loop3A_418 = vector.broadcast %parallel_loop3A_417 : i32 to vector<16xi32>
          %parallel_loop3A_419 = arith.xori %parallel_loop3A_402, %parallel_loop3A_418 : vector<16xi32>
          %parallel_loop3A_420 = arith.constant 0 : i32
          %parallel_loop3A_421 = vector.broadcast %parallel_loop3A_420 : i32 to vector<16xi32>
          %parallel_loop3A_422 = arith.cmpi slt, %parallel_loop3A_419, %parallel_loop3A_421 : vector<16xi32>
          %parallel_loop3A_423 = arith.constant 16 : i32
          %parallel_loop3A_424 = vector.broadcast %parallel_loop3A_423 : i32 to vector<16xi32>
          %parallel_loop3A_425 = arith.addi %parallel_loop3A_419, %parallel_loop3A_424 : vector<16xi32>
          %parallel_loop3A_426 = arith.select %parallel_loop3A_422, %parallel_loop3A_425, %parallel_loop3A_419 : vector<16xi1>, vector<16xi32>
          %parallel_loop3A_427 = vector.shape_cast %parallel_loop3A_426 : vector<16xi32> to vector<16x1xi32>
          %parallel_loop3A_428 = vector.shape_cast %parallel_loop3A_427 : vector<16x1xi32> to vector<16xi32>
          %parallel_loop3A_429 = tpu.dynamic_gather %parallel_loop3A_416[%parallel_loop3A_428] in [0] : vector<16xf32>, vector<16xi32> -> vector<16xf32>
          %parallel_loop3A_430 = arith.addf %parallel_loop3A_416, %parallel_loop3A_429 : vector<16xf32>
          %parallel_loop3A_431 = arith.constant 4 : i32
          %parallel_loop3A_432 = vector.broadcast %parallel_loop3A_431 : i32 to vector<16xi32>
          %parallel_loop3A_433 = arith.xori %parallel_loop3A_402, %parallel_loop3A_432 : vector<16xi32>
          %parallel_loop3A_434 = arith.constant 0 : i32
          %parallel_loop3A_435 = vector.broadcast %parallel_loop3A_434 : i32 to vector<16xi32>
          %parallel_loop3A_436 = arith.cmpi slt, %parallel_loop3A_433, %parallel_loop3A_435 : vector<16xi32>
          %parallel_loop3A_437 = arith.constant 16 : i32
          %parallel_loop3A_438 = vector.broadcast %parallel_loop3A_437 : i32 to vector<16xi32>
          %parallel_loop3A_439 = arith.addi %parallel_loop3A_433, %parallel_loop3A_438 : vector<16xi32>
          %parallel_loop3A_440 = arith.select %parallel_loop3A_436, %parallel_loop3A_439, %parallel_loop3A_433 : vector<16xi1>, vector<16xi32>
          %parallel_loop3A_441 = vector.shape_cast %parallel_loop3A_440 : vector<16xi32> to vector<16x1xi32>
          %parallel_loop3A_442 = vector.shape_cast %parallel_loop3A_441 : vector<16x1xi32> to vector<16xi32>
          %parallel_loop3A_443 = tpu.dynamic_gather %parallel_loop3A_430[%parallel_loop3A_442] in [0] : vector<16xf32>, vector<16xi32> -> vector<16xf32>
          %parallel_loop3A_444 = arith.addf %parallel_loop3A_430, %parallel_loop3A_443 : vector<16xf32>
          %parallel_loop3A_445 = arith.constant 8 : i32
          %parallel_loop3A_446 = vector.broadcast %parallel_loop3A_445 : i32 to vector<16xi32>
          %parallel_loop3A_447 = arith.xori %parallel_loop3A_402, %parallel_loop3A_446 : vector<16xi32>
          %parallel_loop3A_448 = arith.constant 0 : i32
          %parallel_loop3A_449 = vector.broadcast %parallel_loop3A_448 : i32 to vector<16xi32>
          %parallel_loop3A_450 = arith.cmpi slt, %parallel_loop3A_447, %parallel_loop3A_449 : vector<16xi32>
          %parallel_loop3A_451 = arith.constant 16 : i32
          %parallel_loop3A_452 = vector.broadcast %parallel_loop3A_451 : i32 to vector<16xi32>
          %parallel_loop3A_453 = arith.addi %parallel_loop3A_447, %parallel_loop3A_452 : vector<16xi32>
          %parallel_loop3A_454 = arith.select %parallel_loop3A_450, %parallel_loop3A_453, %parallel_loop3A_447 : vector<16xi1>, vector<16xi32>
          %parallel_loop3A_455 = vector.shape_cast %parallel_loop3A_454 : vector<16xi32> to vector<16x1xi32>
          %parallel_loop3A_456 = vector.shape_cast %parallel_loop3A_455 : vector<16x1xi32> to vector<16xi32>
          %parallel_loop3A_457 = tpu.dynamic_gather %parallel_loop3A_444[%parallel_loop3A_456] in [0] : vector<16xf32>, vector<16xi32> -> vector<16xf32>
          %parallel_loop3A_458 = arith.addf %parallel_loop3A_444, %parallel_loop3A_457 : vector<16xf32>
          %parallel_loop3A_459 = arith.constant 7.812500e-03 : f32
          %parallel_loop3A_460 = vector.broadcast %parallel_loop3A_459 : f32 to vector<16xf32>
          %parallel_loop3A_461 = arith.mulf %parallel_loop3A_458, %parallel_loop3A_460 : vector<16xf32>
          %parallel_loop3A_462 = arith.mulf %parallel_loop3A_401, %parallel_loop3A_401 : vector<16xf32>
          %parallel_loop3A_463 = arith.subf %parallel_loop3A_461, %parallel_loop3A_462 : vector<16xf32>
          %parallel_loop3A_464 = arith.constant 9.99999974E-6 : f32
          %parallel_loop3A_465 = vector.broadcast %parallel_loop3A_464 : f32 to vector<16xf32>
          %parallel_loop3A_466 = arith.addf %parallel_loop3A_463, %parallel_loop3A_465 : vector<16xf32>
          %parallel_loop3A_467 = tpu.bitcast %parallel_loop3A_466 : vector<16xf32> -> vector<16xi32>
          %parallel_loop3A_468 = arith.constant 1 : i32
          %parallel_loop3A_469 = vector.broadcast %parallel_loop3A_468 : i32 to vector<16xi32>
          %parallel_loop3A_470 = arith.shrui %parallel_loop3A_467, %parallel_loop3A_469 : vector<16xi32>
          %parallel_loop3A_471 = arith.constant 1597463007 : i32
          %parallel_loop3A_472 = vector.broadcast %parallel_loop3A_471 : i32 to vector<16xi32>
          %parallel_loop3A_473 = arith.subi %parallel_loop3A_472, %parallel_loop3A_470 : vector<16xi32>
          %parallel_loop3A_474 = tpu.bitcast %parallel_loop3A_473 : vector<16xi32> -> vector<16xf32>
          %parallel_loop3A_475 = arith.constant 5.000000e-01 : f32
          %parallel_loop3A_476 = vector.broadcast %parallel_loop3A_475 : f32 to vector<16xf32>
          %parallel_loop3A_477 = arith.mulf %parallel_loop3A_476, %parallel_loop3A_466 : vector<16xf32>
          %parallel_loop3A_478 = arith.mulf %parallel_loop3A_477, %parallel_loop3A_474 : vector<16xf32>
          %parallel_loop3A_479 = arith.mulf %parallel_loop3A_478, %parallel_loop3A_474 : vector<16xf32>
          %parallel_loop3A_480 = arith.constant 1.500000e+00 : f32
          %parallel_loop3A_481 = vector.broadcast %parallel_loop3A_480 : f32 to vector<16xf32>
          %parallel_loop3A_482 = arith.subf %parallel_loop3A_481, %parallel_loop3A_479 : vector<16xf32>
          %parallel_loop3A_483 = arith.mulf %parallel_loop3A_474, %parallel_loop3A_482 : vector<16xf32>
          %parallel_loop3A_484 = arith.constant 5.000000e-01 : f32
          %parallel_loop3A_485 = vector.broadcast %parallel_loop3A_484 : f32 to vector<16xf32>
          %parallel_loop3A_486 = arith.mulf %parallel_loop3A_485, %parallel_loop3A_466 : vector<16xf32>
          %parallel_loop3A_487 = arith.mulf %parallel_loop3A_486, %parallel_loop3A_483 : vector<16xf32>
          %parallel_loop3A_488 = arith.mulf %parallel_loop3A_487, %parallel_loop3A_483 : vector<16xf32>
          %parallel_loop3A_489 = arith.constant 1.500000e+00 : f32
          %parallel_loop3A_490 = vector.broadcast %parallel_loop3A_489 : f32 to vector<16xf32>
          %parallel_loop3A_491 = arith.subf %parallel_loop3A_490, %parallel_loop3A_488 : vector<16xf32>
          %parallel_loop3A_492 = arith.mulf %parallel_loop3A_483, %parallel_loop3A_491 : vector<16xf32>
          %parallel_loop3A_493 = arith.subf %parallel_loop3A_256, %parallel_loop3A_401 : vector<16xf32>
          %parallel_loop3A_494 = arith.mulf %parallel_loop3A_493, %parallel_loop3A_492 : vector<16xf32>
          %parallel_loop3A_495 = arith.mulf %parallel_loop3A_494, %get3A_8 : vector<16xf32>
          %parallel_loop3A_496 = arith.addf %parallel_loop3A_495, %get3A_32 : vector<16xf32>
          %parallel_loop3A_497 = arith.constant 0.000000e+00 : f32
          %parallel_loop3A_498 = vector.broadcast %parallel_loop3A_497 : f32 to vector<16xf32>
          %parallel_loop3A_499 = arith.maximumf %parallel_loop3A_496, %parallel_loop3A_498 : vector<16xf32>
          %parallel_loop3A_500 = arith.index_cast %parallel_loop3A_247 : i32 to index
          %parallel_loop3A_501 = arith.constant 0 : index
          %parallel_loop3A_502 = tpu.vector_load %arg14[%parallel_loop3A_500, %parallel_loop3A_501] {strides = array<i32>} : memref<64x128xf32, #tpu.memory_space<vmem>>, vector<1x16xf32>,
          %parallel_loop3A_503 = vector.shape_cast %parallel_loop3A_502 : vector<1x16xf32> to vector<16xf32>
          %parallel_loop3A_504 = vector.shape_cast %parallel_loop3A_499 : vector<16xf32> to vector<1x16xf32>
          tpu.vector_store %arg14[%parallel_loop3A_500, %parallel_loop3A_501], %parallel_loop3A_504 {strides = array<i32>} : memref<64x128xf32, #tpu.memory_space<vmem>>, vector<1x16xf32>,
          %parallel_loop3A_505 = arith.subf %parallel_loop3A_265, %parallel_loop3A_401 : vector<16xf32>
          %parallel_loop3A_506 = arith.mulf %parallel_loop3A_505, %parallel_loop3A_492 : vector<16xf32>
          %parallel_loop3A_507 = arith.mulf %parallel_loop3A_506, %get3A_11 : vector<16xf32>
          %parallel_loop3A_508 = arith.addf %parallel_loop3A_507, %get3A_35 : vector<16xf32>
          %parallel_loop3A_509 = arith.constant 0.000000e+00 : f32
          %parallel_loop3A_510 = vector.broadcast %parallel_loop3A_509 : f32 to vector<16xf32>
          %parallel_loop3A_511 = arith.maximumf %parallel_loop3A_508, %parallel_loop3A_510 : vector<16xf32>
          %parallel_loop3A_512 = arith.index_cast %parallel_loop3A_247 : i32 to index
          %parallel_loop3A_513 = arith.constant 16 : index
          %parallel_loop3A_514 = tpu.vector_load %arg14[%parallel_loop3A_512, %parallel_loop3A_513] {strides = array<i32>} : memref<64x128xf32, #tpu.memory_space<vmem>>, vector<1x16xf32>,
          %parallel_loop3A_515 = vector.shape_cast %parallel_loop3A_514 : vector<1x16xf32> to vector<16xf32>
          %parallel_loop3A_516 = vector.shape_cast %parallel_loop3A_511 : vector<16xf32> to vector<1x16xf32>
          tpu.vector_store %arg14[%parallel_loop3A_512, %parallel_loop3A_513], %parallel_loop3A_516 {strides = array<i32>} : memref<64x128xf32, #tpu.memory_space<vmem>>, vector<1x16xf32>,
          %parallel_loop3A_517 = arith.subf %parallel_loop3A_274, %parallel_loop3A_401 : vector<16xf32>
          %parallel_loop3A_518 = arith.mulf %parallel_loop3A_517, %parallel_loop3A_492 : vector<16xf32>
          %parallel_loop3A_519 = arith.mulf %parallel_loop3A_518, %get3A_14 : vector<16xf32>
          %parallel_loop3A_520 = arith.addf %parallel_loop3A_519, %get3A_38 : vector<16xf32>
          %parallel_loop3A_521 = arith.constant 0.000000e+00 : f32
          %parallel_loop3A_522 = vector.broadcast %parallel_loop3A_521 : f32 to vector<16xf32>
          %parallel_loop3A_523 = arith.maximumf %parallel_loop3A_520, %parallel_loop3A_522 : vector<16xf32>
          %parallel_loop3A_524 = arith.index_cast %parallel_loop3A_247 : i32 to index
          %parallel_loop3A_525 = arith.constant 32 : index
          %parallel_loop3A_526 = tpu.vector_load %arg14[%parallel_loop3A_524, %parallel_loop3A_525] {strides = array<i32>} : memref<64x128xf32, #tpu.memory_space<vmem>>, vector<1x16xf32>,
          %parallel_loop3A_527 = vector.shape_cast %parallel_loop3A_526 : vector<1x16xf32> to vector<16xf32>
          %parallel_loop3A_528 = vector.shape_cast %parallel_loop3A_523 : vector<16xf32> to vector<1x16xf32>
          tpu.vector_store %arg14[%parallel_loop3A_524, %parallel_loop3A_525], %parallel_loop3A_528 {strides = array<i32>} : memref<64x128xf32, #tpu.memory_space<vmem>>, vector<1x16xf32>,
          %parallel_loop3A_529 = arith.subf %parallel_loop3A_283, %parallel_loop3A_401 : vector<16xf32>
          %parallel_loop3A_530 = arith.mulf %parallel_loop3A_529, %parallel_loop3A_492 : vector<16xf32>
          %parallel_loop3A_531 = arith.mulf %parallel_loop3A_530, %get3A_17 : vector<16xf32>
          %parallel_loop3A_532 = arith.addf %parallel_loop3A_531, %get3A_41 : vector<16xf32>
          %parallel_loop3A_533 = arith.constant 0.000000e+00 : f32
          %parallel_loop3A_534 = vector.broadcast %parallel_loop3A_533 : f32 to vector<16xf32>
          %parallel_loop3A_535 = arith.maximumf %parallel_loop3A_532, %parallel_loop3A_534 : vector<16xf32>
          %parallel_loop3A_536 = arith.index_cast %parallel_loop3A_247 : i32 to index
          %parallel_loop3A_537 = arith.constant 48 : index
          %parallel_loop3A_538 = tpu.vector_load %arg14[%parallel_loop3A_536, %parallel_loop3A_537] {strides = array<i32>} : memref<64x128xf32, #tpu.memory_space<vmem>>, vector<1x16xf32>,
          %parallel_loop3A_539 = vector.shape_cast %parallel_loop3A_538 : vector<1x16xf32> to vector<16xf32>
          %parallel_loop3A_540 = vector.shape_cast %parallel_loop3A_535 : vector<16xf32> to vector<1x16xf32>
          tpu.vector_store %arg14[%parallel_loop3A_536, %parallel_loop3A_537], %parallel_loop3A_540 {strides = array<i32>} : memref<64x128xf32, #tpu.memory_space<vmem>>, vector<1x16xf32>,
          %parallel_loop3A_541 = arith.subf %parallel_loop3A_292, %parallel_loop3A_401 : vector<16xf32>
          %parallel_loop3A_542 = arith.mulf %parallel_loop3A_541, %parallel_loop3A_492 : vector<16xf32>
          %parallel_loop3A_543 = arith.mulf %parallel_loop3A_542, %get3A_20 : vector<16xf32>
          %parallel_loop3A_544 = arith.addf %parallel_loop3A_543, %get3A_44 : vector<16xf32>
          %parallel_loop3A_545 = arith.constant 0.000000e+00 : f32
          %parallel_loop3A_546 = vector.broadcast %parallel_loop3A_545 : f32 to vector<16xf32>
          %parallel_loop3A_547 = arith.maximumf %parallel_loop3A_544, %parallel_loop3A_546 : vector<16xf32>
          %parallel_loop3A_548 = arith.index_cast %parallel_loop3A_247 : i32 to index
          %parallel_loop3A_549 = arith.constant 64 : index
          %parallel_loop3A_550 = tpu.vector_load %arg14[%parallel_loop3A_548, %parallel_loop3A_549] {strides = array<i32>} : memref<64x128xf32, #tpu.memory_space<vmem>>, vector<1x16xf32>,
          %parallel_loop3A_551 = vector.shape_cast %parallel_loop3A_550 : vector<1x16xf32> to vector<16xf32>
          %parallel_loop3A_552 = vector.shape_cast %parallel_loop3A_547 : vector<16xf32> to vector<1x16xf32>
          tpu.vector_store %arg14[%parallel_loop3A_548, %parallel_loop3A_549], %parallel_loop3A_552 {strides = array<i32>} : memref<64x128xf32, #tpu.memory_space<vmem>>, vector<1x16xf32>,
          %parallel_loop3A_553 = arith.subf %parallel_loop3A_301, %parallel_loop3A_401 : vector<16xf32>
          %parallel_loop3A_554 = arith.mulf %parallel_loop3A_553, %parallel_loop3A_492 : vector<16xf32>
          %parallel_loop3A_555 = arith.mulf %parallel_loop3A_554, %get3A_23 : vector<16xf32>
          %parallel_loop3A_556 = arith.addf %parallel_loop3A_555, %get3A_47 : vector<16xf32>
          %parallel_loop3A_557 = arith.constant 0.000000e+00 : f32
          %parallel_loop3A_558 = vector.broadcast %parallel_loop3A_557 : f32 to vector<16xf32>
          %parallel_loop3A_559 = arith.maximumf %parallel_loop3A_556, %parallel_loop3A_558 : vector<16xf32>
          %parallel_loop3A_560 = arith.index_cast %parallel_loop3A_247 : i32 to index
          %parallel_loop3A_561 = arith.constant 80 : index
          %parallel_loop3A_562 = tpu.vector_load %arg14[%parallel_loop3A_560, %parallel_loop3A_561] {strides = array<i32>} : memref<64x128xf32, #tpu.memory_space<vmem>>, vector<1x16xf32>,
          %parallel_loop3A_563 = vector.shape_cast %parallel_loop3A_562 : vector<1x16xf32> to vector<16xf32>
          %parallel_loop3A_564 = vector.shape_cast %parallel_loop3A_559 : vector<16xf32> to vector<1x16xf32>
          tpu.vector_store %arg14[%parallel_loop3A_560, %parallel_loop3A_561], %parallel_loop3A_564 {strides = array<i32>} : memref<64x128xf32, #tpu.memory_space<vmem>>, vector<1x16xf32>,
          %parallel_loop3A_565 = arith.subf %parallel_loop3A_310, %parallel_loop3A_401 : vector<16xf32>
          %parallel_loop3A_566 = arith.mulf %parallel_loop3A_565, %parallel_loop3A_492 : vector<16xf32>
          %parallel_loop3A_567 = arith.mulf %parallel_loop3A_566, %get3A_26 : vector<16xf32>
          %parallel_loop3A_568 = arith.addf %parallel_loop3A_567, %get3A_50 : vector<16xf32>
          %parallel_loop3A_569 = arith.constant 0.000000e+00 : f32
          %parallel_loop3A_570 = vector.broadcast %parallel_loop3A_569 : f32 to vector<16xf32>
          %parallel_loop3A_571 = arith.maximumf %parallel_loop3A_568, %parallel_loop3A_570 : vector<16xf32>
          %parallel_loop3A_572 = arith.index_cast %parallel_loop3A_247 : i32 to index
          %parallel_loop3A_573 = arith.constant 96 : index
          %parallel_loop3A_574 = tpu.vector_load %arg14[%parallel_loop3A_572, %parallel_loop3A_573] {strides = array<i32>} : memref<64x128xf32, #tpu.memory_space<vmem>>, vector<1x16xf32>,
          %parallel_loop3A_575 = vector.shape_cast %parallel_loop3A_574 : vector<1x16xf32> to vector<16xf32>
          %parallel_loop3A_576 = vector.shape_cast %parallel_loop3A_571 : vector<16xf32> to vector<1x16xf32>
          tpu.vector_store %arg14[%parallel_loop3A_572, %parallel_loop3A_573], %parallel_loop3A_576 {strides = array<i32>} : memref<64x128xf32, #tpu.memory_space<vmem>>, vector<1x16xf32>,
          %parallel_loop3A_577 = arith.subf %parallel_loop3A_319, %parallel_loop3A_401 : vector<16xf32>
          %parallel_loop3A_578 = arith.mulf %parallel_loop3A_577, %parallel_loop3A_492 : vector<16xf32>
          %parallel_loop3A_579 = arith.mulf %parallel_loop3A_578, %get3A_29 : vector<16xf32>
          %parallel_loop3A_580 = arith.addf %parallel_loop3A_579, %get3A_53 : vector<16xf32>
          %parallel_loop3A_581 = arith.constant 0.000000e+00 : f32
          %parallel_loop3A_582 = vector.broadcast %parallel_loop3A_581 : f32 to vector<16xf32>
          %parallel_loop3A_583 = arith.maximumf %parallel_loop3A_580, %parallel_loop3A_582 : vector<16xf32>
          %parallel_loop3A_584 = arith.index_cast %parallel_loop3A_247 : i32 to index
          %parallel_loop3A_585 = arith.constant 112 : index
          %parallel_loop3A_586 = tpu.vector_load %arg14[%parallel_loop3A_584, %parallel_loop3A_585] {strides = array<i32>} : memref<64x128xf32, #tpu.memory_space<vmem>>, vector<1x16xf32>,
          %parallel_loop3A_587 = vector.shape_cast %parallel_loop3A_586 : vector<1x16xf32> to vector<16xf32>
          %parallel_loop3A_588 = vector.shape_cast %parallel_loop3A_583 : vector<16xf32> to vector<1x16xf32>
          tpu.vector_store %arg14[%parallel_loop3A_584, %parallel_loop3A_585], %parallel_loop3A_588 {strides = array<i32>} : memref<64x128xf32, #tpu.memory_space<vmem>>, vector<1x16xf32>,
        } {sc.loop_unroll_factor = 4 : i64, sc.parallel_access}
        "tpu.region"() ({
          %run_scoped3A = tpu.sem_alloc : memref<!tpu.dma_semaphore, #tpu.memory_space<semaphore_mem>>
          %dma_start3A_247 = arith.constant 0 : i32
          %dma_start3A_248 = arith.constant 0 : i32
          %dma_start3A_249 = tpu.memref_slice %arg20[%dma_start3A_247, %dma_start3A_248] : memref<10112x128xf32, #tpu.memory_space<vmem_shared>> -> memref<10112x128xf32, #tpu.memory_space<vmem_shared>>
          tpu.enqueue_indirect_dma source(%arg14 : memref<64x128xf32, #tpu.memory_space<vmem>>) target(%dma_start3A_249 : memref<10112x128xf32, #tpu.memory_space<vmem_shared>>) offsets(%arg11 : memref<64xi32, #tpu.memory_space<vmem>>) semaphore(%run_scoped3A : memref<!tpu.dma_semaphore, #tpu.memory_space<semaphore_mem>>) {add = true}
          %dma_wait3A_250 = arith.constant 0 : i32
          %dma_wait3A_251 = arith.constant 0 : i32
          %dma_wait3A_252 = tpu.memref_slice %arg20[%dma_wait3A_250, %dma_wait3A_251] : memref<10112x128xf32, #tpu.memory_space<vmem_shared>> -> memref<10112x128xf32, #tpu.memory_space<vmem_shared>>
          tpu.wait_indirect_dma semaphore(%run_scoped3A : memref<!tpu.dma_semaphore, #tpu.memory_space<semaphore_mem>>) src(%arg14 : memref<64x128xf32, #tpu.memory_space<vmem>>) dst(%dma_wait3A_252 : memref<10112x128xf32, #tpu.memory_space<vmem_shared>>)
          tpu.yield
        }) : () -> ()
        %add3A_232 = arith.constant 1 : i32
        %add3A_233 = arith.addi %scan3A_146, %add3A_232 : i32
        %lt3A = arith.constant 56 : i32
        %lt3A_234 = arith.cmpi slt, %add3A_233, %lt3A : i32
        %convert_element_type3A_235 = arith.extui %lt3A_234 : i1 to i32
        %cond3A_236 = arith.constant 0 : i32
        %cond3A_237 = arith.cmpi ne, %convert_element_type3A_235, %cond3A_236 : i32
        scf.if %cond3A_237 {
          %add3A_247 = arith.constant 1 : i32
          %add3A_248 = arith.addi %scan3A_146, %add3A_247 : i32
          %get3A_249 = arith.index_cast %add3A_248 : i32 to index
          %get3A_250 = arith.constant 0 : index
          %get3A_251 = tpu.vector_load %arg9[%get3A_249, %get3A_250] {strides = array<i32>} : memref<104x128xi32, #tpu.memory_space<vmem>>, vector<1x16xi32>,
          %get3A_252 = vector.shape_cast %get3A_251 : vector<1x16xi32> to vector<16xi32>
          %and3A_253 = arith.constant 65535 : i32
          %and3A_254 = vector.broadcast %and3A_253 : i32 to vector<16xi32>
          %and3A_255 = arith.andi %get3A_252, %and3A_254 : vector<16xi32>
          %swap3A_256 = arith.constant 0 : index
          %swap3A_257 = tpu.vector_load %arg10[%swap3A_256] {strides = array<i32>} : memref<64xi32, #tpu.memory_space<vmem>>, vector<16xi32>,
          %swap3A_258 = vector.shape_cast %swap3A_257 : vector<16xi32> to vector<16xi32>
          %swap3A_259 = vector.shape_cast %and3A_255 : vector<16xi32> to vector<16xi32>
          tpu.vector_store %arg10[%swap3A_256], %swap3A_259 {strides = array<i32>} : memref<64xi32, #tpu.memory_space<vmem>>, vector<16xi32>,
          %shift_right_logical3A_260 = arith.constant 16 : i32
          %shift_right_logical3A_261 = vector.broadcast %shift_right_logical3A_260 : i32 to vector<16xi32>
          %shift_right_logical3A_262 = arith.shrui %get3A_252, %shift_right_logical3A_261 : vector<16xi32>
          %swap3A_263 = arith.constant 0 : index
          %swap3A_264 = tpu.vector_load %arg11[%swap3A_263] {strides = array<i32>} : memref<64xi32, #tpu.memory_space<vmem>>, vector<16xi32>,
          %swap3A_265 = vector.shape_cast %swap3A_264 : vector<16xi32> to vector<16xi32>
          %swap3A_266 = vector.shape_cast %shift_right_logical3A_262 : vector<16xi32> to vector<16xi32>
          tpu.vector_store %arg11[%swap3A_263], %swap3A_266 {strides = array<i32>} : memref<64xi32, #tpu.memory_space<vmem>>, vector<16xi32>,
          %get3A_267 = arith.index_cast %add3A_248 : i32 to index
          %get3A_268 = arith.constant 16 : index
          %get3A_269 = tpu.vector_load %arg9[%get3A_267, %get3A_268] {strides = array<i32>} : memref<104x128xi32, #tpu.memory_space<vmem>>, vector<1x16xi32>,
          %get3A_270 = vector.shape_cast %get3A_269 : vector<1x16xi32> to vector<16xi32>
          %and3A_271 = arith.constant 65535 : i32
          %and3A_272 = vector.broadcast %and3A_271 : i32 to vector<16xi32>
          %and3A_273 = arith.andi %get3A_270, %and3A_272 : vector<16xi32>
          %swap3A_274 = arith.constant 16 : index
          %swap3A_275 = tpu.vector_load %arg10[%swap3A_274] {strides = array<i32>} : memref<64xi32, #tpu.memory_space<vmem>>, vector<16xi32>,
          %swap3A_276 = vector.shape_cast %swap3A_275 : vector<16xi32> to vector<16xi32>
          %swap3A_277 = vector.shape_cast %and3A_273 : vector<16xi32> to vector<16xi32>
          tpu.vector_store %arg10[%swap3A_274], %swap3A_277 {strides = array<i32>} : memref<64xi32, #tpu.memory_space<vmem>>, vector<16xi32>,
          %shift_right_logical3A_278 = arith.constant 16 : i32
          %shift_right_logical3A_279 = vector.broadcast %shift_right_logical3A_278 : i32 to vector<16xi32>
          %shift_right_logical3A_280 = arith.shrui %get3A_270, %shift_right_logical3A_279 : vector<16xi32>
          %swap3A_281 = arith.constant 16 : index
          %swap3A_282 = tpu.vector_load %arg11[%swap3A_281] {strides = array<i32>} : memref<64xi32, #tpu.memory_space<vmem>>, vector<16xi32>,
          %swap3A_283 = vector.shape_cast %swap3A_282 : vector<16xi32> to vector<16xi32>
          %swap3A_284 = vector.shape_cast %shift_right_logical3A_280 : vector<16xi32> to vector<16xi32>
          tpu.vector_store %arg11[%swap3A_281], %swap3A_284 {strides = array<i32>} : memref<64xi32, #tpu.memory_space<vmem>>, vector<16xi32>,
          %get3A_285 = arith.index_cast %add3A_248 : i32 to index
          %get3A_286 = arith.constant 32 : index
          %get3A_287 = tpu.vector_load %arg9[%get3A_285, %get3A_286] {strides = array<i32>} : memref<104x128xi32, #tpu.memory_space<vmem>>, vector<1x16xi32>,
          %get3A_288 = vector.shape_cast %get3A_287 : vector<1x16xi32> to vector<16xi32>
          %and3A_289 = arith.constant 65535 : i32
          %and3A_290 = vector.broadcast %and3A_289 : i32 to vector<16xi32>
          %and3A_291 = arith.andi %get3A_288, %and3A_290 : vector<16xi32>
          %swap3A_292 = arith.constant 32 : index
          %swap3A_293 = tpu.vector_load %arg10[%swap3A_292] {strides = array<i32>} : memref<64xi32, #tpu.memory_space<vmem>>, vector<16xi32>,
          %swap3A_294 = vector.shape_cast %swap3A_293 : vector<16xi32> to vector<16xi32>
          %swap3A_295 = vector.shape_cast %and3A_291 : vector<16xi32> to vector<16xi32>
          tpu.vector_store %arg10[%swap3A_292], %swap3A_295 {strides = array<i32>} : memref<64xi32, #tpu.memory_space<vmem>>, vector<16xi32>,
          %shift_right_logical3A_296 = arith.constant 16 : i32
          %shift_right_logical3A_297 = vector.broadcast %shift_right_logical3A_296 : i32 to vector<16xi32>
          %shift_right_logical3A_298 = arith.shrui %get3A_288, %shift_right_logical3A_297 : vector<16xi32>
          %swap3A_299 = arith.constant 32 : index
          %swap3A_300 = tpu.vector_load %arg11[%swap3A_299] {strides = array<i32>} : memref<64xi32, #tpu.memory_space<vmem>>, vector<16xi32>,
          %swap3A_301 = vector.shape_cast %swap3A_300 : vector<16xi32> to vector<16xi32>
          %swap3A_302 = vector.shape_cast %shift_right_logical3A_298 : vector<16xi32> to vector<16xi32>
          tpu.vector_store %arg11[%swap3A_299], %swap3A_302 {strides = array<i32>} : memref<64xi32, #tpu.memory_space<vmem>>, vector<16xi32>,
          %get3A_303 = arith.index_cast %add3A_248 : i32 to index
          %get3A_304 = arith.constant 48 : index
          %get3A_305 = tpu.vector_load %arg9[%get3A_303, %get3A_304] {strides = array<i32>} : memref<104x128xi32, #tpu.memory_space<vmem>>, vector<1x16xi32>,
          %get3A_306 = vector.shape_cast %get3A_305 : vector<1x16xi32> to vector<16xi32>
          %and3A_307 = arith.constant 65535 : i32
          %and3A_308 = vector.broadcast %and3A_307 : i32 to vector<16xi32>
          %and3A_309 = arith.andi %get3A_306, %and3A_308 : vector<16xi32>
          %swap3A_310 = arith.constant 48 : index
          %swap3A_311 = tpu.vector_load %arg10[%swap3A_310] {strides = array<i32>} : memref<64xi32, #tpu.memory_space<vmem>>, vector<16xi32>,
          %swap3A_312 = vector.shape_cast %swap3A_311 : vector<16xi32> to vector<16xi32>
          %swap3A_313 = vector.shape_cast %and3A_309 : vector<16xi32> to vector<16xi32>
          tpu.vector_store %arg10[%swap3A_310], %swap3A_313 {strides = array<i32>} : memref<64xi32, #tpu.memory_space<vmem>>, vector<16xi32>,
          %shift_right_logical3A_314 = arith.constant 16 : i32
          %shift_right_logical3A_315 = vector.broadcast %shift_right_logical3A_314 : i32 to vector<16xi32>
          %shift_right_logical3A_316 = arith.shrui %get3A_306, %shift_right_logical3A_315 : vector<16xi32>
          %swap3A_317 = arith.constant 48 : index
          %swap3A_318 = tpu.vector_load %arg11[%swap3A_317] {strides = array<i32>} : memref<64xi32, #tpu.memory_space<vmem>>, vector<16xi32>,
          %swap3A_319 = vector.shape_cast %swap3A_318 : vector<16xi32> to vector<16xi32>
          %swap3A_320 = vector.shape_cast %shift_right_logical3A_316 : vector<16xi32> to vector<16xi32>
          tpu.vector_store %arg11[%swap3A_317], %swap3A_320 {strides = array<i32>} : memref<64xi32, #tpu.memory_space<vmem>>, vector<16xi32>,
          %dma_start3A_321 = arith.constant 0 : i32
          %dma_start3A_322 = arith.constant 0 : i32
          %dma_start3A_323 = tpu.memref_slice %arg2[%dma_start3A_321, %dma_start3A_322] : memref<10000x128xf32, #tpu.memory_space<hbm>> -> memref<10000x128xf32, #tpu.memory_space<hbm>>
          tpu.enqueue_indirect_dma source(%dma_start3A_323 : memref<10000x128xf32, #tpu.memory_space<hbm>>) target(%arg14 : memref<64x128xf32, #tpu.memory_space<vmem>>) offsets(%arg10 : memref<64xi32, #tpu.memory_space<vmem>>) semaphore(%arg21 : memref<!tpu.dma_semaphore, #tpu.memory_space<semaphore_mem>>)
          %dma_start3A_324 = arith.constant 0 : i32
          %dma_start3A_325 = arith.constant 0 : i32
          %dma_start3A_326 = tpu.memref_slice %arg3[%dma_start3A_324, %dma_start3A_325] : memref<10000x128xf32, #tpu.memory_space<hbm>> -> memref<10000x128xf32, #tpu.memory_space<hbm>>
          tpu.enqueue_indirect_dma source(%dma_start3A_326 : memref<10000x128xf32, #tpu.memory_space<hbm>>) target(%arg15 : memref<64x128xf32, #tpu.memory_space<vmem>>) offsets(%arg11 : memref<64xi32, #tpu.memory_space<vmem>>) semaphore(%arg22 : memref<!tpu.dma_semaphore, #tpu.memory_space<semaphore_mem>>)
        } else {
        }
        %dma_wait3A_238 = arith.constant 0 : i32
        %dma_wait3A_239 = arith.constant 0 : i32
        %dma_wait3A_240 = tpu.memref_slice %arg2[%dma_wait3A_238, %dma_wait3A_239] : memref<10000x128xf32, #tpu.memory_space<hbm>> -> memref<10000x128xf32, #tpu.memory_space<hbm>>
        tpu.wait_indirect_dma semaphore(%arg23 : memref<!tpu.dma_semaphore, #tpu.memory_space<semaphore_mem>>) src(%dma_wait3A_240 : memref<10000x128xf32, #tpu.memory_space<hbm>>) dst(%arg16 : memref<64x128xf32, #tpu.memory_space<vmem>>)
        %dma_wait3A_241 = arith.constant 0 : i32
        %dma_wait3A_242 = arith.constant 0 : i32
        %dma_wait3A_243 = tpu.memref_slice %arg3[%dma_wait3A_241, %dma_wait3A_242] : memref<10000x128xf32, #tpu.memory_space<hbm>> -> memref<10000x128xf32, #tpu.memory_space<hbm>>
        tpu.wait_indirect_dma semaphore(%arg24 : memref<!tpu.dma_semaphore, #tpu.memory_space<semaphore_mem>>) src(%dma_wait3A_243 : memref<10000x128xf32, #tpu.memory_space<hbm>>) dst(%arg17 : memref<64x128xf32, #tpu.memory_space<vmem>>)
        %parallel_loop3A_244 = arith.constant 0 : i32
        %parallel_loop3A_245 = arith.constant 64 : i32
        %parallel_loop3A_246 = arith.constant 1 : i32
        scf.for %parallel_loop3A_247 = %parallel_loop3A_244 to %parallel_loop3A_245 step %parallel_loop3A_246  : i32 {
          %parallel_loop3A_248 = arith.index_cast %parallel_loop3A_247 : i32 to index
          %parallel_loop3A_249 = arith.constant 0 : index
          %parallel_loop3A_250 = tpu.vector_load %arg16[%parallel_loop3A_248, %parallel_loop3A_249] {strides = array<i32>} : memref<64x128xf32, #tpu.memory_space<vmem>>, vector<1x16xf32>,
          %parallel_loop3A_251 = vector.shape_cast %parallel_loop3A_250 : vector<1x16xf32> to vector<16xf32>
          %parallel_loop3A_252 = arith.index_cast %parallel_loop3A_247 : i32 to index
          %parallel_loop3A_253 = arith.constant 0 : index
          %parallel_loop3A_254 = tpu.vector_load %arg17[%parallel_loop3A_252, %parallel_loop3A_253] {strides = array<i32>} : memref<64x128xf32, #tpu.memory_space<vmem>>, vector<1x16xf32>,
          %parallel_loop3A_255 = vector.shape_cast %parallel_loop3A_254 : vector<1x16xf32> to vector<16xf32>
          %parallel_loop3A_256 = arith.addf %parallel_loop3A_251, %parallel_loop3A_255 : vector<16xf32>
          %parallel_loop3A_257 = arith.index_cast %parallel_loop3A_247 : i32 to index
          %parallel_loop3A_258 = arith.constant 16 : index
          %parallel_loop3A_259 = tpu.vector_load %arg16[%parallel_loop3A_257, %parallel_loop3A_258] {strides = array<i32>} : memref<64x128xf32, #tpu.memory_space<vmem>>, vector<1x16xf32>,
          %parallel_loop3A_260 = vector.shape_cast %parallel_loop3A_259 : vector<1x16xf32> to vector<16xf32>
          %parallel_loop3A_261 = arith.index_cast %parallel_loop3A_247 : i32 to index
          %parallel_loop3A_262 = arith.constant 16 : index
          %parallel_loop3A_263 = tpu.vector_load %arg17[%parallel_loop3A_261, %parallel_loop3A_262] {strides = array<i32>} : memref<64x128xf32, #tpu.memory_space<vmem>>, vector<1x16xf32>,
          %parallel_loop3A_264 = vector.shape_cast %parallel_loop3A_263 : vector<1x16xf32> to vector<16xf32>
          %parallel_loop3A_265 = arith.addf %parallel_loop3A_260, %parallel_loop3A_264 : vector<16xf32>
          %parallel_loop3A_266 = arith.index_cast %parallel_loop3A_247 : i32 to index
          %parallel_loop3A_267 = arith.constant 32 : index
          %parallel_loop3A_268 = tpu.vector_load %arg16[%parallel_loop3A_266, %parallel_loop3A_267] {strides = array<i32>} : memref<64x128xf32, #tpu.memory_space<vmem>>, vector<1x16xf32>,
          %parallel_loop3A_269 = vector.shape_cast %parallel_loop3A_268 : vector<1x16xf32> to vector<16xf32>
          %parallel_loop3A_270 = arith.index_cast %parallel_loop3A_247 : i32 to index
          %parallel_loop3A_271 = arith.constant 32 : index
          %parallel_loop3A_272 = tpu.vector_load %arg17[%parallel_loop3A_270, %parallel_loop3A_271] {strides = array<i32>} : memref<64x128xf32, #tpu.memory_space<vmem>>, vector<1x16xf32>,
          %parallel_loop3A_273 = vector.shape_cast %parallel_loop3A_272 : vector<1x16xf32> to vector<16xf32>
          %parallel_loop3A_274 = arith.addf %parallel_loop3A_269, %parallel_loop3A_273 : vector<16xf32>
          %parallel_loop3A_275 = arith.index_cast %parallel_loop3A_247 : i32 to index
          %parallel_loop3A_276 = arith.constant 48 : index
          %parallel_loop3A_277 = tpu.vector_load %arg16[%parallel_loop3A_275, %parallel_loop3A_276] {strides = array<i32>} : memref<64x128xf32, #tpu.memory_space<vmem>>, vector<1x16xf32>,
          %parallel_loop3A_278 = vector.shape_cast %parallel_loop3A_277 : vector<1x16xf32> to vector<16xf32>
          %parallel_loop3A_279 = arith.index_cast %parallel_loop3A_247 : i32 to index
          %parallel_loop3A_280 = arith.constant 48 : index
          %parallel_loop3A_281 = tpu.vector_load %arg17[%parallel_loop3A_279, %parallel_loop3A_280] {strides = array<i32>} : memref<64x128xf32, #tpu.memory_space<vmem>>, vector<1x16xf32>,
          %parallel_loop3A_282 = vector.shape_cast %parallel_loop3A_281 : vector<1x16xf32> to vector<16xf32>
          %parallel_loop3A_283 = arith.addf %parallel_loop3A_278, %parallel_loop3A_282 : vector<16xf32>
          %parallel_loop3A_284 = arith.index_cast %parallel_loop3A_247 : i32 to index
          %parallel_loop3A_285 = arith.constant 64 : index
          %parallel_loop3A_286 = tpu.vector_load %arg16[%parallel_loop3A_284, %parallel_loop3A_285] {strides = array<i32>} : memref<64x128xf32, #tpu.memory_space<vmem>>, vector<1x16xf32>,
          %parallel_loop3A_287 = vector.shape_cast %parallel_loop3A_286 : vector<1x16xf32> to vector<16xf32>
          %parallel_loop3A_288 = arith.index_cast %parallel_loop3A_247 : i32 to index
          %parallel_loop3A_289 = arith.constant 64 : index
          %parallel_loop3A_290 = tpu.vector_load %arg17[%parallel_loop3A_288, %parallel_loop3A_289] {strides = array<i32>} : memref<64x128xf32, #tpu.memory_space<vmem>>, vector<1x16xf32>,
          %parallel_loop3A_291 = vector.shape_cast %parallel_loop3A_290 : vector<1x16xf32> to vector<16xf32>
          %parallel_loop3A_292 = arith.addf %parallel_loop3A_287, %parallel_loop3A_291 : vector<16xf32>
          %parallel_loop3A_293 = arith.index_cast %parallel_loop3A_247 : i32 to index
          %parallel_loop3A_294 = arith.constant 80 : index
          %parallel_loop3A_295 = tpu.vector_load %arg16[%parallel_loop3A_293, %parallel_loop3A_294] {strides = array<i32>} : memref<64x128xf32, #tpu.memory_space<vmem>>, vector<1x16xf32>,
          %parallel_loop3A_296 = vector.shape_cast %parallel_loop3A_295 : vector<1x16xf32> to vector<16xf32>
          %parallel_loop3A_297 = arith.index_cast %parallel_loop3A_247 : i32 to index
          %parallel_loop3A_298 = arith.constant 80 : index
          %parallel_loop3A_299 = tpu.vector_load %arg17[%parallel_loop3A_297, %parallel_loop3A_298] {strides = array<i32>} : memref<64x128xf32, #tpu.memory_space<vmem>>, vector<1x16xf32>,
          %parallel_loop3A_300 = vector.shape_cast %parallel_loop3A_299 : vector<1x16xf32> to vector<16xf32>
          %parallel_loop3A_301 = arith.addf %parallel_loop3A_296, %parallel_loop3A_300 : vector<16xf32>
          %parallel_loop3A_302 = arith.index_cast %parallel_loop3A_247 : i32 to index
          %parallel_loop3A_303 = arith.constant 96 : index
          %parallel_loop3A_304 = tpu.vector_load %arg16[%parallel_loop3A_302, %parallel_loop3A_303] {strides = array<i32>} : memref<64x128xf32, #tpu.memory_space<vmem>>, vector<1x16xf32>,
          %parallel_loop3A_305 = vector.shape_cast %parallel_loop3A_304 : vector<1x16xf32> to vector<16xf32>
          %parallel_loop3A_306 = arith.index_cast %parallel_loop3A_247 : i32 to index
          %parallel_loop3A_307 = arith.constant 96 : index
          %parallel_loop3A_308 = tpu.vector_load %arg17[%parallel_loop3A_306, %parallel_loop3A_307] {strides = array<i32>} : memref<64x128xf32, #tpu.memory_space<vmem>>, vector<1x16xf32>,
          %parallel_loop3A_309 = vector.shape_cast %parallel_loop3A_308 : vector<1x16xf32> to vector<16xf32>
          %parallel_loop3A_310 = arith.addf %parallel_loop3A_305, %parallel_loop3A_309 : vector<16xf32>
          %parallel_loop3A_311 = arith.index_cast %parallel_loop3A_247 : i32 to index
          %parallel_loop3A_312 = arith.constant 112 : index
          %parallel_loop3A_313 = tpu.vector_load %arg16[%parallel_loop3A_311, %parallel_loop3A_312] {strides = array<i32>} : memref<64x128xf32, #tpu.memory_space<vmem>>, vector<1x16xf32>,
          %parallel_loop3A_314 = vector.shape_cast %parallel_loop3A_313 : vector<1x16xf32> to vector<16xf32>
          %parallel_loop3A_315 = arith.index_cast %parallel_loop3A_247 : i32 to index
          %parallel_loop3A_316 = arith.constant 112 : index
          %parallel_loop3A_317 = tpu.vector_load %arg17[%parallel_loop3A_315, %parallel_loop3A_316] {strides = array<i32>} : memref<64x128xf32, #tpu.memory_space<vmem>>, vector<1x16xf32>,
          %parallel_loop3A_318 = vector.shape_cast %parallel_loop3A_317 : vector<1x16xf32> to vector<16xf32>
          %parallel_loop3A_319 = arith.addf %parallel_loop3A_314, %parallel_loop3A_318 : vector<16xf32>
          %parallel_loop3A_320 = arith.addf %parallel_loop3A_256, %parallel_loop3A_265 : vector<16xf32>
          %parallel_loop3A_321 = arith.addf %parallel_loop3A_274, %parallel_loop3A_283 : vector<16xf32>
          %parallel_loop3A_322 = arith.addf %parallel_loop3A_320, %parallel_loop3A_321 : vector<16xf32>
          %parallel_loop3A_323 = arith.addf %parallel_loop3A_292, %parallel_loop3A_301 : vector<16xf32>
          %parallel_loop3A_324 = arith.addf %parallel_loop3A_310, %parallel_loop3A_319 : vector<16xf32>
          %parallel_loop3A_325 = arith.addf %parallel_loop3A_323, %parallel_loop3A_324 : vector<16xf32>
          %parallel_loop3A_326 = arith.addf %parallel_loop3A_322, %parallel_loop3A_325 : vector<16xf32>
          %parallel_loop3A_327 = arith.mulf %parallel_loop3A_256, %parallel_loop3A_256 : vector<16xf32>
          %parallel_loop3A_328 = arith.mulf %parallel_loop3A_265, %parallel_loop3A_265 : vector<16xf32>
          %parallel_loop3A_329 = arith.mulf %parallel_loop3A_274, %parallel_loop3A_274 : vector<16xf32>
          %parallel_loop3A_330 = arith.mulf %parallel_loop3A_283, %parallel_loop3A_283 : vector<16xf32>
          %parallel_loop3A_331 = arith.mulf %parallel_loop3A_292, %parallel_loop3A_292 : vector<16xf32>
          %parallel_loop3A_332 = arith.mulf %parallel_loop3A_301, %parallel_loop3A_301 : vector<16xf32>
          %parallel_loop3A_333 = arith.mulf %parallel_loop3A_310, %parallel_loop3A_310 : vector<16xf32>
          %parallel_loop3A_334 = arith.mulf %parallel_loop3A_319, %parallel_loop3A_319 : vector<16xf32>
          %parallel_loop3A_335 = arith.addf %parallel_loop3A_327, %parallel_loop3A_328 : vector<16xf32>
          %parallel_loop3A_336 = arith.addf %parallel_loop3A_329, %parallel_loop3A_330 : vector<16xf32>
          %parallel_loop3A_337 = arith.addf %parallel_loop3A_335, %parallel_loop3A_336 : vector<16xf32>
          %parallel_loop3A_338 = arith.addf %parallel_loop3A_331, %parallel_loop3A_332 : vector<16xf32>
          %parallel_loop3A_339 = arith.addf %parallel_loop3A_333, %parallel_loop3A_334 : vector<16xf32>
          %parallel_loop3A_340 = arith.addf %parallel_loop3A_338, %parallel_loop3A_339 : vector<16xf32>
          %parallel_loop3A_341 = arith.addf %parallel_loop3A_337, %parallel_loop3A_340 : vector<16xf32>
          %parallel_loop3A_342 = tpu.iota {dimensions = array<i32: 0>} : vector<16xi32>
          %parallel_loop3A_343 = arith.constant 1 : i32
          %parallel_loop3A_344 = vector.broadcast %parallel_loop3A_343 : i32 to vector<16xi32>
          %parallel_loop3A_345 = arith.xori %parallel_loop3A_342, %parallel_loop3A_344 : vector<16xi32>
          %parallel_loop3A_346 = arith.constant 0 : i32
          %parallel_loop3A_347 = vector.broadcast %parallel_loop3A_346 : i32 to vector<16xi32>
          %parallel_loop3A_348 = arith.cmpi slt, %parallel_loop3A_345, %parallel_loop3A_347 : vector<16xi32>
          %parallel_loop3A_349 = arith.constant 16 : i32
          %parallel_loop3A_350 = vector.broadcast %parallel_loop3A_349 : i32 to vector<16xi32>
          %parallel_loop3A_351 = arith.addi %parallel_loop3A_345, %parallel_loop3A_350 : vector<16xi32>
          %parallel_loop3A_352 = arith.select %parallel_loop3A_348, %parallel_loop3A_351, %parallel_loop3A_345 : vector<16xi1>, vector<16xi32>
          %parallel_loop3A_353 = vector.shape_cast %parallel_loop3A_352 : vector<16xi32> to vector<16x1xi32>
          %parallel_loop3A_354 = vector.shape_cast %parallel_loop3A_353 : vector<16x1xi32> to vector<16xi32>
          %parallel_loop3A_355 = tpu.dynamic_gather %parallel_loop3A_326[%parallel_loop3A_354] in [0] : vector<16xf32>, vector<16xi32> -> vector<16xf32>
          %parallel_loop3A_356 = arith.addf %parallel_loop3A_326, %parallel_loop3A_355 : vector<16xf32>
          %parallel_loop3A_357 = arith.constant 2 : i32
          %parallel_loop3A_358 = vector.broadcast %parallel_loop3A_357 : i32 to vector<16xi32>
          %parallel_loop3A_359 = arith.xori %parallel_loop3A_342, %parallel_loop3A_358 : vector<16xi32>
          %parallel_loop3A_360 = arith.constant 0 : i32
          %parallel_loop3A_361 = vector.broadcast %parallel_loop3A_360 : i32 to vector<16xi32>
          %parallel_loop3A_362 = arith.cmpi slt, %parallel_loop3A_359, %parallel_loop3A_361 : vector<16xi32>
          %parallel_loop3A_363 = arith.constant 16 : i32
          %parallel_loop3A_364 = vector.broadcast %parallel_loop3A_363 : i32 to vector<16xi32>
          %parallel_loop3A_365 = arith.addi %parallel_loop3A_359, %parallel_loop3A_364 : vector<16xi32>
          %parallel_loop3A_366 = arith.select %parallel_loop3A_362, %parallel_loop3A_365, %parallel_loop3A_359 : vector<16xi1>, vector<16xi32>
          %parallel_loop3A_367 = vector.shape_cast %parallel_loop3A_366 : vector<16xi32> to vector<16x1xi32>
          %parallel_loop3A_368 = vector.shape_cast %parallel_loop3A_367 : vector<16x1xi32> to vector<16xi32>
          %parallel_loop3A_369 = tpu.dynamic_gather %parallel_loop3A_356[%parallel_loop3A_368] in [0] : vector<16xf32>, vector<16xi32> -> vector<16xf32>
          %parallel_loop3A_370 = arith.addf %parallel_loop3A_356, %parallel_loop3A_369 : vector<16xf32>
          %parallel_loop3A_371 = arith.constant 4 : i32
          %parallel_loop3A_372 = vector.broadcast %parallel_loop3A_371 : i32 to vector<16xi32>
          %parallel_loop3A_373 = arith.xori %parallel_loop3A_342, %parallel_loop3A_372 : vector<16xi32>
          %parallel_loop3A_374 = arith.constant 0 : i32
          %parallel_loop3A_375 = vector.broadcast %parallel_loop3A_374 : i32 to vector<16xi32>
          %parallel_loop3A_376 = arith.cmpi slt, %parallel_loop3A_373, %parallel_loop3A_375 : vector<16xi32>
          %parallel_loop3A_377 = arith.constant 16 : i32
          %parallel_loop3A_378 = vector.broadcast %parallel_loop3A_377 : i32 to vector<16xi32>
          %parallel_loop3A_379 = arith.addi %parallel_loop3A_373, %parallel_loop3A_378 : vector<16xi32>
          %parallel_loop3A_380 = arith.select %parallel_loop3A_376, %parallel_loop3A_379, %parallel_loop3A_373 : vector<16xi1>, vector<16xi32>
          %parallel_loop3A_381 = vector.shape_cast %parallel_loop3A_380 : vector<16xi32> to vector<16x1xi32>
          %parallel_loop3A_382 = vector.shape_cast %parallel_loop3A_381 : vector<16x1xi32> to vector<16xi32>
          %parallel_loop3A_383 = tpu.dynamic_gather %parallel_loop3A_370[%parallel_loop3A_382] in [0] : vector<16xf32>, vector<16xi32> -> vector<16xf32>
          %parallel_loop3A_384 = arith.addf %parallel_loop3A_370, %parallel_loop3A_383 : vector<16xf32>
          %parallel_loop3A_385 = arith.constant 8 : i32
          %parallel_loop3A_386 = vector.broadcast %parallel_loop3A_385 : i32 to vector<16xi32>
          %parallel_loop3A_387 = arith.xori %parallel_loop3A_342, %parallel_loop3A_386 : vector<16xi32>
          %parallel_loop3A_388 = arith.constant 0 : i32
          %parallel_loop3A_389 = vector.broadcast %parallel_loop3A_388 : i32 to vector<16xi32>
          %parallel_loop3A_390 = arith.cmpi slt, %parallel_loop3A_387, %parallel_loop3A_389 : vector<16xi32>
          %parallel_loop3A_391 = arith.constant 16 : i32
          %parallel_loop3A_392 = vector.broadcast %parallel_loop3A_391 : i32 to vector<16xi32>
          %parallel_loop3A_393 = arith.addi %parallel_loop3A_387, %parallel_loop3A_392 : vector<16xi32>
          %parallel_loop3A_394 = arith.select %parallel_loop3A_390, %parallel_loop3A_393, %parallel_loop3A_387 : vector<16xi1>, vector<16xi32>
          %parallel_loop3A_395 = vector.shape_cast %parallel_loop3A_394 : vector<16xi32> to vector<16x1xi32>
          %parallel_loop3A_396 = vector.shape_cast %parallel_loop3A_395 : vector<16x1xi32> to vector<16xi32>
          %parallel_loop3A_397 = tpu.dynamic_gather %parallel_loop3A_384[%parallel_loop3A_396] in [0] : vector<16xf32>, vector<16xi32> -> vector<16xf32>
          %parallel_loop3A_398 = arith.addf %parallel_loop3A_384, %parallel_loop3A_397 : vector<16xf32>
          %parallel_loop3A_399 = arith.constant 7.812500e-03 : f32
          %parallel_loop3A_400 = vector.broadcast %parallel_loop3A_399 : f32 to vector<16xf32>
          %parallel_loop3A_401 = arith.mulf %parallel_loop3A_398, %parallel_loop3A_400 : vector<16xf32>
          %parallel_loop3A_402 = tpu.iota {dimensions = array<i32: 0>} : vector<16xi32>
          %parallel_loop3A_403 = arith.constant 1 : i32
          %parallel_loop3A_404 = vector.broadcast %parallel_loop3A_403 : i32 to vector<16xi32>
          %parallel_loop3A_405 = arith.xori %parallel_loop3A_402, %parallel_loop3A_404 : vector<16xi32>
          %parallel_loop3A_406 = arith.constant 0 : i32
          %parallel_loop3A_407 = vector.broadcast %parallel_loop3A_406 : i32 to vector<16xi32>
          %parallel_loop3A_408 = arith.cmpi slt, %parallel_loop3A_405, %parallel_loop3A_407 : vector<16xi32>
          %parallel_loop3A_409 = arith.constant 16 : i32
          %parallel_loop3A_410 = vector.broadcast %parallel_loop3A_409 : i32 to vector<16xi32>
          %parallel_loop3A_411 = arith.addi %parallel_loop3A_405, %parallel_loop3A_410 : vector<16xi32>
          %parallel_loop3A_412 = arith.select %parallel_loop3A_408, %parallel_loop3A_411, %parallel_loop3A_405 : vector<16xi1>, vector<16xi32>
          %parallel_loop3A_413 = vector.shape_cast %parallel_loop3A_412 : vector<16xi32> to vector<16x1xi32>
          %parallel_loop3A_414 = vector.shape_cast %parallel_loop3A_413 : vector<16x1xi32> to vector<16xi32>
          %parallel_loop3A_415 = tpu.dynamic_gather %parallel_loop3A_341[%parallel_loop3A_414] in [0] : vector<16xf32>, vector<16xi32> -> vector<16xf32>
          %parallel_loop3A_416 = arith.addf %parallel_loop3A_341, %parallel_loop3A_415 : vector<16xf32>
          %parallel_loop3A_417 = arith.constant 2 : i32
          %parallel_loop3A_418 = vector.broadcast %parallel_loop3A_417 : i32 to vector<16xi32>
          %parallel_loop3A_419 = arith.xori %parallel_loop3A_402, %parallel_loop3A_418 : vector<16xi32>
          %parallel_loop3A_420 = arith.constant 0 : i32
          %parallel_loop3A_421 = vector.broadcast %parallel_loop3A_420 : i32 to vector<16xi32>
          %parallel_loop3A_422 = arith.cmpi slt, %parallel_loop3A_419, %parallel_loop3A_421 : vector<16xi32>
          %parallel_loop3A_423 = arith.constant 16 : i32
          %parallel_loop3A_424 = vector.broadcast %parallel_loop3A_423 : i32 to vector<16xi32>
          %parallel_loop3A_425 = arith.addi %parallel_loop3A_419, %parallel_loop3A_424 : vector<16xi32>
          %parallel_loop3A_426 = arith.select %parallel_loop3A_422, %parallel_loop3A_425, %parallel_loop3A_419 : vector<16xi1>, vector<16xi32>
          %parallel_loop3A_427 = vector.shape_cast %parallel_loop3A_426 : vector<16xi32> to vector<16x1xi32>
          %parallel_loop3A_428 = vector.shape_cast %parallel_loop3A_427 : vector<16x1xi32> to vector<16xi32>
          %parallel_loop3A_429 = tpu.dynamic_gather %parallel_loop3A_416[%parallel_loop3A_428] in [0] : vector<16xf32>, vector<16xi32> -> vector<16xf32>
          %parallel_loop3A_430 = arith.addf %parallel_loop3A_416, %parallel_loop3A_429 : vector<16xf32>
          %parallel_loop3A_431 = arith.constant 4 : i32
          %parallel_loop3A_432 = vector.broadcast %parallel_loop3A_431 : i32 to vector<16xi32>
          %parallel_loop3A_433 = arith.xori %parallel_loop3A_402, %parallel_loop3A_432 : vector<16xi32>
          %parallel_loop3A_434 = arith.constant 0 : i32
          %parallel_loop3A_435 = vector.broadcast %parallel_loop3A_434 : i32 to vector<16xi32>
          %parallel_loop3A_436 = arith.cmpi slt, %parallel_loop3A_433, %parallel_loop3A_435 : vector<16xi32>
          %parallel_loop3A_437 = arith.constant 16 : i32
          %parallel_loop3A_438 = vector.broadcast %parallel_loop3A_437 : i32 to vector<16xi32>
          %parallel_loop3A_439 = arith.addi %parallel_loop3A_433, %parallel_loop3A_438 : vector<16xi32>
          %parallel_loop3A_440 = arith.select %parallel_loop3A_436, %parallel_loop3A_439, %parallel_loop3A_433 : vector<16xi1>, vector<16xi32>
          %parallel_loop3A_441 = vector.shape_cast %parallel_loop3A_440 : vector<16xi32> to vector<16x1xi32>
          %parallel_loop3A_442 = vector.shape_cast %parallel_loop3A_441 : vector<16x1xi32> to vector<16xi32>
          %parallel_loop3A_443 = tpu.dynamic_gather %parallel_loop3A_430[%parallel_loop3A_442] in [0] : vector<16xf32>, vector<16xi32> -> vector<16xf32>
          %parallel_loop3A_444 = arith.addf %parallel_loop3A_430, %parallel_loop3A_443 : vector<16xf32>
          %parallel_loop3A_445 = arith.constant 8 : i32
          %parallel_loop3A_446 = vector.broadcast %parallel_loop3A_445 : i32 to vector<16xi32>
          %parallel_loop3A_447 = arith.xori %parallel_loop3A_402, %parallel_loop3A_446 : vector<16xi32>
          %parallel_loop3A_448 = arith.constant 0 : i32
          %parallel_loop3A_449 = vector.broadcast %parallel_loop3A_448 : i32 to vector<16xi32>
          %parallel_loop3A_450 = arith.cmpi slt, %parallel_loop3A_447, %parallel_loop3A_449 : vector<16xi32>
          %parallel_loop3A_451 = arith.constant 16 : i32
          %parallel_loop3A_452 = vector.broadcast %parallel_loop3A_451 : i32 to vector<16xi32>
          %parallel_loop3A_453 = arith.addi %parallel_loop3A_447, %parallel_loop3A_452 : vector<16xi32>
          %parallel_loop3A_454 = arith.select %parallel_loop3A_450, %parallel_loop3A_453, %parallel_loop3A_447 : vector<16xi1>, vector<16xi32>
          %parallel_loop3A_455 = vector.shape_cast %parallel_loop3A_454 : vector<16xi32> to vector<16x1xi32>
          %parallel_loop3A_456 = vector.shape_cast %parallel_loop3A_455 : vector<16x1xi32> to vector<16xi32>
          %parallel_loop3A_457 = tpu.dynamic_gather %parallel_loop3A_444[%parallel_loop3A_456] in [0] : vector<16xf32>, vector<16xi32> -> vector<16xf32>
          %parallel_loop3A_458 = arith.addf %parallel_loop3A_444, %parallel_loop3A_457 : vector<16xf32>
          %parallel_loop3A_459 = arith.constant 7.812500e-03 : f32
          %parallel_loop3A_460 = vector.broadcast %parallel_loop3A_459 : f32 to vector<16xf32>
          %parallel_loop3A_461 = arith.mulf %parallel_loop3A_458, %parallel_loop3A_460 : vector<16xf32>
          %parallel_loop3A_462 = arith.mulf %parallel_loop3A_401, %parallel_loop3A_401 : vector<16xf32>
          %parallel_loop3A_463 = arith.subf %parallel_loop3A_461, %parallel_loop3A_462 : vector<16xf32>
          %parallel_loop3A_464 = arith.constant 9.99999974E-6 : f32
          %parallel_loop3A_465 = vector.broadcast %parallel_loop3A_464 : f32 to vector<16xf32>
          %parallel_loop3A_466 = arith.addf %parallel_loop3A_463, %parallel_loop3A_465 : vector<16xf32>
          %parallel_loop3A_467 = tpu.bitcast %parallel_loop3A_466 : vector<16xf32> -> vector<16xi32>
          %parallel_loop3A_468 = arith.constant 1 : i32
          %parallel_loop3A_469 = vector.broadcast %parallel_loop3A_468 : i32 to vector<16xi32>
          %parallel_loop3A_470 = arith.shrui %parallel_loop3A_467, %parallel_loop3A_469 : vector<16xi32>
          %parallel_loop3A_471 = arith.constant 1597463007 : i32
          %parallel_loop3A_472 = vector.broadcast %parallel_loop3A_471 : i32 to vector<16xi32>
          %parallel_loop3A_473 = arith.subi %parallel_loop3A_472, %parallel_loop3A_470 : vector<16xi32>
          %parallel_loop3A_474 = tpu.bitcast %parallel_loop3A_473 : vector<16xi32> -> vector<16xf32>
          %parallel_loop3A_475 = arith.constant 5.000000e-01 : f32
          %parallel_loop3A_476 = vector.broadcast %parallel_loop3A_475 : f32 to vector<16xf32>
          %parallel_loop3A_477 = arith.mulf %parallel_loop3A_476, %parallel_loop3A_466 : vector<16xf32>
          %parallel_loop3A_478 = arith.mulf %parallel_loop3A_477, %parallel_loop3A_474 : vector<16xf32>
          %parallel_loop3A_479 = arith.mulf %parallel_loop3A_478, %parallel_loop3A_474 : vector<16xf32>
          %parallel_loop3A_480 = arith.constant 1.500000e+00 : f32
          %parallel_loop3A_481 = vector.broadcast %parallel_loop3A_480 : f32 to vector<16xf32>
          %parallel_loop3A_482 = arith.subf %parallel_loop3A_481, %parallel_loop3A_479 : vector<16xf32>
          %parallel_loop3A_483 = arith.mulf %parallel_loop3A_474, %parallel_loop3A_482 : vector<16xf32>
          %parallel_loop3A_484 = arith.constant 5.000000e-01 : f32
          %parallel_loop3A_485 = vector.broadcast %parallel_loop3A_484 : f32 to vector<16xf32>
          %parallel_loop3A_486 = arith.mulf %parallel_loop3A_485, %parallel_loop3A_466 : vector<16xf32>
          %parallel_loop3A_487 = arith.mulf %parallel_loop3A_486, %parallel_loop3A_483 : vector<16xf32>
          %parallel_loop3A_488 = arith.mulf %parallel_loop3A_487, %parallel_loop3A_483 : vector<16xf32>
          %parallel_loop3A_489 = arith.constant 1.500000e+00 : f32
          %parallel_loop3A_490 = vector.broadcast %parallel_loop3A_489 : f32 to vector<16xf32>
          %parallel_loop3A_491 = arith.subf %parallel_loop3A_490, %parallel_loop3A_488 : vector<16xf32>
          %parallel_loop3A_492 = arith.mulf %parallel_loop3A_483, %parallel_loop3A_491 : vector<16xf32>
          %parallel_loop3A_493 = arith.subf %parallel_loop3A_256, %parallel_loop3A_401 : vector<16xf32>
          %parallel_loop3A_494 = arith.mulf %parallel_loop3A_493, %parallel_loop3A_492 : vector<16xf32>
          %parallel_loop3A_495 = arith.mulf %parallel_loop3A_494, %get3A_8 : vector<16xf32>
          %parallel_loop3A_496 = arith.addf %parallel_loop3A_495, %get3A_32 : vector<16xf32>
          %parallel_loop3A_497 = arith.constant 0.000000e+00 : f32
          %parallel_loop3A_498 = vector.broadcast %parallel_loop3A_497 : f32 to vector<16xf32>
          %parallel_loop3A_499 = arith.maximumf %parallel_loop3A_496, %parallel_loop3A_498 : vector<16xf32>
          %parallel_loop3A_500 = arith.index_cast %parallel_loop3A_247 : i32 to index
          %parallel_loop3A_501 = arith.constant 0 : index
          %parallel_loop3A_502 = tpu.vector_load %arg16[%parallel_loop3A_500, %parallel_loop3A_501] {strides = array<i32>} : memref<64x128xf32, #tpu.memory_space<vmem>>, vector<1x16xf32>,
          %parallel_loop3A_503 = vector.shape_cast %parallel_loop3A_502 : vector<1x16xf32> to vector<16xf32>
          %parallel_loop3A_504 = vector.shape_cast %parallel_loop3A_499 : vector<16xf32> to vector<1x16xf32>
          tpu.vector_store %arg16[%parallel_loop3A_500, %parallel_loop3A_501], %parallel_loop3A_504 {strides = array<i32>} : memref<64x128xf32, #tpu.memory_space<vmem>>, vector<1x16xf32>,
          %parallel_loop3A_505 = arith.subf %parallel_loop3A_265, %parallel_loop3A_401 : vector<16xf32>
          %parallel_loop3A_506 = arith.mulf %parallel_loop3A_505, %parallel_loop3A_492 : vector<16xf32>
          %parallel_loop3A_507 = arith.mulf %parallel_loop3A_506, %get3A_11 : vector<16xf32>
          %parallel_loop3A_508 = arith.addf %parallel_loop3A_507, %get3A_35 : vector<16xf32>
          %parallel_loop3A_509 = arith.constant 0.000000e+00 : f32
          %parallel_loop3A_510 = vector.broadcast %parallel_loop3A_509 : f32 to vector<16xf32>
          %parallel_loop3A_511 = arith.maximumf %parallel_loop3A_508, %parallel_loop3A_510 : vector<16xf32>
          %parallel_loop3A_512 = arith.index_cast %parallel_loop3A_247 : i32 to index
          %parallel_loop3A_513 = arith.constant 16 : index
          %parallel_loop3A_514 = tpu.vector_load %arg16[%parallel_loop3A_512, %parallel_loop3A_513] {strides = array<i32>} : memref<64x128xf32, #tpu.memory_space<vmem>>, vector<1x16xf32>,
          %parallel_loop3A_515 = vector.shape_cast %parallel_loop3A_514 : vector<1x16xf32> to vector<16xf32>
          %parallel_loop3A_516 = vector.shape_cast %parallel_loop3A_511 : vector<16xf32> to vector<1x16xf32>
          tpu.vector_store %arg16[%parallel_loop3A_512, %parallel_loop3A_513], %parallel_loop3A_516 {strides = array<i32>} : memref<64x128xf32, #tpu.memory_space<vmem>>, vector<1x16xf32>,
          %parallel_loop3A_517 = arith.subf %parallel_loop3A_274, %parallel_loop3A_401 : vector<16xf32>
          %parallel_loop3A_518 = arith.mulf %parallel_loop3A_517, %parallel_loop3A_492 : vector<16xf32>
          %parallel_loop3A_519 = arith.mulf %parallel_loop3A_518, %get3A_14 : vector<16xf32>
          %parallel_loop3A_520 = arith.addf %parallel_loop3A_519, %get3A_38 : vector<16xf32>
          %parallel_loop3A_521 = arith.constant 0.000000e+00 : f32
          %parallel_loop3A_522 = vector.broadcast %parallel_loop3A_521 : f32 to vector<16xf32>
          %parallel_loop3A_523 = arith.maximumf %parallel_loop3A_520, %parallel_loop3A_522 : vector<16xf32>
          %parallel_loop3A_524 = arith.index_cast %parallel_loop3A_247 : i32 to index
          %parallel_loop3A_525 = arith.constant 32 : index
          %parallel_loop3A_526 = tpu.vector_load %arg16[%parallel_loop3A_524, %parallel_loop3A_525] {strides = array<i32>} : memref<64x128xf32, #tpu.memory_space<vmem>>, vector<1x16xf32>,
          %parallel_loop3A_527 = vector.shape_cast %parallel_loop3A_526 : vector<1x16xf32> to vector<16xf32>
          %parallel_loop3A_528 = vector.shape_cast %parallel_loop3A_523 : vector<16xf32> to vector<1x16xf32>
          tpu.vector_store %arg16[%parallel_loop3A_524, %parallel_loop3A_525], %parallel_loop3A_528 {strides = array<i32>} : memref<64x128xf32, #tpu.memory_space<vmem>>, vector<1x16xf32>,
          %parallel_loop3A_529 = arith.subf %parallel_loop3A_283, %parallel_loop3A_401 : vector<16xf32>
          %parallel_loop3A_530 = arith.mulf %parallel_loop3A_529, %parallel_loop3A_492 : vector<16xf32>
          %parallel_loop3A_531 = arith.mulf %parallel_loop3A_530, %get3A_17 : vector<16xf32>
          %parallel_loop3A_532 = arith.addf %parallel_loop3A_531, %get3A_41 : vector<16xf32>
          %parallel_loop3A_533 = arith.constant 0.000000e+00 : f32
          %parallel_loop3A_534 = vector.broadcast %parallel_loop3A_533 : f32 to vector<16xf32>
          %parallel_loop3A_535 = arith.maximumf %parallel_loop3A_532, %parallel_loop3A_534 : vector<16xf32>
          %parallel_loop3A_536 = arith.index_cast %parallel_loop3A_247 : i32 to index
          %parallel_loop3A_537 = arith.constant 48 : index
          %parallel_loop3A_538 = tpu.vector_load %arg16[%parallel_loop3A_536, %parallel_loop3A_537] {strides = array<i32>} : memref<64x128xf32, #tpu.memory_space<vmem>>, vector<1x16xf32>,
          %parallel_loop3A_539 = vector.shape_cast %parallel_loop3A_538 : vector<1x16xf32> to vector<16xf32>
          %parallel_loop3A_540 = vector.shape_cast %parallel_loop3A_535 : vector<16xf32> to vector<1x16xf32>
          tpu.vector_store %arg16[%parallel_loop3A_536, %parallel_loop3A_537], %parallel_loop3A_540 {strides = array<i32>} : memref<64x128xf32, #tpu.memory_space<vmem>>, vector<1x16xf32>,
          %parallel_loop3A_541 = arith.subf %parallel_loop3A_292, %parallel_loop3A_401 : vector<16xf32>
          %parallel_loop3A_542 = arith.mulf %parallel_loop3A_541, %parallel_loop3A_492 : vector<16xf32>
          %parallel_loop3A_543 = arith.mulf %parallel_loop3A_542, %get3A_20 : vector<16xf32>
          %parallel_loop3A_544 = arith.addf %parallel_loop3A_543, %get3A_44 : vector<16xf32>
          %parallel_loop3A_545 = arith.constant 0.000000e+00 : f32
          %parallel_loop3A_546 = vector.broadcast %parallel_loop3A_545 : f32 to vector<16xf32>
          %parallel_loop3A_547 = arith.maximumf %parallel_loop3A_544, %parallel_loop3A_546 : vector<16xf32>
          %parallel_loop3A_548 = arith.index_cast %parallel_loop3A_247 : i32 to index
          %parallel_loop3A_549 = arith.constant 64 : index
          %parallel_loop3A_550 = tpu.vector_load %arg16[%parallel_loop3A_548, %parallel_loop3A_549] {strides = array<i32>} : memref<64x128xf32, #tpu.memory_space<vmem>>, vector<1x16xf32>,
          %parallel_loop3A_551 = vector.shape_cast %parallel_loop3A_550 : vector<1x16xf32> to vector<16xf32>
          %parallel_loop3A_552 = vector.shape_cast %parallel_loop3A_547 : vector<16xf32> to vector<1x16xf32>
          tpu.vector_store %arg16[%parallel_loop3A_548, %parallel_loop3A_549], %parallel_loop3A_552 {strides = array<i32>} : memref<64x128xf32, #tpu.memory_space<vmem>>, vector<1x16xf32>,
          %parallel_loop3A_553 = arith.subf %parallel_loop3A_301, %parallel_loop3A_401 : vector<16xf32>
          %parallel_loop3A_554 = arith.mulf %parallel_loop3A_553, %parallel_loop3A_492 : vector<16xf32>
          %parallel_loop3A_555 = arith.mulf %parallel_loop3A_554, %get3A_23 : vector<16xf32>
          %parallel_loop3A_556 = arith.addf %parallel_loop3A_555, %get3A_47 : vector<16xf32>
          %parallel_loop3A_557 = arith.constant 0.000000e+00 : f32
          %parallel_loop3A_558 = vector.broadcast %parallel_loop3A_557 : f32 to vector<16xf32>
          %parallel_loop3A_559 = arith.maximumf %parallel_loop3A_556, %parallel_loop3A_558 : vector<16xf32>
          %parallel_loop3A_560 = arith.index_cast %parallel_loop3A_247 : i32 to index
          %parallel_loop3A_561 = arith.constant 80 : index
          %parallel_loop3A_562 = tpu.vector_load %arg16[%parallel_loop3A_560, %parallel_loop3A_561] {strides = array<i32>} : memref<64x128xf32, #tpu.memory_space<vmem>>, vector<1x16xf32>,
          %parallel_loop3A_563 = vector.shape_cast %parallel_loop3A_562 : vector<1x16xf32> to vector<16xf32>
          %parallel_loop3A_564 = vector.shape_cast %parallel_loop3A_559 : vector<16xf32> to vector<1x16xf32>
          tpu.vector_store %arg16[%parallel_loop3A_560, %parallel_loop3A_561], %parallel_loop3A_564 {strides = array<i32>} : memref<64x128xf32, #tpu.memory_space<vmem>>, vector<1x16xf32>,
          %parallel_loop3A_565 = arith.subf %parallel_loop3A_310, %parallel_loop3A_401 : vector<16xf32>
          %parallel_loop3A_566 = arith.mulf %parallel_loop3A_565, %parallel_loop3A_492 : vector<16xf32>
          %parallel_loop3A_567 = arith.mulf %parallel_loop3A_566, %get3A_26 : vector<16xf32>
          %parallel_loop3A_568 = arith.addf %parallel_loop3A_567, %get3A_50 : vector<16xf32>
          %parallel_loop3A_569 = arith.constant 0.000000e+00 : f32
          %parallel_loop3A_570 = vector.broadcast %parallel_loop3A_569 : f32 to vector<16xf32>
          %parallel_loop3A_571 = arith.maximumf %parallel_loop3A_568, %parallel_loop3A_570 : vector<16xf32>
          %parallel_loop3A_572 = arith.index_cast %parallel_loop3A_247 : i32 to index
          %parallel_loop3A_573 = arith.constant 96 : index
          %parallel_loop3A_574 = tpu.vector_load %arg16[%parallel_loop3A_572, %parallel_loop3A_573] {strides = array<i32>} : memref<64x128xf32, #tpu.memory_space<vmem>>, vector<1x16xf32>,
          %parallel_loop3A_575 = vector.shape_cast %parallel_loop3A_574 : vector<1x16xf32> to vector<16xf32>
          %parallel_loop3A_576 = vector.shape_cast %parallel_loop3A_571 : vector<16xf32> to vector<1x16xf32>
          tpu.vector_store %arg16[%parallel_loop3A_572, %parallel_loop3A_573], %parallel_loop3A_576 {strides = array<i32>} : memref<64x128xf32, #tpu.memory_space<vmem>>, vector<1x16xf32>,
          %parallel_loop3A_577 = arith.subf %parallel_loop3A_319, %parallel_loop3A_401 : vector<16xf32>
          %parallel_loop3A_578 = arith.mulf %parallel_loop3A_577, %parallel_loop3A_492 : vector<16xf32>
          %parallel_loop3A_579 = arith.mulf %parallel_loop3A_578, %get3A_29 : vector<16xf32>
          %parallel_loop3A_580 = arith.addf %parallel_loop3A_579, %get3A_53 : vector<16xf32>
          %parallel_loop3A_581 = arith.constant 0.000000e+00 : f32
          %parallel_loop3A_582 = vector.broadcast %parallel_loop3A_581 : f32 to vector<16xf32>
          %parallel_loop3A_583 = arith.maximumf %parallel_loop3A_580, %parallel_loop3A_582 : vector<16xf32>
          %parallel_loop3A_584 = arith.index_cast %parallel_loop3A_247 : i32 to index
          %parallel_loop3A_585 = arith.constant 112 : index
          %parallel_loop3A_586 = tpu.vector_load %arg16[%parallel_loop3A_584, %parallel_loop3A_585] {strides = array<i32>} : memref<64x128xf32, #tpu.memory_space<vmem>>, vector<1x16xf32>,
          %parallel_loop3A_587 = vector.shape_cast %parallel_loop3A_586 : vector<1x16xf32> to vector<16xf32>
          %parallel_loop3A_588 = vector.shape_cast %parallel_loop3A_583 : vector<16xf32> to vector<1x16xf32>
          tpu.vector_store %arg16[%parallel_loop3A_584, %parallel_loop3A_585], %parallel_loop3A_588 {strides = array<i32>} : memref<64x128xf32, #tpu.memory_space<vmem>>, vector<1x16xf32>,
        } {sc.loop_unroll_factor = 4 : i64, sc.parallel_access}
        "tpu.region"() ({
          %run_scoped3A = tpu.sem_alloc : memref<!tpu.dma_semaphore, #tpu.memory_space<semaphore_mem>>
          %dma_start3A_247 = arith.constant 0 : i32
          %dma_start3A_248 = arith.constant 0 : i32
          %dma_start3A_249 = tpu.memref_slice %arg20[%dma_start3A_247, %dma_start3A_248] : memref<10112x128xf32, #tpu.memory_space<vmem_shared>> -> memref<10112x128xf32, #tpu.memory_space<vmem_shared>>
          tpu.enqueue_indirect_dma source(%arg16 : memref<64x128xf32, #tpu.memory_space<vmem>>) target(%dma_start3A_249 : memref<10112x128xf32, #tpu.memory_space<vmem_shared>>) offsets(%arg13 : memref<64xi32, #tpu.memory_space<vmem>>) semaphore(%run_scoped3A : memref<!tpu.dma_semaphore, #tpu.memory_space<semaphore_mem>>) {add = true}
          %dma_wait3A_250 = arith.constant 0 : i32
          %dma_wait3A_251 = arith.constant 0 : i32
          %dma_wait3A_252 = tpu.memref_slice %arg20[%dma_wait3A_250, %dma_wait3A_251] : memref<10112x128xf32, #tpu.memory_space<vmem_shared>> -> memref<10112x128xf32, #tpu.memory_space<vmem_shared>>
          tpu.wait_indirect_dma semaphore(%run_scoped3A : memref<!tpu.dma_semaphore, #tpu.memory_space<semaphore_mem>>) src(%arg16 : memref<64x128xf32, #tpu.memory_space<vmem>>) dst(%dma_wait3A_252 : memref<10112x128xf32, #tpu.memory_space<vmem_shared>>)
          tpu.yield
        }) : () -> ()
      }
      %scan3A_145 = arith.constant 56 : i32
    } else {
    }
    %barrier3A_62 = arith.constant 0 : index
    tpu.barrier barrier_id(%barrier3A_62)
    "tpu.region"() ({
      %run_scoped3A = tpu.sem_alloc : memref<!tpu.dma_semaphore, #tpu.memory_space<semaphore_mem>>
      %dma_start3A = arith.constant 0 : i32
      %dma_start3A_63 = tpu.memref_slice %arg8[%arg0, %mul3A_0, %dma_start3A] : memref<2x10112x128xf32, #tpu.memory_space<hbm>> -> memref<1x632x128xf32, #tpu.memory_space<hbm>>
      %dma_start3A_64 = tpu.memref_squeeze %dma_start3A_63 : memref<1x632x128xf32, #tpu.memory_space<hbm>> -> memref<632x128xf32, #tpu.memory_space<hbm>>
      %dma_start3A_65 = arith.constant 0 : i32
      %dma_start3A_66 = tpu.memref_slice %arg20[%mul3A_0, %dma_start3A_65] : memref<10112x128xf32, #tpu.memory_space<vmem_shared>> -> memref<632x128xf32, #tpu.memory_space<vmem_shared>>
      tpu.enqueue_dma source(%dma_start3A_66 : memref<632x128xf32, #tpu.memory_space<vmem_shared>>) target(%dma_start3A_64 : memref<632x128xf32, #tpu.memory_space<hbm>>) target_semaphore(%run_scoped3A : memref<!tpu.dma_semaphore, #tpu.memory_space<semaphore_mem>>)
      %dma_wait3A = arith.constant 0 : i32
      %dma_wait3A_67 = tpu.memref_slice %arg8[%arg0, %mul3A_0, %dma_wait3A] : memref<2x10112x128xf32, #tpu.memory_space<hbm>> -> memref<1x632x128xf32, #tpu.memory_space<hbm>>
      %dma_wait3A_68 = tpu.memref_squeeze %dma_wait3A_67 : memref<1x632x128xf32, #tpu.memory_space<hbm>> -> memref<632x128xf32, #tpu.memory_space<hbm>>
      %dma_wait3A_69 = arith.constant 0 : i32
      %dma_wait3A_70 = tpu.memref_slice %arg20[%mul3A_0, %dma_wait3A_69] : memref<10112x128xf32, #tpu.memory_space<vmem_shared>> -> memref<632x128xf32, #tpu.memory_space<vmem_shared>>
      tpu.wait_dma2 semaphore(%run_scoped3A : memref<!tpu.dma_semaphore, #tpu.memory_space<semaphore_mem>>) src(%dma_wait3A_70 : memref<632x128xf32, #tpu.memory_space<vmem_shared>>) dst(%dma_wait3A_68 : memref<632x128xf32, #tpu.memory_space<hbm>>)
      tpu.yield
    }) : () -> ()
    return
  }
}

module attributes {stable_mosaic.version = 14 : i64} {
  func.func @_stage1_body(%arg0: i32, %arg1: memref<400x128xf32, #tpu.memory_space<vmem>>, %arg2: memref<128x128xf32, #tpu.memory_space<vmem>>, %arg3: memref<128x128xf32, #tpu.memory_space<vmem>>, %arg4: memref<128x128xf32, #tpu.memory_space<vmem>>, %arg5: memref<1x128xf32, #tpu.memory_space<vmem>>, %arg6: memref<1x128xf32, #tpu.memory_space<vmem>>, %arg7: memref<400x128xf32, #tpu.memory_space<vmem>>, %arg8: memref<400x128xf32, #tpu.memory_space<vmem>>, %arg9: memref<400x128xf32, #tpu.memory_space<vmem>>) attributes {dimension_semantics = [#tpu.dimension_semantics<arbitrary>], iteration_bounds = array<i64: 25>, scalar_prefetch = 0 : i64, scratch_operands = 0 : i64, tpu.core_type = #tpu.core_type<tc>, window_params = [{transform_indices = @transform_0, window_bounds = array<i64: 400, 128>}, {pipeline_mode = #tpu.pipeline_mode<synchronous>, transform_indices = @transform_1, window_bounds = array<i64: 128, 128>}, {pipeline_mode = #tpu.pipeline_mode<synchronous>, transform_indices = @transform_2, window_bounds = array<i64: 128, 128>}, {pipeline_mode = #tpu.pipeline_mode<synchronous>, transform_indices = @transform_3, window_bounds = array<i64: 128, 128>}, {pipeline_mode = #tpu.pipeline_mode<synchronous>, transform_indices = @transform_4, window_bounds = array<i64: 1, 128>}, {pipeline_mode = #tpu.pipeline_mode<synchronous>, transform_indices = @transform_5, window_bounds = array<i64: 1, 128>}, {transform_indices = @transform_6, window_bounds = array<i64: 400, 128>}, {transform_indices = @transform_7, window_bounds = array<i64: 400, 128>}, {transform_indices = @transform_8, window_bounds = array<i64: 400, 128>}]} {
    %get3A = arith.constant 0 : index
    %get3A_0 = arith.constant 0 : index
    %get3A_1 = vector.load %arg1[%get3A, %get3A_0] : memref<400x128xf32, #tpu.memory_space<vmem>>, vector<400x128xf32>
    %get3A_2 = arith.constant 0 : index
    %get3A_3 = arith.constant 0 : index
    %get3A_4 = vector.load %arg2[%get3A_2, %get3A_3] : memref<128x128xf32, #tpu.memory_space<vmem>>, vector<128x128xf32>
    %dot_general3A = arith.constant dense<0.000000e+00> : vector<400x128xf32>
    %dot_general3A_5 = tpu.matmul %get3A_1, %get3A_4, %dot_general3A {dimension_numbers = #tpu.dot_dimension_numbers<[1], [0], [0], [1], [0, 0, 1, 1], [], []>, transpose_lhs_hint = false} : vector<400x128xf32>, vector<128x128xf32>, vector<400x128xf32> -> vector<400x128xf32>
    %swap3A = arith.constant 0 : index
    %swap3A_6 = arith.constant 0 : index
    %swap3A_7 = vector.load %arg7[%swap3A, %swap3A_6] : memref<400x128xf32, #tpu.memory_space<vmem>>, vector<400x128xf32>
    tpu.vector_store %arg7[%swap3A, %swap3A_6], %dot_general3A_5 {strides = array<i32>} : memref<400x128xf32, #tpu.memory_space<vmem>>, vector<400x128xf32>,
    %get3A_8 = arith.constant 0 : index
    %get3A_9 = arith.constant 0 : index
    %get3A_10 = vector.load %arg3[%get3A_8, %get3A_9] : memref<128x128xf32, #tpu.memory_space<vmem>>, vector<128x128xf32>
    %dot_general3A_11 = arith.constant dense<0.000000e+00> : vector<400x128xf32>
    %dot_general3A_12 = tpu.matmul %get3A_1, %get3A_10, %dot_general3A_11 {dimension_numbers = #tpu.dot_dimension_numbers<[1], [0], [0], [1], [0, 0, 1, 1], [], []>, transpose_lhs_hint = false} : vector<400x128xf32>, vector<128x128xf32>, vector<400x128xf32> -> vector<400x128xf32>
    %get3A_13 = arith.constant 0 : index
    %get3A_14 = arith.constant 0 : index
    %get3A_15 = vector.load %arg5[%get3A_13, %get3A_14] : memref<1x128xf32, #tpu.memory_space<vmem>>, vector<1x128xf32>
    %add3A = vector.broadcast %get3A_15 : vector<1x128xf32> to vector<400x128xf32>
    %add3A_16 = arith.addf %dot_general3A_12, %add3A : vector<400x128xf32>
    %swap3A_17 = arith.constant 0 : index
    %swap3A_18 = arith.constant 0 : index
    %swap3A_19 = vector.load %arg8[%swap3A_17, %swap3A_18] : memref<400x128xf32, #tpu.memory_space<vmem>>, vector<400x128xf32>
    tpu.vector_store %arg8[%swap3A_17, %swap3A_18], %add3A_16 {strides = array<i32>} : memref<400x128xf32, #tpu.memory_space<vmem>>, vector<400x128xf32>,
    %get3A_20 = arith.constant 0 : index
    %get3A_21 = arith.constant 0 : index
    %get3A_22 = vector.load %arg4[%get3A_20, %get3A_21] : memref<128x128xf32, #tpu.memory_space<vmem>>, vector<128x128xf32>
    %dot_general3A_23 = arith.constant dense<0.000000e+00> : vector<400x128xf32>
    %dot_general3A_24 = tpu.matmul %get3A_1, %get3A_22, %dot_general3A_23 {dimension_numbers = #tpu.dot_dimension_numbers<[1], [0], [0], [1], [0, 0, 1, 1], [], []>, transpose_lhs_hint = false} : vector<400x128xf32>, vector<128x128xf32>, vector<400x128xf32> -> vector<400x128xf32>
    %get3A_25 = arith.constant 0 : index
    %get3A_26 = arith.constant 0 : index
    %get3A_27 = vector.load %arg6[%get3A_25, %get3A_26] : memref<1x128xf32, #tpu.memory_space<vmem>>, vector<1x128xf32>
    %add3A_28 = vector.broadcast %get3A_27 : vector<1x128xf32> to vector<400x128xf32>
    %add3A_29 = arith.addf %dot_general3A_24, %add3A_28 : vector<400x128xf32>
    %swap3A_30 = arith.constant 0 : index
    %swap3A_31 = arith.constant 0 : index
    %swap3A_32 = vector.load %arg9[%swap3A_30, %swap3A_31] : memref<400x128xf32, #tpu.memory_space<vmem>>, vector<400x128xf32>
    tpu.vector_store %arg9[%swap3A_30, %swap3A_31], %add3A_29 {strides = array<i32>} : memref<400x128xf32, #tpu.memory_space<vmem>>, vector<400x128xf32>,
    return
  }
  func.func @transform_0(%arg0: i32) -> (i32, i32) {
    %c0_i32 = arith.constant 0 : i32
    %c0_i32_0 = arith.constant 0 : i32
    return %arg0, %c0_i32 : i32, i32
  }
  func.func @transform_1(%arg0: i32) -> (i32, i32) {
    %c0_i32 = arith.constant 0 : i32
    %c0_i32_0 = arith.constant 0 : i32
    %c0_i32_1 = arith.constant 0 : i32
    return %c0_i32, %c0_i32_0 : i32, i32
  }
  func.func @transform_2(%arg0: i32) -> (i32, i32) {
    %c0_i32 = arith.constant 0 : i32
    %c0_i32_0 = arith.constant 0 : i32
    %c0_i32_1 = arith.constant 0 : i32
    return %c0_i32, %c0_i32_0 : i32, i32
  }
  func.func @transform_3(%arg0: i32) -> (i32, i32) {
    %c0_i32 = arith.constant 0 : i32
    %c0_i32_0 = arith.constant 0 : i32
    %c0_i32_1 = arith.constant 0 : i32
    return %c0_i32, %c0_i32_0 : i32, i32
  }
  func.func @transform_4(%arg0: i32) -> (i32, i32) {
    %c0_i32 = arith.constant 0 : i32
    %c0_i32_0 = arith.constant 0 : i32
    %c0_i32_1 = arith.constant 0 : i32
    return %c0_i32, %c0_i32_0 : i32, i32
  }
  func.func @transform_5(%arg0: i32) -> (i32, i32) {
    %c0_i32 = arith.constant 0 : i32
    %c0_i32_0 = arith.constant 0 : i32
    %c0_i32_1 = arith.constant 0 : i32
    return %c0_i32, %c0_i32_0 : i32, i32
  }
  func.func @transform_6(%arg0: i32) -> (i32, i32) {
    %c0_i32 = arith.constant 0 : i32
    %c0_i32_0 = arith.constant 0 : i32
    return %arg0, %c0_i32 : i32, i32
  }
  func.func @transform_7(%arg0: i32) -> (i32, i32) {
    %c0_i32 = arith.constant 0 : i32
    %c0_i32_0 = arith.constant 0 : i32
    return %arg0, %c0_i32 : i32, i32
  }
  func.func @transform_8(%arg0: i32) -> (i32, i32) {
    %c0_i32 = arith.constant 0 : i32
    %c0_i32_0 = arith.constant 0 : i32
    return %arg0, %c0_i32 : i32, i32
  }
}

module attributes {stable_mosaic.version = 14 : i64} {
  func.func @_stage3_body(%arg0: i32, %arg1: memref<400x128xf32, #tpu.memory_space<vmem>>, %arg2: memref<2x400x128xf32, #tpu.memory_space<vmem>>, %arg3: memref<400x128xf32, #tpu.memory_space<vmem>>, %arg4: memref<128x128xf32, #tpu.memory_space<vmem>>, %arg5: memref<1x128xf32, #tpu.memory_space<vmem>>, %arg6: memref<1x128xf32, #tpu.memory_space<vmem>>, %arg7: memref<400x128xf32, #tpu.memory_space<vmem>>) attributes {dimension_semantics = [#tpu.dimension_semantics<arbitrary>], iteration_bounds = array<i64: 25>, scalar_prefetch = 0 : i64, scratch_operands = 0 : i64, tpu.core_type = #tpu.core_type<tc>, window_params = [{transform_indices = @transform_0, window_bounds = array<i64: 400, 128>}, {transform_indices = @transform_1, window_bounds = array<i64: 2, 400, 128>}, {transform_indices = @transform_2, window_bounds = array<i64: 400, 128>}, {pipeline_mode = #tpu.pipeline_mode<synchronous>, transform_indices = @transform_3, window_bounds = array<i64: 128, 128>}, {pipeline_mode = #tpu.pipeline_mode<synchronous>, transform_indices = @transform_4, window_bounds = array<i64: 1, 128>}, {pipeline_mode = #tpu.pipeline_mode<synchronous>, transform_indices = @transform_5, window_bounds = array<i64: 1, 128>}, {transform_indices = @transform_6, window_bounds = array<i64: 400, 128>}]} {
    %get3A = arith.constant 0 : index
    %get3A_0 = arith.constant 0 : index
    %get3A_1 = arith.constant 0 : index
    %get3A_2 = vector.load %arg2[%get3A, %get3A_0, %get3A_1] : memref<2x400x128xf32, #tpu.memory_space<vmem>>, vector<1x400x128xf32>
    %get3A_3 = vector.shape_cast %get3A_2 : vector<1x400x128xf32> to vector<400x128xf32>
    %get3A_4 = arith.constant 1 : index
    %get3A_5 = arith.constant 0 : index
    %get3A_6 = arith.constant 0 : index
    %get3A_7 = vector.load %arg2[%get3A_4, %get3A_5, %get3A_6] : memref<2x400x128xf32, #tpu.memory_space<vmem>>, vector<1x400x128xf32>
    %get3A_8 = vector.shape_cast %get3A_7 : vector<1x400x128xf32> to vector<400x128xf32>
    %add3A = arith.addf %get3A_3, %get3A_8 : vector<400x128xf32>
    %get3A_9 = arith.constant 0 : index
    %get3A_10 = arith.constant 0 : index
    %get3A_11 = vector.load %arg1[%get3A_9, %get3A_10] : memref<400x128xf32, #tpu.memory_space<vmem>>, vector<400x128xf32>
    %get3A_12 = arith.constant 0 : index
    %get3A_13 = arith.constant 0 : index
    %get3A_14 = vector.load %arg4[%get3A_12, %get3A_13] : memref<128x128xf32, #tpu.memory_space<vmem>>, vector<128x128xf32>
    %dot_general3A = arith.constant dense<0.000000e+00> : vector<400x128xf32>
    %dot_general3A_15 = tpu.matmul %add3A, %get3A_14, %dot_general3A {dimension_numbers = #tpu.dot_dimension_numbers<[1], [0], [0], [1], [0, 0, 1, 1], [], []>, transpose_lhs_hint = false} : vector<400x128xf32>, vector<128x128xf32>, vector<400x128xf32> -> vector<400x128xf32>
    %add3A_16 = arith.addf %get3A_11, %dot_general3A_15 : vector<400x128xf32>
    %reduce_sum3A = arith.constant dense<0.000000e+00> : vector<400xf32>
    %reduce_sum3A_17 = vector.multi_reduction <add>, %add3A_16, %reduce_sum3A [1] : vector<400x128xf32> to vector<400xf32>
    %broadcast_in_dim3A = vector.shape_cast %reduce_sum3A_17 : vector<400xf32> to vector<400x1xf32>
    %div3A = arith.constant 1.280000e+02 : f32
    %div3A_18 = vector.broadcast %div3A : f32 to vector<400x1xf32>
    %div3A_19 = arith.divf %broadcast_in_dim3A, %div3A_18 : vector<400x1xf32>
    %sub3A = vector.broadcast %div3A_19 : vector<400x1xf32> to vector<400x128xf32>
    %sub3A_20 = arith.subf %add3A_16, %sub3A : vector<400x128xf32>
    %integer_pow3A = arith.mulf %sub3A_20, %sub3A_20 : vector<400x128xf32>
    %reduce_sum3A_21 = arith.constant dense<0.000000e+00> : vector<400xf32>
    %reduce_sum3A_22 = vector.multi_reduction <add>, %integer_pow3A, %reduce_sum3A_21 [1] : vector<400x128xf32> to vector<400xf32>
    %broadcast_in_dim3A_23 = vector.shape_cast %reduce_sum3A_22 : vector<400xf32> to vector<400x1xf32>
    %div3A_24 = arith.constant 1.280000e+02 : f32
    %div3A_25 = vector.broadcast %div3A_24 : f32 to vector<400x1xf32>
    %div3A_26 = arith.divf %broadcast_in_dim3A_23, %div3A_25 : vector<400x1xf32>
    %sub3A_27 = vector.broadcast %div3A_19 : vector<400x1xf32> to vector<400x128xf32>
    %sub3A_28 = arith.subf %add3A_16, %sub3A_27 : vector<400x128xf32>
    %add3A_29 = arith.constant 9.99999974E-6 : f32
    %add3A_30 = vector.broadcast %add3A_29 : f32 to vector<400x1xf32>
    %add3A_31 = arith.addf %div3A_26, %add3A_30 : vector<400x1xf32>
    %rsqrt3A = math.rsqrt %add3A_31 : vector<400x1xf32>
    %mul3A = vector.broadcast %rsqrt3A : vector<400x1xf32> to vector<400x128xf32>
    %mul3A_32 = arith.mulf %sub3A_28, %mul3A : vector<400x128xf32>
    %get3A_33 = arith.constant 0 : index
    %get3A_34 = arith.constant 0 : index
    %get3A_35 = vector.load %arg5[%get3A_33, %get3A_34] : memref<1x128xf32, #tpu.memory_space<vmem>>, vector<1x128xf32>
    %mul3A_36 = vector.broadcast %get3A_35 : vector<1x128xf32> to vector<400x128xf32>
    %mul3A_37 = arith.mulf %mul3A_32, %mul3A_36 : vector<400x128xf32>
    %get3A_38 = arith.constant 0 : index
    %get3A_39 = arith.constant 0 : index
    %get3A_40 = vector.load %arg6[%get3A_38, %get3A_39] : memref<1x128xf32, #tpu.memory_space<vmem>>, vector<1x128xf32>
    %add3A_41 = vector.broadcast %get3A_40 : vector<1x128xf32> to vector<400x128xf32>
    %add3A_42 = arith.addf %mul3A_37, %add3A_41 : vector<400x128xf32>
    %max3A = arith.constant 0.000000e+00 : f32
    %max3A_43 = vector.broadcast %max3A : f32 to vector<400x128xf32>
    %max3A_44 = arith.maximumf %add3A_42, %max3A_43 : vector<400x128xf32>
    %get3A_45 = arith.constant 0 : index
    %get3A_46 = arith.constant 0 : index
    %get3A_47 = vector.load %arg3[%get3A_45, %get3A_46] : memref<400x128xf32, #tpu.memory_space<vmem>>, vector<400x128xf32>
    %add3A_48 = arith.addf %max3A_44, %get3A_47 : vector<400x128xf32>
    %swap3A = arith.constant 0 : index
    %swap3A_49 = arith.constant 0 : index
    %swap3A_50 = vector.load %arg7[%swap3A, %swap3A_49] : memref<400x128xf32, #tpu.memory_space<vmem>>, vector<400x128xf32>
    tpu.vector_store %arg7[%swap3A, %swap3A_49], %add3A_48 {strides = array<i32>} : memref<400x128xf32, #tpu.memory_space<vmem>>, vector<400x128xf32>,
    return
  }
  func.func @transform_0(%arg0: i32) -> (i32, i32) {
    %c0_i32 = arith.constant 0 : i32
    %c0_i32_0 = arith.constant 0 : i32
    return %arg0, %c0_i32 : i32, i32
  }
  func.func @transform_1(%arg0: i32) -> (i32, i32, i32) {
    %c0_i32 = arith.constant 0 : i32
    %c0_i32_0 = arith.constant 0 : i32
    %c0_i32_1 = arith.constant 0 : i32
    return %c0_i32, %arg0, %c0_i32_0 : i32, i32, i32
  }
  func.func @transform_2(%arg0: i32) -> (i32, i32) {
    %c0_i32 = arith.constant 0 : i32
    %c0_i32_0 = arith.constant 0 : i32
    return %arg0, %c0_i32 : i32, i32
  }
  func.func @transform_3(%arg0: i32) -> (i32, i32) {
    %c0_i32 = arith.constant 0 : i32
    %c0_i32_0 = arith.constant 0 : i32
    %c0_i32_1 = arith.constant 0 : i32
    return %c0_i32, %c0_i32_0 : i32, i32
  }
  func.func @transform_4(%arg0: i32) -> (i32, i32) {
    %c0_i32 = arith.constant 0 : i32
    %c0_i32_0 = arith.constant 0 : i32
    %c0_i32_1 = arith.constant 0 : i32
    return %c0_i32, %c0_i32_0 : i32, i32
  }
  func.func @transform_5(%arg0: i32) -> (i32, i32) {
    %c0_i32 = arith.constant 0 : i32
    %c0_i32_0 = arith.constant 0 : i32
    %c0_i32_1 = arith.constant 0 : i32
    return %c0_i32, %c0_i32_0 : i32, i32
  }
  func.func @transform_6(%arg0: i32) -> (i32, i32) {
    %c0_i32 = arith.constant 0 : i32
    %c0_i32_0 = arith.constant 0 : i32
    return %arg0, %c0_i32 : i32, i32
  }
}

</mosaic_0001>

<sc_bundles>
// kernel: kernel.5.cloned.1.call-start
scs
__scs_entry_jumppad:
0x0: {  	(pc) =	sbr.rel $0x88, $3  }
0x1: {  	(tag) =	ssettag $0x0;
	lr =	simm.s32 $0x1  }
0x2: {  	[smem:$0x3F97] =	sst lr;
	_ =	strace $0xD0000000  }
0x3: {  	_ = 	snop  }
0x4: {  	_ = 	snop  }
0x5: {  	_ = 	snop  }
0x6: {  	_ = 	snop  }
0x7: {  	_ = 	snop  }
__scs_overlays_trampoline_lowered:
0x8: {  	[smem:$0x3FA6] =	sst s0  }
0x9: {  	[smem:$0x3FA7] =	sst s1  }
0xa: {  	[smem:$0x3FA8] =	sst s2  }
0xb: {  	[smem:$0x3FA9] =	sst s3  }
0xc: {  	[smem:$0x3FAA] =	sst s4  }
0xd: {  	[smem:$0x3FAB] =	sst s5  }
0xe: {  	[smem:$0x3FAC] =	sst s6  }
0xf: {  	[smem:$0x3FAD] =	sst s7  }
0x10: {  	[smem:$0x3FAE] =	sst s8  }
0x11: {  	[smem:$0x3FAF] =	sst s9;
	s0 =	simm.s32 @!p0 $0x0  }
0x12: {  	s1 =	sld [smem:$0x3F95];
	s0 =	simm.s32 @p0 $0x1  }
0x13: {  	[smem:$0x3FB0] =	sst s0;
	s0 =	simm.s32 @!p1 $0x0  }
0x14: {  	s2 =	sld [smem:$0x3F94];
	s0 =	simm.s32 @p1 $0x1  }
0x15: {  	[smem:$0x3FB1] =	sst s0;
	s0 =	simm.s32 @!p2 $0x0  }
0x16: {  	s3 =	sld [smem:$0x3FDB];
	s0 =	simm.s32 @p2 $0x1  }
0x17: {  	s4 =	simm.s32 $0x1BF5;
	[smem:$0x3FB3] =	sst s0  }
0x18: {  	s0 =	sld [smem:$0x3F96];
	_ =	swait.ge [sflag:s4], $0x0  }
0x19: {  	s7 =	sld [smem:$0x3F97]  }
0x1a: {  	s8 =	sadd.s32 $0xFFFFE003, lr  }
0x1b: {  	s9 =	sadd.s32 $0xFFFFFEF7, lr;
	s5 =	simm.s32 $0xFFFFFFFF;
	p2 =	slt.u32 s8, $0xFFFFF086  }
0x1c: {  	p1 =	slt.u32 s9, $0xF7A;
	s5 =	simm.s32 @!p2 $0x0  }
0x1d: {  	s5 =	simm.s32 @p1 $0x1;
	p0 =	seq.s32 s7, s2  }
0x1e: {  	s7 =	smul.u32 @!p0 $0xF7A, s2;
	p2 =	seq.s32 @!p0 s5, $0x0  }
0x1f: {  	s9 =	smul.u32 $0xF7A, s1;
	s8 =	simm.s32 @!p0 $0x1BF5;
	p2 =	por !p2, p0  }
0x20: {  	[sflag:s8] =	ssyncset.s32 @!p0 $0xFFFFF086;
	s6 =	sadd.s32 @!p0 s3, s7;
	s7 =	simm.s32 @!p0 $0x108  }
0x21: {  	s3 =	sadd.s32 s3, s9;
	s6 =	sadd.s32 @!p0 $0x88, s6;
	s7 =	simm.s32 @p2 $0x1082  }
0x22: {  	[simem:s7], [sflag:s8] =	dma.local @!p0 [hbm:s6], $0xF7A  }
0x23: {  	s9 =	sor.u32 $0xD0000000, s2;
	s6 =	simm.s32 $0x108;
	_ =	swait.ge @!p0 [sflag:s8], $0x0  }
0x24: {  	s3 =	sadd.s32 $0x88, s3;
	s6 =	simm.s32 @!p1 $0x1082;
	[sflag:s4] =	ssyncset.s32 $0xFFFFF086  }
0x25: {  	[simem:s6], [sflag:s4] =	dma.local [hbm:s3], $0xF7A  }
0x26: {  	[smem:$0x3F97] =	sst s1;
	(tag) =	ssettag s2;
	_ =	strace s9  }
0x27: {  	s1 =	sld [smem:$0x3FA7]  }
0x28: {  	s2 =	sld [smem:$0x3FA8]  }
0x29: {  	s4 =	sld [smem:$0x3FAA]  }
0x2a: {  	p0 =	seq.s32 s5, $0x0;
	s5 =	sld [smem:$0x3FAB]  }
0x2b: {  	s6 =	sld [smem:$0x3FAC]  }
0x2c: {  	s7 =	sld [smem:$0x3FAD]  }
0x2d: {  	s3 =	simm.s32 $0x108;
	s8 =	sld [smem:$0x3FAE]  }
0x2e: {  	s3 =	simm.s32 @!p0 $0x1082;
	s9 =	sld [smem:$0x3FAF]  }
0x2f: {  	lr =	sadd.s32 s0, s3;
	s0 =	sld [smem:$0x3FA6]  }
0x30: {  	s3 =	sld [smem:$0x3FA9]  }
0x31: {  	[smem:$0x3FB2] =	sst s10  }
0x32: {  	s10 =	sld [smem:$0x3FB0];
	_ =	sdelay $0x3  }
0x33: {  	p0 =	seq.s32 s10, $0x1;
	s10 =	sld [smem:$0x3FB2];
	_ =	sdelay $0x3  }
0x34: {  	[smem:$0x3FB2] =	sst s10  }
0x35: {  	s10 =	sld [smem:$0x3FB1];
	_ =	sdelay $0x3  }
0x36: {  	p1 =	seq.s32 s10, $0x1;
	s10 =	sld [smem:$0x3FB2];
	_ =	sdelay $0x3  }
0x37: {  	[smem:$0x3FB2] =	sst s10  }
0x38: {  	s10 =	sld [smem:$0x3FB3]  }
0x39: {  	_ = 	snop;
	(pc) =	sbr.ind lr, $3  }
0x3a: {  	_ = 	snop  }
0x3b: {  	_ = 	snop  }
0x3c: {  	p2 =	seq.s32 s10, $0x1;
	s10 =	sld [smem:$0x3FB2]  }
0x3d: {  	_ =	shalt  }
0x3e: {  	_ =	shalt  }
0x3f: {  	_ =	shalt  }
0x40: {  	_ =	shalt  }
0x41: {  	_ =	shalt  }
0x42: {  	_ =	shalt  }
0x43: {  	_ =	shalt  }
0x44: {  	_ =	shalt  }
0x45: {  	_ =	shalt  }
0x46: {  	_ =	shalt  }
0x47: {  	_ =	shalt  }
0x48: {  	_ =	shalt  }
0x49: {  	_ =	shalt  }
0x4a: {  	_ =	shalt  }
0x4b: {  	_ =	shalt  }
0x4c: {  	_ =	shalt  }
0x4d: {  	_ =	shalt  }
0x4e: {  	_ =	shalt  }
0x4f: {  	_ =	shalt  }
0x50: {  	_ =	shalt  }
0x51: {  	_ =	shalt  }
0x52: {  	_ =	shalt  }
0x53: {  	_ =	shalt  }
0x54: {  	_ =	shalt  }
0x55: {  	_ =	shalt  }
0x56: {  	_ =	shalt  }
0x57: {  	_ =	shalt  }
0x58: {  	_ =	shalt  }
0x59: {  	_ =	shalt  }
0x5a: {  	_ =	shalt  }
0x5b: {  	_ =	shalt  }
0x5c: {  	_ =	shalt  }
0x5d: {  	_ =	shalt  }
0x5e: {  	_ =	shalt  }
0x5f: {  	_ =	shalt  }
0x60: {  	_ =	shalt  }
0x61: {  	_ =	shalt  }
0x62: {  	_ =	shalt  }
0x63: {  	_ =	shalt  }
0x64: {  	_ =	shalt  }
0x65: {  	_ =	shalt  }
0x66: {  	_ =	shalt  }
0x67: {  	_ =	shalt  }
0x68: {  	_ =	shalt  }
0x69: {  	_ =	shalt  }
0x6a: {  	_ =	shalt  }
0x6b: {  	_ =	shalt  }
0x6c: {  	_ =	shalt  }
0x6d: {  	_ =	shalt  }
0x6e: {  	_ =	shalt  }
0x6f: {  	_ =	shalt  }
0x70: {  	_ =	shalt  }
0x71: {  	_ =	shalt  }
0x72: {  	_ =	shalt  }
0x73: {  	_ =	shalt  }
0x74: {  	_ =	shalt  }
0x75: {  	_ =	shalt  }
0x76: {  	_ =	shalt  }
0x77: {  	_ =	shalt  }
0x78: {  	_ =	shalt  }
0x79: {  	_ =	shalt  }
0x7a: {  	_ =	shalt  }
0x7b: {  	_ =	shalt  }
0x7c: {  	_ =	shalt  }
0x7d: {  	_ =	shalt  }
0x7e: {  	_ =	shalt  }
0x7f: {  	_ =	shalt  }
0x80: {  	_ =	shalt  }
0x81: {  	_ =	shalt  }
0x82: {  	_ =	shalt  }
0x83: {  	_ =	shalt  }
0x84: {  	_ =	shalt  }
0x85: {  	_ =	shalt  }
0x86: {  	_ =	shalt  }
0x87: {  	_ =	shalt  }
.Lfunc_end0:
.L_simem_size_0:
called_computation_lowered:
.L_overlay_start_0:
0x88: {  	s2 =	sld [smem:$0x3FD9]  }
0x89: {  	s3 =	sld [smem:$0x3FFE];
	_ =	sdelay $0x1  }
0x8a: {  	s1 =	srdreg.scid  }
0x8b: {  	s0 =	sand.u32 $0x1, s1  }
0x8c: {  	s17 =	sshll.u32 s0, $0xA;
	s2 =	sadd.s32 s3, s2  }
0x8d: {  	s2 =	sadd.s32 s2, s17  }
0x8e: {  	[smem:$0x3FBE] =	sst s2  }
0x8f: {  	_ = 	snop  }
0x90: {  	s2 =	sld [smem:$0x3FC5]  }
0x91: {  	s18 =	sld [smem:$0x3FC4]  }
0x92: {  	s4 =	sld [smem:$0x3FD0];
	(tm) =	ssettm $0x1  }
0x93: {  	s5 =	sld [smem:$0x3FFB];
	_ =	sdelay $0x3  }
0x94: {  	_ =	strace s5  }
0x95: {  	s5 =	sld [smem:$0x3FFC];
	_ =	sdelay $0x3  }
0x96: {  	_ =	strace s5  }
0x97: {  	s5 =	sld [smem:$0x3FFD];
	_ =	sdelay $0x3  }
0x98: {  	_ =	strace s5  }
0x99: {  	_ =	strace $0x8FFFFFFF  }
0x9a: {  	s19 =	sld [smem:$0x3FDB];
	_ =	sdelay $0x1  }
0x9b: {  	s6 =	simm.s32 $_scs_section_size  }
0x9c: {  	s7 =	simm.s32 $_size__tile_overlayer_lowered;
	s8 =	simm.s32 $_tile_overlayer_lowered  }
0x9d: {  	s22 =	simm.s32 $0x1BFF;
	s21 =	sshll.u32 s8, $0x1;
	s5 =	sadd.s32 s6, s19  }
0x9e: {  	s9 =	simm.s32 $0x0;
	s20 =	sshll.u32 s7, $0x1;
	s7 =	sadd.s32 s21, s5  }
0x9f: {  	[timem:s9], [sflag:s22] =	dma.local [hbm:s7], s20  }
0xa0: {  	_ =	swait.ge [sflag:s22], s20  }
0xa1: {  	s6 =	ssub.s32 $0x0, s20;
	[sflag:s22] =	ssyncset.done $0x0  }
0xa2: {  	[sflag:s22] =	ssyncadd.s32 s6;
	_ =	sdelay $0x1  }
0xa3: {  	s23 =	simm.s32 $0x1B8B  }
0xa4: {  	_ =	swait.ge [sflag:s23], $0x1  }
0xa5: {  	[sflag:s23] =	ssyncset.done $0x0  }
0xa6: {  	s25 =	simm.s32 $0x1B8E;
	s24 =	sld [smem:$0x3FFE];
	[sflag:s23] =	ssyncadd.s32 $0xFFFFFFFF  }
0xa7: {  	s26 =	simm.s32 $execute0_lowered;
	[smem:$0x3FD2] =	sst s25  }
0xa8: {  	s7 =	sshll.u32 s26, $0x1;
	_ =	strace $0x80000046;
	[dreg:$0x1] =	wrdreg $0xFFFFFFFF  }
0xa9: {  	s28 =	simm.s32 $_size_execute0_lowered;
	s5 =	sadd.s32 s5, s7;
	[dreg:$0x0] =	wrdreg $0x0  }
0xaa: {  	s7 =	sshll.u32 s28, $0x1;
	[dreg:$0x2] =	wrdreg s5  }
0xab: {  	[dreg:$0x3] =	wrdreg s7  }
0xac: {  	[dreg:$0x4] =	wrdreg $0xC0  }
0xad: {  	_ =	task [dreg:s9], $0x5FFFF  }
0xae: {  	[dreg:$0x1] =	wrdreg $0xFFFFFFFF  }
0xaf: {  	[dreg:$0x0] =	wrdreg $0x60  }
0xb0: {  	[dreg:$0x2] =	wrdreg s4  }
0xb1: {  	[dreg:$0x3] =	wrdreg s24  }
0xb2: {  	[dreg:$0x4] =	wrdreg s2  }
0xb3: {  	[dreg:$0x5] =	wrdreg s18  }
0xb4: {  	[dreg:$0x6] =	wrdreg $0xB7000  }
0xb5: {  	[dreg:$0x7] =	wrdreg $0x9  }
0xb6: {  	_ =	task.clear_ibuf [dreg:s9], $0x8FFFF;
	_ =	strace $0x90000046  }
0xb7: {  	s29 =	simm.s32 $0x9;
	_ =	strace $0x80000048  }
0xb8: {  	_ =	swait.ge [sflag:s29], $0x1  }
0xb9: {  	[sflag:s29] =	ssyncadd.s32 $0xFFFFFFFF  }
0xba: {  	_ =	strace $0x90000048  }
0xbb: {  	_ =	sfence  }
0xbc: {  	s30 =	sld [smem:$0x0];
	_ =	sdelay $0x2  }
0xbd: {  	s31 =	sshll.u32 s1, $0xD;
	s1 =	sshrl.u32 s1, $0x2  }
0xbe: {  	s3 =	sand.u32 $0x4000, s31;
	s1 =	sadd.s32 s1, s30  }
0xbf: {  	s0 =	sor.u32 s3, s0;
	s1 =	sshll.u32 s1, $0x11  }
0xc0: {  	s0 =	sor.u32 s1, s0  }
0xc1: {  	s0 =	sadd.s32 $0x8F2B, s0  }
0xc2: {  	[sflag:s0] =	ssyncadd.remote.s32 $0x1  }
0xc3: {  	_ =	sfence.sel $0xFFFF  }
0xc4: {  	[dreg:$0x0] =	wrdreg $0xFFFFFFFF;
	(pc) =	sbr.abs _section_cstart, $3  }
0xc5: {  	[dreg:$0x1] =	wrdreg $0xFFFFFFFF  }
0xc6: {  	_ =	task.clear_ibuf [dreg:s9], $0x2FFFF;
	_ =	strace $0x9FFFFFFF  }
0xc7: {  	(tm) =	ssettm $0x7FFFFFFF  }
tec
execute0_lowered:
.L_overlay_start_1:
0x0: {  	(tag) =	ssettag $0x1  }
0x1: {  	s1 =	rddreg [dreg:$0x0]  }
0x2: {  	s0 =	rddreg [dreg:$0x1]  }
0x3: {  	s5 =	rddreg [dreg:$0x4];
	s13 =	stileid.u32  }
0x4: {  	s2 =	srdreg.scid;
	s6 =	simm.s32 $0x0;
	v0 =	vimm.s32 $0xEFCDAB89;
	s15 =	simm.s32 $0x5  }
0x5: {  	v1 =	vimm.s32 $0x67452301;
	v2 =	vimm.s32 $0xDCFE98BA;
	s18 =	simm.s32 $0x40;
	s19 =	simm.s32 $0x3400;
	s20 =	simm.s32 $0x3600  }
0x6: {  	v3 =	vimm.s32 $0x54761032;
	s21 =	simm.s32 $0x3480;
	s22 =	simm.s32 $0x5600;
	s23 =	simm.s32 $0x3500  }
0x7: {  	v4 =	vimm.s32 $0xBA98FEDC;
	v5 =	vimm.s32 $0x32107654;
	s24 =	simm.s32 $0x7600;
	s28 =	simm.s32 $0x1;
	s3 =	smul.u32 $0x13C00, s13  }
0x8: {  	v6 =	vimm.s32 $0xFEDCBA98;
	v7 =	vimm.s32 $0x76543210;
	s29 =	simm.s32 $0x2;
	s30 =	simm.s32 $0x3;
	s8 =	smul.u32 $0x4F000, s13  }
0x9: {  	s31 =	simm.s32 $0x4;
	s2 =	sand.u32 $0x1, s2;
	v0 =	vunpack.c.l.s4.s8 v0;
	s10 =	smul.u32 $0x380, s13;
	v1 =	vunpack.c.l.s4.s8 v1;
	v2 =	vunpack.c.l.s4.s8 v2  }
0xa: {  	[smem:$0x7FF] =	sst s6;
	s7 =	sadd.s32 $0xB600, s0;
	s12 =	smul.u32 $0x680, s13;
	v3 =	vunpack.c.l.s4.s8 v3;
	v4 =	vunpack.c.l.s4.s8 v4;
	v5 =	vunpack.c.l.s4.s8 v5  }
0xb: {  	s11 =	sadd.s32 $0x1600, s0;
	s26 =	sshll.u32 s13, $0x6;
	v6 =	vunpack.c.l.s4.s8 v6;
	s4 =	smul.u32 $0x13C000, s2;
	v0 =	vunpack.c.0.s8.s32 v0;
	v1 =	vunpack.c.0.s8.s32 v1  }
0xc: {  	v7 =	vunpack.c.l.s4.s8 v7;
	_ =	strace $0x80000047;
	s25 =	ssub.s32 $0x2, s2;
	p0 =	sne.s32 s2, $0x0;
	v2 =	vunpack.c.0.s8.s32 v2;
	v3 =	vunpack.c.0.s8.s32 v3  }
0xd: {  	s9 =	sshrl.u32 s25, $0x1;
	s8 =	sshrl.u32 s8, $0x2;
	s10 =	sadd.s32 s10, s11;
	v4 =	vunpack.c.0.s8.s32 v4;
	v5 =	vunpack.c.0.s8.s32 v5;
	v0 =	vcombine.low v1, v0  }
0xe: {  	s11 =	sadd.s32 s11, s12;
	v50 =	vunpack.c.0.s8.s32 v6;
	s4 =	sadd.s32 s3, s4;
	s3 =	sshrl.u32 s3, $0x3;
	v2 =	vcombine.low v3, v2  }
.Ltmp0:
0xf: {  	v52 =	vunpack.c.0.s8.s32 v7;
	s14 =	sadd.s32 s8, s5;
	s10 =	sadd.s32 $0x6800, s10;
	v51 =	vcombine.low v5, v4;
	v63 =	vand.u32 $0xF, v0;
	(pc) =	sbr.rel .LBB2_1-.Ltmp0, $4  }
0x10: {  	s4 =	sshrl.u32 s4, $0x3;
	s3 =	sadd.s32 s3, s0;
	s14 =	sshrl.u32 s14, $0x3;
	v53 =	vand.u32 $0xF, v50;
	v62 =	vand.u32 $0xF, v2;
	[tilespmem:$0x1FFC0] =	vst v63  }
0x11: {  	s0 =	sadd.s32 s4, s0;
	s4 =	ssub.s32 s25, s9;
	s8 =	sadd.s32 $0x32800, s3;
	v58 =	vcombine.low v53, v52;
	v56 =	vand.u32 $0xF, v51;
	[tilespmem:$0x1FFD0] =	vst v62  }
0x12: {  	s9 =	sor.u32 $0x1C05, s26;
	s25 =	simm.s32 $0x3580;
	s26 =	simm.s32 $0x9600;
	[tilespmem:$0x1FFE0] =	vst v56  }
0x13: {  	s12 =	sadd.s32 $0x5A000, s0;
	s13 =	smax.u32 s4, $0x1;
	s0 =	simm.s32 $0x0;
	[tilespmem:$0x1FFF0] =	vst v58  }
.LBB2_14:
0x14: {  	s0 =	sadd.s32 $0x1, s0  }
0x15: {  	p1 =	sne.s32 s0, s13  }
.Ltmp1:
0x16: {  	[bflag:$0x0] =	sbarrier.arrive $0xFFFF;
	(pc) =	sbr.rel @!p1 .LBB2_15-.Ltmp1, $4  }
0x17: {  	[hbm:s12], [sflag:s9] =	dma.local [spmem:s14], $0x2780  }
0x18: {  	_ =	swait.ge [sflag:s15], $0x2780  }
0x19: {  	[sflag:s15] =	ssyncset.done $0x0  }
0x1a: {  	[sflag:s15] =	ssyncadd.s32 $0xFFFFD880  }
.LBB2_1:
0x1b: {  	[spmem:s14], [sflag:s9] =	dma.local [hbm:s8], $0x2780  }
0x1c: {  	_ =	swait.ge [sflag:s15], $0x2780  }
0x1d: {  	[sflag:s15] =	ssyncset.done $0x0  }
0x1e: {  	[sflag:s15] =	ssyncadd.s32 $0xFFFFD880  }
0x1f: {  	s3 =	simm.s32 $0xB600;
	s2 =	rddreg [dreg:$0x2]  }
0x20: {  	[tilespmem:s3], [sflag:$0x5] =	stream.linear.gather [hbm4b:s2+s6], $0x80, $0x38;
	[tilespmem:$0x1F300] =	vst v63  }
0x21: {  	_ =	swait.ge [sflag:s15], $0x80  }
0x22: {  	[sflag:s15] =	ssyncset.done $0x0  }
0x23: {  	[sflag:s15] =	ssyncadd.s32 $0xFFFFFF80  }
0x24: {  	s17 =	simm.s32 $0xB680;
	s16 =	rddreg [dreg:$0x3]  }
0x25: {  	[tilespmem:s17], [sflag:$0x5] =	stream.linear.gather [hbm4b:s16+s6], $0x80, $0x38;
	[tilespmem:$0x1F300] =	vst v63  }
0x26: {  	_ =	swait.ge [sflag:s15], $0x80  }
0x27: {  	[sflag:s15] =	ssyncset.done $0x0  }
0x28: {  	[sflag:s15] =	ssyncadd.s32 $0xFFFFFF80  }
0x29: {  	[bflag:$0x0] =	sbarrier.arrive $0xFFFF  }
0x2a: {  	v0 =	vld [tilespmem:$0xB670]  }
0x2b: {  	v48 =	vld [tilespmem:$0xB6D0]  }
0x2c: {  	v49 =	vld [tilespmem:$0xB6E0]  }
0x2d: {  	v53 =	vld [tilespmem:$0xB600]  }
0x2e: {  	v54 =	vld [tilespmem:$0xB610]  }
0x2f: {  	v50 =	vld [tilespmem:$0xB620];
	[tilespmem:$0x1FEC0] =	vst v0  }
0x30: {  	v51 =	vld [tilespmem:$0xB630];
	[tilespmem:$0x1FED0] =	vst v48  }
0x31: {  	v55 =	vld [tilespmem:$0xB640];
	[tilespmem:$0x1FEE0] =	vst v49  }
0x32: {  	v59 =	vld [tilespmem:$0xB650];
	[tilespmem:$0x1FEF0] =	vst v53  }
0x33: {  	v57 =	vld [tilespmem:$0xB680];
	[tilespmem:$0x1FF00] =	vst v54  }
0x34: {  	v60 =	vld [tilespmem:$0xB690];
	[tilespmem:$0x1FF10] =	vst v50  }
0x35: {  	v52 =	vld [tilespmem:$0xB660];
	[tilespmem:$0x1FF20] =	vst v51  }
0x36: {  	v61 =	vld [tilespmem:$0xB6A0];
	[tilespmem:$0x1FF30] =	vst v55  }
0x37: {  	v8 =	vld [tilespmem:$0xB6B0];
	[tilespmem:$0x1FF40] =	vst v59  }
0x38: {  	v33 =	vld [tilespmem:$0xB6F0];
	[tilespmem:$0x1FF50] =	vst v57  }
0x39: {  	v18 =	vld [tilespmem:$0xB6C0];
	[tilespmem:$0x1FF60] =	vst v60  }
.Ltmp2:
0x3a: {  	[tilespmem:$0x1FF70] =	vst v52;
	(pc) =	sbr.rel @p0 .LBB2_8-.Ltmp2, $4  }
0x3b: {  	[tilespmem:$0x1FF80] =	vst v61  }
0x3c: {  	[tilespmem:$0x1FF90] =	vst v8  }
0x3d: {  	[tilespmem:$0x1FFA0] =	vst v33  }
0x3e: {  	s2 =	simm.s32 $0x0;
	[tilespmem:$0x1FFB0] =	vst v18  }
0x3f: {  	[tilespmem:s2], [sflag:$0x5] =	stream.linear.gather [hbm4b:s11+s2], $0x3400, $0x38;
	[tilespmem:$0x1F300] =	vst v63  }
0x40: {  	_ =	swait.ge [sflag:s15], $0x3400  }
0x41: {  	[sflag:s15] =	ssyncset.done $0x0  }
0x42: {  	[sflag:s15] =	ssyncadd.s32 $0xFFFFCC00  }
0x43: {  	v4 =	vld [tilespmem:$0x0];
	_ =	sdelay $0x1  }
0x44: {  	v5 =	vld [tilespmem:$0x10];
	_ =	sdelay $0x1  }
0x45: {  	v6 =	vld [tilespmem:$0x20]  }
0x46: {  	v7 =	vand.u32 $0xFFFF, v4  }
0x47: {  	v53 =	vld [tilespmem:$0x30];
	v4 =	vshrl.u32 v4, $0x10;
	[tilespmem:$0x3400] =	vst v7  }
0x48: {  	v54 =	vand.u32 $0xFFFF, v5;
	[tilespmem:$0x3480] =	vst v4  }
0x49: {  	v55 =	vshrl.u32 v5, $0x10;
	[tilespmem:$0x3410] =	vst v54  }
0x4a: {  	v57 =	vand.u32 $0xFFFF, v6;
	[tilespmem:$0x3490] =	vst v55  }
0x4b: {  	v59 =	vshrl.u32 v6, $0x10;
	[tilespmem:$0x3420] =	vst v57  }
0x4c: {  	v60 =	vand.u32 $0xFFFF, v53;
	[tilespmem:$0x34A0] =	vst v59  }
0x4d: {  	v61 =	vshrl.u32 v53, $0x10;
	[tilespmem:$0x3430] =	vst v60  }
0x4e: {  	[tilespmem:$0x34B0] =	vst v61  }
0x4f: {  	[tilespmem:s20], [sflag:$0x1] =	stream.indirect.gather [hbm4b:s1+s18], $0x80, s19, s18, $0xb8;
	[tilespmem:$0x1F300] =	vst v63  }
0x50: {  	_ = 	snop  }
0x51: {  	v0 =	vld [tilespmem:$0x1FEC0];
	[tilespmem:s22], [sflag:$0x2] =	stream.indirect.gather [hbm4b:s7+s18], $0x80, s21, s18, $0xb8  }
.LBB2_3:
0x52: {  	s3 =	sshll.u32 s2, $0x7  }
0x53: {  	s3 =	sand.u32 $0x3FFFFF80, s3  }
0x54: {  	v4 =	vld [tilespmem:s3+$0x40];
	_ =	sdelay $0x4  }
0x55: {  	v5 =	vand.u32 $0xFFFF, v4  }
0x56: {  	v4 =	vshrl.u32 v4, $0x10;
	[tilespmem:$0x3500] =	vst v5  }
0x57: {  	[tilespmem:$0x3580] =	vst v4  }
0x58: {  	v4 =	vld [tilespmem:s3+$0x50];
	_ =	sdelay $0x4  }
0x59: {  	v5 =	vand.u32 $0xFFFF, v4  }
0x5a: {  	v4 =	vshrl.u32 v4, $0x10;
	[tilespmem:$0x3510] =	vst v5  }
0x5b: {  	[tilespmem:$0x3590] =	vst v4  }
0x5c: {  	v4 =	vld [tilespmem:s3+$0x60];
	_ =	sdelay $0x4  }
0x5d: {  	v5 =	vand.u32 $0xFFFF, v4  }
0x5e: {  	v4 =	vshrl.u32 v4, $0x10;
	[tilespmem:$0x3520] =	vst v5  }
0x5f: {  	[tilespmem:$0x35A0] =	vst v4  }
0x60: {  	v4 =	vld [tilespmem:s3+$0x70];
	_ =	sdelay $0x4  }
0x61: {  	v5 =	vand.u32 $0xFFFF, v4  }
0x62: {  	v4 =	vshrl.u32 v4, $0x10;
	[tilespmem:$0x3530] =	vst v5  }
0x63: {  	[tilespmem:$0x35B0] =	vst v4  }
0x64: {  	[tilespmem:s24], [sflag:$0x3] =	stream.indirect.gather [hbm4b:s1+s18], $0x80, s23, s18, $0xb8;
	[tilespmem:$0x1F300] =	vst v63  }
0x65: {  	_ = 	snop  }
0x66: {  	[tilespmem:s26], [sflag:$0x4] =	stream.indirect.gather [hbm4b:s7+s18], $0x80, s25, s18, $0xb8;
	[tilespmem:$0x1F300] =	vst v63  }
0x67: {  	_ =	swait.ge [sflag:s28], $0x2000  }
0x68: {  	[sflag:s28] =	ssyncset.done $0x0  }
0x69: {  	[sflag:s28] =	ssyncadd.s32 $0xFFFFE000  }
0x6a: {  	_ =	swait.ge [sflag:s29], $0x2000  }
0x6b: {  	[sflag:s29] =	ssyncset.done $0x0  }
0x6c: {  	s3 =	simm.s32 $0x3700;
	[sflag:s29] =	ssyncadd.s32 $0xFFFFE000  }
0x6d: {  	s4 =	simm.s32 $0x5700;
	v4 =	vld [tilespmem:s3+$0x80]  }
0x6e: {  	v5 =	vld [tilespmem:s4+$0x80]  }
0x6f: {  	v6 =	vld [tilespmem:s3+$0x90]  }
0x70: {  	v7 =	vld [tilespmem:s4+$0x90]  }
0x71: {  	v8 =	vld [tilespmem:s3+$0xA0]  }
0x72: {  	v9 =	vld [tilespmem:s4+$0xA0]  }
0x73: {  	v20 =	vld [tilespmem:s3+$0xB0]  }
0x74: {  	v21 =	vld [tilespmem:s4+$0xB0]  }
0x75: {  	v24 =	vld [tilespmem:s3+$0xC0]  }
0x76: {  	v27 =	vld [tilespmem:s4+$0xC0]  }
0x77: {  	v28 =	vld [tilespmem:s3+$0xD0]  }
0x78: {  	v29 =	vld [tilespmem:s4+$0xD0]  }
0x79: {  	v30 =	vld [tilespmem:s3+$0xE0]  }
0x7a: {  	v31 =	vld [tilespmem:s4+$0xE0]  }
0x7b: {  	v32 =	vld [tilespmem:s3+$0xF0]  }
0x7c: {  	v53 =	vld [tilespmem:s4+$0xF0]  }
0x7d: {  	v34 =	vld [tilespmem:s3+$0xFFFFFF10]  }
0x7e: {  	v35 =	vld [tilespmem:s4+$0xFFFFFF10]  }
0x7f: {  	v36 =	vld [tilespmem:s3+$0xFFFFFF20]  }
0x80: {  	v37 =	vld [tilespmem:s4+$0xFFFFFF20]  }
0x81: {  	v38 =	vld [tilespmem:s3+$0xFFFFFF30];
	v26 =	vadd.f32 v5, v4;
	v25 =	vadd.f32 v7, v6  }
0x82: {  	v39 =	vld [tilespmem:s3+$0xFFFFFF60];
	v22 =	vadd.f32 v9, v8;
	v23 =	vadd.f32 v21, v20  }
0x83: {  	v42 =	vld [tilespmem:s4+$0xFFFFFF60];
	v24 =	vadd.f32 v27, v24;
	v21 =	vadd.f32 v29, v28  }
0x84: {  	v45 =	vld [tilespmem:s3+$0xFFFFFF70];
	v20 =	vadd.f32 v31, v30;
	v27 =	vadd.f32 v53, v32  }
0x85: {  	v46 =	vld [tilespmem:s4+$0xFFFFFF70];
	v8 =	vadd.f32 v25, v26;
	v9 =	vadd.f32 v23, v22  }
0x86: {  	v55 =	vld [tilespmem:s3+$0xFFFFFF80];
	v28 =	vmul.f32 v26, v26;
	v29 =	vadd.f32 v21, v24;
	v31 =	vmul.f32 v25, v25  }
0x87: {  	v1 =	vmovc v33;
	v61 =	vld [tilespmem:s4+$0xFFFFFF80];
	v54 =	vmul.f32 v22, v22;
	v33 =	vadd.f32 v27, v20;
	v40 =	vmul.f32 v23, v23  }
0x88: {  	v12 =	vld [tilespmem:s4+$0xFFFFFF90];
	v41 =	vmul.f32 v24, v24;
	v43 =	vmul.f32 v21, v21;
	v8 =	vadd.f32 v9, v8  }
0x89: {  	v4 =	vld [tilespmem:s4+$0xFFFFFF30];
	v44 =	vmul.f32 v20, v20;
	v9 =	vadd.f32 v33, v29;
	v31 =	vadd.f32 v31, v28  }
0x8a: {  	v5 =	vld [tilespmem:s3+$0xFFFFFF40];
	v29 =	vmul.f32 v27, v27;
	v32 =	vadd.f32 v40, v54;
	v60 =	vadd.f32 v43, v41  }
0x8b: {  	v6 =	vld [tilespmem:s4+$0xFFFFFF40];
	v28 =	vadd.f32 v35, v34;
	v34 =	vadd.f32 v42, v39  }
0x8c: {  	v7 =	vld [tilespmem:s3+$0xFFFFFF50];
	v35 =	vadd.f32 v46, v45;
	v29 =	vadd.f32 v29, v44  }
0x8d: {  	v30 =	vld [tilespmem:s4+$0xFFFFFF50];
	v8 =	vadd.f32 v9, v8;
	v2 =	vadd.f32 v32, v31  }
0x8e: {  	v9 =	vld [tilespmem:s3+$0xFFFFFF90];
	v32 =	vadd.f32 v37, v36;
	v31 =	vadd.f32 v4, v38  }
0x8f: {  	v51 =	vld [tilespmem:s4+$0xFFFFFFD0];
	v36 =	vadd.f32 v61, v55;
	v33 =	vadd.f32 v29, v60  }
0x90: {  	v42 =	vld [tilespmem:s3+$0xFFFFFFC0];
	v61 =	vadd.f32 v35, v34;
	v29 =	vadd.f32 v6, v5;
	v6 =	vperm.xlane v8, v63  }
0x91: {  	v45 =	vld [tilespmem:s3+$0xFFFFFFD0];
	v13 =	vmul.f32 v32, v32;
	v48 =	vadd.f32 v31, v32;
	v5 =	vadd.f32 v33, v2  }
0x92: {  	v4 =	vld [tilespmem:s3+$0xFFFFFFA0];
	v33 =	vadd.f32 v30, v7;
	v30 =	vmul.f32 v31, v31;
	v6 =	vadd.f32 v8, v6  }
0x93: {  	v38 =	vld [tilespmem:s4+$0xFFFFFFA0];
	v14 =	vmul.f32 v29, v29;
	v37 =	vadd.f32 v12, v9;
	v8 =	vperm.xlane v5, v63  }
0x94: {  	v44 =	vld [tilespmem:s4+$0xFFFFFFB0];
	v15 =	vadd.f32 v33, v29;
	v57 =	vmul.f32 v33, v33;
	v49 =	vperm.xlane v6, v62  }
0x95: {  	v50 =	vadd.f32 v30, v13;
	v5 =	vadd.f32 v8, v5;
	v8 =	vld [tilespmem:s4+$0xFFFFFFC0]  }
0x96: {  	v59 =	vadd.f32 v57, v14;
	v6 =	vadd.f32 v6, v49;
	v14 =	vld [tilespmem:s3+$0xFFFFFFF0]  }
0x97: {  	v30 =	vmul.f32 v34, v34;
	v53 =	vadd.f32 v61, v15;
	v15 =	vld [tilespmem:s4+$0xFFFFFFF0];
	v60 =	vperm.xlane v5, v62  }
0x98: {  	v7 =	vld [tilespmem:s3+$0xFFFFFFB0];
	v2 =	vmovc v62;
	v4 =	vadd.f32 v38, v4;
	v62 =	vmul.f32 v35, v35;
	v9 =	vperm.xlane v6, v56  }
0x99: {  	v52 =	vld [tilespmem:s3+$0xFFFFFFE0];
	v39 =	vadd.f32 v51, v45;
	v12 =	vadd.f32 v60, v5  }
0x9a: {  	v46 =	vld [tilespmem:s3+$0x0];
	v55 =	vmul.f32 v4, v4;
	v5 =	vadd.f32 v62, v30;
	v6 =	vadd.f32 v6, v9  }
0x9b: {  	v13 =	vld [tilespmem:s4+$0xFFFFFFE0];
	v30 =	vmul.f32 v36, v36;
	v60 =	vadd.f32 v37, v36;
	v38 =	vadd.f32 v8, v42  }
0x9c: {  	v42 =	vld [tilespmem:s3+$0x20];
	v40 =	vadd.f32 v15, v14;
	v9 =	vperm.xlane v12, v56;
	v54 =	vadd.f32 v5, v59  }
0x9d: {  	v59 =	vmul.f32 v37, v37;
	v5 =	vadd.f32 v44, v7;
	v7 =	vperm.xlane v6, v58;
	v44 =	vld [tilespmem:s4+$0x20]  }
0x9e: {  	v43 =	vld [tilespmem:s4+$0x0];
	v14 =	vmul.f32 v39, v39;
	v45 =	vmul.f32 v38, v38;
	v9 =	vadd.f32 v9, v12  }
0x9f: {  	v57 =	vld [tilespmem:s3+$0x10];
	v61 =	vadd.f32 v59, v30;
	v6 =	vadd.f32 v6, v7;
	v8 =	vmul.f32 v5, v5  }
0xa0: {  	v49 =	vld [tilespmem:s3+$0x30];
	v62 =	vadd.f32 v5, v4;
	v45 =	vadd.f32 v14, v45;
	v7 =	vperm.xlane v9, v58  }
0xa1: {  	v59 =	vld [tilespmem:s4+$0x10];
	v30 =	vmul.f32 $7.812500000e-03, v6;
	v8 =	vadd.f32 v8, v55;
	v6 =	vadd.f32 v13, v52  }
0xa2: {  	v3 =	vmov v56;
	v56 =	vld [tilespmem:s3+$0x40];
	v13 =	vadd.f32 v39, v38;
	v42 =	vadd.f32 v44, v42  }
0xa3: {  	v52 =	vld [tilespmem:s4+$0x30];
	v7 =	vadd.f32 v7, v9;
	v9 =	vadd.f32 v62, v60  }
0xa4: {  	v8 =	vadd.f32 v8, v61;
	v60 =	vadd.f32 v40, v6;
	v61 =	vld [tilespmem:s4+$0x40]  }
0xa5: {  	v47 =	vld [tilespmem:s4+$0xFFFFFF00];
	v12 =	vmul.f32 v30, v30;
	v26 =	vsub.f32 v26, v30;
	v7 =	vmul.f32 $7.812500000e-03, v7  }
0xa6: {  	v55 =	vld [tilespmem:s4+$0x50];
	v15 =	vmul.f32 v6, v6;
	v41 =	vadd.f32 v59, v57;
	v13 =	vadd.f32 v60, v13  }
0xa7: {  	v10 =	vmovc v58;
	v58 =	vld [tilespmem:s3+$0x60];
	v51 =	vsub.f32 v7, v12;
	v12 =	vmul.f32 v40, v40;
	v7 =	vadd.f32 v43, v46  }
0xa8: {  	v9 =	vadd.f32 v13, v9;
	v43 =	vadd.f32 v52, v49;
	v49 =	vld [tilespmem:s3+$0xFFFFFF00]  }
0xa9: {  	v46 =	vld [tilespmem:s3+$0x50];
	v44 =	vadd.f32 v61, v56;
	v15 =	vadd.f32 v12, v15  }
0xaa: {  	v62 =	vld [tilespmem:s4+$0x60];
	v14 =	vmul.f32 v7, v7;
	v59 =	vadd.f32 v41, v7;
	v12 =	vmul.f32 v41, v41  }
0xab: {  	v13 =	vmul.f32 v42, v42;
	v56 =	vld [tilespmem:s3+$0x70];
	v51 =	vadd.f32 $9.999999740e-06, v51;
	v45 =	vadd.f32 v15, v45  }
0xac: {  	v57 =	vadd.f32 v12, v14;
	v14 =	vmul.f32 v43, v43;
	v15 =	vld [tilespmem:s4+$0x70];
	v12 =	vadd.f32 v43, v42  }
0xad: {  	v49 =	vadd.f32 v47, v49;
	v8 =	vadd.f32 v45, v8  }
0xae: {  	v45 =	vadd.f32 v55, v46;
	v52 =	vadd.f32 v14, v13  }
0xaf: {  	v55 =	vadd.f32 v12, v59;
	v13 =	vmul.f32 v44, v44;
	v46 =	vadd.f32 v62, v58  }
0xb0: {  	v58 =	vadd.f32 v45, v44;
	v14 =	vmul.f32 v45, v45;
	v52 =	vadd.f32 v52, v57  }
0xb1: {  	v57 =	vmul.f32 v28, v28;
	v47 =	vadd.f32 v15, v56;
	v15 =	vadd.f32 v28, v49  }
0xb2: {  	v12 =	vmul.f32 v46, v46;
	v59 =	vadd.f32 v14, v13;
	v13 =	vmul.f32 v49, v49  }
0xb3: {  	v62 =	vadd.f32 v47, v46;
	v48 =	vadd.f32 v48, v15;
	v14 =	vmul.f32 v47, v47  }
0xb4: {  	v11 =	vmovc v63;
	v15 =	vshrl.u32 v51, $0x1;
	v51 =	vmul.f32 $5.000000000e-01, v51;
	v57 =	vadd.f32 v57, v13  }
0xb5: {  	v60 =	vsub.s32 $0x5F3759DF, v15;
	v13 =	vperm.xlane v8, v11;
	v58 =	vadd.f32 v62, v58  }
0xb6: {  	v56 =	vadd.f32 v14, v12;
	v61 =	vmul.f32 v60, v51;
	v48 =	vadd.f32 v53, v48  }
0xb7: {  	v12 =	vperm.xlane v9, v11;
	v50 =	vadd.f32 v50, v57;
	v8 =	vadd.f32 v13, v8  }
0xb8: {  	v55 =	vadd.f32 v58, v55;
	v56 =	vadd.f32 v56, v59  }
0xb9: {  	v14 =	vperm.xlane v48, v11;
	v9 =	vadd.f32 v9, v12;
	v61 =	vmul.f32 v60, v61  }
0xba: {  	v50 =	vadd.f32 v54, v50;
	v57 =	vperm.xlane v8, v2;
	v15 =	vperm.xlane v55, v11  }
0xbb: {  	v52 =	vadd.f32 v56, v52;
	v48 =	vadd.f32 v48, v14;
	v63 =	vperm.xlane v9, v2  }
0xbc: {  	v54 =	vsub.f32 $1.500000000e+00, v61;
	v62 =	vperm.xlane v50, v11;
	v8 =	vadd.f32 v57, v8  }
0xbd: {  	v53 =	vadd.f32 v55, v15;
	v12 =	vperm.xlane v52, v11;
	v13 =	vperm.xlane v48, v2  }
0xbe: {  	v9 =	vadd.f32 v9, v63;
	v54 =	vmul.f32 v60, v54;
	v50 =	vadd.f32 v62, v50  }
0xbf: {  	v57 =	vperm.xlane v8, v3;
	v14 =	vperm.xlane v53, v2;
	v52 =	vadd.f32 v12, v52  }
0xc0: {  	v48 =	vadd.f32 v48, v13;
	v56 =	vperm.xlane v9, v3;
	v15 =	vperm.xlane v50, v2  }
0xc1: {  	v51 =	vmul.f32 v54, v51;
	v53 =	vadd.f32 v53, v14;
	v62 =	vperm.xlane v52, v2  }
0xc2: {  	v58 =	vperm.xlane v48, v3;
	v9 =	vadd.f32 v9, v56;
	v50 =	vadd.f32 v15, v50  }
0xc3: {  	v8 =	vadd.f32 v57, v8;
	v63 =	vperm.xlane v53, v3;
	v52 =	vadd.f32 v62, v52  }
0xc4: {  	v48 =	vadd.f32 v48, v58;
	v56 =	vperm.xlane v9, v10;
	v2 =	vperm.xlane v50, v3  }
0xc5: {  	v57 =	vperm.xlane v8, v10;
	v53 =	vadd.f32 v53, v63;
	v12 =	vperm.xlane v52, v3  }
0xc6: {  	v58 =	vperm.xlane v48, v10;
	v9 =	vadd.f32 v9, v56;
	v50 =	vadd.f32 v2, v50  }
0xc7: {  	v8 =	vadd.f32 v57, v8;
	v13 =	vperm.xlane v53, v10;
	v52 =	vadd.f32 v12, v52  }
0xc8: {  	v48 =	vadd.f32 v48, v58;
	v9 =	vmul.f32 $7.812500000e-03, v9;
	v14 =	vperm.xlane v50, v10  }
0xc9: {  	v8 =	vmul.f32 $7.812500000e-03, v8;
	v53 =	vadd.f32 v53, v13;
	v15 =	vperm.xlane v52, v10  }
0xca: {  	v48 =	vmul.f32 $7.812500000e-03, v48;
	v57 =	vmul.f32 v9, v9;
	v50 =	vadd.f32 v14, v50  }
0xcb: {  	v51 =	vmul.f32 v51, v54;
	v53 =	vmul.f32 $7.812500000e-03, v53;
	v52 =	vadd.f32 v15, v52  }
0xcc: {  	v58 =	vmul.f32 v48, v48;
	v8 =	vsub.f32 v8, v57;
	v50 =	vmul.f32 $7.812500000e-03, v50  }
0xcd: {  	v25 =	vsub.f32 v25, v30;
	v52 =	vmul.f32 $7.812500000e-03, v52;
	v59 =	vmul.f32 v53, v53  }
0xce: {  	v8 =	vadd.f32 $9.999999740e-06, v8;
	v50 =	vsub.f32 v50, v58  }
0xcf: {  	v51 =	vsub.f32 $1.500000000e+00, v51;
	v52 =	vsub.f32 v52, v59  }
0xd0: {  	v62 =	vshrl.u32 v8, $0x1;
	v8 =	vmul.f32 $5.000000000e-01, v8;
	v50 =	vadd.f32 $9.999999740e-06, v50  }
0xd1: {  	v36 =	vsub.f32 v36, v9;
	v37 =	vsub.f32 v37, v9;
	v55 =	vsub.s32 $0x5F3759DF, v62  }
0xd2: {  	v52 =	vadd.f32 $9.999999740e-06, v52;
	v13 =	vmul.f32 v55, v8;
	v63 =	vshrl.u32 v50, $0x1  }
0xd3: {  	v4 =	vsub.f32 v4, v9;
	v50 =	vmul.f32 $5.000000000e-01, v50;
	v56 =	vsub.s32 $0x5F3759DF, v63  }
0xd4: {  	v2 =	vshrl.u32 v52, $0x1;
	v52 =	vmul.f32 $5.000000000e-01, v52;
	v59 =	vmul.f32 v55, v13  }
0xd5: {  	v5 =	vsub.f32 v5, v9;
	v12 =	vmul.f32 v56, v50;
	v57 =	vsub.s32 $0x5F3759DF, v2  }
0xd6: {  	v38 =	vsub.f32 v38, v9;
	v14 =	vmul.f32 v57, v52;
	v59 =	vsub.f32 $1.500000000e+00, v59  }
0xd7: {  	v6 =	vsub.f32 v6, v9;
	v49 =	vsub.f32 v49, v48;
	v58 =	vmul.f32 v56, v12  }
0xd8: {  	v28 =	vsub.f32 v28, v48;
	v15 =	vmul.f32 v57, v14;
	v55 =	vmul.f32 v55, v59  }
0xd9: {  	v51 =	vmul.f32 v51, v54;
	v32 =	vsub.f32 v32, v48;
	v58 =	vsub.f32 $1.500000000e+00, v58  }
0xda: {  	v31 =	vsub.f32 v31, v48;
	v60 =	vsub.f32 $1.500000000e+00, v15;
	v8 =	vmul.f32 v55, v8  }
0xdb: {  	v29 =	vsub.f32 v29, v48;
	v33 =	vsub.f32 v33, v48;
	v56 =	vmul.f32 v56, v58  }
0xdc: {  	v62 =	vsub.f32 v39, v9;
	v57 =	vmul.f32 v57, v60;
	v8 =	vmul.f32 v8, v55  }
0xdd: {  	v63 =	vsub.f32 v40, v9;
	v9 =	vsub.f32 v27, v30;
	v50 =	vmul.f32 v56, v50  }
0xde: {  	v34 =	vsub.f32 v34, v48;
	v52 =	vmul.f32 v57, v52;
	v8 =	vsub.f32 $1.500000000e+00, v8  }
0xdf: {  	v35 =	vsub.f32 v35, v48;
	v9 =	vmul.f32 v51, v9;
	v50 =	vmul.f32 v50, v56  }
0xe0: {  	v7 =	vsub.f32 v7, v53;
	v52 =	vmul.f32 v52, v57;
	v8 =	vmul.f32 v8, v55  }
0xe1: {  	v27 =	vmul.f32 v51, v26;
	v2 =	vmul.f32 v9, v0;
	v50 =	vsub.f32 $1.500000000e+00, v50  }
0xe2: {  	v14 =	vsub.f32 v22, v30;
	v59 =	vsub.f32 $1.500000000e+00, v52;
	v39 =	vmul.f32 v8, v4  }
0xe3: {  	v4 =	vsub.f32 v46, v53;
	v9 =	vmul.f32 v8, v62;
	v50 =	vmul.f32 v50, v56  }
0xe4: {  	v26 =	vmul.f32 v8, v63;
	v46 =	vsub.f32 v21, v30;
	v21 =	vmul.f32 v51, v14  }
0xe5: {  	v42 =	vsub.f32 v42, v53;
	v52 =	vmul.f32 v59, v57;
	v56 =	vmul.f32 v50, v28  }
0xe6: {  	v43 =	vsub.f32 v43, v53;
	v57 =	vmul.f32 v50, v32;
	v58 =	vmul.f32 v50, v31  }
0xe7: {  	v44 =	vsub.f32 v44, v53;
	v59 =	vmul.f32 v50, v29;
	v48 =	vmul.f32 v50, v33  }
0xe8: {  	v12 =	vsub.f32 v45, v53;
	v40 =	vmul.f32 v50, v34;
	v33 =	vmul.f32 v50, v35  }
0xe9: {  	v54 =	vld [tilespmem:$0x1FF00];
	v28 =	vsub.f32 v41, v53;
	v41 =	vmul.f32 v8, v36;
	v35 =	vmul.f32 v8, v37  }
0xea: {  	v31 =	vmul.f32 v8, v5;
	v32 =	vmul.f32 v8, v38;
	v5 =	vsub.f32 v47, v53;
	v53 =	vld [tilespmem:$0x1FEF0]  }
0xeb: {  	v15 =	vsub.f32 v23, v30;
	v29 =	vmul.f32 v8, v6;
	v6 =	vmul.f32 v51, v25  }
0xec: {  	v60 =	vld [tilespmem:$0x1FF50];
	v8 =	vmul.f32 v52, v7;
	v7 =	vsub.f32 v24, v30;
	v24 =	vmul.f32 v52, v43  }
0xed: {  	v61 =	vld [tilespmem:$0x1FF60];
	v34 =	vadd.f32 v2, v1;
	v25 =	vmul.f32 v52, v44;
	v22 =	vmul.f32 v52, v12  }
0xee: {  	v30 =	vsub.f32 v20, v30;
	v23 =	vmul.f32 v52, v4;
	v20 =	vmul.f32 v52, v5  }
0xef: {  	v4 =	vmul.f32 v6, v54;
	v13 =	vmul.f32 v27, v53  }
0xf0: {  	v55 =	vld [tilespmem:$0x1FF30];
	v34 =	vmax.f32 v34, $0.0e+00;
	v5 =	vmul.f32 v51, v15;
	v7 =	vmul.f32 v51, v7  }
0xf1: {  	v27 =	vmul.f32 v52, v28;
	v28 =	vmul.f32 v52, v42;
	v52 =	vld [tilespmem:$0x1FF20];
	[tilespmem:s3+$0xF0] =	vst v34;
	v47 =	vadd.f32 v13, v60  }
0xf2: {  	v6 =	vmul.f32 v51, v30;
	v62 =	vadd.f32 v4, v61;
	v4 =	vmul.f32 v51, v46;
	v51 =	vld [tilespmem:$0x1FF10]  }
0xf3: {  	v49 =	vmul.f32 v50, v49;
	v30 =	vmax.f32 v47, $0.0e+00  }
0xf4: {  	[tilespmem:s3+$0x80] =	vst v30;
	v30 =	vmax.f32 v62, $0.0e+00  }
0xf5: {  	v63 =	vmul.f32 v49, v53;
	[tilespmem:s3+$0x90] =	vst v30  }
0xf6: {  	v38 =	vmul.f32 v56, v54;
	v34 =	vmul.f32 v59, v55;
	v56 =	vld [tilespmem:$0x1FED0]  }
0xf7: {  	s16 =	simm.s32 $0x0;
	s17 =	simm.s32 $0x3900;
	v37 =	vmul.f32 v58, v52;
	v62 =	vmovc v0;
	v36 =	vmul.f32 v57, v51;
	v30 =	vadd.f32 v63, v60;
	v57 =	vld [tilespmem:$0x1FEE0]  }
.LBB2_4:
0xf8: {  	v42 =	vld [tilespmem:s17+$0x80]  }
0xf9: {  	v11 =	vld [tilespmem:$0x1FF40]  }
0xfa: {  	v2 =	vld [tilespmem:$0x1FF70]  }
0xfb: {  	v3 =	vld [tilespmem:$0x1FF80]  }
0xfc: {  	v45 =	vld [tilespmem:s17+$0x90]  }
0xfd: {  	v1 =	vld [tilespmem:$0x1FF90]  }
0xfe: {  	v47 =	vld [tilespmem:s17+$0xA0]  }
0xff: {  	v31 =	vmul.f32 v31, v52;
	v52 =	vld [tilespmem:s17+$0xB0]  }
0x100: {  	v0 =	vld [tilespmem:$0x1FFA0]  }
0x101: {  	v63 =	vld [tilespmem:$0x1FF00]  }
0x102: {  	v12 =	vld [tilespmem:$0x1FF20]  }
0x103: {  	v13 =	vld [tilespmem:$0x1FF30]  }
0x104: {  	s4 =	sadd.s32 $0x200, s4;
	v14 =	vld [tilespmem:$0x1FF20]  }
0x105: {  	v44 =	vld [tilespmem:s4+$0x80]  }
0x106: {  	v15 =	vmul.f32 v39, v51;
	v39 =	vld [tilespmem:s4+$0x90]  }
0x107: {  	v49 =	vld [tilespmem:s4+$0xA0]  }
0x108: {  	v32 =	vmul.f32 v32, v55;
	v28 =	vmul.f32 v28, v51;
	v55 =	vld [tilespmem:s4+$0xB0]  }
0x109: {  	v50 =	vmul.f32 v8, v53;
	v8 =	vmul.f32 v21, v51;
	v51 =	vld [tilespmem:$0x1FED0]  }
0x10a: {  	v41 =	vmul.f32 v41, v53;
	v35 =	vmul.f32 v35, v54;
	v53 =	vld [tilespmem:$0x1FEE0]  }
0x10b: {  	v33 =	vmul.f32 v33, v62;
	v26 =	vmul.f32 v26, v62;
	v21 =	vld [tilespmem:$0x1FFD0]  }
0x10c: {  	v38 =	vadd.f32 v38, v61;
	v58 =	vadd.f32 v35, v61;
	v61 =	vld [tilespmem:s4+$0xC0];
	v43 =	vmul.f32 v48, v11  }
0x10d: {  	v48 =	vmul.f32 v9, v11;
	v9 =	vmul.f32 v20, v62;
	v62 =	vld [tilespmem:s17+$0xD0]  }
0x10e: {  	v27 =	vmul.f32 v27, v63;
	v63 =	vadd.f32 v15, v3;
	v15 =	vld [tilespmem:$0x1FF30]  }
0x10f: {  	v35 =	vmul.f32 v6, v2;
	v6 =	vld [tilespmem:s17+$0xE0]  }
0x110: {  	v40 =	vmul.f32 v40, v2;
	v46 =	vadd.f32 v37, v1;
	v24 =	vmul.f32 v24, v12;
	v12 =	vld [tilespmem:$0x1FF50]  }
0x111: {  	v25 =	vmul.f32 v25, v13;
	v37 =	vmul.f32 v5, v14;
	v13 =	vld [tilespmem:$0x1FF60];
	v14 =	vadd.f32 v28, v3  }
0x112: {  	v43 =	vadd.f32 v43, v56;
	v40 =	vadd.f32 v40, v57;
	v57 =	vld [tilespmem:s17+$0xC0]  }
0x113: {  	v56 =	vadd.f32 v32, v18;
	v32 =	vmul.f32 v4, v11;
	[tilespmem:$0x1FE80] =	vst v35;
	v4 =	vmax.f32 v30, $0.0e+00;
	v30 =	vld [tilespmem:s4+$0xE0]  }
0x114: {  	[tilespmem:s3+$0xFFFFFF00] =	vst v4;
	v4 =	vmax.f32 v38, $0.0e+00;
	v38 =	vld [tilespmem:s17+$0xF0]  }
0x115: {  	v36 =	vadd.f32 v36, v3;
	[tilespmem:$0x1FE20] =	vst v14;
	v5 =	vmul.f32 v7, v15;
	v7 =	vld [tilespmem:s4+$0xD0]  }
0x116: {  	v34 =	vadd.f32 v34, v18;
	v41 =	vadd.f32 v41, v60;
	v29 =	vmul.f32 v29, v2;
	[tilespmem:$0x1FE70] =	vst v32;
	v15 =	vld [tilespmem:s4+$0xF0]  }
0x117: {  	v10 =	vadd.f32 v31, v1;
	[tilespmem:s3+$0xFFFFFF10] =	vst v4;
	v4 =	vmax.f32 v36, $0.0e+00;
	v31 =	vadd.f32 v50, v12;
	v50 =	vld [tilespmem:$0x1FED0]  }
0x118: {  	v54 =	vadd.f32 v33, v0;
	v49 =	vadd.f32 v49, v47;
	[tilespmem:s3+$0xFFFFFF20] =	vst v4;
	v4 =	vmax.f32 v46, $0.0e+00;
	v12 =	vld [tilespmem:$0x1FEE0]  }
0x119: {  	v59 =	vadd.f32 v48, v51;
	v48 =	vadd.f32 v25, v18;
	v25 =	vmax.f32 v34, $0.0e+00;
	v51 =	vld [tilespmem:s4+$0xFFFFFF00];
	[tilespmem:s3+$0xFFFFFF30] =	vst v4  }
0x11a: {  	v33 =	vmovc v0;
	v53 =	vadd.f32 v29, v53;
	v28 =	vmax.f32 v43, $0.0e+00;
	v32 =	vadd.f32 v27, v13;
	v13 =	vld [tilespmem:s17+$0xFFFFFF10];
	[tilespmem:s3+$0xFFFFFF40] =	vst v25  }
0x11b: {  	v35 =	vadd.f32 v26, v33;
	v37 =	vadd.f32 v37, v1;
	v40 =	vmax.f32 v40, $0.0e+00;
	v14 =	vld [tilespmem:s4+$0xFFFFFF10];
	[tilespmem:s3+$0xFFFFFF50] =	vst v28  }
0x11c: {  	v22 =	vmul.f32 v22, v11;
	v20 =	vld [tilespmem:$0x1FFE0];
	v46 =	vadd.f32 v24, v1;
	v4 =	vadd.f32 v39, v45;
	[tilespmem:s3+$0xFFFFFF60] =	vst v40  }
0x11d: {  	v60 =	vmul.f32 v23, v2;
	v30 =	vadd.f32 v30, v6;
	v28 =	vadd.f32 v61, v57;
	v40 =	vld [tilespmem:s4+$0xFFFFFF20]  }
0x11e: {  	v0 =	vadd.f32 v22, v50;
	v29 =	vadd.f32 v7, v62;
	v7 =	vmax.f32 v54, $0.0e+00;
	v22 =	vld [tilespmem:$0x1FFC0]  }
0x11f: {  	v50 =	vadd.f32 v55, v52;
	v55 =	vadd.f32 v15, v38;
	[tilespmem:s3+$0xFFFFFF70] =	vst v7;
	v7 =	vld [tilespmem:s17+$0xFFFFFF30]  }
0x120: {  	v6 =	vmax.f32 v41, $0.0e+00;
	[tilespmem:$0x1FE90] =	vst v0;
	v0 =	vadd.f32 v60, v12;
	v60 =	vadd.f32 v44, v42;
	v42 =	vld [tilespmem:s17+$0xFFFFFF20]  }
0x121: {  	v45 =	vmul.f32 v49, v49;
	[tilespmem:s3+$0xFFFFFF80] =	vst v6;
	v61 =	vadd.f32 v50, v49;
	v6 =	vld [tilespmem:s4+$0xFFFFFF30];
	v62 =	vadd.f32 v29, v28  }
0x122: {  	[tilespmem:$0x1FE30] =	vst v46;
	v44 =	vmul.f32 v4, v4;
	v46 =	vld [tilespmem:s17+$0xFFFFFF40];
	v15 =	vadd.f32 v55, v30;
	v57 =	vmul.f32 v50, v50  }
0x123: {  	v12 =	vmul.f32 v28, v28;
	v54 =	vld [tilespmem:s17+$0xFFFFFF50];
	v39 =	vadd.f32 v14, v13;
	v13 =	vmul.f32 v29, v29  }
0x124: {  	[tilespmem:$0x1FE50] =	vst v49;
	v2 =	vld [tilespmem:s4+$0xFFFFFF50];
	v14 =	vmul.f32 v30, v30;
	v36 =	vadd.f32 v4, v60;
	v41 =	vmul.f32 v60, v60  }
0x125: {  	v34 =	vld [tilespmem:s4+$0xFFFFFF40];
	[tilespmem:$0x1FEA0] =	vst v0;
	v15 =	vadd.f32 v15, v62;
	v0 =	vmul.f32 v55, v55;
	v45 =	vadd.f32 v57, v45  }
0x126: {  	v10 =	vmax.f32 v10, $0.0e+00;
	[tilespmem:$0x1FE60] =	vst v50;
	v50 =	vld [tilespmem:s17+$0xFFFFFF70];
	v49 =	vadd.f32 v13, v12;
	v36 =	vadd.f32 v61, v36  }
0x127: {  	[tilespmem:s3+$0xFFFFFFB0] =	vst v10;
	v57 =	vld [tilespmem:s17+$0xFFFFFF60];
	v12 =	vmax.f32 v58, $0.0e+00;
	v41 =	vadd.f32 v44, v41;
	v43 =	vadd.f32 v0, v14  }
0x128: {  	v13 =	vld [tilespmem:s4+$0xFFFFFF60];
	[tilespmem:s3+$0xFFFFFF90] =	vst v12;
	v14 =	vmax.f32 v63, $0.0e+00;
	v44 =	vadd.f32 v40, v42;
	v36 =	vadd.f32 v15, v36  }
0x129: {  	[tilespmem:s3+$0xFFFFFFA0] =	vst v14;
	v40 =	vadd.f32 v6, v7;
	v42 =	vadd.f32 v2, v54;
	v15 =	vld [tilespmem:s4+$0xFFFFFF70]  }
0x12a: {  	v45 =	vadd.f32 v45, v41;
	v43 =	vadd.f32 v43, v49;
	v10 =	vld [tilespmem:s17+$0xFFFFFF80];
	v61 =	vperm.xlane v36, v22  }
0x12b: {  	v41 =	vadd.f32 v34, v46;
	v2 =	vld [tilespmem:s4+$0xFFFFFF80];
	v7 =	vmul.f32 v44, v44;
	v27 =	vadd.f32 v40, v44  }
0x12c: {  	[tilespmem:$0x1FE40] =	vst v48;
	v48 =	vld [tilespmem:s17+$0xFFFFFF90];
	v63 =	vmul.f32 v40, v40;
	v14 =	vadd.f32 v43, v45;
	v45 =	vadd.f32 v36, v61  }
0x12d: {  	v47 =	vld [tilespmem:s4+$0xFFFFFFA0];
	v54 =	vmul.f32 v42, v42;
	v0 =	vmul.f32 v41, v41;
	v43 =	vadd.f32 v13, v57  }
0x12e: {  	v52 =	vadd.f32 v42, v41;
	v13 =	vld [tilespmem:s4+$0xFFFFFF90];
	v46 =	vadd.f32 v15, v50;
	v15 =	vperm.xlane v45, v21  }
0x12f: {  	v11 =	vld [tilespmem:s4+$0xFFFFFFB0];
	v26 =	vadd.f32 v63, v7;
	v12 =	vperm.xlane v14, v22;
	v54 =	vadd.f32 v54, v0  }
0x130: {  	v36 =	vadd.f32 v9, v33;
	v50 =	vld [tilespmem:s17+$0xFFFFFFA0];
	v9 =	vadd.f32 v45, v15  }
0x131: {  	v61 =	vmul.f32 v43, v43;
	v57 =	vadd.f32 v2, v10;
	v10 =	vld [tilespmem:s17+$0xFFFFFFB0];
	v38 =	vadd.f32 v12, v14  }
0x132: {  	v2 =	vld [tilespmem:s4+$0xFFFFFFD0];
	v14 =	vadd.f32 v8, v3;
	v34 =	vmul.f32 v46, v46;
	v15 =	vperm.xlane v9, v20  }
0x133: {  	v12 =	vld [tilespmem:s17+$0xFFFFFFC0];
	v49 =	vadd.f32 v46, v43;
	v58 =	vadd.f32 v13, v48;
	v45 =	vperm.xlane v38, v21  }
0x134: {  	v34 =	vadd.f32 v34, v61;
	v61 =	vadd.f32 v9, v15;
	v9 =	vld [tilespmem:$0x1FFF0]  }
0x135: {  	v25 =	vadd.f32 v49, v52;
	v49 =	vld [tilespmem:s4+$0xFFFFFFC0];
	v38 =	vadd.f32 v45, v38  }
0x136: {  	[tilespmem:$0x1FEB0] =	vst v14;
	v14 =	vld [tilespmem:s4+$0xFFFFFFE0];
	v52 =	vmul.f32 v57, v57;
	v13 =	vmul.f32 v58, v58;
	v47 =	vadd.f32 v47, v50  }
0x137: {  	v50 =	vld [tilespmem:s17+$0xFFFFFFD0];
	v48 =	vadd.f32 v11, v10;
	v24 =	vadd.f32 v34, v54;
	v0 =	vperm.xlane v38, v20  }
0x138: {  	v10 =	vld [tilespmem:s17+$0xFFFFFFE0];
	v34 =	vadd.f32 v58, v57;
	v13 =	vadd.f32 v13, v52;
	v15 =	vmul.f32 v47, v47  }
0x139: {  	v1 =	vld [tilespmem:s4+$0xFFFFFFF0];
	v16 =	vadd.f32 v48, v47;
	v63 =	vadd.f32 v0, v38;
	v11 =	vperm.xlane v61, v9  }
0x13a: {  	v17 =	vmul.f32 v48, v48;
	v49 =	vadd.f32 v49, v12;
	v12 =	vld [tilespmem:s17+$0xFFFFFFF0];
	v38 =	vadd.f32 v5, v18  }
0x13b: {  	v5 =	vld [tilespmem:s17+$0x0];
	v16 =	vadd.f32 v16, v34;
	v0 =	vperm.xlane v63, v9;
	v11 =	vadd.f32 v61, v11  }
0x13c: {  	v15 =	vadd.f32 v17, v15;
	v17 =	vld [tilespmem:s4+$0x0];
	v50 =	vadd.f32 v2, v50  }
0x13d: {  	v52 =	vadd.f32 v14, v10;
	v10 =	vld [tilespmem:s17+$0x10];
	v45 =	vmul.f32 $7.812500000e-03, v11;
	v11 =	vadd.f32 v0, v63  }
0x13e: {  	v2 =	vmul.f32 v49, v49;
	v13 =	vadd.f32 v15, v13;
	v15 =	vld [tilespmem:s4+$0x10];
	v19 =	vmul.f32 v50, v50  }
0x13f: {  	v34 =	vmovc v18;
	v18 =	vadd.f32 v50, v49;
	v61 =	vld [tilespmem:s17+$0x20];
	v11 =	vmul.f32 $7.812500000e-03, v11;
	v0 =	vmul.f32 v45, v45  }
0x140: {  	v54 =	vadd.f32 v1, v12;
	v12 =	vmul.f32 v52, v52;
	v14 =	vadd.f32 v19, v2;
	v19 =	vld [tilespmem:s4+$0x20]  }
0x141: {  	v1 =	vmax.f32 v56, $0.0e+00;
	v56 =	vadd.f32 v17, v5;
	v5 =	vld [tilespmem:s17+$0x30];
	v11 =	vsub.f32 v11, v0  }
0x142: {  	[tilespmem:s3+$0xFFFFFFC0] =	vst v1;
	v1 =	vld [tilespmem:s4+$0x30];
	v63 =	vmul.f32 v54, v54;
	v17 =	vadd.f32 v54, v52;
	v23 =	vsub.f32 v4, v45  }
0x143: {  	v4 =	vmax.f32 v59, $0.0e+00;
	v59 =	vadd.f32 v15, v10;
	v10 =	vld [tilespmem:s17+$0x40];
	v11 =	vadd.f32 $9.999999740e-06, v11  }
0x144: {  	v8 =	vsub.f32 v60, v45;
	[tilespmem:s3+$0xFFFFFFD0] =	vst v4;
	v4 =	vadd.f32 v17, v18;
	v17 =	vld [tilespmem:s4+$0x40];
	v18 =	vmul.f32 v56, v56  }
0x145: {  	v6 =	vld [tilespmem:s17+$0x60];
	v60 =	vadd.f32 v19, v61;
	v2 =	vshrl.u32 v11, $0x1;
	v11 =	vmul.f32 $5.000000000e-01, v11  }
0x146: {  	v3 =	vld [tilespmem:s4+$0x60];
	v16 =	vadd.f32 v4, v16;
	v4 =	vadd.f32 v63, v12;
	v15 =	vsub.s32 $0x5F3759DF, v2  }
0x147: {  	v19 =	vld [tilespmem:s17+$0x50];
	v7 =	vadd.f32 v59, v56;
	v63 =	vmul.f32 v59, v59;
	v0 =	vmul.f32 v15, v11  }
0x148: {  	v53 =	vmax.f32 v53, $0.0e+00;
	v61 =	vadd.f32 v1, v5;
	v12 =	vld [tilespmem:s4+$0x50];
	v4 =	vadd.f32 v4, v14  }
0x149: {  	v18 =	vadd.f32 v63, v18;
	v63 =	vadd.f32 v17, v10;
	v10 =	vld [tilespmem:s17+$0x70];
	v0 =	vmul.f32 v15, v0  }
0x14a: {  	v5 =	vmul.f32 v60, v60;
	v1 =	vadd.f32 v61, v60;
	v13 =	vadd.f32 v4, v13;
	v4 =	vld [tilespmem:s4+$0x70]  }
0x14b: {  	v14 =	vperm.xlane v16, v22;
	v17 =	vmul.f32 v61, v61;
	v2 =	vld [tilespmem:s17+$0xFFFFFF00];
	v0 =	vsub.f32 $1.500000000e+00, v0  }
0x14c: {  	v62 =	vmul.f32 v39, v39;
	v30 =	vsub.f32 v30, v45;
	v1 =	vadd.f32 v1, v7  }
0x14d: {  	v7 =	vadd.f32 v16, v14;
	v5 =	vadd.f32 v17, v5;
	v15 =	vmul.f32 v15, v0  }
0x14e: {  	[tilespmem:s3+$0xFFFFFFE0] =	vst v53;
	v12 =	vadd.f32 v12, v19;
	v19 =	vmul.f32 v63, v63;
	v53 =	vperm.xlane v13, v22  }
0x14f: {  	v14 =	vadd.f32 v5, v18;
	v0 =	vadd.f32 v3, v6;
	v6 =	vmul.f32 v15, v11  }
0x150: {  	v5 =	vadd.f32 v4, v10;
	v2 =	vadd.f32 v51, v2;
	v11 =	vmul.f32 v12, v12  }
0x151: {  	v13 =	vadd.f32 v53, v13;
	v3 =	vadd.f32 v12, v63;
	v6 =	vmul.f32 v6, v15  }
0x152: {  	v16 =	vadd.f32 v5, v0;
	v11 =	vadd.f32 v11, v19;
	v19 =	vmul.f32 v2, v2  }
0x153: {  	v17 =	vmul.f32 v5, v5;
	v18 =	vadd.f32 v39, v2;
	v6 =	vsub.f32 $1.500000000e+00, v6  }
0x154: {  	v4 =	vmul.f32 v0, v0;
	v3 =	vadd.f32 v16, v3;
	v16 =	vadd.f32 v62, v19  }
0x155: {  	v62 =	vld [tilespmem:$0x1FEC0];
	v51 =	vmul.f32 v6, v15;
	v6 =	vsub.f32 v55, v45;
	v15 =	vadd.f32 v27, v18  }
0x156: {  	v10 =	vperm.xlane v7, v21;
	v1 =	vadd.f32 v3, v1;
	v3 =	vadd.f32 v17, v4  }
0x157: {  	v4 =	vmul.f32 v51, v6;
	v6 =	vadd.f32 v25, v15;
	v15 =	vadd.f32 v26, v16  }
0x158: {  	v7 =	vadd.f32 v7, v10;
	v18 =	vperm.xlane v13, v21;
	v3 =	vadd.f32 v3, v11  }
0x159: {  	v53 =	vld [tilespmem:$0x1FEF0];
	v11 =	vperm.xlane v1, v22;
	v15 =	vadd.f32 v24, v15;
	v16 =	vperm.xlane v6, v22  }
0x15a: {  	v8 =	vmul.f32 v51, v8;
	v3 =	vadd.f32 v3, v14;
	v4 =	vmul.f32 v4, v62  }
0x15b: {  	v1 =	vadd.f32 v1, v11;
	v10 =	vadd.f32 v6, v16;
	v6 =	vperm.xlane v15, v22  }
0x15c: {  	v11 =	vperm.xlane v7, v20;
	v14 =	vperm.xlane v3, v22;
	v4 =	vadd.f32 v4, v33  }
0x15d: {  	v17 =	vperm.xlane v1, v21;
	v16 =	vperm.xlane v10, v21;
	v15 =	vadd.f32 v6, v15  }
0x15e: {  	v3 =	vadd.f32 v14, v3;
	v4 =	vmax.f32 v4, $0.0e+00;
	v6 =	vmul.f32 v8, v53  }
0x15f: {  	[tilespmem:s17+$0xF0] =	vst v4;
	v4 =	vadd.f32 v18, v13;
	v8 =	vadd.f32 v10, v16;
	v10 =	vperm.xlane v15, v21  }
0x160: {  	v7 =	vadd.f32 v7, v11;
	v1 =	vadd.f32 v1, v17;
	v13 =	vperm.xlane v3, v21  }
0x161: {  	v11 =	vperm.xlane v4, v20;
	v14 =	vperm.xlane v8, v20;
	v10 =	vadd.f32 v10, v15  }
0x162: {  	v33 =	vperm.xlane v1, v20;
	v16 =	vperm.xlane v7, v9;
	v3 =	vadd.f32 v13, v3  }
0x163: {  	v4 =	vadd.f32 v11, v4;
	v8 =	vadd.f32 v8, v14;
	v11 =	vperm.xlane v10, v20  }
0x164: {  	v1 =	vadd.f32 v1, v33;
	v7 =	vadd.f32 v7, v16;
	v14 =	vperm.xlane v3, v20  }
0x165: {  	v13 =	vperm.xlane v4, v9;
	v33 =	vperm.xlane v8, v9;
	v10 =	vadd.f32 v11, v10  }
0x166: {  	v16 =	vmul.f32 $7.812500000e-03, v7;
	v11 =	vperm.xlane v1, v9;
	v3 =	vadd.f32 v14, v3  }
0x167: {  	v4 =	vadd.f32 v13, v4;
	v8 =	vadd.f32 v8, v33;
	v33 =	vperm.xlane v10, v9  }
0x168: {  	v7 =	vsub.f32 v57, v16;
	v1 =	vadd.f32 v1, v11  }
0x169: {  	v11 =	vperm.xlane v3, v9;
	v4 =	vmul.f32 $7.812500000e-03, v4;
	v10 =	vadd.f32 v33, v10  }
0x16a: {  	v14 =	vsub.f32 v58, v16;
	v8 =	vmul.f32 $7.812500000e-03, v8;
	v33 =	vmul.f32 v16, v16  }
0x16b: {  	v1 =	vmul.f32 $7.812500000e-03, v1;
	v3 =	vadd.f32 v11, v3;
	v10 =	vmul.f32 $7.812500000e-03, v10  }
0x16c: {  	v11 =	vmul.f32 v8, v8;
	v2 =	vsub.f32 v2, v8;
	v4 =	vsub.f32 v4, v33  }
0x16d: {  	v3 =	vmul.f32 $7.812500000e-03, v3;
	v58 =	vmul.f32 v1, v1;
	v33 =	vld [tilespmem:$0x1FF00];
	v15 =	vsub.f32 v44, v8  }
0x16e: {  	v21 =	vsub.f32 v40, v8;
	v10 =	vsub.f32 v10, v11  }
0x16f: {  	v35 =	vmax.f32 v35, $0.0e+00;
	v4 =	vadd.f32 $9.999999740e-06, v4;
	v3 =	vsub.f32 v3, v58  }
0x170: {  	v19 =	vmul.f32 v51, v23;
	v22 =	vsub.f32 v41, v8;
	v10 =	vadd.f32 $9.999999740e-06, v10  }
0x171: {  	v17 =	vshrl.u32 v4, $0x1;
	v4 =	vmul.f32 $5.000000000e-01, v4;
	v3 =	vadd.f32 $9.999999740e-06, v3  }
0x172: {  	v9 =	vmul.f32 v19, v33;
	v17 =	vsub.s32 $0x5F3759DF, v17;
	v44 =	vshrl.u32 v10, $0x1  }
0x173: {  	v10 =	vmul.f32 $5.000000000e-01, v10;
	v18 =	vshrl.u32 v3, $0x1;
	v3 =	vmul.f32 $5.000000000e-01, v3  }
0x174: {  	v20 =	vmul.f32 v17, v4;
	v13 =	vsub.s32 $0x5F3759DF, v44;
	v18 =	vsub.s32 $0x5F3759DF, v18  }
0x175: {  	[tilespmem:s3+$0xFFFFFFF0] =	vst v35;
	v24 =	vld [tilespmem:$0x1FE20];
	v35 =	vsub.f32 v43, v8;
	v19 =	vmul.f32 v13, v10;
	v23 =	vmul.f32 v18, v3  }
0x176: {  	v43 =	vsub.f32 v56, v1;
	v12 =	vsub.f32 v12, v1;
	v20 =	vmul.f32 v17, v20  }
0x177: {  	v0 =	vsub.f32 v0, v1;
	v19 =	vmul.f32 v13, v19;
	v23 =	vmul.f32 v18, v23  }
0x178: {  	v11 =	vsub.f32 v39, v8;
	v20 =	vsub.f32 $1.500000000e+00, v20  }
0x179: {  	v39 =	vmax.f32 v31, $0.0e+00;
	v19 =	vsub.f32 $1.500000000e+00, v19;
	v23 =	vsub.f32 $1.500000000e+00, v23  }
0x17a: {  	v31 =	vmax.f32 v24, $0.0e+00;
	v58 =	vsub.f32 v63, v1;
	v17 =	vmul.f32 v17, v20  }
0x17b: {  	[tilespmem:s3+$0x0] =	vst v39;
	v39 =	vsub.f32 v47, v16;
	v13 =	vmul.f32 v13, v19;
	v18 =	vmul.f32 v18, v23  }
0x17c: {  	v24 =	vld [tilespmem:$0x1FE30];
	v47 =	vsub.f32 v61, v1;
	v33 =	vsub.f32 v42, v8;
	v4 =	vmul.f32 v17, v4  }
0x17d: {  	v8 =	vsub.f32 v46, v8;
	v10 =	vmul.f32 v13, v10;
	v3 =	vmul.f32 v18, v3  }
0x17e: {  	v42 =	vsub.f32 v50, v16;
	v46 =	vsub.f32 v60, v1;
	v4 =	vmul.f32 v4, v17  }
0x17f: {  	v44 =	vsub.f32 v59, v1;
	v10 =	vmul.f32 v10, v13;
	v3 =	vmul.f32 v3, v18  }
0x180: {  	v32 =	vmax.f32 v32, $0.0e+00;
	v1 =	vsub.f32 v5, v1;
	v5 =	vld [tilespmem:$0x1FE50];
	v4 =	vsub.f32 $1.500000000e+00, v4  }
0x181: {  	v27 =	vmax.f32 v24, $0.0e+00;
	v10 =	vsub.f32 $1.500000000e+00, v10;
	v3 =	vsub.f32 $1.500000000e+00, v3  }
0x182: {  	v56 =	vld [tilespmem:$0x1FED0];
	v20 =	vsub.f32 v49, v16;
	v19 =	vsub.f32 v48, v16;
	v4 =	vmul.f32 v4, v17  }
0x183: {  	v59 =	vld [tilespmem:$0x1FE60];
	v23 =	vsub.f32 v52, v16;
	v10 =	vmul.f32 v10, v13;
	v3 =	vmul.f32 v3, v18  }
0x184: {  	[tilespmem:s3+$0x10] =	vst v32;
	v16 =	vsub.f32 v54, v16;
	v41 =	vmul.f32 v4, v7;
	v7 =	vld [tilespmem:$0x1FE70];
	v39 =	vmul.f32 v4, v39  }
0x185: {  	v57 =	vld [tilespmem:$0x1FEE0];
	[tilespmem:s3+$0x20] =	vst v31;
	v5 =	vsub.f32 v5, v45;
	v31 =	vmul.f32 v4, v19;
	v32 =	vmul.f32 v4, v20  }
0x186: {  	v61 =	vld [tilespmem:$0x1FF60];
	v18 =	vsub.f32 v29, v45;
	v29 =	vmul.f32 v4, v23;
	v26 =	vmul.f32 v4, v16  }
0x187: {  	v60 =	vld [tilespmem:$0x1FF50];
	v17 =	vsub.f32 v28, v45;
	v2 =	vmul.f32 v10, v2;
	v11 =	vmul.f32 v10, v11  }
0x188: {  	v24 =	vld [tilespmem:$0x1FE40];
	v13 =	vsub.f32 v59, v45;
	v15 =	vmul.f32 v10, v15;
	v50 =	vmul.f32 v10, v21  }
0x189: {  	v45 =	vmul.f32 v10, v22;
	v48 =	vmul.f32 v10, v33;
	v63 =	vadd.f32 v7, v56;
	v7 =	vld [tilespmem:$0x1FE80]  }
0x18a: {  	v40 =	vmul.f32 v10, v35;
	v33 =	vmul.f32 v10, v8  }
0x18b: {  	v10 =	vadd.f32 v9, v61;
	v35 =	vmul.f32 v4, v14;
	v9 =	vmul.f32 v4, v42;
	v4 =	vld [tilespmem:$0x1FEA0];
	_ =	sdelay $0x1  }
0x18c: {  	v6 =	vadd.f32 v6, v60  }
0x18d: {  	[tilespmem:s3+$0x30] =	vst v27;
	v24 =	vmax.f32 v24, $0.0e+00;
	v19 =	vadd.f32 v7, v57;
	v7 =	vld [tilespmem:$0x1FE90]  }
0x18e: {  	v6 =	vmax.f32 v6, $0.0e+00;
	[tilespmem:s3+$0x40] =	vst v24  }
0x18f: {  	[tilespmem:s17+$0x80] =	vst v6;
	v27 =	vmul.f32 v3, v44;
	v44 =	vld [tilespmem:$0x1FEB0];
	v4 =	vmax.f32 v4, $0.0e+00  }
0x190: {  	v55 =	vld [tilespmem:$0x1FF30];
	v6 =	vmul.f32 v51, v30;
	v8 =	vmul.f32 v3, v43;
	[tilespmem:s3+$0x60] =	vst v4;
	v4 =	vmax.f32 v36, $0.0e+00  }
0x191: {  	v54 =	vld [tilespmem:$0x1FF00];
	v28 =	vmul.f32 v3, v46;
	v24 =	vmul.f32 v3, v47;
	[tilespmem:s3+$0x70] =	vst v4;
	v4 =	vmax.f32 v10, $0.0e+00  }
0x192: {  	s16 =	sadd.s32 $0x4, s16;
	v52 =	vld [tilespmem:$0x1FF20];
	v21 =	vmul.f32 v51, v5;
	v5 =	vmul.f32 v51, v13;
	[tilespmem:s17+$0x90] =	vst v4;
	v7 =	vmax.f32 v7, $0.0e+00  }
0x193: {  	p1 =	slt.u32 s16, $0x3C;
	v59 =	vmax.f32 v63, $0.0e+00;
	v4 =	vmul.f32 v51, v18;
	[tilespmem:s3+$0x50] =	vst v7;
	v7 =	vmul.f32 v51, v17;
	v51 =	vld [tilespmem:$0x1FF10]  }
.Ltmp3:
0x194: {  	v25 =	vmul.f32 v3, v58;
	v23 =	vmul.f32 v3, v0;
	v0 =	vmax.f32 v44, $0.0e+00;
	[tilespmem:s3+$0xD0] =	vst v59;
	(pc) =	sbr.rel @p1 .LBB2_4-.Ltmp3, $4  }
0x195: {  	v22 =	vmul.f32 v3, v12;
	v46 =	vmax.f32 v37, $0.0e+00;
	v58 =	vmul.f32 v2, v53;
	[tilespmem:s3+$0xA0] =	vst v0  }
0x196: {  	v20 =	vmul.f32 v3, v1;
	v47 =	vmax.f32 v38, $0.0e+00;
	v38 =	vmul.f32 v11, v54;
	[tilespmem:s3+$0xB0] =	vst v46  }
0x197: {  	v37 =	vmul.f32 v50, v52;
	v30 =	vadd.f32 v58, v60;
	[tilespmem:s3+$0xC0] =	vst v47;
	v63 =	vmax.f32 v19, $0.0e+00  }
0x198: {  	v18 =	vmov v34;
	v34 =	vmul.f32 v45, v55;
	[tilespmem:s3+$0xE0] =	vst v63;
	s3 =	smov.u32 s17;
	s17 =	sadd.s32 $0x200, s17;
	v36 =	vmul.f32 v15, v51  }
0x199: {  	v14 =	vld [tilespmem:$0x1FF80]  }
0x19a: {  	v50 =	vld [tilespmem:$0x1FF40]  }
0x19b: {  	v12 =	vld [tilespmem:$0x1FF90]  }
0x19c: {  	v2 =	vmax.f32 v30, $0.0e+00  }
0x19d: {  	[tilespmem:s3+$0xFFFFFF00] =	vst v2  }
0x19e: {  	v0 =	vadd.f32 v38, v61;
	v13 =	vld [tilespmem:$0x1FF70]  }
0x19f: {  	v11 =	vadd.f32 v34, v18;
	v1 =	vadd.f32 v36, v14  }
0x1a0: {  	v0 =	vmax.f32 v0, $0.0e+00;
	v3 =	vmul.f32 v48, v50;
	v10 =	vadd.f32 v37, v12  }
0x1a1: {  	[tilespmem:s3+$0xFFFFFF10] =	vst v0;
	v63 =	vmax.f32 v11, $0.0e+00;
	v11 =	vmul.f32 v35, v54;
	v49 =	vmax.f32 v1, $0.0e+00  }
0x1a2: {  	v9 =	vmul.f32 v9, v50;
	v3 =	vadd.f32 v3, v56;
	v59 =	vmax.f32 v10, $0.0e+00;
	[tilespmem:s3+$0xFFFFFF20] =	vst v49  }
0x1a3: {  	v58 =	vmul.f32 v33, v62;
	v11 =	vadd.f32 v11, v61;
	v48 =	vmul.f32 v40, v13;
	[tilespmem:s3+$0xFFFFFF30] =	vst v59  }
0x1a4: {  	v10 =	vmul.f32 v41, v53;
	v9 =	vadd.f32 v9, v56;
	v15 =	vld [tilespmem:$0x1FFA0];
	[tilespmem:s3+$0xFFFFFF40] =	vst v63;
	v33 =	vmax.f32 v3, $0.0e+00  }
0x1a5: {  	v2 =	vadd.f32 v48, v57;
	v3 =	vmul.f32 v39, v51;
	v39 =	vmax.f32 v11, $0.0e+00;
	[tilespmem:s3+$0xFFFFFF50] =	vst v33  }
0x1a6: {  	v35 =	vmul.f32 v31, v52;
	v10 =	vadd.f32 v10, v60;
	v45 =	vmax.f32 v9, $0.0e+00;
	[tilespmem:s3+$0xFFFFFF90] =	vst v39  }
0x1a7: {  	v9 =	vmul.f32 v28, v51;
	[tilespmem:s3+$0xFFFFFFD0] =	vst v45;
	v34 =	vmax.f32 v2, $0.0e+00;
	v3 =	vadd.f32 v3, v14  }
0x1a8: {  	v38 =	vmax.f32 v10, $0.0e+00;
	v2 =	vadd.f32 v35, v12;
	v10 =	vmul.f32 v29, v13;
	[tilespmem:s3+$0xFFFFFF60] =	vst v34  }
0x1a9: {  	v42 =	vmul.f32 v8, v53;
	v9 =	vadd.f32 v9, v14;
	[tilespmem:s3+$0xFFFFFF80] =	vst v38;
	v40 =	vmax.f32 v3, $0.0e+00  }
0x1aa: {  	v44 =	vmul.f32 v27, v54;
	v41 =	vmax.f32 v2, $0.0e+00;
	v8 =	vadd.f32 v10, v57;
	[tilespmem:s3+$0xFFFFFFA0] =	vst v40  }
0x1ab: {  	v3 =	vmul.f32 v26, v62;
	v2 =	vadd.f32 v42, v60;
	v63 =	vmax.f32 v9, $0.0e+00;
	[tilespmem:s3+$0xFFFFFFB0] =	vst v41  }
0x1ac: {  	v49 =	vmul.f32 v22, v50;
	v1 =	vadd.f32 v58, v15;
	[tilespmem:s3+$0x20] =	vst v63;
	v46 =	vmax.f32 v8, $0.0e+00  }
0x1ad: {  	v37 =	vmul.f32 v32, v55;
	v3 =	vadd.f32 v3, v15;
	v48 =	vmax.f32 v2, $0.0e+00;
	[tilespmem:s3+$0xFFFFFFE0] =	vst v46  }
0x1ae: {  	v8 =	vmul.f32 v24, v52;
	v2 =	vadd.f32 v49, v56;
	v36 =	vmax.f32 v1, $0.0e+00;
	[tilespmem:s3+$0x0] =	vst v48  }
0x1af: {  	v33 =	vmul.f32 v7, v55;
	v1 =	vadd.f32 v37, v18;
	[tilespmem:s3+$0xFFFFFF70] =	vst v36;
	v47 =	vmax.f32 v3, $0.0e+00  }
0x1b0: {  	v59 =	vmul.f32 v23, v13;
	v8 =	vadd.f32 v8, v12;
	v32 =	vmax.f32 v2, $0.0e+00;
	[tilespmem:s3+$0xFFFFFFF0] =	vst v47  }
0x1b1: {  	v3 =	vmul.f32 v25, v55;
	v2 =	vadd.f32 v33, v18;
	v43 =	vmax.f32 v1, $0.0e+00;
	[tilespmem:s3+$0x50] =	vst v32  }
0x1b2: {  	v35 =	vmul.f32 v4, v50;
	v1 =	vadd.f32 v44, v61;
	[tilespmem:s3+$0xFFFFFFC0] =	vst v43;
	v16 =	vmax.f32 v8, $0.0e+00  }
0x1b3: {  	v9 =	vmul.f32 v20, v62;
	v3 =	vadd.f32 v3, v18;
	v39 =	vmax.f32 v2, $0.0e+00;
	[tilespmem:s3+$0x30] =	vst v16  }
0x1b4: {  	v8 =	vmul.f32 v21, v51;
	v58 =	vmax.f32 v1, $0.0e+00;
	v1 =	vadd.f32 v59, v57;
	[tilespmem:s3+$0xC0] =	vst v39  }
0x1b5: {  	[tilespmem:s3+$0x10] =	vst v58;
	v17 =	vmax.f32 v3, $0.0e+00;
	v3 =	vmul.f32 v5, v52;
	v5 =	vadd.f32 v9, v15  }
0x1b6: {  	v4 =	vmul.f32 v6, v13;
	v7 =	vadd.f32 v8, v14;
	[tilespmem:s3+$0x40] =	vst v17;
	v34 =	vmax.f32 v1, $0.0e+00  }
0x1b7: {  	v1 =	vadd.f32 v35, v56;
	v3 =	vadd.f32 v3, v12;
	[tilespmem:s3+$0x60] =	vst v34;
	v36 =	vmax.f32 v5, $0.0e+00  }
0x1b8: {  	v37 =	vmax.f32 v7, $0.0e+00;
	[tilespmem:s3+$0x70] =	vst v36  }
0x1b9: {  	[tilespmem:s3+$0xA0] =	vst v37;
	v40 =	vmax.f32 v1, $0.0e+00;
	v38 =	vmax.f32 v3, $0.0e+00;
	v3 =	vadd.f32 v4, v57  }
0x1ba: {  	[tilespmem:s3+$0xD0] =	vst v40  }
0x1bb: {  	[tilespmem:s3+$0xB0] =	vst v38;
	v41 =	vmax.f32 v3, $0.0e+00  }
0x1bc: {  	[tilespmem:s3+$0xE0] =	vst v41  }
0x1bd: {  	[spmem:s5] =	stream.indirect.scatter.add.f32 [tilespmem:s20], [sflag:$0x5], $0x80, s21, s18, $0xb8;
	[tilespmem:$0x1F300] =	vst v63  }
0x1be: {  	p1 =	seq.s32 s2, $0x67;
	s3 =	sadd.s32 $0x1, s2;
	_ =	swait.ge [sflag:s15], $0x2000  }
0x1bf: {  	s2 =	sshll.u32 @!p1 s3, $0x7;
	[sflag:s15] =	ssyncset.done $0x0  }
0x1c0: {  	s2 =	sand.u32 @!p1 $0x3FFFFF80, s2;
	[sflag:s15] =	ssyncadd.s32 $0xFFFFE000  }
0x1c1: {  	v0 =	vld @!p1 [tilespmem:s2+$0x0];
	_ =	sdelay $0x4  }
0x1c2: {  	v1 =	vand.u32 @!p1 $0xFFFF, v0  }
0x1c3: {  	v0 =	vshrl.u32 @!p1 v0, $0x10;
	[tilespmem:$0x3400] =	vst @!p1 v1  }
0x1c4: {  	[tilespmem:$0x3480] =	vst @!p1 v0  }
0x1c5: {  	v0 =	vld @!p1 [tilespmem:s2+$0x10];
	_ =	sdelay $0x4  }
0x1c6: {  	v1 =	vand.u32 @!p1 $0xFFFF, v0  }
0x1c7: {  	v0 =	vshrl.u32 @!p1 v0, $0x10;
	[tilespmem:$0x3410] =	vst @!p1 v1  }
0x1c8: {  	[tilespmem:$0x3490] =	vst @!p1 v0  }
0x1c9: {  	v0 =	vld @!p1 [tilespmem:s2+$0x20];
	_ =	sdelay $0x4  }
0x1ca: {  	v1 =	vand.u32 @!p1 $0xFFFF, v0  }
0x1cb: {  	v0 =	vshrl.u32 @!p1 v0, $0x10;
	[tilespmem:$0x3420] =	vst @!p1 v1  }
0x1cc: {  	[tilespmem:$0x34A0] =	vst @!p1 v0  }
0x1cd: {  	v0 =	vld @!p1 [tilespmem:s2+$0x30];
	_ =	sdelay $0x4  }
0x1ce: {  	v1 =	vand.u32 @!p1 $0xFFFF, v0  }
0x1cf: {  	v0 =	vshrl.u32 @!p1 v0, $0x10;
	[tilespmem:$0x3430] =	vst @!p1 v1  }
0x1d0: {  	s4 =	simm.s32 @!p1 $0x3400;
	s16 =	simm.s32 @!p1 $0x3600;
	s2 =	simm.s32 @!p1 $0x40;
	[tilespmem:$0x34B0] =	vst @!p1 v0  }
0x1d1: {  	[tilespmem:s16], [sflag:$0x1] =	stream.indirect.gather @!p1 [hbm4b:s1+s2], $0x80, s4, s2, $0xb8;
	[tilespmem:$0x1F300] =	vst v63  }
0x1d2: {  	s4 =	simm.s32 @!p1 $0x3480;
	s16 =	simm.s32 @!p1 $0x5600  }
0x1d3: {  	[tilespmem:s16], [sflag:$0x2] =	stream.indirect.gather @!p1 [hbm4b:s7+s2], $0x80, s4, s2, $0xb8;
	[tilespmem:$0x1F300] =	vst v63  }
0x1d4: {  	_ =	swait.ge [sflag:s30], $0x2000  }
0x1d5: {  	[sflag:s30] =	ssyncset.done $0x0  }
0x1d6: {  	[sflag:s30] =	ssyncadd.s32 $0xFFFFE000  }
0x1d7: {  	_ =	swait.ge [sflag:s31], $0x2000  }
0x1d8: {  	[sflag:s31] =	ssyncset.done $0x0  }
0x1d9: {  	s2 =	simm.s32 $0x7700;
	[sflag:s31] =	ssyncadd.s32 $0xFFFFE000  }
0x1da: {  	s4 =	simm.s32 $0x9700;
	v42 =	vld [tilespmem:s2+$0x80]  }
0x1db: {  	v43 =	vld [tilespmem:s4+$0x80]  }
0x1dc: {  	v44 =	vld [tilespmem:s2+$0x90]  }
0x1dd: {  	v3 =	vld [tilespmem:s4+$0x90]  }
0x1de: {  	v4 =	vld [tilespmem:s2+$0xA0]  }
0x1df: {  	v5 =	vld [tilespmem:s4+$0xA0]  }
0x1e0: {  	v6 =	vld [tilespmem:s2+$0xB0]  }
0x1e1: {  	v7 =	vld [tilespmem:s4+$0xB0]  }
0x1e2: {  	v8 =	vld [tilespmem:s2+$0xC0]  }
0x1e3: {  	v9 =	vld [tilespmem:s4+$0xC0]  }
0x1e4: {  	v47 =	vld [tilespmem:s2+$0xF0]  }
0x1e5: {  	v48 =	vld [tilespmem:s4+$0xF0]  }
0x1e6: {  	v16 =	vld [tilespmem:s4+$0xFFFFFF00]  }
0x1e7: {  	v10 =	vld [tilespmem:s2+$0xD0]  }
0x1e8: {  	v11 =	vld [tilespmem:s4+$0xD0]  }
0x1e9: {  	v45 =	vld [tilespmem:s2+$0xE0]  }
0x1ea: {  	v46 =	vld [tilespmem:s4+$0xE0]  }
0x1eb: {  	[tilespmem:$0x1FE10] =	vst v16;
	v27 =	vadd.f32 v48, v47;
	v47 =	vld [tilespmem:$0x1FFC0]  }
0x1ec: {  	v16 =	vld [tilespmem:s2+$0xFFFFFF10]  }
0x1ed: {  	v17 =	vld [tilespmem:s4+$0xFFFFFF10]  }
0x1ee: {  	v18 =	vld [tilespmem:s2+$0xFFFFFF20]  }
0x1ef: {  	v19 =	vld [tilespmem:s4+$0xFFFFFF20]  }
0x1f0: {  	v29 =	vld [tilespmem:s2+$0xFFFFFF30]  }
0x1f1: {  	v49 =	vld [tilespmem:s4+$0xFFFFFF30]  }
0x1f2: {  	v58 =	vld [tilespmem:s2+$0xFFFFFF40]  }
0x1f3: {  	v59 =	vld [tilespmem:s4+$0xFFFFFF40]  }
0x1f4: {  	v25 =	vadd.f32 v3, v44;
	v3 =	vld [tilespmem:s2+$0xFFFFFF50]  }
0x1f5: {  	v26 =	vadd.f32 v43, v42;
	v23 =	vadd.f32 v7, v6;
	v7 =	vld [tilespmem:s4+$0xFFFFFF50]  }
0x1f6: {  	v22 =	vadd.f32 v5, v4;
	v21 =	vadd.f32 v11, v10;
	v11 =	vld [tilespmem:s2+$0xFFFFFF60]  }
0x1f7: {  	v24 =	vadd.f32 v9, v8;
	v20 =	vadd.f32 v46, v45;
	v37 =	vld [tilespmem:s4+$0xFFFFFF60]  }
0x1f8: {  	v38 =	vld [tilespmem:s2+$0xFFFFFF70];
	v4 =	vadd.f32 v25, v26;
	v5 =	vadd.f32 v23, v22;
	v6 =	vmul.f32 v26, v26  }
0x1f9: {  	v39 =	vld [tilespmem:s4+$0xFFFFFF70];
	v8 =	vadd.f32 v21, v24;
	v9 =	vmul.f32 v25, v25;
	v10 =	vmul.f32 v22, v22  }
0x1fa: {  	v41 =	vld [tilespmem:s4+$0xFFFFFF80];
	v12 =	vadd.f32 v27, v20;
	v63 =	vmul.f32 v23, v23;
	v36 =	vmul.f32 v24, v24  }
0x1fb: {  	v0 =	vld [tilespmem:s2+$0xFFFFFFA0];
	v28 =	vmul.f32 v21, v21;
	v30 =	vmul.f32 v20, v20  }
0x1fc: {  	v45 =	vld [tilespmem:s4+$0xFFFFFFB0];
	v4 =	vadd.f32 v5, v4;
	v5 =	vadd.f32 v12, v8;
	v8 =	vmul.f32 v27, v27  }
0x1fd: {  	v15 =	vld [tilespmem:s2+$0xFFFFFFC0];
	v6 =	vadd.f32 v9, v6;
	v9 =	vadd.f32 v63, v10  }
0x1fe: {  	v14 =	vld [tilespmem:s2+$0xFFFFFFF0];
	v40 =	vadd.f32 v28, v36;
	v8 =	vadd.f32 v8, v30  }
0x1ff: {  	v48 =	vld [tilespmem:s4+$0xFFFFFFF0];
	v4 =	vadd.f32 v5, v4;
	v6 =	vadd.f32 v9, v6  }
0x200: {  	v10 =	vld [tilespmem:s2+$0xFFFFFF80];
	v32 =	vadd.f32 v19, v18;
	v31 =	vadd.f32 v49, v29  }
0x201: {  	v12 =	vld [tilespmem:s2+$0xFFFFFFD0];
	v29 =	vadd.f32 v59, v58;
	v8 =	vadd.f32 v8, v40  }
0x202: {  	v5 =	vld [tilespmem:s2+$0xFFFFFF90];
	v33 =	vadd.f32 v7, v3;
	v34 =	vadd.f32 v37, v11  }
0x203: {  	v58 =	vld [tilespmem:$0x1FFD0];
	v35 =	vadd.f32 v39, v38;
	v43 =	vperm.xlane v4, v47;
	v42 =	vadd.f32 v8, v6  }
0x204: {  	v9 =	vld [tilespmem:s4+$0xFFFFFF90];
	v49 =	vmul.f32 v29, v29;
	v11 =	vadd.f32 v33, v29;
	v18 =	vmul.f32 v33, v33  }
0x205: {  	v59 =	vld [tilespmem:$0x1FFE0];
	v36 =	vadd.f32 v41, v10;
	v2 =	vadd.f32 v4, v43;
	v4 =	vperm.xlane v42, v47  }
0x206: {  	v10 =	vadd.f32 v35, v34;
	v6 =	vld [tilespmem:s4+$0xFFFFFFA0];
	v63 =	vadd.f32 v18, v49  }
0x207: {  	v18 =	vld [tilespmem:s4+$0xFFFFFFD0];
	v43 =	vmul.f32 v35, v35;
	v1 =	vadd.f32 v4, v42;
	v4 =	vmul.f32 v34, v34  }
0x208: {  	v28 =	vadd.f32 v17, v16;
	v7 =	vld [tilespmem:s2+$0xFFFFFFB0];
	v19 =	vperm.xlane v2, v58  }
0x209: {  	v30 =	vld [tilespmem:s4+$0xFFFFFFC0];
	v10 =	vadd.f32 v10, v11;
	v11 =	vadd.f32 v43, v4  }
0x20a: {  	v16 =	vld [tilespmem:s4+$0x20];
	v37 =	vadd.f32 v9, v5;
	v2 =	vadd.f32 v2, v19;
	v42 =	vperm.xlane v1, v58  }
0x20b: {  	v4 =	vadd.f32 v6, v0;
	v0 =	vadd.f32 v11, v63;
	v63 =	vld [tilespmem:$0x1FFF0]  }
0x20c: {  	v39 =	vadd.f32 v18, v12;
	v12 =	vld [tilespmem:s2+$0x20];
	v5 =	vperm.xlane v2, v59;
	v1 =	vadd.f32 v42, v1  }
0x20d: {  	v44 =	vmul.f32 v31, v31;
	v40 =	vadd.f32 v48, v14;
	v8 =	vmul.f32 v32, v32;
	v43 =	vld [tilespmem:s4+$0x10]  }
0x20e: {  	v38 =	vadd.f32 v30, v15;
	v2 =	vadd.f32 v2, v5;
	v42 =	vld [tilespmem:s2+$0x10];
	v46 =	vperm.xlane v1, v59  }
0x20f: {  	v9 =	vld [tilespmem:s4+$0xFFFFFFE0];
	v8 =	vadd.f32 v44, v8;
	v44 =	vmul.f32 v36, v36;
	v6 =	vmul.f32 v37, v37  }
0x210: {  	v19 =	vld [tilespmem:s2+$0xFFFFFFE0];
	v5 =	vadd.f32 v45, v7;
	v1 =	vadd.f32 v46, v1;
	v7 =	vperm.xlane v2, v63  }
0x211: {  	v49 =	vadd.f32 v37, v36;
	v45 =	vmul.f32 v4, v4;
	v17 =	vadd.f32 v6, v44  }
0x212: {  	v13 =	vld [tilespmem:s4+$0x0];
	v46 =	vmul.f32 v5, v5;
	v6 =	vperm.xlane v1, v63;
	v2 =	vadd.f32 v2, v7  }
0x213: {  	v14 =	vld [tilespmem:s4+$0x30];
	v41 =	vadd.f32 v43, v42;
	v42 =	vadd.f32 v16, v12  }
0x214: {  	v11 =	vld [tilespmem:s2+$0x0];
	v15 =	vadd.f32 v46, v45;
	v1 =	vadd.f32 v6, v1;
	v30 =	vmul.f32 $7.812500000e-03, v2  }
0x215: {  	v48 =	vmul.f32 v39, v39;
	v16 =	vld [tilespmem:s2+$0x60];
	v7 =	vadd.f32 v5, v4;
	v6 =	vadd.f32 v9, v19  }
0x216: {  	v45 =	vld [tilespmem:s4+$0x40];
	v19 =	vadd.f32 v39, v38;
	v1 =	vmul.f32 $7.812500000e-03, v1;
	v18 =	vmul.f32 v30, v30  }
0x217: {  	v9 =	vld [tilespmem:s2+$0x30];
	v15 =	vadd.f32 v15, v17;
	v2 =	vadd.f32 v7, v49;
	v7 =	vmul.f32 v38, v38  }
0x218: {  	v17 =	vld [tilespmem:s2+$0x40];
	v1 =	vsub.f32 v1, v18;
	v18 =	vadd.f32 v40, v6  }
0x219: {  	v46 =	vadd.f32 v48, v7;
	v7 =	vadd.f32 v13, v11;
	v11 =	vld [tilespmem:s2+$0x50]  }
0x21a: {  	v44 =	vmul.f32 v6, v6;
	v48 =	vmul.f32 v40, v40;
	v13 =	vadd.f32 v18, v19;
	v18 =	vld [tilespmem:s4+$0x50]  }
0x21b: {  	v49 =	vld [tilespmem:s4+$0x60]  }
0x21c: {  	v12 =	vadd.f32 v48, v44;
	v43 =	vadd.f32 v14, v9  }
0x21d: {  	v48 =	vadd.f32 v41, v7;
	v44 =	vadd.f32 v45, v17  }
0x21e: {  	v9 =	vadd.f32 v12, v46;
	v46 =	vadd.f32 v43, v42  }
0x21f: {  	v19 =	vmul.f32 v7, v7;
	v12 =	vld [tilespmem:s2+$0xFFFFFF00];
	v2 =	vadd.f32 v13, v2;
	v45 =	vadd.f32 v18, v11  }
0x220: {  	v13 =	vmul.f32 v41, v41;
	v11 =	vadd.f32 v46, v48;
	v46 =	vadd.f32 v49, v16;
	v49 =	vld [tilespmem:$0x1FE10]  }
0x221: {  	v14 =	vmul.f32 v42, v42;
	v17 =	vld [tilespmem:s2+$0x70]  }
0x222: {  	v9 =	vadd.f32 v9, v15;
	v15 =	vld [tilespmem:s4+$0x70];
	v13 =	vadd.f32 v13, v19;
	v19 =	vmul.f32 v43, v43  }
0x223: {  	v3 =	vadd.f32 v31, v32  }
0x224: {  	v27 =	vsub.f32 v27, v30;
	v14 =	vadd.f32 v19, v14  }
0x225: {  	v1 =	vadd.f32 $9.999999740e-06, v1;
	v18 =	vmul.f32 v44, v44;
	v12 =	vadd.f32 v49, v12  }
0x226: {  	v16 =	vadd.f32 v45, v44;
	v19 =	vmul.f32 v45, v45;
	v13 =	vadd.f32 v14, v13  }
0x227: {  	v14 =	vmul.f32 v28, v28;
	v49 =	vadd.f32 v15, v17;
	v15 =	vadd.f32 v28, v12  }
0x228: {  	v18 =	vadd.f32 v19, v18;
	v17 =	vmul.f32 v46, v46;
	v19 =	vmul.f32 v12, v12  }
0x229: {  	v48 =	vadd.f32 v49, v46;
	v3 =	vadd.f32 v3, v15;
	v15 =	vmul.f32 v49, v49  }
0x22a: {  	v26 =	vsub.f32 v26, v30;
	v14 =	vadd.f32 v14, v19;
	v19 =	vshrl.u32 v1, $0x1  }
0x22b: {  	v1 =	vmul.f32 $5.000000000e-01, v1;
	v16 =	vadd.f32 v48, v16;
	v15 =	vadd.f32 v15, v17  }
0x22c: {  	v3 =	vadd.f32 v10, v3;
	v8 =	vadd.f32 v8, v14;
	v10 =	vperm.xlane v2, v47  }
0x22d: {  	v48 =	vperm.xlane v9, v47;
	v11 =	vadd.f32 v16, v11;
	v14 =	vadd.f32 v15, v18  }
0x22e: {  	v0 =	vadd.f32 v0, v8;
	v8 =	vperm.xlane v3, v47;
	v2 =	vadd.f32 v2, v10  }
0x22f: {  	v9 =	vadd.f32 v48, v9;
	v10 =	vperm.xlane v11, v47;
	v13 =	vadd.f32 v14, v13  }
0x230: {  	v3 =	vadd.f32 v3, v8;
	v8 =	vperm.xlane v0, v47;
	v14 =	vperm.xlane v2, v58  }
0x231: {  	v15 =	vperm.xlane v9, v58;
	v10 =	vadd.f32 v11, v10;
	v11 =	vperm.xlane v13, v47  }
0x232: {  	v48 =	vperm.xlane v3, v58;
	v0 =	vadd.f32 v8, v0;
	v2 =	vadd.f32 v2, v14  }
0x233: {  	v9 =	vadd.f32 v15, v9;
	v8 =	vperm.xlane v10, v58;
	v11 =	vadd.f32 v11, v13  }
0x234: {  	v3 =	vadd.f32 v3, v48;
	v48 =	vperm.xlane v0, v58;
	v14 =	vperm.xlane v2, v59  }
0x235: {  	v15 =	vperm.xlane v9, v59;
	v8 =	vadd.f32 v10, v8;
	v10 =	vperm.xlane v11, v58  }
0x236: {  	v16 =	vperm.xlane v3, v59;
	v0 =	vadd.f32 v48, v0;
	v2 =	vadd.f32 v2, v14  }
0x237: {  	v9 =	vadd.f32 v15, v9;
	v58 =	vperm.xlane v8, v59;
	v10 =	vadd.f32 v10, v11  }
0x238: {  	v3 =	vadd.f32 v3, v16;
	v11 =	vperm.xlane v0, v59;
	v14 =	vperm.xlane v2, v63  }
0x239: {  	v15 =	vperm.xlane v9, v63;
	v8 =	vadd.f32 v8, v58;
	v59 =	vperm.xlane v10, v59  }
0x23a: {  	v16 =	vperm.xlane v3, v63;
	v0 =	vadd.f32 v11, v0;
	v2 =	vadd.f32 v2, v14  }
0x23b: {  	v9 =	vadd.f32 v15, v9;
	v11 =	vperm.xlane v8, v63;
	v10 =	vadd.f32 v59, v10  }
0x23c: {  	v3 =	vadd.f32 v3, v16;
	v48 =	vperm.xlane v0, v63;
	v2 =	vmul.f32 $7.812500000e-03, v2  }
0x23d: {  	v9 =	vmul.f32 $7.812500000e-03, v9;
	v8 =	vadd.f32 v8, v11;
	v11 =	vperm.xlane v10, v63  }
0x23e: {  	v3 =	vmul.f32 $7.812500000e-03, v3;
	v0 =	vadd.f32 v48, v0;
	v58 =	vmul.f32 v2, v2  }
0x23f: {  	v8 =	vmul.f32 $7.812500000e-03, v8;
	v4 =	vsub.f32 v4, v2;
	v10 =	vadd.f32 v11, v10  }
0x240: {  	v0 =	vmul.f32 $7.812500000e-03, v0;
	v11 =	vmul.f32 v3, v3;
	v9 =	vsub.f32 v9, v58  }
0x241: {  	v5 =	vsub.f32 v5, v2;
	v59 =	vmul.f32 v8, v8;
	v10 =	vmul.f32 $7.812500000e-03, v10  }
0x242: {  	v19 =	vsub.s32 $0x5F3759DF, v19;
	v0 =	vsub.f32 v0, v11;
	v9 =	vadd.f32 $9.999999740e-06, v9  }
0x243: {  	v17 =	vmul.f32 v19, v1;
	v6 =	vsub.f32 v6, v2;
	v10 =	vsub.f32 v10, v59  }
0x244: {  	v0 =	vadd.f32 $9.999999740e-06, v0;
	v63 =	vshrl.u32 v9, $0x1;
	v9 =	vmul.f32 $5.000000000e-01, v9  }
0x245: {  	v11 =	vmul.f32 v19, v17;
	v13 =	vsub.s32 $0x5F3759DF, v63;
	v10 =	vadd.f32 $9.999999740e-06, v10  }
0x246: {  	v17 =	vshrl.u32 v0, $0x1;
	v0 =	vmul.f32 $5.000000000e-01, v0;
	v59 =	vmul.f32 v13, v9  }
0x247: {  	v14 =	vsub.s32 $0x5F3759DF, v17;
	v48 =	vshrl.u32 v10, $0x1;
	v10 =	vmul.f32 $5.000000000e-01, v10  }
0x248: {  	v58 =	vmul.f32 v14, v0;
	v17 =	vmul.f32 v13, v59;
	v15 =	vsub.s32 $0x5F3759DF, v48  }
0x249: {  	v12 =	vsub.f32 v12, v3;
	v11 =	vsub.f32 $1.500000000e+00, v11;
	v18 =	vmul.f32 v15, v10  }
0x24a: {  	v7 =	vsub.f32 v7, v8;
	v16 =	vmul.f32 v14, v58;
	v17 =	vsub.f32 $1.500000000e+00, v17  }
0x24b: {  	v44 =	vsub.f32 v44, v8;
	v11 =	vmul.f32 v19, v11;
	v18 =	vmul.f32 v15, v18  }
0x24c: {  	v63 =	vsub.f32 v28, v3;
	v16 =	vsub.f32 $1.500000000e+00, v16;
	v13 =	vmul.f32 v13, v17  }
0x24d: {  	v28 =	vsub.f32 v33, v3;
	v1 =	vmul.f32 v11, v1;
	v18 =	vsub.f32 $1.500000000e+00, v18  }
0x24e: {  	v19 =	vsub.f32 v29, v3;
	v14 =	vmul.f32 v14, v16;
	v9 =	vmul.f32 v13, v9  }
0x24f: {  	v29 =	vsub.f32 v34, v3;
	v1 =	vmul.f32 v1, v11;
	v15 =	vmul.f32 v15, v18  }
0x250: {  	v59 =	vsub.f32 v25, v30;
	v0 =	vmul.f32 v14, v0;
	v9 =	vmul.f32 v9, v13  }
0x251: {  	v48 =	vsub.f32 v32, v3;
	v1 =	vsub.f32 $1.500000000e+00, v1;
	v10 =	vmul.f32 v15, v10  }
0x252: {  	v58 =	vsub.f32 v39, v2;
	v0 =	vmul.f32 v0, v14;
	v9 =	vsub.f32 $1.500000000e+00, v9  }
0x253: {  	v1 =	vmul.f32 v1, v11;
	v11 =	vsub.f32 v36, v2;
	v10 =	vmul.f32 v10, v15  }
0x254: {  	v0 =	vsub.f32 $1.500000000e+00, v0;
	v13 =	vmul.f32 v9, v13;
	v9 =	vsub.f32 v37, v2  }
0x255: {  	v18 =	vsub.f32 v31, v3;
	v3 =	vsub.f32 v35, v3;
	v25 =	vmul.f32 v1, v26  }
0x256: {  	v0 =	vmul.f32 v0, v14;
	v10 =	vsub.f32 $1.500000000e+00, v10;
	v35 =	vmul.f32 v13, v9  }
0x257: {  	v14 =	vsub.f32 v38, v2;
	v39 =	vmul.f32 v13, v4;
	v31 =	vmul.f32 v13, v5  }
0x258: {  	v2 =	vsub.f32 v40, v2;
	v9 =	vmul.f32 v13, v58;
	v10 =	vmul.f32 v10, v15  }
0x259: {  	v4 =	vsub.f32 v46, v8;
	v12 =	vmul.f32 v0, v12;
	v16 =	vmul.f32 v0, v63  }
0x25a: {  	v5 =	vsub.f32 v49, v8;
	v17 =	vmul.f32 v0, v48;
	v18 =	vmul.f32 v0, v18  }
0x25b: {  	v46 =	vsub.f32 v23, v30;
	v19 =	vmul.f32 v0, v19;
	v48 =	vmul.f32 v0, v28  }
0x25c: {  	v49 =	vsub.f32 v21, v30;
	v40 =	vmul.f32 v0, v29;
	v33 =	vmul.f32 v0, v3  }
0x25d: {  	v3 =	vmul.f32 v1, v27;
	v27 =	vsub.f32 v41, v8;
	v41 =	vmul.f32 v13, v11  }
0x25e: {  	v28 =	vsub.f32 v42, v8;
	v32 =	vmul.f32 v13, v14;
	v29 =	vmul.f32 v13, v6  }
0x25f: {  	v11 =	vsub.f32 v45, v8;
	v26 =	vmul.f32 v13, v2;
	v0 =	vmul.f32 v1, v59;
	v45 =	vld [tilespmem:$0x1FFA0]  }
0x260: {  	v63 =	vsub.f32 v43, v8;
	v3 =	vmul.f32 v3, v62;
	v8 =	vmul.f32 v10, v7  }
0x261: {  	v6 =	vsub.f32 v22, v30;
	v27 =	vmul.f32 v10, v27;
	v28 =	vmul.f32 v10, v28  }
0x262: {  	v7 =	vsub.f32 v24, v30;
	v24 =	vmul.f32 v10, v63;
	v22 =	vmul.f32 v10, v11  }
0x263: {  	v58 =	vsub.f32 v20, v30;
	v23 =	vmul.f32 v10, v4;
	v20 =	vmul.f32 v10, v5  }
0x264: {  	v0 =	vmul.f32 v0, v54;
	v2 =	vadd.f32 v3, v45;
	v3 =	vmul.f32 v25, v53  }
0x265: {  	v21 =	vmul.f32 v1, v6;
	v5 =	vmul.f32 v1, v46  }
0x266: {  	v4 =	vmul.f32 v1, v49;
	v0 =	vadd.f32 v0, v61;
	v3 =	vadd.f32 v3, v60  }
0x267: {  	v6 =	vmul.f32 v1, v58;
	v63 =	vmul.f32 v12, v53  }
0x268: {  	v38 =	vmul.f32 v16, v54;
	v0 =	vmax.f32 v0, $0.0e+00;
	v59 =	vmax.f32 v3, $0.0e+00  }
0x269: {  	v36 =	vmul.f32 v17, v51;
	v37 =	vmul.f32 v18, v52;
	v2 =	vmax.f32 v2, $0.0e+00;
	[tilespmem:s2+$0x90] =	vst v0  }
0x26a: {  	v34 =	vmul.f32 v19, v55;
	v7 =	vmul.f32 v1, v7;
	[tilespmem:s2+$0xF0] =	vst v2  }
0x26b: {  	s17 =	simm.s32 $0x7900;
	s16 =	simm.s32 $0x0;
	v30 =	vadd.f32 v63, v60;
	v25 =	vmul.f32 v10, v44;
	v63 =	vmovc v47;
	[tilespmem:s2+$0x80] =	vst v59;
	v59 =	vmov v50  }
.LBB2_6:
0x26c: {  	v0 =	vld [tilespmem:s17+$0x80]  }
0x26d: {  	v46 =	vld [tilespmem:$0x1FF70]  }
0x26e: {  	v47 =	vld [tilespmem:$0x1FF80]  }
0x26f: {  	v14 =	vld [tilespmem:s17+$0x90]  }
0x270: {  	v49 =	vld [tilespmem:$0x1FF90]  }
0x271: {  	v50 =	vld [tilespmem:$0x1FFB0]  }
0x272: {  	v16 =	vmul.f32 v35, v54;
	v35 =	vld [tilespmem:$0x1FFA0]  }
0x273: {  	v13 =	vmul.f32 v41, v53;
	v41 =	vld [tilespmem:s17+$0xC0]  }
0x274: {  	s4 =	sadd.s32 $0x200, s4;
	v12 =	vmul.f32 v33, v62;
	v44 =	vld [tilespmem:s17+$0xD0]  }
0x275: {  	v32 =	vmul.f32 v32, v55;
	v27 =	vmul.f32 v27, v54;
	v10 =	vld [tilespmem:s4+$0x80]  }
0x276: {  	v28 =	vmul.f32 v28, v51;
	v17 =	vmul.f32 v39, v51;
	v18 =	vld [tilespmem:s4+$0x90]  }
0x277: {  	v39 =	vld [tilespmem:s17+$0xB0];
	v2 =	vmul.f32 v48, v59;
	v4 =	vmul.f32 v4, v59  }
0x278: {  	v43 =	vld [tilespmem:s4+$0xC0];
	v33 =	vmul.f32 v9, v59;
	v48 =	vmul.f32 v8, v53  }
0x279: {  	v9 =	vmul.f32 v20, v62;
	v20 =	vld [tilespmem:$0x1FED0];
	[tilespmem:$0x1FDD0] =	vst v4;
	v4 =	vmul.f32 v6, v46  }
0x27a: {  	v1 =	vadd.f32 v38, v61;
	v24 =	vmul.f32 v24, v52;
	v8 =	vmul.f32 v21, v51;
	v21 =	vld [tilespmem:$0x1FFD0]  }
0x27b: {  	v13 =	vadd.f32 v13, v60;
	v19 =	vadd.f32 v34, v50;
	v34 =	vld [tilespmem:s17+$0xA0];
	[tilespmem:$0x1FDE0] =	vst v4;
	v4 =	vmax.f32 v30, $0.0e+00  }
0x27c: {  	v25 =	vmul.f32 v25, v55;
	v11 =	vadd.f32 v36, v47;
	v36 =	vld [tilespmem:s4+$0xA0];
	[tilespmem:s2+$0xFFFFFF00] =	vst v4;
	v4 =	vadd.f32 v24, v49  }
0x27d: {  	v16 =	vadd.f32 v16, v61;
	v3 =	vmul.f32 v40, v46;
	v15 =	vadd.f32 v37, v49;
	v40 =	vld [tilespmem:s4+$0xB0]  }
0x27e: {  	v37 =	vmul.f32 v5, v52;
	v5 =	vmul.f32 v7, v55;
	v7 =	vld [tilespmem:s4+$0xD0];
	[tilespmem:$0x1FD90] =	vst v4;
	v4 =	vadd.f32 v25, v50  }
0x27f: {  	v1 =	vmax.f32 v1, $0.0e+00;
	v31 =	vmul.f32 v31, v52;
	v22 =	vmul.f32 v22, v59;
	v6 =	vld [tilespmem:s17+$0xE0]  }
0x280: {  	v29 =	vmul.f32 v29, v46;
	v12 =	vadd.f32 v12, v35;
	v42 =	vmul.f32 v23, v46;
	[tilespmem:$0x1FDA0] =	vst v4;
	v4 =	vld [tilespmem:$0x1FED0]  }
0x281: {  	[tilespmem:s2+$0xFFFFFF10] =	vst v1;
	v17 =	vadd.f32 v17, v47;
	v2 =	vadd.f32 v2, v56;
	v46 =	vld [tilespmem:s17+$0xF0];
	v52 =	vmax.f32 v11, $0.0e+00  }
0x282: {  	v45 =	vadd.f32 v31, v49;
	v56 =	vadd.f32 v32, v50;
	v11 =	vld [tilespmem:s4+$0xF0];
	v54 =	vmax.f32 v15, $0.0e+00;
	[tilespmem:s2+$0xFFFFFF20] =	vst v52  }
0x283: {  	v55 =	vmax.f32 v19, $0.0e+00;
	v59 =	vadd.f32 v33, v20;
	v51 =	vld [tilespmem:s4+$0xFFFFFF00];
	[tilespmem:s2+$0xFFFFFF30] =	vst v54;
	v20 =	vadd.f32 v40, v39  }
0x284: {  	v26 =	vmul.f32 v26, v62;
	v3 =	vadd.f32 v3, v57;
	v36 =	vadd.f32 v36, v34;
	v58 =	vld [tilespmem:s17+$0xFFFFFF10];
	[tilespmem:s2+$0xFFFFFF40] =	vst v55  }
0x285: {  	v30 =	vld [tilespmem:s4+$0xE0];
	v62 =	vmax.f32 v2, $0.0e+00;
	v33 =	vadd.f32 v48, v60;
	[tilespmem:$0x1FDC0] =	vst v20;
	v4 =	vadd.f32 v22, v4  }
0x286: {  	v60 =	vadd.f32 v10, v0;
	v1 =	vld [tilespmem:s4+$0xFFFFFF10];
	[tilespmem:s2+$0xFFFFFF50] =	vst v62;
	v10 =	vadd.f32 v20, v36  }
0x287: {  	v54 =	vmul.f32 v20, v20;
	v20 =	vld [tilespmem:$0x1FFE0];
	[tilespmem:$0x1FDF0] =	vst v4;
	v4 =	vadd.f32 v42, v57;
	v42 =	vmax.f32 v3, $0.0e+00  }
0x288: {  	v32 =	vadd.f32 v27, v61;
	v27 =	vadd.f32 v28, v47;
	v2 =	vld [tilespmem:s17+$0xFFFFFF20];
	[tilespmem:s2+$0xFFFFFF60] =	vst v42  }
0x289: {  	v53 =	vadd.f32 v29, v57;
	v29 =	vadd.f32 v7, v44;
	v44 =	vmax.f32 v12, $0.0e+00;
	v3 =	vld [tilespmem:s4+$0xFFFFFF20]  }
0x28a: {  	v28 =	vadd.f32 v43, v41;
	v30 =	vadd.f32 v30, v6;
	[tilespmem:s2+$0xFFFFFF70] =	vst v44;
	v6 =	vld [tilespmem:s17+$0xFFFFFF30]  }
0x28b: {  	v16 =	vmax.f32 v16, $0.0e+00;
	v31 =	vadd.f32 v26, v35;
	v55 =	vadd.f32 v11, v46;
	v0 =	vld [tilespmem:s4+$0xFFFFFF30]  }
0x28c: {  	v46 =	vmax.f32 v13, $0.0e+00;
	v48 =	vadd.f32 v29, v28;
	[tilespmem:$0x1FE00] =	vst v4;
	v4 =	vadd.f32 v18, v14;
	v18 =	vld [tilespmem:s17+$0xFFFFFF40]  }
0x28d: {  	v39 =	vadd.f32 v1, v58;
	v58 =	vmul.f32 v29, v29;
	v57 =	vmul.f32 v28, v28;
	v1 =	vld [tilespmem:s4+$0xFFFFFF40]  }
0x28e: {  	v11 =	vmul.f32 v60, v60;
	v19 =	vadd.f32 v55, v30;
	v42 =	vld [tilespmem:s17+$0xFFFFFF50];
	v7 =	vadd.f32 v4, v60  }
0x28f: {  	v14 =	vmul.f32 v36, v36;
	v15 =	vadd.f32 v58, v57;
	v57 =	vld [tilespmem:s4+$0xFFFFFF60];
	v52 =	vmul.f32 v4, v4  }
0x290: {  	[tilespmem:s2+$0xFFFFFF80] =	vst v46;
	v46 =	vmul.f32 v30, v30;
	v58 =	vld [tilespmem:s4+$0xFFFFFF70];
	v7 =	vadd.f32 v10, v7;
	v10 =	vadd.f32 v19, v48  }
0x291: {  	[tilespmem:s2+$0xFFFFFF90] =	vst v16;
	v48 =	vmul.f32 v55, v55;
	v19 =	vld [tilespmem:s4+$0xFFFFFF50];
	v11 =	vadd.f32 v52, v11;
	v52 =	vadd.f32 v54, v14  }
0x292: {  	[tilespmem:$0x1FDB0] =	vst v36;
	v54 =	vld [tilespmem:s17+$0xFFFFFF60];
	v44 =	vadd.f32 v3, v2;
	v3 =	vadd.f32 v10, v7;
	v7 =	vmax.f32 v17, $0.0e+00  }
0x293: {  	v37 =	vadd.f32 v37, v49;
	v36 =	vadd.f32 v9, v35;
	v14 =	vld [tilespmem:s4+$0x0];
	[tilespmem:s2+$0xFFFFFFA0] =	vst v7;
	v7 =	vmax.f32 v45, $0.0e+00  }
0x294: {  	v12 =	vadd.f32 v48, v46;
	v10 =	vld [tilespmem:s17+$0xFFFFFF70];
	v11 =	vadd.f32 v52, v11;
	[tilespmem:s2+$0xFFFFFFB0] =	vst v7  }
0x295: {  	v40 =	vadd.f32 v0, v6;
	v41 =	vadd.f32 v1, v18;
	v34 =	vld [tilespmem:s17+$0xFFFFFF80]  }
0x296: {  	v61 =	vmul.f32 v44, v44;
	v12 =	vadd.f32 v12, v15;
	v7 =	vperm.xlane v3, v63;
	v16 =	vld [tilespmem:s4+$0xFFFFFF80]  }
0x297: {  	v46 =	vmul.f32 v40, v40;
	v42 =	vadd.f32 v19, v42;
	v43 =	vadd.f32 v57, v54;
	v2 =	vld [tilespmem:s17+$0xFFFFFF90]  }
0x298: {  	v54 =	vld [tilespmem:s4+$0xFFFFFF90];
	v11 =	vadd.f32 v12, v11;
	v3 =	vadd.f32 v3, v7  }
0x299: {  	v48 =	vmul.f32 v41, v41;
	v0 =	vld [tilespmem:s17+$0xFFFFFFA0];
	v25 =	vadd.f32 v46, v61;
	v18 =	vmul.f32 v42, v42  }
0x29a: {  	v45 =	vld [tilespmem:s4+$0xFFFFFFA0];
	v46 =	vadd.f32 v58, v10;
	v52 =	vperm.xlane v11, v63;
	v10 =	vperm.xlane v3, v21  }
0x29b: {  	v17 =	vadd.f32 v42, v41;
	v61 =	vadd.f32 v18, v48;
	v48 =	vld [tilespmem:s17+$0xFFFFFFB0]  }
0x29c: {  	v18 =	vld [tilespmem:s4+$0xFFFFFFB0];
	v11 =	vadd.f32 v52, v11;
	v3 =	vadd.f32 v3, v10  }
0x29d: {  	v12 =	vmul.f32 v43, v43;
	v10 =	vadd.f32 v46, v43;
	v58 =	vadd.f32 v54, v2;
	v54 =	vld [tilespmem:s17+$0xFFFFFFC0]  }
0x29e: {  	v57 =	vadd.f32 v16, v34;
	v34 =	vadd.f32 v8, v47;
	v8 =	vld [tilespmem:$0x1FFF0];
	v9 =	vperm.xlane v11, v21  }
0x29f: {  	v52 =	vmul.f32 v46, v46;
	v63 =	vperm.xlane v3, v20;
	v24 =	vadd.f32 v10, v17;
	v10 =	vld [tilespmem:s4+$0xFFFFFFC0]  }
0x2a0: {  	v47 =	vadd.f32 v45, v0;
	v0 =	vld [tilespmem:s17+$0xFFFFFFD0];
	v11 =	vadd.f32 v9, v11  }
0x2a1: {  	v45 =	vld [tilespmem:s4+$0xFFFFFFD0];
	v9 =	vadd.f32 v52, v12;
	v2 =	vadd.f32 v3, v63  }
0x2a2: {  	v1 =	vld [tilespmem:s17+$0xFFFFFFF0];
	v38 =	vmul.f32 v57, v57;
	v48 =	vadd.f32 v18, v48;
	v3 =	vperm.xlane v11, v20  }
0x2a3: {  	v16 =	vld [tilespmem:s4+$0xFFFFFFF0];
	v23 =	vadd.f32 v9, v61;
	v61 =	vmul.f32 v58, v58;
	v52 =	vperm.xlane v2, v8  }
0x2a4: {  	v63 =	vld [tilespmem:s17+$0xFFFFFFE0];
	v49 =	vadd.f32 v10, v54;
	v3 =	vadd.f32 v3, v11  }
0x2a5: {  	v11 =	vld [tilespmem:s4+$0xFFFFFFE0];
	v12 =	vadd.f32 v61, v38;
	v2 =	vadd.f32 v2, v52  }
0x2a6: {  	v38 =	vadd.f32 v5, v50;
	v50 =	vadd.f32 v45, v0;
	v0 =	vld [tilespmem:s17+$0x0];
	v10 =	vperm.xlane v3, v8  }
0x2a7: {  	v15 =	vadd.f32 v58, v57;
	v18 =	vmul.f32 v47, v47;
	v54 =	vadd.f32 v48, v47  }
0x2a8: {  	v19 =	vmul.f32 v48, v48;
	v9 =	vld [tilespmem:s17+$0x60];
	v45 =	vmul.f32 $7.812500000e-03, v2;
	v61 =	vadd.f32 v10, v3  }
0x2a9: {  	v5 =	vmul.f32 v49, v49;
	v3 =	vadd.f32 v54, v15;
	v54 =	vadd.f32 v16, v1;
	v16 =	vld [tilespmem:s17+$0x20]  }
0x2aa: {  	v10 =	vadd.f32 v19, v18;
	v13 =	vmul.f32 v45, v45;
	v52 =	vadd.f32 v11, v63;
	v11 =	vld [tilespmem:s17+$0x10]  }
0x2ab: {  	v18 =	vmax.f32 v56, $0.0e+00;
	v56 =	vadd.f32 v14, v0;
	v0 =	vld [tilespmem:s17+$0x30];
	v2 =	vmul.f32 $7.812500000e-03, v61  }
0x2ac: {  	v15 =	vadd.f32 v50, v49;
	v17 =	vsub.f32 v60, v45;
	v63 =	vmul.f32 v50, v50;
	v61 =	vld [tilespmem:s4+$0x10]  }
0x2ad: {  	v53 =	vmax.f32 v53, $0.0e+00;
	v22 =	vsub.f32 v4, v45;
	[tilespmem:s2+$0xFFFFFFC0] =	vst v18;
	v18 =	vld [tilespmem:s4+$0x30];
	v2 =	vsub.f32 v2, v13  }
0x2ae: {  	v19 =	vmul.f32 v54, v54;
	v1 =	vmul.f32 v52, v52;
	v5 =	vadd.f32 v63, v5;
	v63 =	vld [tilespmem:s4+$0x20]  }
0x2af: {  	v62 =	vmul.f32 v39, v39;
	v14 =	vld [tilespmem:s4+$0x40];
	v10 =	vadd.f32 v10, v12;
	v2 =	vadd.f32 $9.999999740e-06, v2  }
0x2b0: {  	v4 =	vmax.f32 v59, $0.0e+00;
	v60 =	vadd.f32 v54, v52;
	v13 =	vld [tilespmem:s17+$0x50];
	v1 =	vadd.f32 v19, v1  }
0x2b1: {  	v59 =	vadd.f32 v61, v11;
	v11 =	vld [tilespmem:s17+$0x40];
	v61 =	vshrl.u32 v2, $0x1;
	v6 =	vmul.f32 $5.000000000e-01, v2  }
0x2b2: {  	[tilespmem:s2+$0xFFFFFFD0] =	vst v4;
	v4 =	vadd.f32 v60, v15;
	v5 =	vadd.f32 v1, v5;
	v1 =	vld [tilespmem:s17+$0xFFFFFF00];
	v12 =	vsub.s32 $0x5F3759DF, v61  }
0x2b3: {  	v60 =	vadd.f32 v63, v16;
	v61 =	vadd.f32 v18, v0;
	v0 =	vld [tilespmem:$0x1FFC0];
	v63 =	vmul.f32 v12, v6  }
0x2b4: {  	v15 =	vmul.f32 v56, v56;
	v3 =	vadd.f32 v4, v3;
	v4 =	vld [tilespmem:s4+$0x50];
	v19 =	vmul.f32 v59, v59  }
0x2b5: {  	v26 =	vadd.f32 v40, v44;
	v2 =	vld [tilespmem:s4+$0x60];
	v16 =	vadd.f32 v59, v56;
	v63 =	vmul.f32 v12, v63  }
0x2b6: {  	v10 =	vadd.f32 v5, v10;
	v5 =	vld [tilespmem:s4+$0x70];
	v18 =	vmul.f32 v60, v60;
	v15 =	vadd.f32 v19, v15  }
0x2b7: {  	v19 =	vmul.f32 v61, v61;
	v11 =	vadd.f32 v14, v11;
	v14 =	vld [tilespmem:s17+$0x70];
	v63 =	vsub.f32 $1.500000000e+00, v63  }
0x2b8: {  	v1 =	vadd.f32 v51, v1;
	v7 =	vperm.xlane v3, v0;
	v0 =	vadd.f32 v61, v60  }
0x2b9: {  	v13 =	vadd.f32 v4, v13;
	v18 =	vadd.f32 v19, v18;
	v12 =	vmul.f32 v12, v63  }
0x2ba: {  	v4 =	vmul.f32 v11, v11;
	v19 =	vadd.f32 v39, v1;
	v63 =	vld [tilespmem:$0x1FFC0];
	v16 =	vadd.f32 v0, v16  }
0x2bb: {  	v0 =	vadd.f32 v2, v9;
	v2 =	vadd.f32 v13, v11;
	v6 =	vmul.f32 v12, v6  }
0x2bc: {  	v3 =	vadd.f32 v3, v7;
	v7 =	vmul.f32 v13, v13;
	v5 =	vadd.f32 v5, v14  }
0x2bd: {  	v9 =	vadd.f32 v18, v15;
	v14 =	vmul.f32 v0, v0;
	v6 =	vmul.f32 v6, v12  }
0x2be: {  	v15 =	vperm.xlane v3, v21;
	v4 =	vadd.f32 v7, v4;
	v7 =	vadd.f32 v5, v0  }
0x2bf: {  	[tilespmem:s2+$0xFFFFFFE0] =	vst v53;
	v53 =	vperm.xlane v10, v63;
	v63 =	vmul.f32 v1, v1;
	v6 =	vsub.f32 $1.500000000e+00, v6  }
0x2c0: {  	v18 =	vmul.f32 v5, v5;
	v3 =	vadd.f32 v3, v15;
	v2 =	vadd.f32 v7, v2  }
0x2c1: {  	v7 =	vadd.f32 v26, v19;
	v51 =	vmul.f32 v6, v12;
	v12 =	vadd.f32 v62, v63;
	v63 =	vld [tilespmem:$0x1FFC0]  }
0x2c2: {  	v14 =	vadd.f32 v18, v14;
	v10 =	vadd.f32 v53, v10;
	v62 =	vld [tilespmem:$0x1FEC0]  }
0x2c3: {  	v2 =	vadd.f32 v2, v16;
	v6 =	vsub.f32 v55, v45  }
0x2c4: {  	v7 =	vadd.f32 v24, v7;
	v12 =	vadd.f32 v25, v12  }
0x2c5: {  	v4 =	vadd.f32 v14, v4;
	v19 =	vperm.xlane v10, v21;
	v6 =	vmul.f32 v51, v6  }
0x2c6: {  	v16 =	vmul.f32 v51, v17;
	v12 =	vadd.f32 v23, v12;
	v17 =	vperm.xlane v7, v63  }
0x2c7: {  	v53 =	vld [tilespmem:$0x1FEF0];
	v4 =	vadd.f32 v4, v9;
	v14 =	vperm.xlane v2, v63;
	v6 =	vmul.f32 v6, v62  }
0x2c8: {  	v10 =	vadd.f32 v19, v10;
	v9 =	vperm.xlane v12, v63;
	v7 =	vadd.f32 v7, v17  }
0x2c9: {  	v6 =	vadd.f32 v6, v35;
	v2 =	vadd.f32 v2, v14;
	v35 =	vperm.xlane v4, v63  }
0x2ca: {  	v14 =	vperm.xlane v3, v20;
	v9 =	vadd.f32 v9, v12;
	v17 =	vperm.xlane v7, v21  }
0x2cb: {  	v6 =	vmax.f32 v6, $0.0e+00;
	v12 =	vperm.xlane v2, v21;
	v4 =	vadd.f32 v35, v4  }
0x2cc: {  	v3 =	vadd.f32 v3, v14;
	[tilespmem:s17+$0xF0] =	vst v6;
	v6 =	vmul.f32 v16, v53;
	v7 =	vadd.f32 v7, v17  }
0x2cd: {  	v35 =	vperm.xlane v9, v21;
	v2 =	vadd.f32 v2, v12;
	v12 =	vperm.xlane v10, v20  }
0x2ce: {  	v14 =	vperm.xlane v4, v21;
	v16 =	vperm.xlane v7, v20  }
0x2cf: {  	v9 =	vadd.f32 v35, v9;
	v35 =	vperm.xlane v3, v8;
	v10 =	vadd.f32 v12, v10  }
0x2d0: {  	v15 =	vperm.xlane v2, v20;
	v4 =	vadd.f32 v14, v4;
	v7 =	vadd.f32 v7, v16  }
0x2d1: {  	v12 =	vperm.xlane v9, v20;
	v3 =	vadd.f32 v3, v35;
	v14 =	vperm.xlane v10, v8  }
0x2d2: {  	v2 =	vadd.f32 v2, v15;
	v35 =	vperm.xlane v4, v20;
	v16 =	vperm.xlane v7, v8  }
0x2d3: {  	v9 =	vadd.f32 v12, v9;
	v10 =	vadd.f32 v14, v10  }
0x2d4: {  	v12 =	vperm.xlane v2, v8;
	v4 =	vadd.f32 v35, v4;
	v14 =	vadd.f32 v7, v16  }
0x2d5: {  	v3 =	vmul.f32 $7.812500000e-03, v3;
	v35 =	vperm.xlane v9, v8  }
0x2d6: {  	v2 =	vadd.f32 v2, v12;
	v12 =	vperm.xlane v4, v8;
	v14 =	vmul.f32 $7.812500000e-03, v14  }
0x2d7: {  	v10 =	vmul.f32 $7.812500000e-03, v10;
	v9 =	vadd.f32 v35, v9;
	v35 =	vmul.f32 v3, v3  }
0x2d8: {  	v4 =	vadd.f32 v12, v4;
	v12 =	vsub.f32 v39, v14;
	v39 =	vld [tilespmem:$0x1FF00]  }
0x2d9: {  	v30 =	vsub.f32 v30, v45;
	v10 =	vsub.f32 v10, v35  }
0x2da: {  	v18 =	vmul.f32 v51, v22;
	v7 =	vsub.f32 v57, v3;
	v16 =	vsub.f32 v58, v3  }
0x2db: {  	v2 =	vmul.f32 $7.812500000e-03, v2;
	v9 =	vmul.f32 $7.812500000e-03, v9;
	v10 =	vadd.f32 $9.999999740e-06, v10  }
0x2dc: {  	v58 =	vmul.f32 v14, v14;
	v1 =	vsub.f32 v1, v14;
	v4 =	vmul.f32 $7.812500000e-03, v4  }
0x2dd: {  	v8 =	vmul.f32 v18, v39;
	v18 =	vshrl.u32 v10, $0x1;
	v10 =	vmul.f32 $5.000000000e-01, v10  }
0x2de: {  	v35 =	vmul.f32 v2, v2;
	v9 =	vsub.f32 v9, v58;
	v18 =	vsub.s32 $0x5F3759DF, v18  }
0x2df: {  	v17 =	vsub.f32 v44, v14;
	v22 =	vsub.f32 v40, v14;
	v21 =	vmul.f32 v18, v10  }
0x2e0: {  	v4 =	vsub.f32 v4, v35;
	v9 =	vadd.f32 $9.999999740e-06, v9  }
0x2e1: {  	v23 =	vsub.f32 v41, v14;
	v11 =	vsub.f32 v11, v2;
	v21 =	vmul.f32 v18, v21  }
0x2e2: {  	v4 =	vadd.f32 $9.999999740e-06, v4;
	v39 =	vshrl.u32 v9, $0x1;
	v9 =	vmul.f32 $5.000000000e-01, v9  }
0x2e3: {  	v13 =	vsub.f32 v13, v2;
	v15 =	vsub.s32 $0x5F3759DF, v39;
	v21 =	vsub.f32 $1.500000000e+00, v21  }
0x2e4: {  	v19 =	vshrl.u32 v4, $0x1;
	v4 =	vmul.f32 $5.000000000e-01, v4;
	v20 =	vmul.f32 v15, v9  }
0x2e5: {  	v0 =	vsub.f32 v0, v2;
	v19 =	vsub.s32 $0x5F3759DF, v19;
	v18 =	vmul.f32 v18, v21  }
0x2e6: {  	v24 =	vld [tilespmem:$0x1FD90];
	v58 =	vmax.f32 v31, $0.0e+00;
	v44 =	vmul.f32 v19, v4;
	v20 =	vmul.f32 v15, v20  }
0x2e7: {  	v35 =	vmax.f32 v33, $0.0e+00;
	v31 =	vmax.f32 v27, $0.0e+00;
	v10 =	vmul.f32 v18, v10  }
0x2e8: {  	[tilespmem:s2+$0x0] =	vst v35;
	v35 =	vsub.f32 v42, v14;
	v33 =	vmul.f32 v19, v44;
	v20 =	vsub.f32 $1.500000000e+00, v20  }
0x2e9: {  	v42 =	vsub.f32 v47, v3;
	v47 =	vsub.f32 v59, v2;
	v10 =	vmul.f32 v10, v18  }
0x2ea: {  	v33 =	vsub.f32 $1.500000000e+00, v33;
	v21 =	vsub.f32 v49, v3;
	v15 =	vmul.f32 v15, v20  }
0x2eb: {  	v27 =	vmax.f32 v24, $0.0e+00;
	v49 =	vsub.f32 v60, v2;
	v60 =	vld [tilespmem:$0x1FF50];
	v10 =	vsub.f32 $1.500000000e+00, v10  }
0x2ec: {  	v24 =	vld [tilespmem:$0x1FDA0];
	v39 =	vsub.f32 v43, v14;
	v14 =	vsub.f32 v46, v14;
	v9 =	vmul.f32 v15, v9  }
0x2ed: {  	v43 =	vsub.f32 v50, v3;
	v19 =	vmul.f32 v19, v33;
	v10 =	vmul.f32 v10, v18  }
0x2ee: {  	v46 =	vsub.f32 v56, v2;
	v56 =	vld [tilespmem:$0x1FED0];
	v50 =	vsub.f32 v61, v2;
	v9 =	vmul.f32 v9, v15  }
0x2ef: {  	v2 =	vsub.f32 v5, v2;
	v4 =	vmul.f32 v19, v4;
	v41 =	vmul.f32 v10, v7;
	v7 =	vld [tilespmem:$0x1FDD0]  }
0x2f0: {  	v32 =	vmax.f32 v32, $0.0e+00;
	v5 =	vld [tilespmem:$0x1FDB0];
	v6 =	vadd.f32 v6, v60;
	v9 =	vsub.f32 $1.500000000e+00, v9  }
0x2f1: {  	v24 =	vmax.f32 v24, $0.0e+00;
	v44 =	vsub.f32 v52, v3;
	v4 =	vmul.f32 v4, v19  }
0x2f2: {  	v57 =	vld [tilespmem:$0x1FEE0];
	v20 =	vsub.f32 v48, v3;
	v6 =	vmax.f32 v6, $0.0e+00;
	v9 =	vmul.f32 v9, v15  }
0x2f3: {  	v52 =	vld [tilespmem:$0x1FDC0];
	v3 =	vsub.f32 v54, v3;
	v4 =	vsub.f32 $1.500000000e+00, v4;
	[tilespmem:s17+$0x80] =	vst v6;
	v6 =	vmul.f32 v51, v30  }
0x2f4: {  	v48 =	vmul.f32 v9, v35;
	v35 =	vmul.f32 v10, v16;
	v16 =	vadd.f32 v7, v56;
	v7 =	vld [tilespmem:$0x1FDE0]  }
0x2f5: {  	[tilespmem:s2+$0x20] =	vst v31;
	v61 =	vld [tilespmem:$0x1FF60];
	v5 =	vsub.f32 v5, v45;
	v4 =	vmul.f32 v4, v19;
	v31 =	vmul.f32 v10, v20  }
0x2f6: {  	[tilespmem:s2+$0x10] =	vst v32;
	v18 =	vsub.f32 v28, v45;
	v32 =	vmul.f32 v10, v21;
	v26 =	vmul.f32 v10, v3;
	v3 =	vld [tilespmem:$0x1FE00]  }
0x2f7: {  	v19 =	vsub.f32 v29, v45;
	v29 =	vmul.f32 v10, v44;
	v21 =	vmul.f32 v51, v5  }
0x2f8: {  	v15 =	vsub.f32 v52, v45;
	v1 =	vmul.f32 v9, v1;
	v52 =	vmul.f32 v9, v22  }
0x2f9: {  	[tilespmem:s2+$0xFFFFFFF0] =	vst v58;
	v45 =	vmul.f32 v9, v23;
	v33 =	vmul.f32 v9, v14;
	v58 =	vadd.f32 v7, v57;
	v7 =	vld [tilespmem:$0x1FDF0]  }
0x2fa: {  	[tilespmem:s2+$0x30] =	vst v27;
	v14 =	vadd.f32 v8, v61;
	v8 =	vmul.f32 v4, v46;
	v27 =	vmul.f32 v4, v47  }
0x2fb: {  	[tilespmem:s2+$0x40] =	vst v24;
	v28 =	vmul.f32 v4, v49;
	v24 =	vmul.f32 v4, v50;
	v3 =	vmax.f32 v3, $0.0e+00  }
0x2fc: {  	v55 =	vld [tilespmem:$0x1FF30];
	v25 =	vmul.f32 v4, v11;
	v22 =	vmul.f32 v4, v13;
	[tilespmem:s2+$0x60] =	vst v3;
	v3 =	vmax.f32 v36, $0.0e+00  }
0x2fd: {  	v54 =	vld [tilespmem:$0x1FF00];
	v23 =	vmul.f32 v4, v0;
	v20 =	vmul.f32 v4, v2;
	[tilespmem:s2+$0x70] =	vst v3;
	v3 =	vmax.f32 v14, $0.0e+00  }
0x2fe: {  	s16 =	sadd.s32 $0x4, s16;
	v5 =	vmul.f32 v51, v15;
	[tilespmem:s17+$0x90] =	vst v3;
	v50 =	vmax.f32 v58, $0.0e+00;
	v58 =	vld [tilespmem:$0x1FF20];
	v7 =	vmax.f32 v7, $0.0e+00  }
0x2ff: {  	p1 =	slt.u32 s16, $0x3C;
	v4 =	vmul.f32 v51, v19;
	v49 =	vmax.f32 v16, $0.0e+00;
	[tilespmem:s2+$0x50] =	vst v7;
	v7 =	vmul.f32 v51, v18;
	v51 =	vld [tilespmem:$0x1FF10]  }
.Ltmp4:
0x300: {  	v44 =	vmax.f32 v34, $0.0e+00;
	v12 =	vmul.f32 v9, v12;
	v17 =	vmul.f32 v9, v17;
	[tilespmem:s2+$0xD0] =	vst v49;
	(pc) =	sbr.rel @p1 .LBB2_6-.Ltmp4, $4  }
0x301: {  	v40 =	vmul.f32 v9, v39;
	v39 =	vmul.f32 v10, v42;
	v46 =	vmax.f32 v37, $0.0e+00;
	[tilespmem:s2+$0xA0] =	vst v44  }
0x302: {  	v9 =	vmul.f32 v10, v43;
	v47 =	vmax.f32 v38, $0.0e+00;
	v1 =	vmul.f32 v1, v53;
	[tilespmem:s2+$0xB0] =	vst v46  }
0x303: {  	v59 =	vld [tilespmem:$0x1FF40];
	v38 =	vmul.f32 v12, v54;
	v34 =	vmul.f32 v45, v55;
	[tilespmem:s2+$0xC0] =	vst v47  }
0x304: {  	v30 =	vadd.f32 v1, v60;
	[tilespmem:s2+$0xE0] =	vst v50;
	s2 =	smov.u32 s17;
	s17 =	sadd.s32 $0x200, s17;
	v37 =	vmul.f32 v52, v58;
	v52 =	vld [tilespmem:$0x1FF20];
	v36 =	vmul.f32 v17, v51  }
0x305: {  	v13 =	vld [tilespmem:$0x1FF80]  }
0x306: {  	v44 =	vld [tilespmem:$0x1FF90];
	_ =	sdelay $0x2  }
0x307: {  	v0 =	vadd.f32 v38, v61;
	v2 =	vmax.f32 v30, $0.0e+00  }
0x308: {  	[tilespmem:s2+$0xFFFFFF00] =	vst v2;
	v1 =	vadd.f32 v36, v13  }
0x309: {  	v0 =	vmax.f32 v0, $0.0e+00;
	v12 =	vld [tilespmem:$0x1FF70];
	v10 =	vadd.f32 v37, v44  }
0x30a: {  	v18 =	vld [tilespmem:$0x1FFB0];
	[tilespmem:s2+$0xFFFFFF10] =	vst v0;
	v0 =	vmax.f32 v1, $0.0e+00  }
0x30b: {  	[tilespmem:s2+$0xFFFFFF20] =	vst v0;
	v0 =	vmax.f32 v10, $0.0e+00  }
0x30c: {  	[tilespmem:s2+$0xFFFFFF30] =	vst v0  }
0x30d: {  	v1 =	vmul.f32 v33, v62;
	v33 =	vld [tilespmem:$0x1FFA0]  }
0x30e: {  	v3 =	vmul.f32 v48, v59  }
0x30f: {  	v2 =	vmul.f32 v40, v12;
	v11 =	vadd.f32 v34, v18  }
0x310: {  	v3 =	vadd.f32 v3, v56  }
0x311: {  	v45 =	vmul.f32 v41, v53;
	v2 =	vadd.f32 v2, v57;
	v0 =	vmax.f32 v11, $0.0e+00  }
0x312: {  	v46 =	vmul.f32 v35, v54;
	[tilespmem:s2+$0xFFFFFF40] =	vst v0;
	v0 =	vmax.f32 v3, $0.0e+00;
	v1 =	vadd.f32 v1, v33  }
0x313: {  	v10 =	vadd.f32 v45, v60;
	v3 =	vmul.f32 v39, v51;
	[tilespmem:s2+$0xFFFFFF50] =	vst v0;
	v0 =	vmax.f32 v2, $0.0e+00  }
0x314: {  	v11 =	vadd.f32 v46, v61;
	v2 =	vmul.f32 v31, v52;
	[tilespmem:s2+$0xFFFFFF60] =	vst v0;
	v0 =	vmax.f32 v1, $0.0e+00  }
0x315: {  	v3 =	vadd.f32 v3, v13;
	v1 =	vmul.f32 v32, v55;
	[tilespmem:s2+$0xFFFFFF70] =	vst v0;
	v0 =	vmax.f32 v10, $0.0e+00  }
0x316: {  	v9 =	vmul.f32 v9, v59;
	v2 =	vadd.f32 v2, v44;
	[tilespmem:s2+$0xFFFFFF80] =	vst v0;
	v0 =	vmax.f32 v11, $0.0e+00  }
0x317: {  	v47 =	vmul.f32 v29, v12;
	v1 =	vadd.f32 v1, v18;
	[tilespmem:s2+$0xFFFFFF90] =	vst v0;
	v0 =	vmax.f32 v3, $0.0e+00  }
0x318: {  	v9 =	vadd.f32 v9, v56;
	v3 =	vmul.f32 v26, v62;
	[tilespmem:s2+$0xFFFFFFA0] =	vst v0;
	v0 =	vmax.f32 v2, $0.0e+00  }
0x319: {  	v48 =	vadd.f32 v47, v57;
	v2 =	vmul.f32 v8, v53;
	[tilespmem:s2+$0xFFFFFFB0] =	vst v0;
	v0 =	vmax.f32 v1, $0.0e+00  }
0x31a: {  	v1 =	vmul.f32 v27, v54;
	v3 =	vadd.f32 v3, v33;
	[tilespmem:s2+$0xFFFFFFC0] =	vst v0;
	v0 =	vmax.f32 v9, $0.0e+00  }
0x31b: {  	v49 =	vmul.f32 v28, v51;
	v2 =	vadd.f32 v2, v60;
	[tilespmem:s2+$0xFFFFFFD0] =	vst v0;
	v0 =	vmax.f32 v48, $0.0e+00  }
0x31c: {  	v50 =	vmul.f32 v24, v52;
	v1 =	vadd.f32 v1, v61;
	[tilespmem:s2+$0xFFFFFFE0] =	vst v0;
	v0 =	vmax.f32 v3, $0.0e+00  }
0x31d: {  	v9 =	vadd.f32 v49, v13;
	v3 =	vmul.f32 v25, v55;
	[tilespmem:s2+$0xFFFFFFF0] =	vst v0;
	v0 =	vmax.f32 v2, $0.0e+00  }
0x31e: {  	v8 =	vadd.f32 v50, v44;
	v2 =	vmul.f32 v22, v59;
	[tilespmem:s2+$0x0] =	vst v0;
	v0 =	vmax.f32 v1, $0.0e+00  }
0x31f: {  	v1 =	vmul.f32 v23, v12;
	v3 =	vadd.f32 v3, v18;
	[tilespmem:s2+$0x10] =	vst v0;
	v0 =	vmax.f32 v9, $0.0e+00  }
0x320: {  	v53 =	vmul.f32 v20, v62;
	v2 =	vadd.f32 v2, v56;
	[tilespmem:s2+$0x20] =	vst v0;
	v0 =	vmax.f32 v8, $0.0e+00  }
0x321: {  	v54 =	vmul.f32 v21, v51;
	v1 =	vadd.f32 v1, v57;
	[tilespmem:s2+$0x30] =	vst v0;
	v0 =	vmax.f32 v3, $0.0e+00  }
0x322: {  	v58 =	vadd.f32 v53, v33;
	v3 =	vmul.f32 v5, v52;
	[tilespmem:s2+$0x40] =	vst v0;
	v0 =	vmax.f32 v2, $0.0e+00  }
0x323: {  	v60 =	vadd.f32 v54, v13;
	v2 =	vmul.f32 v7, v55;
	[tilespmem:s2+$0x50] =	vst v0;
	v0 =	vmax.f32 v1, $0.0e+00  }
0x324: {  	v1 =	vmul.f32 v4, v59;
	v3 =	vadd.f32 v3, v44;
	[tilespmem:s2+$0x60] =	vst v0;
	v0 =	vmax.f32 v58, $0.0e+00  }
0x325: {  	v61 =	vmul.f32 v6, v12;
	v2 =	vadd.f32 v2, v18;
	[tilespmem:s2+$0x70] =	vst v0;
	v0 =	vmax.f32 v60, $0.0e+00  }
0x326: {  	v1 =	vadd.f32 v1, v56;
	[tilespmem:s2+$0xA0] =	vst v0;
	v0 =	vmax.f32 v3, $0.0e+00  }
0x327: {  	v3 =	vadd.f32 v61, v57;
	[tilespmem:s2+$0xB0] =	vst v0;
	v0 =	vmax.f32 v2, $0.0e+00  }
0x328: {  	[tilespmem:s2+$0xC0] =	vst v0;
	v0 =	vmax.f32 v1, $0.0e+00  }
0x329: {  	[tilespmem:s2+$0xD0] =	vst v0;
	v0 =	vmax.f32 v3, $0.0e+00  }
0x32a: {  	p1 =	seq.s32 s3, $0x68;
	[tilespmem:s2+$0xE0] =	vst v0  }
0x32b: {  	[spmem:s5] =	stream.indirect.scatter.add.f32 [tilespmem:s24], [sflag:$0x5], $0x80, s25, s18, $0xb8;
	[tilespmem:$0x1F300] =	vst v63  }
.Ltmp5:
0x32c: {  	_ = 	snop;
	(pc) =	sbr.rel @!p1 .LBB2_3-.Ltmp5, $4  }
.Ltmp6:
0x32d: {  	_ =	swait.ge [sflag:s15], $0x2000;
	(pc) =	sbr.rel @p1 .LBB2_14-.Ltmp6, $4  }
0x32e: {  	v0 =	vmov v62;
	v62 =	vld [tilespmem:$0x1FFD0]  }
0x32f: {  	[sflag:s15] =	ssyncset.done $0x0;
	v56 =	vld [tilespmem:$0x1FFE0]  }
0x330: {  	s2 =	smov.u32 s3;
	v58 =	vld [tilespmem:$0x1FFF0];
	[sflag:s15] =	ssyncadd.s32 $0xFFFFE000  }
0x331: {  	_ = 	snop  }
.LBB2_8:
0x332: {  	[tilespmem:s2], [sflag:$0x5] =	stream.linear.gather [hbm4b:s10+s2], $0x1C00, $0x38;
	[tilespmem:$0x1F300] =	vst v63  }
0x333: {  	_ =	swait.ge [sflag:s15], $0x1C00  }
0x334: {  	[sflag:s15] =	ssyncset.done $0x0  }
0x335: {  	[sflag:s15] =	ssyncadd.s32 $0xFFFFE400  }
0x336: {  	v0 =	vld [tilespmem:$0x0];
	_ =	sdelay $0x1  }
0x337: {  	v1 =	vld [tilespmem:$0x10];
	_ =	sdelay $0x1  }
0x338: {  	v2 =	vld [tilespmem:$0x20]  }
0x339: {  	v3 =	vand.u32 $0xFFFF, v0  }
0x33a: {  	v44 =	vld [tilespmem:$0x30];
	v0 =	vshrl.u32 v0, $0x10;
	[tilespmem:$0x3400] =	vst v3  }
0x33b: {  	v45 =	vand.u32 $0xFFFF, v1;
	[tilespmem:$0x3480] =	vst v0  }
0x33c: {  	v46 =	vshrl.u32 v1, $0x10;
	[tilespmem:$0x3410] =	vst v45  }
0x33d: {  	v47 =	vand.u32 $0xFFFF, v2;
	[tilespmem:$0x3490] =	vst v46  }
0x33e: {  	v48 =	vshrl.u32 v2, $0x10;
	[tilespmem:$0x3420] =	vst v47  }
0x33f: {  	v49 =	vand.u32 $0xFFFF, v44;
	[tilespmem:$0x34A0] =	vst v48  }
0x340: {  	v61 =	vshrl.u32 v44, $0x10;
	[tilespmem:$0x3430] =	vst v49  }
0x341: {  	[tilespmem:$0x34B0] =	vst v61  }
0x342: {  	[tilespmem:s20], [sflag:$0x1] =	stream.indirect.gather [hbm4b:s1+s18], $0x80, s19, s18, $0xb8;
	[tilespmem:$0x1F300] =	vst v63  }
0x343: {  	_ = 	snop  }
0x344: {  	[tilespmem:s22], [sflag:$0x2] =	stream.indirect.gather [hbm4b:s7+s18], $0x80, s21, s18, $0xb8;
	[tilespmem:$0x1F300] =	vst v63  }
.LBB2_9:
0x345: {  	s3 =	sshll.u32 s2, $0x7  }
0x346: {  	s3 =	sand.u32 $0x3FFFFF80, s3  }
0x347: {  	v0 =	vld [tilespmem:s3+$0x40];
	_ =	sdelay $0x4  }
0x348: {  	v1 =	vand.u32 $0xFFFF, v0  }
0x349: {  	v0 =	vshrl.u32 v0, $0x10;
	[tilespmem:$0x3500] =	vst v1  }
0x34a: {  	[tilespmem:$0x3580] =	vst v0  }
0x34b: {  	v0 =	vld [tilespmem:s3+$0x50];
	_ =	sdelay $0x4  }
0x34c: {  	v39 =	vand.u32 $0xFFFF, v0  }
0x34d: {  	v0 =	vshrl.u32 v0, $0x10;
	[tilespmem:$0x3510] =	vst v39  }
0x34e: {  	[tilespmem:$0x3590] =	vst v0  }
0x34f: {  	v0 =	vld [tilespmem:s3+$0x60];
	_ =	sdelay $0x4  }
0x350: {  	v40 =	vand.u32 $0xFFFF, v0  }
0x351: {  	v0 =	vshrl.u32 v0, $0x10;
	[tilespmem:$0x3520] =	vst v40  }
0x352: {  	[tilespmem:$0x35A0] =	vst v0  }
0x353: {  	v0 =	vld [tilespmem:s3+$0x70];
	_ =	sdelay $0x4  }
0x354: {  	v41 =	vand.u32 $0xFFFF, v0  }
0x355: {  	v0 =	vshrl.u32 v0, $0x10;
	[tilespmem:$0x3530] =	vst v41  }
0x356: {  	[tilespmem:$0x35B0] =	vst v0  }
0x357: {  	[tilespmem:s24], [sflag:$0x3] =	stream.indirect.gather [hbm4b:s1+s18], $0x80, s23, s18, $0xb8;
	[tilespmem:$0x1F300] =	vst v63  }
0x358: {  	_ = 	snop  }
0x359: {  	[tilespmem:s26], [sflag:$0x4] =	stream.indirect.gather [hbm4b:s7+s18], $0x80, s25, s18, $0xb8;
	[tilespmem:$0x1F300] =	vst v63  }
0x35a: {  	_ =	swait.ge [sflag:s28], $0x2000  }
0x35b: {  	[sflag:s28] =	ssyncset.done $0x0  }
0x35c: {  	[sflag:s28] =	ssyncadd.s32 $0xFFFFE000  }
0x35d: {  	_ =	swait.ge [sflag:s29], $0x2000  }
0x35e: {  	[sflag:s29] =	ssyncset.done $0x0  }
0x35f: {  	s3 =	simm.s32 $0x3700;
	[sflag:s29] =	ssyncadd.s32 $0xFFFFE000  }
0x360: {  	s4 =	simm.s32 $0x5700;
	v42 =	vld [tilespmem:s3+$0x80]  }
0x361: {  	v43 =	vld [tilespmem:s4+$0x80]  }
0x362: {  	v2 =	vld [tilespmem:s3+$0x90]  }
0x363: {  	v3 =	vld [tilespmem:s4+$0x90]  }
0x364: {  	v4 =	vld [tilespmem:s3+$0xA0]  }
0x365: {  	v5 =	vld [tilespmem:s4+$0xA0]  }
0x366: {  	v6 =	vld [tilespmem:s3+$0xB0]  }
0x367: {  	v7 =	vld [tilespmem:s4+$0xB0]  }
0x368: {  	v8 =	vld [tilespmem:s3+$0xC0]  }
0x369: {  	v9 =	vld [tilespmem:s4+$0xC0]  }
0x36a: {  	v10 =	vld [tilespmem:s3+$0xD0]  }
0x36b: {  	v11 =	vld [tilespmem:s4+$0xD0]  }
0x36c: {  	v12 =	vld [tilespmem:s3+$0xE0]  }
0x36d: {  	v13 =	vld [tilespmem:s4+$0xE0]  }
0x36e: {  	v14 =	vld [tilespmem:s3+$0xF0]  }
0x36f: {  	v15 =	vld [tilespmem:s4+$0xF0]  }
0x370: {  	v47 =	vld [tilespmem:s4+$0xFFFFFF00]  }
0x371: {  	v18 =	vld [tilespmem:s3+$0xFFFFFF20]  }
0x372: {  	v19 =	vld [tilespmem:s4+$0xFFFFFF20]  }
0x373: {  	v29 =	vld [tilespmem:s3+$0xFFFFFF30]  }
0x374: {  	v46 =	vld [tilespmem:s4+$0xFFFFFF30]  }
0x375: {  	v48 =	vld [tilespmem:s3+$0xFFFFFF40]  }
0x376: {  	v49 =	vld [tilespmem:s4+$0xFFFFFF40];
	v26 =	vadd.f32 v43, v42  }
0x377: {  	v16 =	vld [tilespmem:s3+$0xFFFFFF10];
	v25 =	vadd.f32 v3, v2;
	v22 =	vadd.f32 v5, v4  }
0x378: {  	v17 =	vld [tilespmem:s4+$0xFFFFFF10];
	v23 =	vadd.f32 v7, v6;
	v24 =	vadd.f32 v9, v8  }
0x379: {  	v35 =	vld [tilespmem:s3+$0xFFFFFF70];
	v21 =	vadd.f32 v11, v10;
	v20 =	vadd.f32 v13, v12  }
0x37a: {  	v38 =	vld [tilespmem:s4+$0xFFFFFF70];
	v27 =	vadd.f32 v15, v14;
	v32 =	vadd.f32 v19, v18  }
0x37b: {  	v37 =	vld [tilespmem:s4+$0xFFFFFF60];
	v31 =	vadd.f32 v46, v29;
	v29 =	vadd.f32 v49, v48  }
0x37c: {  	v40 =	vld [tilespmem:s4+$0xFFFFFF80];
	v4 =	vadd.f32 v25, v26;
	v5 =	vadd.f32 v23, v22;
	v6 =	vmul.f32 v26, v26  }
0x37d: {  	v0 =	vld [tilespmem:s3+$0xFFFFFFA0];
	v8 =	vadd.f32 v21, v24;
	v9 =	vmul.f32 v25, v25;
	v10 =	vmul.f32 v22, v22  }
0x37e: {  	v3 =	vld [tilespmem:s3+$0xFFFFFF50];
	v12 =	vadd.f32 v27, v20;
	v61 =	vmul.f32 v23, v23;
	v36 =	vmul.f32 v24, v24  }
0x37f: {  	v7 =	vld [tilespmem:s4+$0xFFFFFF50];
	v35 =	vadd.f32 v38, v35;
	v28 =	vmul.f32 v21, v21;
	v30 =	vmul.f32 v20, v20  }
0x380: {  	v11 =	vld [tilespmem:s3+$0xFFFFFF60];
	v4 =	vadd.f32 v5, v4;
	v5 =	vadd.f32 v12, v8;
	v8 =	vmul.f32 v27, v27  }
0x381: {  	v15 =	vld [tilespmem:s3+$0xFFFFFFC0];
	v6 =	vadd.f32 v9, v6;
	v9 =	vadd.f32 v61, v10  }
0x382: {  	v10 =	vld [tilespmem:s3+$0xFFFFFF80];
	v39 =	vadd.f32 v28, v36;
	v8 =	vadd.f32 v8, v30  }
0x383: {  	v49 =	vld [tilespmem:s3+$0xFFFFFFF0];
	v4 =	vadd.f32 v5, v4;
	v6 =	vadd.f32 v9, v6  }
0x384: {  	v5 =	vld [tilespmem:s3+$0xFFFFFF90];
	v61 =	vmov v33;
	v33 =	vadd.f32 v7, v3;
	v8 =	vadd.f32 v8, v39  }
0x385: {  	v44 =	vmul.f32 v29, v29;
	v28 =	vadd.f32 v17, v16;
	v9 =	vld [tilespmem:s4+$0xFFFFFF90];
	v42 =	vperm.xlane v4, v63  }
0x386: {  	v12 =	vld [tilespmem:s3+$0xFFFFFFD0];
	v34 =	vadd.f32 v37, v11;
	v18 =	vmul.f32 v33, v33;
	v41 =	vadd.f32 v8, v6  }
0x387: {  	v43 =	vmul.f32 v31, v31;
	v36 =	vadd.f32 v40, v10;
	v40 =	vld [tilespmem:s4+$0xFFFFFFF0];
	v2 =	vadd.f32 v4, v42  }
0x388: {  	v3 =	vadd.f32 v31, v32;
	v45 =	vadd.f32 v18, v44;
	v18 =	vld [tilespmem:s4+$0xFFFFFFD0];
	v4 =	vperm.xlane v41, v63  }
0x389: {  	v16 =	vld [tilespmem:s4+$0xFFFFFFB0];
	v11 =	vadd.f32 v33, v29;
	v10 =	vadd.f32 v35, v34;
	v19 =	vperm.xlane v2, v62  }
0x38a: {  	v6 =	vld [tilespmem:s4+$0xFFFFFFA0];
	v8 =	vmul.f32 v32, v32;
	v37 =	vadd.f32 v9, v5;
	v1 =	vadd.f32 v4, v41  }
0x38b: {  	v48 =	vmul.f32 v35, v35;
	v7 =	vld [tilespmem:s3+$0xFFFFFFB0];
	v10 =	vadd.f32 v10, v11;
	v2 =	vadd.f32 v2, v19  }
0x38c: {  	v30 =	vld [tilespmem:s4+$0xFFFFFFC0];
	v8 =	vadd.f32 v43, v8;
	v4 =	vmul.f32 v34, v34;
	v46 =	vperm.xlane v1, v62  }
0x38d: {  	v42 =	vld [tilespmem:s3+$0x10];
	v40 =	vadd.f32 v40, v49;
	v39 =	vadd.f32 v18, v12;
	v5 =	vperm.xlane v2, v56  }
0x38e: {  	v44 =	vmul.f32 v36, v36;
	v43 =	vld [tilespmem:s4+$0x10];
	v11 =	vadd.f32 v48, v4;
	v1 =	vadd.f32 v46, v1  }
0x38f: {  	v12 =	vld [tilespmem:s3+$0x20];
	v4 =	vadd.f32 v6, v0;
	v6 =	vmul.f32 v37, v37;
	v2 =	vadd.f32 v2, v5  }
0x390: {  	v0 =	vadd.f32 v11, v45;
	v5 =	vadd.f32 v16, v7;
	v16 =	vld [tilespmem:s4+$0x20];
	v38 =	vperm.xlane v1, v56  }
0x391: {  	v9 =	vld [tilespmem:s4+$0xFFFFFFE0];
	v45 =	vadd.f32 v37, v36;
	v41 =	vmul.f32 v4, v4;
	v7 =	vperm.xlane v2, v58  }
0x392: {  	v19 =	vld [tilespmem:s3+$0xFFFFFFE0];
	v17 =	vadd.f32 v6, v44;
	v46 =	vmul.f32 v5, v5;
	v1 =	vadd.f32 v38, v1  }
0x393: {  	v13 =	vld [tilespmem:s4+$0x0];
	v2 =	vadd.f32 v2, v7;
	v7 =	vadd.f32 v5, v4  }
0x394: {  	v14 =	vld [tilespmem:s4+$0x30];
	v38 =	vadd.f32 v30, v15;
	v15 =	vadd.f32 v46, v41;
	v6 =	vperm.xlane v1, v58  }
0x395: {  	v48 =	vmul.f32 v39, v39;
	v11 =	vld [tilespmem:s3+$0x0];
	v41 =	vadd.f32 v43, v42;
	v42 =	vadd.f32 v16, v12  }
0x396: {  	v30 =	vmul.f32 $7.812500000e-03, v2;
	v15 =	vadd.f32 v15, v17;
	v17 =	vld [tilespmem:s3+$0x40];
	v1 =	vadd.f32 v6, v1  }
0x397: {  	v2 =	vadd.f32 v7, v45;
	v7 =	vmul.f32 v38, v38;
	v45 =	vld [tilespmem:s4+$0x40];
	v6 =	vadd.f32 v9, v19  }
0x398: {  	v9 =	vld [tilespmem:s3+$0x30];
	v18 =	vmul.f32 v30, v30;
	v19 =	vadd.f32 v39, v38;
	v1 =	vmul.f32 $7.812500000e-03, v1  }
0x399: {  	v49 =	vld [tilespmem:s4+$0x60];
	v46 =	vadd.f32 v48, v7;
	v48 =	vmul.f32 v40, v40;
	v44 =	vmul.f32 v6, v6  }
0x39a: {  	v16 =	vld [tilespmem:s3+$0x60];
	v1 =	vsub.f32 v1, v18;
	v18 =	vadd.f32 v40, v6  }
0x39b: {  	v7 =	vadd.f32 v13, v11;
	v11 =	vld [tilespmem:s3+$0x50];
	v12 =	vadd.f32 v48, v44  }
0x39c: {  	v44 =	vadd.f32 v45, v17;
	v13 =	vadd.f32 v18, v19;
	v18 =	vld [tilespmem:s4+$0x50]  }
0x39d: {  	v17 =	vld [tilespmem:s3+$0x70];
	v43 =	vadd.f32 v14, v9;
	v9 =	vadd.f32 v12, v46  }
0x39e: {  	v27 =	vsub.f32 v27, v30;
	v48 =	vadd.f32 v41, v7;
	v19 =	vmul.f32 v7, v7;
	v12 =	vld [tilespmem:s3+$0xFFFFFF00]  }
0x39f: {  	v2 =	vadd.f32 v13, v2;
	v13 =	vmul.f32 v41, v41;
	v9 =	vadd.f32 v9, v15;
	v15 =	vld [tilespmem:s4+$0x70]  }
0x3a0: {  	v14 =	vmul.f32 v42, v42;
	v1 =	vadd.f32 $9.999999740e-06, v1;
	v46 =	vadd.f32 v43, v42  }
0x3a1: {  	v13 =	vadd.f32 v13, v19;
	v19 =	vmul.f32 v43, v43;
	v45 =	vadd.f32 v18, v11  }
0x3a2: {  	v11 =	vadd.f32 v46, v48;
	v46 =	vadd.f32 v49, v16  }
0x3a3: {  	v18 =	vmul.f32 v44, v44;
	v12 =	vadd.f32 v47, v12;
	v14 =	vadd.f32 v19, v14  }
0x3a4: {  	v16 =	vadd.f32 v45, v44;
	v19 =	vmul.f32 v45, v45;
	v47 =	vadd.f32 v15, v17  }
0x3a5: {  	v15 =	vadd.f32 v28, v12;
	v13 =	vadd.f32 v14, v13;
	v14 =	vmul.f32 v28, v28  }
0x3a6: {  	v18 =	vadd.f32 v19, v18;
	v19 =	vmul.f32 v12, v12;
	v48 =	vadd.f32 v47, v46  }
0x3a7: {  	v17 =	vmul.f32 v46, v46;
	v3 =	vadd.f32 v3, v15;
	v49 =	vmul.f32 v47, v47  }
0x3a8: {  	v14 =	vadd.f32 v14, v19;
	v16 =	vadd.f32 v48, v16  }
0x3a9: {  	v15 =	vadd.f32 v49, v17;
	v3 =	vadd.f32 v10, v3;
	v10 =	vperm.xlane v2, v63  }
0x3aa: {  	v49 =	vperm.xlane v9, v63;
	v8 =	vadd.f32 v8, v14;
	v11 =	vadd.f32 v16, v11  }
0x3ab: {  	v19 =	vshrl.u32 v1, $0x1;
	v48 =	vadd.f32 v15, v18;
	v2 =	vadd.f32 v2, v10  }
0x3ac: {  	v9 =	vadd.f32 v49, v9;
	v0 =	vadd.f32 v0, v8;
	v8 =	vperm.xlane v3, v63  }
0x3ad: {  	v10 =	vperm.xlane v11, v63;
	v13 =	vadd.f32 v48, v13;
	v48 =	vperm.xlane v2, v62  }
0x3ae: {  	v1 =	vmul.f32 $5.000000000e-01, v1;
	v3 =	vadd.f32 v3, v8;
	v8 =	vperm.xlane v0, v63  }
0x3af: {  	v15 =	vperm.xlane v9, v62;
	v10 =	vadd.f32 v11, v10;
	v2 =	vadd.f32 v2, v48  }
0x3b0: {  	v11 =	vperm.xlane v13, v63;
	v49 =	vperm.xlane v3, v62;
	v0 =	vadd.f32 v8, v0  }
0x3b1: {  	v9 =	vadd.f32 v15, v9;
	v8 =	vperm.xlane v10, v62;
	v14 =	vperm.xlane v2, v56  }
0x3b2: {  	v11 =	vadd.f32 v11, v13;
	v3 =	vadd.f32 v3, v49;
	v48 =	vperm.xlane v0, v62  }
0x3b3: {  	v15 =	vperm.xlane v9, v56;
	v8 =	vadd.f32 v10, v8;
	v2 =	vadd.f32 v2, v14  }
0x3b4: {  	v10 =	vperm.xlane v11, v62;
	v16 =	vperm.xlane v3, v56;
	v0 =	vadd.f32 v48, v0  }
0x3b5: {  	v9 =	vadd.f32 v15, v9;
	v49 =	vperm.xlane v8, v56;
	v14 =	vperm.xlane v2, v58  }
0x3b6: {  	v10 =	vadd.f32 v10, v11;
	v3 =	vadd.f32 v3, v16;
	v11 =	vperm.xlane v0, v56  }
0x3b7: {  	v15 =	vperm.xlane v9, v58;
	v8 =	vadd.f32 v8, v49;
	v2 =	vadd.f32 v2, v14  }
0x3b8: {  	v62 =	vperm.xlane v10, v56;
	v16 =	vperm.xlane v3, v58;
	v0 =	vadd.f32 v11, v0  }
0x3b9: {  	v9 =	vadd.f32 v15, v9;
	v11 =	vperm.xlane v8, v58;
	v2 =	vmul.f32 $7.812500000e-03, v2  }
0x3ba: {  	v10 =	vadd.f32 v62, v10;
	v3 =	vadd.f32 v3, v16;
	v16 =	vperm.xlane v0, v58  }
0x3bb: {  	v9 =	vmul.f32 $7.812500000e-03, v9;
	v8 =	vadd.f32 v8, v11;
	v48 =	vmul.f32 v2, v2  }
0x3bc: {  	v11 =	vperm.xlane v10, v58;
	v3 =	vmul.f32 $7.812500000e-03, v3;
	v0 =	vadd.f32 v16, v0  }
0x3bd: {  	v19 =	vsub.s32 $0x5F3759DF, v19;
	v8 =	vmul.f32 $7.812500000e-03, v8;
	v9 =	vsub.f32 v9, v48  }
0x3be: {  	v10 =	vadd.f32 v11, v10;
	v0 =	vmul.f32 $7.812500000e-03, v0;
	v11 =	vmul.f32 v3, v3  }
0x3bf: {  	v26 =	vsub.f32 v26, v30;
	v17 =	vmul.f32 v19, v1;
	v9 =	vadd.f32 $9.999999740e-06, v9  }
0x3c0: {  	v10 =	vmul.f32 $7.812500000e-03, v10;
	v49 =	vmul.f32 v8, v8;
	v0 =	vsub.f32 v0, v11  }
0x3c1: {  	v4 =	vsub.f32 v4, v2;
	v56 =	vshrl.u32 v9, $0x1;
	v9 =	vmul.f32 $5.000000000e-01, v9  }
0x3c2: {  	v10 =	vsub.f32 v10, v49;
	v13 =	vsub.s32 $0x5F3759DF, v56;
	v0 =	vadd.f32 $9.999999740e-06, v0  }
0x3c3: {  	v5 =	vsub.f32 v5, v2;
	v6 =	vsub.f32 v6, v2;
	v49 =	vmul.f32 v13, v9  }
0x3c4: {  	v10 =	vadd.f32 $9.999999740e-06, v10;
	v58 =	vshrl.u32 v0, $0x1;
	v0 =	vmul.f32 $5.000000000e-01, v0  }
0x3c5: {  	v11 =	vmul.f32 v19, v17;
	v17 =	vmul.f32 v13, v49;
	v14 =	vsub.s32 $0x5F3759DF, v58  }
0x3c6: {  	v62 =	vshrl.u32 v10, $0x1;
	v10 =	vmul.f32 $5.000000000e-01, v10;
	v48 =	vmul.f32 v14, v0  }
0x3c7: {  	v12 =	vsub.f32 v12, v3;
	v15 =	vsub.s32 $0x5F3759DF, v62;
	v17 =	vsub.f32 $1.500000000e+00, v17  }
0x3c8: {  	v7 =	vsub.f32 v7, v8;
	v18 =	vmul.f32 v15, v10;
	v16 =	vmul.f32 v14, v48  }
0x3c9: {  	v44 =	vsub.f32 v44, v8;
	v11 =	vsub.f32 $1.500000000e+00, v11;
	v13 =	vmul.f32 v13, v17  }
0x3ca: {  	v56 =	vsub.f32 v28, v3;
	v18 =	vmul.f32 v15, v18;
	v16 =	vsub.f32 $1.500000000e+00, v16  }
0x3cb: {  	v28 =	vsub.f32 v33, v3;
	v11 =	vmul.f32 v19, v11;
	v9 =	vmul.f32 v13, v9  }
0x3cc: {  	v19 =	vsub.f32 v29, v3;
	v18 =	vsub.f32 $1.500000000e+00, v18;
	v14 =	vmul.f32 v14, v16  }
0x3cd: {  	v29 =	vsub.f32 v34, v3;
	v1 =	vmul.f32 v11, v1;
	v9 =	vmul.f32 v9, v13  }
0x3ce: {  	v49 =	vsub.f32 v21, v30;
	v15 =	vmul.f32 v15, v18;
	v0 =	vmul.f32 v14, v0  }
0x3cf: {  	v58 =	vsub.f32 v32, v3;
	v1 =	vmul.f32 v1, v11;
	v9 =	vsub.f32 $1.500000000e+00, v9  }
0x3d0: {  	v62 =	vsub.f32 v39, v2;
	v10 =	vmul.f32 v15, v10;
	v0 =	vmul.f32 v0, v14  }
0x3d1: {  	v1 =	vsub.f32 $1.500000000e+00, v1;
	v13 =	vmul.f32 v9, v13;
	v9 =	vsub.f32 v37, v2  }
0x3d2: {  	v18 =	vsub.f32 v31, v3;
	v10 =	vmul.f32 v10, v15;
	v0 =	vsub.f32 $1.500000000e+00, v0  }
0x3d3: {  	v1 =	vmul.f32 v1, v11;
	v3 =	vsub.f32 v35, v3;
	v35 =	vmul.f32 v13, v9  }
0x3d4: {  	v10 =	vsub.f32 $1.500000000e+00, v10;
	v39 =	vmul.f32 v13, v4;
	v0 =	vmul.f32 v0, v14  }
0x3d5: {  	v11 =	vsub.f32 v36, v2;
	v31 =	vmul.f32 v13, v5;
	v9 =	vmul.f32 v13, v62  }
0x3d6: {  	v4 =	vsub.f32 v46, v8;
	v10 =	vmul.f32 v10, v15;
	v12 =	vmul.f32 v0, v12  }
0x3d7: {  	v5 =	vsub.f32 v47, v8;
	v16 =	vmul.f32 v0, v56;
	v17 =	vmul.f32 v0, v58  }
0x3d8: {  	v14 =	vsub.f32 v38, v2;
	v18 =	vmul.f32 v0, v18;
	v19 =	vmul.f32 v0, v19  }
0x3d9: {  	v2 =	vsub.f32 v40, v2;
	v48 =	vmul.f32 v0, v28;
	v40 =	vmul.f32 v0, v29  }
0x3da: {  	v33 =	vmul.f32 v0, v3;
	v56 =	vsub.f32 v25, v30;
	v3 =	vmul.f32 v1, v27  }
0x3db: {  	v25 =	vmul.f32 v1, v26;
	v27 =	vsub.f32 v41, v8;
	v26 =	vld [tilespmem:$0x1FEC0];
	v28 =	vsub.f32 v42, v8  }
0x3dc: {  	v58 =	vsub.f32 v43, v8;
	v41 =	vmul.f32 v13, v11;
	v32 =	vmul.f32 v13, v14  }
0x3dd: {  	v11 =	vsub.f32 v45, v8;
	v29 =	vmul.f32 v13, v6;
	v8 =	vmul.f32 v10, v7  }
0x3de: {  	v47 =	vsub.f32 v23, v30;
	v23 =	vmul.f32 v10, v4;
	v0 =	vmul.f32 v1, v56  }
0x3df: {  	v4 =	vmul.f32 v1, v49;
	v27 =	vmul.f32 v10, v27  }
0x3e0: {  	v6 =	vsub.f32 v22, v30;
	v0 =	vmul.f32 v0, v54;
	v3 =	vmul.f32 v3, v26  }
0x3e1: {  	v7 =	vsub.f32 v24, v30;
	v28 =	vmul.f32 v10, v28;
	v24 =	vmul.f32 v10, v58  }
0x3e2: {  	v0 =	vadd.f32 v0, v60;
	v46 =	vadd.f32 v3, v61;
	v3 =	vmul.f32 v25, v53  }
0x3e3: {  	v56 =	vsub.f32 v20, v30;
	v22 =	vmul.f32 v10, v11;
	v20 =	vmul.f32 v10, v5  }
0x3e4: {  	v21 =	vmul.f32 v1, v6;
	v0 =	vmax.f32 v0, $0.0e+00;
	v3 =	vadd.f32 v3, v57  }
0x3e5: {  	v5 =	vmul.f32 v1, v47;
	v26 =	vmul.f32 v13, v2;
	v61 =	vld [tilespmem:$0x1FF80];
	v2 =	vmax.f32 v46, $0.0e+00;
	[tilespmem:s3+$0x90] =	vst v0  }
0x3e6: {  	v7 =	vmul.f32 v1, v7;
	v62 =	vmul.f32 v12, v53;
	[tilespmem:s3+$0xF0] =	vst v2;
	v58 =	vmax.f32 v3, $0.0e+00  }
0x3e7: {  	v38 =	vmul.f32 v16, v54;
	v36 =	vmul.f32 v17, v50;
	[tilespmem:s3+$0x80] =	vst v58  }
0x3e8: {  	v37 =	vmul.f32 v18, v51;
	v6 =	vmul.f32 v1, v56;
	v56 =	vld [tilespmem:$0x1FED0]  }
0x3e9: {  	s16 =	simm.s32 $0x0;
	s17 =	simm.s32 $0x3900;
	v34 =	vmul.f32 v19, v55;
	v30 =	vadd.f32 v62, v57;
	v25 =	vmul.f32 v10, v44;
	v58 =	vld [tilespmem:$0x1FEE0]  }
.LBB2_10:
0x3ea: {  	v0 =	vld [tilespmem:s17+$0x80]  }
0x3eb: {  	v46 =	vld [tilespmem:$0x1FEC0]  }
0x3ec: {  	v14 =	vld [tilespmem:s17+$0x90]  }
0x3ed: {  	v49 =	vld [tilespmem:$0x1FF90]  }
0x3ee: {  	v16 =	vmul.f32 v35, v54;
	v35 =	vld [tilespmem:$0x1FFA0]  }
0x3ef: {  	v13 =	vmul.f32 v41, v53;
	v41 =	vld [tilespmem:s17+$0xC0];
	v4 =	vmul.f32 v4, v59  }
0x3f0: {  	s4 =	sadd.s32 $0x200, s4;
	v44 =	vld [tilespmem:s17+$0xD0]  }
0x3f1: {  	v10 =	vld [tilespmem:s4+$0x80];
	[tilespmem:$0x1FD50] =	vst v4;
	v4 =	vmul.f32 v6, v52  }
0x3f2: {  	v27 =	vmul.f32 v27, v54;
	v18 =	vld [tilespmem:s4+$0x90]  }
0x3f3: {  	v17 =	vmul.f32 v39, v50;
	v39 =	vld [tilespmem:s17+$0xB0];
	[tilespmem:$0x1FD60] =	vst v4;
	v4 =	vmax.f32 v30, $0.0e+00  }
0x3f4: {  	v28 =	vmul.f32 v28, v50;
	v43 =	vld [tilespmem:s4+$0xC0];
	[tilespmem:s3+$0xFFFFFF00] =	vst v4;
	v4 =	vadd.f32 v27, v60  }
0x3f5: {  	v11 =	vadd.f32 v36, v61;
	v47 =	vmov v61;
	v61 =	vld [tilespmem:$0x1FFB0]  }
0x3f6: {  	v1 =	vadd.f32 v38, v60;
	v38 =	vld [tilespmem:s17+$0xF0];
	v24 =	vmul.f32 v24, v51;
	[tilespmem:$0x1FD00] =	vst v4;
	v4 =	vadd.f32 v28, v47  }
0x3f7: {  	v32 =	vmul.f32 v32, v55;
	v25 =	vmul.f32 v25, v55;
	v36 =	vld [tilespmem:s4+$0xA0]  }
0x3f8: {  	v2 =	vmul.f32 v48, v59;
	v3 =	vmul.f32 v40, v52;
	v40 =	vld [tilespmem:s4+$0xB0];
	[tilespmem:$0x1FD10] =	vst v4;
	v4 =	vadd.f32 v24, v49  }
0x3f9: {  	v48 =	vmul.f32 v8, v53;
	v8 =	vmul.f32 v21, v50;
	v21 =	vld [tilespmem:$0x1FFD0];
	v15 =	vadd.f32 v37, v49  }
0x3fa: {  	v37 =	vmul.f32 v5, v51;
	v5 =	vmul.f32 v7, v55;
	v7 =	vld [tilespmem:s4+$0xD0];
	[tilespmem:$0x1FD20] =	vst v4;
	v4 =	vadd.f32 v25, v61  }
0x3fb: {  	v13 =	vadd.f32 v13, v57;
	v62 =	vmul.f32 v9, v59;
	v9 =	vmul.f32 v20, v46;
	v20 =	vld [tilespmem:$0x1FED0]  }
0x3fc: {  	v16 =	vadd.f32 v16, v60;
	v1 =	vmax.f32 v1, $0.0e+00;
	v31 =	vmul.f32 v31, v51;
	[tilespmem:$0x1FD30] =	vst v4;
	v4 =	vld [tilespmem:$0x1FED0]  }
0x3fd: {  	v29 =	vmul.f32 v29, v52;
	v22 =	vmul.f32 v22, v59;
	v19 =	vadd.f32 v34, v61;
	v34 =	vld [tilespmem:s17+$0xA0]  }
0x3fe: {  	[tilespmem:s3+$0xFFFFFF10] =	vst v1;
	v12 =	vmul.f32 v33, v46;
	v2 =	vadd.f32 v2, v56;
	v6 =	vld [tilespmem:s17+$0xE0];
	v54 =	vmax.f32 v11, $0.0e+00  }
0x3ff: {  	v3 =	vadd.f32 v3, v58;
	v33 =	vadd.f32 v48, v57;
	v11 =	vld [tilespmem:s4+$0xF0];
	[tilespmem:s3+$0xFFFFFF20] =	vst v54;
	v55 =	vmax.f32 v15, $0.0e+00  }
0x400: {  	v59 =	vadd.f32 v62, v20;
	v51 =	vld [tilespmem:s4+$0xFFFFFF00];
	[tilespmem:s3+$0xFFFFFF30] =	vst v55;
	v20 =	vadd.f32 v40, v39;
	v57 =	vmax.f32 v19, $0.0e+00  }
0x401: {  	v42 =	vmul.f32 v23, v52;
	v53 =	vadd.f32 v29, v58;
	v15 =	vld [tilespmem:s17+$0xFFFFFF10];
	[tilespmem:s3+$0xFFFFFF40] =	vst v57;
	v4 =	vadd.f32 v22, v4  }
0x402: {  	v12 =	vadd.f32 v12, v35;
	v30 =	vld [tilespmem:s4+$0xE0];
	[tilespmem:$0x1FD40] =	vst v20;
	v62 =	vadd.f32 v36, v34  }
0x403: {  	v48 =	vmax.f32 v3, $0.0e+00;
	v1 =	vld [tilespmem:s4+$0xFFFFFF10];
	[tilespmem:$0x1FD70] =	vst v4;
	v4 =	vadd.f32 v42, v58;
	v42 =	vmax.f32 v2, $0.0e+00  }
0x404: {  	v60 =	vadd.f32 v10, v0;
	v10 =	vadd.f32 v20, v62;
	v58 =	vmul.f32 v20, v20;
	v20 =	vld [tilespmem:$0x1FFE0];
	[tilespmem:s3+$0xFFFFFF50] =	vst v42  }
0x405: {  	v17 =	vadd.f32 v17, v47;
	[tilespmem:s3+$0xFFFFFF60] =	vst v48;
	v2 =	vld [tilespmem:s17+$0xFFFFFF20]  }
0x406: {  	v45 =	vadd.f32 v31, v49;
	v37 =	vadd.f32 v37, v49;
	v50 =	vmax.f32 v12, $0.0e+00;
	v3 =	vld [tilespmem:s4+$0xFFFFFF20]  }
0x407: {  	v16 =	vmax.f32 v16, $0.0e+00;
	v29 =	vadd.f32 v7, v44;
	v30 =	vadd.f32 v30, v6;
	[tilespmem:s3+$0xFFFFFF70] =	vst v50;
	v6 =	vld [tilespmem:s17+$0xFFFFFF30]  }
0x408: {  	v54 =	vmax.f32 v13, $0.0e+00;
	v28 =	vadd.f32 v43, v41;
	v55 =	vadd.f32 v11, v38;
	v0 =	vld [tilespmem:s4+$0xFFFFFF30]  }
0x409: {  	v56 =	vadd.f32 v32, v61;
	v11 =	vmul.f32 v60, v60;
	[tilespmem:$0x1FD80] =	vst v4;
	v4 =	vadd.f32 v18, v14;
	v18 =	vld [tilespmem:s17+$0xFFFFFF40]  }
0x40a: {  	v57 =	vadd.f32 v29, v28;
	v19 =	vadd.f32 v55, v30;
	v14 =	vmul.f32 v62, v62;
	v48 =	vld [tilespmem:s4+$0xFFFFFF40]  }
0x40b: {  	v36 =	vmul.f32 v28, v28;
	v39 =	vadd.f32 v1, v15;
	v34 =	vld [tilespmem:s17+$0xFFFFFF60];
	v7 =	vadd.f32 v4, v60  }
0x40c: {  	v50 =	vmul.f32 v29, v29;
	v38 =	vld [tilespmem:s4+$0xFFFFFF60];
	v13 =	vmul.f32 v4, v4;
	v58 =	vadd.f32 v58, v14  }
0x40d: {  	[tilespmem:s3+$0xFFFFFF80] =	vst v54;
	v52 =	vmul.f32 v30, v30;
	v54 =	vld [tilespmem:s17+$0xFFFFFF50];
	v7 =	vadd.f32 v10, v7;
	v10 =	vadd.f32 v19, v57  }
0x40e: {  	v15 =	vadd.f32 v50, v36;
	v57 =	vmul.f32 v55, v55;
	v19 =	vld [tilespmem:s4+$0xFFFFFF50];
	v11 =	vadd.f32 v13, v11  }
0x40f: {  	[tilespmem:s3+$0xFFFFFF90] =	vst v16;
	v44 =	vadd.f32 v3, v2;
	v3 =	vadd.f32 v10, v7;
	v7 =	vmax.f32 v17, $0.0e+00;
	v10 =	vld [tilespmem:s17+$0xFFFFFF70]  }
0x410: {  	v12 =	vadd.f32 v57, v52;
	v41 =	vadd.f32 v48, v18;
	v48 =	vld [tilespmem:s4+$0xFFFFFF70];
	[tilespmem:s3+$0xFFFFFFA0] =	vst v7;
	v7 =	vmax.f32 v45, $0.0e+00  }
0x411: {  	v26 =	vmul.f32 v26, v46;
	v43 =	vadd.f32 v38, v34;
	v34 =	vadd.f32 v8, v47;
	v8 =	vld [tilespmem:$0x1FFF0];
	[tilespmem:s3+$0xFFFFFFB0] =	vst v7  }
0x412: {  	v11 =	vadd.f32 v58, v11;
	v12 =	vadd.f32 v12, v15;
	v52 =	vld [tilespmem:s17+$0xFFFFFF80]  }
0x413: {  	v32 =	vadd.f32 v26, v35;
	v40 =	vadd.f32 v0, v6;
	v7 =	vperm.xlane v3, v63;
	v16 =	vld [tilespmem:s4+$0xFFFFFF80]  }
0x414: {  	v50 =	vmul.f32 v44, v44;
	v42 =	vadd.f32 v19, v54;
	v2 =	vld [tilespmem:s17+$0xFFFFFF90];
	v11 =	vadd.f32 v12, v11  }
0x415: {  	v57 =	vmul.f32 v41, v41;
	v54 =	vmul.f32 v40, v40;
	v0 =	vld [tilespmem:s17+$0xFFFFFFA0];
	v3 =	vadd.f32 v3, v7  }
0x416: {  	v1 =	vld [tilespmem:s17+$0xFFFFFFC0];
	v17 =	vadd.f32 v42, v41;
	v18 =	vmul.f32 v42, v42;
	v58 =	vperm.xlane v11, v63  }
0x417: {  	v26 =	vadd.f32 v54, v50;
	v24 =	vadd.f32 v48, v10;
	v63 =	vld [tilespmem:s4+$0xFFFFFF90];
	v10 =	vperm.xlane v3, v21  }
0x418: {  	v50 =	vld [tilespmem:s4+$0xFFFFFFA0];
	v48 =	vadd.f32 v18, v57;
	v11 =	vadd.f32 v58, v11  }
0x419: {  	v18 =	vld [tilespmem:s4+$0xFFFFFFB0];
	v3 =	vadd.f32 v3, v10;
	v10 =	vadd.f32 v24, v43  }
0x41a: {  	v36 =	vadd.f32 v9, v35;
	v57 =	vadd.f32 v16, v52;
	v52 =	vld [tilespmem:s17+$0xFFFFFFB0];
	v9 =	vperm.xlane v11, v21  }
0x41b: {  	v45 =	vmul.f32 v43, v43;
	v54 =	vmul.f32 v24, v24;
	v25 =	vadd.f32 v10, v17;
	v10 =	vld [tilespmem:s4+$0xFFFFFFC0]  }
0x41c: {  	v16 =	vld [tilespmem:s4+$0xFFFFFFF0];
	v58 =	vadd.f32 v63, v2;
	v63 =	vperm.xlane v3, v20;
	v11 =	vadd.f32 v9, v11  }
0x41d: {  	v47 =	vadd.f32 v50, v0;
	v0 =	vld [tilespmem:s17+$0xFFFFFFD0];
	v9 =	vadd.f32 v54, v45  }
0x41e: {  	v27 =	vadd.f32 v40, v44;
	v45 =	vld [tilespmem:s4+$0xFFFFFFD0];
	v2 =	vadd.f32 v3, v63;
	v3 =	vperm.xlane v11, v20  }
0x41f: {  	v38 =	vmul.f32 v57, v57;
	v15 =	vadd.f32 v58, v57;
	v63 =	vld [tilespmem:s17+$0xFFFFFFE0];
	v23 =	vadd.f32 v9, v48  }
0x420: {  	v54 =	vmul.f32 v58, v58;
	v49 =	vadd.f32 v10, v1;
	v1 =	vld [tilespmem:s17+$0xFFFFFFF0];
	v3 =	vadd.f32 v3, v11  }
0x421: {  	v48 =	vadd.f32 v18, v52;
	v18 =	vmul.f32 v47, v47;
	v52 =	vperm.xlane v2, v8;
	v11 =	vld [tilespmem:s4+$0xFFFFFFE0]  }
0x422: {  	v14 =	vld [tilespmem:s4+$0x0];
	v12 =	vadd.f32 v54, v38;
	v38 =	vadd.f32 v5, v61;
	v10 =	vperm.xlane v3, v8  }
0x423: {  	v9 =	vld [tilespmem:s17+$0x60];
	v54 =	vadd.f32 v48, v47;
	v19 =	vmul.f32 v48, v48;
	v2 =	vadd.f32 v2, v52  }
0x424: {  	v50 =	vadd.f32 v45, v0;
	v0 =	vld [tilespmem:s17+$0x0];
	v5 =	vmul.f32 v49, v49;
	v61 =	vadd.f32 v10, v3  }
0x425: {  	v45 =	vmul.f32 $7.812500000e-03, v2;
	v3 =	vadd.f32 v54, v15;
	v54 =	vadd.f32 v16, v1;
	v16 =	vld [tilespmem:s17+$0x20]  }
0x426: {  	v10 =	vadd.f32 v19, v18;
	v18 =	vmax.f32 v56, $0.0e+00;
	v52 =	vadd.f32 v11, v63;
	v11 =	vld [tilespmem:s17+$0x10]  }
0x427: {  	v15 =	vadd.f32 v50, v49;
	v13 =	vmul.f32 v45, v45;
	[tilespmem:s3+$0xFFFFFFC0] =	vst v18;
	v18 =	vld [tilespmem:s4+$0x30];
	v2 =	vmul.f32 $7.812500000e-03, v61  }
0x428: {  	v63 =	vmul.f32 v50, v50;
	v17 =	vsub.f32 v60, v45;
	v22 =	vsub.f32 v4, v45;
	v61 =	vld [tilespmem:s4+$0x10]  }
0x429: {  	v53 =	vmax.f32 v53, $0.0e+00;
	v56 =	vadd.f32 v14, v0;
	v0 =	vld [tilespmem:s17+$0x30];
	v2 =	vsub.f32 v2, v13  }
0x42a: {  	v19 =	vmul.f32 v54, v54;
	v1 =	vmul.f32 v52, v52;
	v5 =	vadd.f32 v63, v5;
	v63 =	vld [tilespmem:s4+$0x20]  }
0x42b: {  	v31 =	vmul.f32 v39, v39;
	v10 =	vadd.f32 v10, v12;
	v14 =	vld [tilespmem:s4+$0x40];
	v2 =	vadd.f32 $9.999999740e-06, v2  }
0x42c: {  	v4 =	vmax.f32 v59, $0.0e+00;
	v60 =	vadd.f32 v54, v52;
	v13 =	vld [tilespmem:s17+$0x50];
	v1 =	vadd.f32 v19, v1  }
0x42d: {  	v59 =	vadd.f32 v61, v11;
	v11 =	vld [tilespmem:s17+$0x40];
	v61 =	vshrl.u32 v2, $0x1;
	v6 =	vmul.f32 $5.000000000e-01, v2  }
0x42e: {  	[tilespmem:s3+$0xFFFFFFD0] =	vst v4;
	v4 =	vadd.f32 v60, v15;
	v5 =	vadd.f32 v1, v5;
	v1 =	vld [tilespmem:s17+$0xFFFFFF00];
	v12 =	vsub.s32 $0x5F3759DF, v61  }
0x42f: {  	v60 =	vadd.f32 v63, v16;
	v61 =	vadd.f32 v18, v0;
	v0 =	vld [tilespmem:$0x1FFC0];
	v63 =	vmul.f32 v12, v6  }
0x430: {  	v15 =	vmul.f32 v56, v56;
	v3 =	vadd.f32 v4, v3;
	v4 =	vld [tilespmem:s4+$0x50];
	v19 =	vmul.f32 v59, v59  }
0x431: {  	v30 =	vsub.f32 v30, v45;
	v2 =	vld [tilespmem:s4+$0x60];
	v16 =	vadd.f32 v59, v56;
	v63 =	vmul.f32 v12, v63  }
0x432: {  	v10 =	vadd.f32 v5, v10;
	v5 =	vld [tilespmem:s4+$0x70];
	v18 =	vmul.f32 v60, v60;
	v15 =	vadd.f32 v19, v15  }
0x433: {  	v19 =	vmul.f32 v61, v61;
	v11 =	vadd.f32 v14, v11;
	v14 =	vld [tilespmem:s17+$0x70];
	v63 =	vsub.f32 $1.500000000e+00, v63  }
0x434: {  	v1 =	vadd.f32 v51, v1;
	v7 =	vperm.xlane v3, v0;
	v0 =	vadd.f32 v61, v60  }
0x435: {  	v13 =	vadd.f32 v4, v13;
	v18 =	vadd.f32 v19, v18;
	v12 =	vmul.f32 v12, v63  }
0x436: {  	v4 =	vmul.f32 v11, v11;
	v19 =	vadd.f32 v39, v1;
	v63 =	vld [tilespmem:$0x1FFC0];
	v16 =	vadd.f32 v0, v16  }
0x437: {  	v0 =	vadd.f32 v2, v9;
	v2 =	vadd.f32 v13, v11;
	v6 =	vmul.f32 v12, v6  }
0x438: {  	v3 =	vadd.f32 v3, v7;
	v7 =	vmul.f32 v13, v13;
	v5 =	vadd.f32 v5, v14  }
0x439: {  	v9 =	vadd.f32 v18, v15;
	v14 =	vmul.f32 v0, v0;
	v6 =	vmul.f32 v6, v12  }
0x43a: {  	v15 =	vperm.xlane v3, v21;
	v4 =	vadd.f32 v7, v4;
	v7 =	vadd.f32 v5, v0  }
0x43b: {  	[tilespmem:s3+$0xFFFFFFE0] =	vst v53;
	v53 =	vperm.xlane v10, v63;
	v63 =	vmul.f32 v1, v1;
	v6 =	vsub.f32 $1.500000000e+00, v6  }
0x43c: {  	v18 =	vmul.f32 v5, v5;
	v3 =	vadd.f32 v3, v15;
	v2 =	vadd.f32 v7, v2  }
0x43d: {  	v7 =	vadd.f32 v27, v19;
	v51 =	vmul.f32 v6, v12;
	v12 =	vadd.f32 v31, v63;
	v63 =	vld [tilespmem:$0x1FFC0]  }
0x43e: {  	v14 =	vadd.f32 v18, v14;
	v6 =	vsub.f32 v55, v45  }
0x43f: {  	v10 =	vadd.f32 v53, v10;
	v2 =	vadd.f32 v2, v16  }
0x440: {  	v7 =	vadd.f32 v25, v7;
	v6 =	vmul.f32 v51, v6;
	v12 =	vadd.f32 v26, v12  }
0x441: {  	v4 =	vadd.f32 v14, v4;
	v19 =	vperm.xlane v10, v21;
	v16 =	vmul.f32 v51, v17  }
0x442: {  	v6 =	vmul.f32 v6, v46;
	v12 =	vadd.f32 v23, v12;
	v46 =	vperm.xlane v7, v63  }
0x443: {  	v4 =	vadd.f32 v4, v9;
	v18 =	vmul.f32 v51, v22;
	v14 =	vperm.xlane v2, v63  }
0x444: {  	v53 =	vld [tilespmem:$0x1FEF0];
	v10 =	vadd.f32 v19, v10;
	v9 =	vperm.xlane v12, v63;
	v7 =	vadd.f32 v7, v46  }
0x445: {  	v6 =	vadd.f32 v6, v35;
	v2 =	vadd.f32 v2, v14;
	v14 =	vperm.xlane v3, v20  }
0x446: {  	v46 =	vperm.xlane v4, v63;
	v9 =	vadd.f32 v9, v12;
	v17 =	vperm.xlane v7, v21  }
0x447: {  	v6 =	vmax.f32 v6, $0.0e+00;
	v12 =	vperm.xlane v10, v20;
	v35 =	vperm.xlane v2, v21  }
0x448: {  	v4 =	vadd.f32 v46, v4;
	v46 =	vperm.xlane v9, v21;
	v7 =	vadd.f32 v7, v17  }
0x449: {  	[tilespmem:s17+$0xF0] =	vst v6;
	v6 =	vmul.f32 v16, v53;
	v3 =	vadd.f32 v3, v14;
	v2 =	vadd.f32 v2, v35  }
0x44a: {  	v14 =	vperm.xlane v4, v21;
	v9 =	vadd.f32 v46, v9;
	v35 =	vperm.xlane v7, v20  }
0x44b: {  	v10 =	vadd.f32 v12, v10;
	v46 =	vperm.xlane v3, v8;
	v15 =	vperm.xlane v2, v20  }
0x44c: {  	v4 =	vadd.f32 v14, v4;
	v7 =	vadd.f32 v7, v35;
	v35 =	vperm.xlane v9, v20  }
0x44d: {  	v14 =	vperm.xlane v10, v8;
	v3 =	vadd.f32 v3, v46;
	v2 =	vadd.f32 v2, v15  }
0x44e: {  	v46 =	vperm.xlane v4, v20;
	v16 =	vperm.xlane v7, v8;
	v9 =	vadd.f32 v35, v9  }
0x44f: {  	v10 =	vadd.f32 v14, v10;
	v3 =	vmul.f32 $7.812500000e-03, v3;
	v35 =	vperm.xlane v2, v8  }
0x450: {  	v4 =	vadd.f32 v46, v4;
	v14 =	vadd.f32 v7, v16;
	v46 =	vperm.xlane v9, v8  }
0x451: {  	v10 =	vmul.f32 $7.812500000e-03, v10;
	v2 =	vadd.f32 v2, v35;
	v7 =	vsub.f32 v57, v3  }
0x452: {  	v35 =	vperm.xlane v4, v8;
	v14 =	vmul.f32 $7.812500000e-03, v14;
	v9 =	vadd.f32 v46, v9  }
0x453: {  	v16 =	vsub.f32 v58, v3;
	v2 =	vmul.f32 $7.812500000e-03, v2;
	v46 =	vmul.f32 v3, v3  }
0x454: {  	v4 =	vadd.f32 v35, v4;
	v9 =	vmul.f32 $7.812500000e-03, v9;
	v1 =	vsub.f32 v1, v14  }
0x455: {  	v35 =	vmul.f32 v14, v14;
	v10 =	vsub.f32 v10, v46;
	v12 =	vsub.f32 v39, v14  }
0x456: {  	v57 =	vld [tilespmem:$0x1FF00];
	v4 =	vmul.f32 $7.812500000e-03, v4;
	v17 =	vsub.f32 v44, v14;
	v22 =	vsub.f32 v40, v14  }
0x457: {  	v46 =	vmul.f32 v2, v2;
	v23 =	vsub.f32 v41, v14;
	v11 =	vsub.f32 v11, v2  }
0x458: {  	v13 =	vsub.f32 v13, v2;
	v9 =	vsub.f32 v9, v35  }
0x459: {  	v10 =	vadd.f32 $9.999999740e-06, v10;
	v4 =	vsub.f32 v4, v46  }
0x45a: {  	v0 =	vsub.f32 v0, v2;
	v9 =	vadd.f32 $9.999999740e-06, v9  }
0x45b: {  	v8 =	vmul.f32 v18, v57;
	v18 =	vshrl.u32 v10, $0x1;
	v4 =	vadd.f32 $9.999999740e-06, v4  }
0x45c: {  	v10 =	vmul.f32 $5.000000000e-01, v10;
	v18 =	vsub.s32 $0x5F3759DF, v18;
	v39 =	vshrl.u32 v9, $0x1  }
0x45d: {  	v9 =	vmul.f32 $5.000000000e-01, v9;
	v19 =	vshrl.u32 v4, $0x1;
	v4 =	vmul.f32 $5.000000000e-01, v4  }
0x45e: {  	v21 =	vmul.f32 v18, v10;
	v15 =	vsub.s32 $0x5F3759DF, v39;
	v19 =	vsub.s32 $0x5F3759DF, v19  }
0x45f: {  	v57 =	vld [tilespmem:$0x1FF50];
	v35 =	vmax.f32 v33, $0.0e+00;
	v20 =	vmul.f32 v15, v9;
	v44 =	vmul.f32 v19, v4  }
0x460: {  	[tilespmem:s3+$0x0] =	vst v35;
	v35 =	vsub.f32 v42, v14;
	v39 =	vsub.f32 v43, v14;
	v21 =	vmul.f32 v18, v21  }
0x461: {  	v14 =	vsub.f32 v24, v14;
	v24 =	vld [tilespmem:$0x1FD00];
	v20 =	vmul.f32 v15, v20;
	v33 =	vmul.f32 v19, v44  }
0x462: {  	v42 =	vsub.f32 v47, v3;
	v21 =	vsub.f32 $1.500000000e+00, v21  }
0x463: {  	v32 =	vmax.f32 v32, $0.0e+00;
	v20 =	vsub.f32 $1.500000000e+00, v20;
	v33 =	vsub.f32 $1.500000000e+00, v33  }
0x464: {  	v47 =	vsub.f32 v59, v2;
	v6 =	vadd.f32 v6, v57;
	v18 =	vmul.f32 v18, v21  }
0x465: {  	v43 =	vsub.f32 v50, v3;
	v15 =	vmul.f32 v15, v20;
	v19 =	vmul.f32 v19, v33  }
0x466: {  	v50 =	vsub.f32 v61, v2;
	v46 =	vmax.f32 v24, $0.0e+00;
	v24 =	vld [tilespmem:$0x1FD10];
	v10 =	vmul.f32 v18, v10  }
0x467: {  	v6 =	vmax.f32 v6, $0.0e+00;
	v9 =	vmul.f32 v15, v9;
	v4 =	vmul.f32 v19, v4  }
0x468: {  	v44 =	vsub.f32 v52, v3;
	v21 =	vsub.f32 v49, v3;
	v10 =	vmul.f32 v10, v18  }
0x469: {  	[tilespmem:s17+$0x80] =	vst v6;
	v49 =	vsub.f32 v60, v2;
	v9 =	vmul.f32 v9, v15;
	v4 =	vmul.f32 v4, v19  }
0x46a: {  	v6 =	vmul.f32 v51, v30;
	[tilespmem:s3+$0x10] =	vst v46;
	v46 =	vsub.f32 v56, v2;
	v10 =	vsub.f32 $1.500000000e+00, v10  }
0x46b: {  	v31 =	vmax.f32 v24, $0.0e+00;
	v24 =	vld [tilespmem:$0x1FD20];
	v9 =	vsub.f32 $1.500000000e+00, v9;
	v4 =	vsub.f32 $1.500000000e+00, v4  }
0x46c: {  	v52 =	vld [tilespmem:$0x1FD40];
	v2 =	vsub.f32 v5, v2;
	v20 =	vsub.f32 v48, v3;
	v10 =	vmul.f32 v10, v18  }
0x46d: {  	v56 =	vld [tilespmem:$0x1FED0];
	v5 =	vsub.f32 v62, v45;
	v9 =	vmul.f32 v9, v15;
	v4 =	vmul.f32 v4, v19  }
0x46e: {  	v3 =	vsub.f32 v54, v3;
	[tilespmem:s3+$0x20] =	vst v31;
	v41 =	vmul.f32 v10, v7;
	v7 =	vld [tilespmem:$0x1FD50];
	v31 =	vmul.f32 v10, v20  }
0x46f: {  	[tilespmem:s3+$0xFFFFFFF0] =	vst v32;
	v60 =	vld [tilespmem:$0x1FF60];
	v19 =	vsub.f32 v29, v45;
	v32 =	vmul.f32 v10, v21;
	v29 =	vmul.f32 v10, v44  }
0x470: {  	v27 =	vmax.f32 v24, $0.0e+00;
	v24 =	vld [tilespmem:$0x1FD30];
	v26 =	vmul.f32 v10, v3;
	v21 =	vmul.f32 v51, v5  }
0x471: {  	v3 =	vld [tilespmem:$0x1FD80];
	v1 =	vmul.f32 v9, v1;
	v12 =	vmul.f32 v9, v12  }
0x472: {  	v58 =	vld [tilespmem:$0x1FEE0];
	v15 =	vsub.f32 v52, v45;
	v17 =	vmul.f32 v9, v17;
	v52 =	vmul.f32 v9, v22  }
0x473: {  	v48 =	vmul.f32 v9, v35;
	v35 =	vmul.f32 v10, v16;
	v16 =	vadd.f32 v7, v56;
	v7 =	vld [tilespmem:$0x1FD60]  }
0x474: {  	v18 =	vsub.f32 v28, v45;
	v45 =	vmul.f32 v9, v23;
	v40 =	vmul.f32 v9, v39  }
0x475: {  	[tilespmem:s3+$0x30] =	vst v27;
	v33 =	vmul.f32 v9, v14;
	v14 =	vadd.f32 v8, v60;
	v24 =	vmax.f32 v24, $0.0e+00  }
0x476: {  	v55 =	vld [tilespmem:$0x1FF30];
	v39 =	vmul.f32 v10, v42;
	v9 =	vmul.f32 v10, v43;
	v3 =	vmax.f32 v3, $0.0e+00;
	[tilespmem:s3+$0x40] =	vst v24  }
0x477: {  	v54 =	vld [tilespmem:$0x1FF00];
	v8 =	vmul.f32 v4, v46;
	v27 =	vmul.f32 v4, v47;
	[tilespmem:s3+$0x60] =	vst v3;
	v3 =	vmax.f32 v36, $0.0e+00  }
0x478: {  	v28 =	vmul.f32 v4, v49;
	[tilespmem:s3+$0x70] =	vst v3;
	v3 =	vmax.f32 v14, $0.0e+00;
	v62 =	vadd.f32 v7, v58;
	v7 =	vld [tilespmem:$0x1FD70]  }
0x479: {  	s16 =	sadd.s32 $0x4, s16;
	v25 =	vmul.f32 v4, v11;
	v24 =	vmul.f32 v4, v50;
	v50 =	vld [tilespmem:$0x1FF10];
	v46 =	vmax.f32 v16, $0.0e+00;
	[tilespmem:s17+$0x90] =	vst v3  }
0x47a: {  	p1 =	slt.u32 s16, $0x3C;
	v22 =	vmul.f32 v4, v13;
	v36 =	vmax.f32 v34, $0.0e+00;
	[tilespmem:s3+$0xD0] =	vst v46;
	v47 =	vmax.f32 v62, $0.0e+00;
	v62 =	vld [tilespmem:$0x1FF20]  }
.Ltmp7:
0x47b: {  	v23 =	vmul.f32 v4, v0;
	v20 =	vmul.f32 v4, v2;
	v43 =	vmax.f32 v37, $0.0e+00;
	[tilespmem:s3+$0xA0] =	vst v36;
	(pc) =	sbr.rel @p1 .LBB2_10-.Ltmp7, $4  }
0x47c: {  	v59 =	vld [tilespmem:$0x1FF40];
	v44 =	vmax.f32 v38, $0.0e+00;
	v5 =	vmul.f32 v51, v15;
	v1 =	vmul.f32 v1, v53;
	[tilespmem:s3+$0xB0] =	vst v43  }
0x47d: {  	v61 =	vld [tilespmem:$0x1FF80];
	v38 =	vmul.f32 v12, v54;
	v4 =	vmul.f32 v51, v19;
	[tilespmem:s3+$0xC0] =	vst v44;
	v7 =	vmax.f32 v7, $0.0e+00  }
0x47e: {  	v34 =	vmul.f32 v45, v55;
	[tilespmem:s3+$0x50] =	vst v7;
	v7 =	vmul.f32 v51, v18;
	v51 =	vld [tilespmem:$0x1FF20]  }
0x47f: {  	v30 =	vadd.f32 v1, v57;
	v36 =	vmul.f32 v17, v50;
	[tilespmem:s3+$0xE0] =	vst v47;
	s3 =	smov.u32 s17;
	s17 =	sadd.s32 $0x200, s17;
	v37 =	vmul.f32 v52, v62;
	v52 =	vld [tilespmem:$0x1FF70]  }
0x480: {  	v13 =	vld [tilespmem:$0x1FF90]  }
0x481: {  	v2 =	vmax.f32 v30, $0.0e+00  }
0x482: {  	[tilespmem:s3+$0xFFFFFF00] =	vst v2  }
0x483: {  	v0 =	vadd.f32 v38, v60;
	v12 =	vld [tilespmem:$0x1FFB0]  }
0x484: {  	v3 =	vmul.f32 v48, v59;
	v1 =	vadd.f32 v36, v61  }
0x485: {  	v0 =	vmax.f32 v0, $0.0e+00;
	v45 =	vmul.f32 v40, v52;
	v10 =	vadd.f32 v37, v13  }
0x486: {  	[tilespmem:s3+$0xFFFFFF10] =	vst v0;
	v3 =	vadd.f32 v3, v56;
	v46 =	vmax.f32 v1, $0.0e+00  }
0x487: {  	v15 =	vld [tilespmem:$0x1FEC0];
	[tilespmem:s3+$0xFFFFFF20] =	vst v46;
	v2 =	vadd.f32 v45, v58;
	v48 =	vmax.f32 v10, $0.0e+00  }
0x488: {  	v62 =	vmax.f32 v3, $0.0e+00;
	v10 =	vmul.f32 v41, v53;
	v11 =	vadd.f32 v34, v12;
	[tilespmem:s3+$0xFFFFFF30] =	vst v48  }
0x489: {  	v9 =	vmul.f32 v9, v59;
	v16 =	vmul.f32 v31, v51;
	v14 =	vmax.f32 v2, $0.0e+00;
	v61 =	vld [tilespmem:$0x1FFA0];
	[tilespmem:s3+$0xFFFFFF50] =	vst v62  }
0x48a: {  	v32 =	vmul.f32 v32, v55;
	v10 =	vadd.f32 v10, v57;
	[tilespmem:s3+$0xFFFFFF60] =	vst v14;
	v49 =	vmax.f32 v11, $0.0e+00  }
0x48b: {  	v9 =	vadd.f32 v9, v56;
	v2 =	vadd.f32 v16, v13;
	v11 =	vmul.f32 v35, v54;
	[tilespmem:s3+$0xFFFFFF40] =	vst v49  }
0x48c: {  	v47 =	vmul.f32 v33, v15;
	v33 =	vmax.f32 v10, $0.0e+00;
	v10 =	vmul.f32 v29, v52;
	v14 =	vld [tilespmem:$0x1FF80]  }
0x48d: {  	v37 =	vmul.f32 v8, v53;
	v36 =	vmax.f32 v2, $0.0e+00;
	v11 =	vadd.f32 v11, v60;
	[tilespmem:s3+$0xFFFFFF80] =	vst v33  }
0x48e: {  	v40 =	vmax.f32 v9, $0.0e+00;
	[tilespmem:s3+$0xFFFFFFB0] =	vst v36;
	v8 =	vadd.f32 v10, v58;
	v1 =	vadd.f32 v47, v61  }
0x48f: {  	v3 =	vmul.f32 v39, v50;
	[tilespmem:s3+$0xFFFFFFD0] =	vst v40;
	v34 =	vmax.f32 v11, $0.0e+00  }
0x490: {  	[tilespmem:s3+$0xFFFFFF90] =	vst v34;
	v41 =	vmax.f32 v8, $0.0e+00;
	v17 =	vmax.f32 v1, $0.0e+00;
	v1 =	vadd.f32 v32, v12  }
0x491: {  	[tilespmem:s3+$0xFFFFFFE0] =	vst v41;
	v3 =	vadd.f32 v3, v14  }
0x492: {  	[tilespmem:s3+$0xFFFFFF70] =	vst v17;
	v38 =	vmax.f32 v1, $0.0e+00  }
0x493: {  	v35 =	vmax.f32 v3, $0.0e+00;
	v3 =	vmul.f32 v26, v15;
	[tilespmem:s3+$0xFFFFFFC0] =	vst v38  }
0x494: {  	v39 =	vmul.f32 v27, v54;
	v2 =	vadd.f32 v37, v57;
	[tilespmem:s3+$0xFFFFFFA0] =	vst v35  }
0x495: {  	v8 =	vmul.f32 v24, v51;
	v3 =	vadd.f32 v3, v61;
	v10 =	vld [tilespmem:$0x1FF80]  }
0x496: {  	v43 =	vmax.f32 v2, $0.0e+00;
	v1 =	vadd.f32 v39, v60  }
0x497: {  	v8 =	vadd.f32 v8, v13;
	v42 =	vmax.f32 v3, $0.0e+00;
	v3 =	vmul.f32 v25, v55  }
0x498: {  	v9 =	vmul.f32 v28, v50;
	v45 =	vmax.f32 v1, $0.0e+00;
	[tilespmem:s3+$0x0] =	vst v43  }
0x499: {  	v48 =	vmax.f32 v8, $0.0e+00;
	[tilespmem:s3+$0x10] =	vst v45;
	v3 =	vadd.f32 v3, v12  }
0x49a: {  	v44 =	vmul.f32 v22, v59;
	[tilespmem:s3+$0x30] =	vst v48;
	v9 =	vadd.f32 v9, v10  }
0x49b: {  	v46 =	vmul.f32 v23, v52;
	[tilespmem:s3+$0xFFFFFFF0] =	vst v42;
	v49 =	vmax.f32 v3, $0.0e+00  }
0x49c: {  	v2 =	vadd.f32 v44, v56;
	v14 =	vmul.f32 v7, v55;
	v47 =	vmax.f32 v9, $0.0e+00;
	[tilespmem:s3+$0x40] =	vst v49  }
0x49d: {  	v16 =	vmul.f32 v4, v59;
	v1 =	vadd.f32 v46, v58;
	[tilespmem:s3+$0x20] =	vst v47  }
0x49e: {  	v62 =	vmax.f32 v2, $0.0e+00;
	v2 =	vadd.f32 v14, v12;
	v3 =	vmul.f32 v5, v51;
	v7 =	vld [tilespmem:$0x1FF80]  }
0x49f: {  	v9 =	vmul.f32 v20, v15;
	v15 =	vmax.f32 v1, $0.0e+00;
	v1 =	vadd.f32 v16, v56;
	[tilespmem:s3+$0x50] =	vst v62  }
0x4a0: {  	v4 =	vmul.f32 v6, v52;
	v34 =	vmax.f32 v2, $0.0e+00;
	v3 =	vadd.f32 v3, v13;
	[tilespmem:s3+$0x60] =	vst v15  }
0x4a1: {  	v8 =	vmul.f32 v21, v50;
	v5 =	vadd.f32 v9, v61;
	[tilespmem:s3+$0xC0] =	vst v34;
	v35 =	vmax.f32 v1, $0.0e+00  }
0x4a2: {  	v33 =	vmax.f32 v3, $0.0e+00;
	v3 =	vadd.f32 v4, v58;
	[tilespmem:s3+$0xD0] =	vst v35  }
0x4a3: {  	v17 =	vmax.f32 v5, $0.0e+00;
	[tilespmem:s3+$0xB0] =	vst v33;
	v7 =	vadd.f32 v8, v7  }
0x4a4: {  	[tilespmem:s3+$0x70] =	vst v17;
	v36 =	vmax.f32 v3, $0.0e+00  }
0x4a5: {  	[tilespmem:s3+$0xE0] =	vst v36;
	v32 =	vmax.f32 v7, $0.0e+00  }
0x4a6: {  	[tilespmem:s3+$0xA0] =	vst v32  }
0x4a7: {  	[spmem:s5] =	stream.indirect.scatter.add.f32 [tilespmem:s20], [sflag:$0x5], $0x80, s21, s18, $0xb8;
	[tilespmem:$0x1F300] =	vst v63  }
0x4a8: {  	p1 =	seq.s32 s2, $0x37;
	s3 =	sadd.s32 $0x1, s2;
	_ =	swait.ge [sflag:s15], $0x2000  }
0x4a9: {  	s2 =	sshll.u32 @!p1 s3, $0x7;
	[sflag:s15] =	ssyncset.done $0x0  }
0x4aa: {  	s2 =	sand.u32 @!p1 $0x3FFFFF80, s2;
	[sflag:s15] =	ssyncadd.s32 $0xFFFFE000  }
0x4ab: {  	v0 =	vld @!p1 [tilespmem:s2+$0x0];
	_ =	sdelay $0x4  }
0x4ac: {  	v1 =	vand.u32 @!p1 $0xFFFF, v0  }
0x4ad: {  	v0 =	vshrl.u32 @!p1 v0, $0x10;
	[tilespmem:$0x3400] =	vst @!p1 v1  }
0x4ae: {  	[tilespmem:$0x3480] =	vst @!p1 v0  }
0x4af: {  	v0 =	vld @!p1 [tilespmem:s2+$0x10];
	_ =	sdelay $0x4  }
0x4b0: {  	v1 =	vand.u32 @!p1 $0xFFFF, v0  }
0x4b1: {  	v0 =	vshrl.u32 @!p1 v0, $0x10;
	[tilespmem:$0x3410] =	vst @!p1 v1  }
0x4b2: {  	[tilespmem:$0x3490] =	vst @!p1 v0  }
0x4b3: {  	v0 =	vld @!p1 [tilespmem:s2+$0x20];
	_ =	sdelay $0x4  }
0x4b4: {  	v1 =	vand.u32 @!p1 $0xFFFF, v0  }
0x4b5: {  	v0 =	vshrl.u32 @!p1 v0, $0x10;
	[tilespmem:$0x3420] =	vst @!p1 v1  }
0x4b6: {  	[tilespmem:$0x34A0] =	vst @!p1 v0  }
0x4b7: {  	v0 =	vld @!p1 [tilespmem:s2+$0x30];
	_ =	sdelay $0x4  }
0x4b8: {  	v1 =	vand.u32 @!p1 $0xFFFF, v0  }
0x4b9: {  	v0 =	vshrl.u32 @!p1 v0, $0x10;
	[tilespmem:$0x3430] =	vst @!p1 v1  }
0x4ba: {  	s4 =	simm.s32 @!p1 $0x3400;
	s16 =	simm.s32 @!p1 $0x3600;
	s2 =	simm.s32 @!p1 $0x40;
	[tilespmem:$0x34B0] =	vst @!p1 v0  }
0x4bb: {  	[tilespmem:s16], [sflag:$0x1] =	stream.indirect.gather @!p1 [hbm4b:s1+s2], $0x80, s4, s2, $0xb8;
	[tilespmem:$0x1F300] =	vst v63  }
0x4bc: {  	s4 =	simm.s32 @!p1 $0x3480;
	s16 =	simm.s32 @!p1 $0x5600  }
0x4bd: {  	[tilespmem:s16], [sflag:$0x2] =	stream.indirect.gather @!p1 [hbm4b:s7+s2], $0x80, s4, s2, $0xb8;
	[tilespmem:$0x1F300] =	vst v63  }
0x4be: {  	_ =	swait.ge [sflag:s30], $0x2000  }
0x4bf: {  	[sflag:s30] =	ssyncset.done $0x0  }
0x4c0: {  	[sflag:s30] =	ssyncadd.s32 $0xFFFFE000  }
0x4c1: {  	_ =	swait.ge [sflag:s31], $0x2000  }
0x4c2: {  	[sflag:s31] =	ssyncset.done $0x0  }
0x4c3: {  	s2 =	simm.s32 $0x7700;
	[sflag:s31] =	ssyncadd.s32 $0xFFFFE000  }
0x4c4: {  	s4 =	simm.s32 $0x9700;
	v37 =	vld [tilespmem:s2+$0x80]  }
0x4c5: {  	v38 =	vld [tilespmem:s4+$0x80]  }
0x4c6: {  	v39 =	vld [tilespmem:s2+$0x90]  }
0x4c7: {  	v3 =	vld [tilespmem:s4+$0x90]  }
0x4c8: {  	v4 =	vld [tilespmem:s2+$0xA0]  }
0x4c9: {  	v5 =	vld [tilespmem:s4+$0xA0]  }
0x4ca: {  	v6 =	vld [tilespmem:s2+$0xB0]  }
0x4cb: {  	v7 =	vld [tilespmem:s4+$0xB0]  }
0x4cc: {  	v8 =	vld [tilespmem:s2+$0xC0]  }
0x4cd: {  	v9 =	vld [tilespmem:s4+$0xC0]  }
0x4ce: {  	v10 =	vld [tilespmem:s2+$0xD0]  }
0x4cf: {  	v11 =	vld [tilespmem:s4+$0xD0]  }
0x4d0: {  	v40 =	vld [tilespmem:s2+$0xE0]  }
0x4d1: {  	v41 =	vld [tilespmem:s4+$0xE0]  }
0x4d2: {  	v42 =	vld [tilespmem:s2+$0xF0]  }
0x4d3: {  	v43 =	vld [tilespmem:s4+$0xF0]  }
0x4d4: {  	v47 =	vld [tilespmem:s4+$0xFFFFFF00]  }
0x4d5: {  	v16 =	vld [tilespmem:s2+$0xFFFFFF10]  }
0x4d6: {  	v17 =	vld [tilespmem:s4+$0xFFFFFF10]  }
0x4d7: {  	v18 =	vld [tilespmem:s2+$0xFFFFFF20]  }
0x4d8: {  	v19 =	vld [tilespmem:s4+$0xFFFFFF20]  }
0x4d9: {  	v29 =	vld [tilespmem:s2+$0xFFFFFF30];
	v21 =	vadd.f32 v11, v10  }
0x4da: {  	v46 =	vld [tilespmem:s4+$0xFFFFFF30]  }
0x4db: {  	v48 =	vld [tilespmem:s2+$0xFFFFFF40];
	v20 =	vadd.f32 v41, v40;
	v27 =	vadd.f32 v43, v42;
	[tilespmem:$0x1FCE0] =	vst v21  }
0x4dc: {  	v49 =	vld [tilespmem:s4+$0xFFFFFF40]  }
0x4dd: {  	v12 =	vadd.f32 v27, v20;
	v30 =	vmul.f32 v20, v20;
	[tilespmem:$0x1FCF0] =	vst v20;
	v20 =	vld [tilespmem:$0x1FFD0]  }
0x4de: {  	v25 =	vadd.f32 v3, v39;
	v3 =	vld [tilespmem:s2+$0xFFFFFF50]  }
0x4df: {  	v26 =	vadd.f32 v38, v37;
	v23 =	vadd.f32 v7, v6;
	v7 =	vld [tilespmem:s4+$0xFFFFFF50]  }
0x4e0: {  	v22 =	vadd.f32 v5, v4;
	v11 =	vld [tilespmem:s2+$0xFFFFFF60]  }
0x4e1: {  	v24 =	vadd.f32 v9, v8;
	v6 =	vmul.f32 v26, v26;
	v9 =	vmul.f32 v25, v25;
	v37 =	vld [tilespmem:s4+$0xFFFFFF60]  }
0x4e2: {  	v4 =	vadd.f32 v25, v26;
	v10 =	vmul.f32 v22, v22;
	v62 =	vmul.f32 v23, v23;
	v38 =	vld [tilespmem:s2+$0xFFFFFF70]  }
0x4e3: {  	v5 =	vadd.f32 v23, v22;
	v8 =	vadd.f32 v21, v24;
	v39 =	vld [tilespmem:s4+$0xFFFFFF70]  }
0x4e4: {  	v6 =	vadd.f32 v9, v6;
	v9 =	vadd.f32 v62, v10;
	v10 =	vld [tilespmem:s2+$0xFFFFFF80]  }
0x4e5: {  	v36 =	vmul.f32 v24, v24;
	v28 =	vmul.f32 v21, v21;
	v41 =	vld [tilespmem:s4+$0xFFFFFF80]  }
0x4e6: {  	v4 =	vadd.f32 v5, v4;
	v5 =	vadd.f32 v12, v8;
	v8 =	vmul.f32 v27, v27;
	v0 =	vld [tilespmem:s2+$0xFFFFFFA0]  }
0x4e7: {  	v32 =	vadd.f32 v19, v18;
	v31 =	vadd.f32 v46, v29;
	v45 =	vld [tilespmem:s4+$0xFFFFFFB0]  }
0x4e8: {  	v40 =	vadd.f32 v28, v36;
	v15 =	vld [tilespmem:s2+$0xFFFFFFC0];
	v8 =	vadd.f32 v8, v30  }
0x4e9: {  	v28 =	vadd.f32 v17, v16;
	v12 =	vld [tilespmem:s2+$0xFFFFFFD0];
	v4 =	vadd.f32 v5, v4  }
0x4ea: {  	v62 =	vld [tilespmem:$0x1FFE0];
	v6 =	vadd.f32 v9, v6;
	v8 =	vadd.f32 v8, v40  }
0x4eb: {  	v5 =	vld [tilespmem:s2+$0xFFFFFF90];
	v29 =	vadd.f32 v49, v48;
	v33 =	vadd.f32 v7, v3  }
0x4ec: {  	v9 =	vld [tilespmem:s4+$0xFFFFFF90];
	v43 =	vperm.xlane v4, v63;
	v3 =	vadd.f32 v31, v32;
	v34 =	vadd.f32 v37, v11  }
0x4ed: {  	v44 =	vmul.f32 v31, v31;
	v14 =	vld [tilespmem:s2+$0xFFFFFFF0];
	v35 =	vadd.f32 v39, v38;
	v42 =	vadd.f32 v8, v6  }
0x4ee: {  	v16 =	vld [tilespmem:s4+$0x20];
	v36 =	vadd.f32 v41, v10;
	v2 =	vadd.f32 v4, v43;
	v48 =	vmul.f32 v29, v29  }
0x4ef: {  	v30 =	vld [tilespmem:s4+$0xFFFFFFC0];
	v11 =	vadd.f32 v33, v29;
	v18 =	vmul.f32 v33, v33;
	v4 =	vperm.xlane v42, v63  }
0x4f0: {  	v6 =	vld [tilespmem:s4+$0xFFFFFFA0];
	v10 =	vadd.f32 v35, v34;
	v43 =	vmul.f32 v35, v35;
	v19 =	vperm.xlane v2, v20  }
0x4f1: {  	v7 =	vld [tilespmem:s2+$0xFFFFFFB0];
	v37 =	vadd.f32 v9, v5;
	v1 =	vadd.f32 v4, v42;
	v4 =	vmul.f32 v34, v34  }
0x4f2: {  	v8 =	vmul.f32 v32, v32;
	v49 =	vadd.f32 v18, v48;
	v18 =	vld [tilespmem:s4+$0xFFFFFFD0];
	v2 =	vadd.f32 v2, v19  }
0x4f3: {  	v10 =	vadd.f32 v10, v11;
	v42 =	vperm.xlane v1, v20;
	v11 =	vadd.f32 v43, v4;
	v4 =	vld [tilespmem:$0x1FFF0]  }
0x4f4: {  	v8 =	vadd.f32 v44, v8;
	v44 =	vmul.f32 v36, v36;
	v48 =	vld [tilespmem:s4+$0xFFFFFFF0];
	v5 =	vperm.xlane v2, v62  }
0x4f5: {  	v21 =	vadd.f32 v6, v0;
	v6 =	vmul.f32 v37, v37;
	v43 =	vld [tilespmem:s4+$0x10];
	v1 =	vadd.f32 v42, v1  }
0x4f6: {  	v38 =	vadd.f32 v30, v15;
	v2 =	vadd.f32 v2, v5;
	v42 =	vld [tilespmem:s2+$0x10]  }
0x4f7: {  	v17 =	vadd.f32 v6, v44;
	v39 =	vadd.f32 v18, v12;
	v12 =	vld [tilespmem:s2+$0x20];
	v46 =	vperm.xlane v1, v62  }
0x4f8: {  	v9 =	vld [tilespmem:s4+$0xFFFFFFE0];
	v0 =	vadd.f32 v11, v49;
	v5 =	vadd.f32 v45, v7;
	v7 =	vperm.xlane v2, v4  }
0x4f9: {  	v19 =	vld [tilespmem:s2+$0xFFFFFFE0];
	v49 =	vadd.f32 v37, v36;
	v45 =	vmul.f32 v21, v21;
	v1 =	vadd.f32 v46, v1  }
0x4fa: {  	v13 =	vld [tilespmem:s4+$0x0];
	v40 =	vadd.f32 v48, v14;
	v46 =	vmul.f32 v5, v5;
	v2 =	vadd.f32 v2, v7  }
0x4fb: {  	v11 =	vld [tilespmem:s2+$0x0];
	v7 =	vadd.f32 v5, v21;
	v41 =	vadd.f32 v43, v42;
	v6 =	vperm.xlane v1, v4  }
0x4fc: {  	v14 =	vld [tilespmem:s4+$0x30];
	v48 =	vmul.f32 v39, v39;
	v42 =	vadd.f32 v16, v12;
	v15 =	vadd.f32 v46, v45  }
0x4fd: {  	v45 =	vld [tilespmem:s4+$0x40];
	v30 =	vmul.f32 $7.812500000e-03, v2;
	v2 =	vadd.f32 v7, v49;
	v1 =	vadd.f32 v6, v1  }
0x4fe: {  	v7 =	vmul.f32 v38, v38;
	v6 =	vadd.f32 v9, v19;
	v9 =	vld [tilespmem:s2+$0x30];
	v19 =	vadd.f32 v39, v38  }
0x4ff: {  	v15 =	vadd.f32 v15, v17;
	v17 =	vld [tilespmem:s2+$0x40];
	v18 =	vmul.f32 v30, v30;
	v1 =	vmul.f32 $7.812500000e-03, v1  }
0x500: {  	v16 =	vld [tilespmem:s2+$0x60];
	v46 =	vadd.f32 v48, v7;
	v48 =	vmul.f32 v40, v40;
	v44 =	vmul.f32 v6, v6  }
0x501: {  	v49 =	vld [tilespmem:s4+$0x60];
	v1 =	vsub.f32 v1, v18;
	v18 =	vadd.f32 v40, v6  }
0x502: {  	v7 =	vadd.f32 v13, v11;
	v11 =	vld [tilespmem:s2+$0x50];
	v12 =	vadd.f32 v48, v44  }
0x503: {  	v43 =	vadd.f32 v14, v9;
	v13 =	vadd.f32 v18, v19;
	v18 =	vld [tilespmem:s4+$0x50]  }
0x504: {  	v44 =	vadd.f32 v45, v17;
	v17 =	vld [tilespmem:s2+$0x70];
	v9 =	vadd.f32 v12, v46  }
0x505: {  	v27 =	vsub.f32 v27, v30;
	v48 =	vadd.f32 v41, v7;
	v19 =	vmul.f32 v7, v7;
	v12 =	vld [tilespmem:s2+$0xFFFFFF00]  }
0x506: {  	v2 =	vadd.f32 v13, v2;
	v13 =	vmul.f32 v41, v41;
	v9 =	vadd.f32 v9, v15;
	v15 =	vld [tilespmem:s4+$0x70]  }
0x507: {  	v14 =	vmul.f32 v42, v42;
	v1 =	vadd.f32 $9.999999740e-06, v1;
	v46 =	vadd.f32 v43, v42  }
0x508: {  	v13 =	vadd.f32 v13, v19;
	v19 =	vmul.f32 v43, v43;
	v45 =	vadd.f32 v18, v11  }
0x509: {  	v11 =	vadd.f32 v46, v48;
	v46 =	vadd.f32 v49, v16  }
0x50a: {  	v18 =	vmul.f32 v44, v44;
	v12 =	vadd.f32 v47, v12;
	v14 =	vadd.f32 v19, v14  }
0x50b: {  	v16 =	vadd.f32 v45, v44;
	v19 =	vmul.f32 v45, v45;
	v47 =	vadd.f32 v15, v17  }
0x50c: {  	v15 =	vadd.f32 v28, v12;
	v13 =	vadd.f32 v14, v13  }
0x50d: {  	v14 =	vmul.f32 v28, v28;
	v18 =	vadd.f32 v19, v18;
	v19 =	vmul.f32 v12, v12  }
0x50e: {  	v17 =	vmul.f32 v46, v46;
	v48 =	vadd.f32 v47, v46;
	v49 =	vmul.f32 v47, v47  }
0x50f: {  	v3 =	vadd.f32 v3, v15;
	v14 =	vadd.f32 v14, v19  }
0x510: {  	v19 =	vshrl.u32 v1, $0x1;
	v16 =	vadd.f32 v48, v16;
	v15 =	vadd.f32 v49, v17  }
0x511: {  	v3 =	vadd.f32 v10, v3;
	v10 =	vperm.xlane v2, v63;
	v8 =	vadd.f32 v8, v14  }
0x512: {  	v49 =	vperm.xlane v9, v63;
	v11 =	vadd.f32 v16, v11;
	v48 =	vadd.f32 v15, v18  }
0x513: {  	v2 =	vadd.f32 v2, v10;
	v0 =	vadd.f32 v0, v8;
	v8 =	vperm.xlane v3, v63  }
0x514: {  	v9 =	vadd.f32 v49, v9;
	v10 =	vperm.xlane v11, v63;
	v13 =	vadd.f32 v48, v13  }
0x515: {  	v48 =	vperm.xlane v2, v20;
	v3 =	vadd.f32 v3, v8;
	v8 =	vperm.xlane v0, v63  }
0x516: {  	v15 =	vperm.xlane v9, v20;
	v10 =	vadd.f32 v11, v10;
	v11 =	vperm.xlane v13, v63  }
0x517: {  	v2 =	vadd.f32 v2, v48;
	v49 =	vperm.xlane v3, v20;
	v0 =	vadd.f32 v8, v0  }
0x518: {  	v9 =	vadd.f32 v15, v9;
	v8 =	vperm.xlane v10, v20;
	v11 =	vadd.f32 v11, v13  }
0x519: {  	v14 =	vperm.xlane v2, v62;
	v3 =	vadd.f32 v3, v49;
	v48 =	vperm.xlane v0, v20  }
0x51a: {  	v15 =	vperm.xlane v9, v62;
	v8 =	vadd.f32 v10, v8;
	v10 =	vperm.xlane v11, v20  }
0x51b: {  	v2 =	vadd.f32 v2, v14;
	v16 =	vperm.xlane v3, v62;
	v0 =	vadd.f32 v48, v0  }
0x51c: {  	v9 =	vadd.f32 v15, v9;
	v49 =	vperm.xlane v8, v62;
	v10 =	vadd.f32 v10, v11  }
0x51d: {  	v14 =	vperm.xlane v2, v4;
	v3 =	vadd.f32 v3, v16;
	v11 =	vperm.xlane v0, v62  }
0x51e: {  	v15 =	vperm.xlane v9, v4;
	v8 =	vadd.f32 v8, v49;
	v62 =	vperm.xlane v10, v62  }
0x51f: {  	v2 =	vadd.f32 v2, v14;
	v16 =	vperm.xlane v3, v4;
	v0 =	vadd.f32 v11, v0  }
0x520: {  	v9 =	vadd.f32 v15, v9;
	v11 =	vperm.xlane v8, v4;
	v10 =	vadd.f32 v62, v10  }
0x521: {  	v2 =	vmul.f32 $7.812500000e-03, v2;
	v3 =	vadd.f32 v3, v16;
	v16 =	vperm.xlane v0, v4  }
0x522: {  	v9 =	vmul.f32 $7.812500000e-03, v9;
	v8 =	vadd.f32 v8, v11;
	v11 =	vperm.xlane v10, v4  }
0x523: {  	v48 =	vmul.f32 v2, v2;
	v3 =	vmul.f32 $7.812500000e-03, v3;
	v0 =	vadd.f32 v16, v0  }
0x524: {  	v1 =	vmul.f32 $5.000000000e-01, v1;
	v8 =	vmul.f32 $7.812500000e-03, v8;
	v10 =	vadd.f32 v11, v10  }
0x525: {  	v9 =	vsub.f32 v9, v48;
	v0 =	vmul.f32 $7.812500000e-03, v0;
	v11 =	vmul.f32 v3, v3  }
0x526: {  	v26 =	vsub.f32 v26, v30;
	v10 =	vmul.f32 $7.812500000e-03, v10;
	v49 =	vmul.f32 v8, v8  }
0x527: {  	v19 =	vsub.s32 $0x5F3759DF, v19;
	v9 =	vadd.f32 $9.999999740e-06, v9;
	v0 =	vsub.f32 v0, v11  }
0x528: {  	v17 =	vmul.f32 v19, v1;
	v4 =	vsub.f32 v21, v2;
	v10 =	vsub.f32 v10, v49  }
0x529: {  	v62 =	vshrl.u32 v9, $0x1;
	v9 =	vmul.f32 $5.000000000e-01, v9;
	v0 =	vadd.f32 $9.999999740e-06, v0  }
0x52a: {  	v11 =	vmul.f32 v19, v17;
	v13 =	vsub.s32 $0x5F3759DF, v62;
	v10 =	vadd.f32 $9.999999740e-06, v10  }
0x52b: {  	v62 =	vmul.f32 v13, v9;
	v17 =	vshrl.u32 v0, $0x1;
	v0 =	vmul.f32 $5.000000000e-01, v0  }
0x52c: {  	v48 =	vshrl.u32 v10, $0x1;
	v10 =	vmul.f32 $5.000000000e-01, v10;
	v14 =	vsub.s32 $0x5F3759DF, v17  }
0x52d: {  	v15 =	vsub.s32 $0x5F3759DF, v48;
	v17 =	vmul.f32 v13, v62;
	v49 =	vmul.f32 v14, v0  }
0x52e: {  	v5 =	vsub.f32 v5, v2;
	v11 =	vsub.f32 $1.500000000e+00, v11;
	v18 =	vmul.f32 v15, v10  }
0x52f: {  	v6 =	vsub.f32 v6, v2;
	v17 =	vsub.f32 $1.500000000e+00, v17;
	v16 =	vmul.f32 v14, v49  }
0x530: {  	v12 =	vsub.f32 v12, v3;
	v11 =	vmul.f32 v19, v11;
	v18 =	vmul.f32 v15, v18  }
0x531: {  	v7 =	vsub.f32 v7, v8;
	v13 =	vmul.f32 v13, v17;
	v16 =	vsub.f32 $1.500000000e+00, v16  }
0x532: {  	v19 =	vsub.f32 v29, v3;
	v1 =	vmul.f32 v11, v1;
	v18 =	vsub.f32 $1.500000000e+00, v18  }
0x533: {  	v29 =	vsub.f32 v34, v3;
	v9 =	vmul.f32 v13, v9;
	v14 =	vmul.f32 v14, v16  }
0x534: {  	v34 =	vsub.f32 v43, v8;
	v1 =	vmul.f32 v1, v11;
	v15 =	vmul.f32 v15, v18  }
0x535: {  	v48 =	vsub.f32 v28, v3;
	v9 =	vmul.f32 v9, v13;
	v0 =	vmul.f32 v14, v0  }
0x536: {  	v28 =	vsub.f32 v33, v3;
	v1 =	vsub.f32 $1.500000000e+00, v1;
	v10 =	vmul.f32 v15, v10  }
0x537: {  	v62 =	vsub.f32 v25, v30;
	v9 =	vsub.f32 $1.500000000e+00, v9;
	v0 =	vmul.f32 v0, v14  }
0x538: {  	v49 =	vsub.f32 v32, v3;
	v1 =	vmul.f32 v1, v11;
	v10 =	vmul.f32 v10, v15  }
0x539: {  	v13 =	vmul.f32 v9, v13;
	v9 =	vsub.f32 v37, v2;
	v0 =	vsub.f32 $1.500000000e+00, v0  }
0x53a: {  	v18 =	vsub.f32 v31, v3;
	v25 =	vmul.f32 v1, v26;
	v10 =	vsub.f32 $1.500000000e+00, v10  }
0x53b: {  	v3 =	vsub.f32 v35, v3;
	v35 =	vmul.f32 v13, v9;
	v0 =	vmul.f32 v0, v14  }
0x53c: {  	v11 =	vsub.f32 v36, v2;
	v31 =	vmul.f32 v13, v5;
	v10 =	vmul.f32 v10, v15  }
0x53d: {  	v15 =	vsub.f32 v39, v2;
	v39 =	vmul.f32 v13, v4;
	v12 =	vmul.f32 v0, v12  }
0x53e: {  	v5 =	vsub.f32 v47, v8;
	v16 =	vmul.f32 v0, v48;
	v17 =	vmul.f32 v0, v49  }
0x53f: {  	v14 =	vsub.f32 v38, v2;
	v18 =	vmul.f32 v0, v18;
	v19 =	vmul.f32 v0, v19  }
0x540: {  	v2 =	vsub.f32 v40, v2;
	v48 =	vmul.f32 v0, v28;
	v40 =	vmul.f32 v0, v29  }
0x541: {  	v4 =	vsub.f32 v46, v8;
	v33 =	vmul.f32 v0, v3;
	v3 =	vmul.f32 v1, v27  }
0x542: {  	v20 =	vld [tilespmem:$0x1FEC0];
	v27 =	vsub.f32 v41, v8;
	v28 =	vsub.f32 v42, v8;
	v41 =	vmul.f32 v13, v11  }
0x543: {  	v49 =	vsub.f32 v44, v8;
	v32 =	vmul.f32 v13, v14;
	v9 =	vmul.f32 v13, v15  }
0x544: {  	v11 =	vsub.f32 v45, v8;
	v29 =	vmul.f32 v13, v6;
	v26 =	vmul.f32 v13, v2  }
0x545: {  	v47 =	vld [tilespmem:$0x1FCF0];
	v0 =	vmul.f32 v1, v62;
	v45 =	vsub.f32 v23, v30;
	v8 =	vmul.f32 v10, v7  }
0x546: {  	v7 =	vsub.f32 v24, v30;
	v24 =	vmul.f32 v10, v34;
	v23 =	vmul.f32 v10, v4  }
0x547: {  	v3 =	vmul.f32 v3, v20;
	v27 =	vmul.f32 v10, v27  }
0x548: {  	v6 =	vsub.f32 v22, v30;
	v28 =	vmul.f32 v10, v28;
	v22 =	vmul.f32 v10, v11  }
0x549: {  	v46 =	vld [tilespmem:$0x1FCE0];
	v20 =	vmul.f32 v10, v5;
	v0 =	vmul.f32 v0, v54  }
0x54a: {  	v15 =	vsub.f32 v47, v30;
	v21 =	vmul.f32 v1, v6;
	v5 =	vmul.f32 v1, v45  }
0x54b: {  	v7 =	vmul.f32 v1, v7;
	v44 =	vadd.f32 v3, v61;
	v3 =	vmul.f32 v25, v53  }
0x54c: {  	v62 =	vmul.f32 v12, v53;
	v38 =	vmul.f32 v16, v54;
	v0 =	vadd.f32 v0, v60  }
0x54d: {  	v36 =	vmul.f32 v17, v50;
	v2 =	vmax.f32 v44, $0.0e+00;
	v3 =	vadd.f32 v3, v57  }
0x54e: {  	v37 =	vmul.f32 v18, v51;
	v14 =	vsub.f32 v46, v30;
	v61 =	vld [tilespmem:$0x1FF80];
	v0 =	vmax.f32 v0, $0.0e+00;
	[tilespmem:s2+$0xF0] =	vst v2  }
0x54f: {  	v34 =	vmul.f32 v19, v55;
	v25 =	vmul.f32 v10, v49;
	[tilespmem:s2+$0x90] =	vst v0;
	v49 =	vmax.f32 v3, $0.0e+00  }
0x550: {  	s17 =	simm.s32 $0x7900;
	s16 =	simm.s32 $0x0;
	v6 =	vmul.f32 v1, v15;
	v30 =	vadd.f32 v62, v57;
	v4 =	vmul.f32 v1, v14;
	[tilespmem:s2+$0x80] =	vst v49  }
.LBB2_12:
0x551: {  	v0 =	vld [tilespmem:s17+$0x80]  }
0x552: {  	v46 =	vld [tilespmem:$0x1FEC0]  }
0x553: {  	v14 =	vld [tilespmem:s17+$0x90]  }
0x554: {  	v49 =	vld [tilespmem:$0x1FF90]  }
0x555: {  	v16 =	vmul.f32 v35, v54;
	v35 =	vld [tilespmem:$0x1FFA0]  }
0x556: {  	v13 =	vmul.f32 v41, v53;
	v41 =	vld [tilespmem:s17+$0xC0]  }
0x557: {  	s4 =	sadd.s32 $0x200, s4;
	v44 =	vld [tilespmem:s17+$0xD0]  }
0x558: {  	v10 =	vld [tilespmem:s4+$0x80]  }
0x559: {  	v18 =	vld [tilespmem:s4+$0x90]  }
0x55a: {  	v17 =	vmul.f32 v39, v50;
	v39 =	vld [tilespmem:s17+$0xB0]  }
0x55b: {  	v27 =	vmul.f32 v27, v54;
	v32 =	vmul.f32 v32, v55;
	v43 =	vld [tilespmem:s4+$0xC0]  }
0x55c: {  	v1 =	vadd.f32 v38, v60;
	v28 =	vmul.f32 v28, v50;
	v38 =	vld [tilespmem:s17+$0xF0];
	v4 =	vmul.f32 v4, v59  }
0x55d: {  	v25 =	vmul.f32 v25, v55;
	v2 =	vmul.f32 v48, v59;
	v11 =	vadd.f32 v36, v61;
	v47 =	vmovc v61;
	v61 =	vld [tilespmem:$0x1FFB0]  }
0x55e: {  	v3 =	vmul.f32 v40, v52;
	v36 =	vld [tilespmem:s4+$0xA0];
	[tilespmem:$0x1FCA0] =	vst v4;
	v4 =	vmul.f32 v6, v52  }
0x55f: {  	v48 =	vmul.f32 v8, v53;
	v40 =	vld [tilespmem:s4+$0xB0];
	v24 =	vmul.f32 v24, v51  }
0x560: {  	v8 =	vmul.f32 v21, v50;
	v21 =	vld [tilespmem:$0x1FFD0];
	v15 =	vadd.f32 v37, v49;
	[tilespmem:$0x1FCB0] =	vst v4;
	v4 =	vmax.f32 v30, $0.0e+00  }
0x561: {  	v37 =	vmul.f32 v5, v51;
	v5 =	vmul.f32 v7, v55;
	v7 =	vld [tilespmem:s4+$0xD0];
	[tilespmem:s2+$0xFFFFFF00] =	vst v4;
	v4 =	vadd.f32 v28, v47  }
0x562: {  	v13 =	vadd.f32 v13, v57;
	v62 =	vmul.f32 v9, v59;
	v9 =	vmul.f32 v20, v46;
	v20 =	vld [tilespmem:$0x1FED0]  }
0x563: {  	v16 =	vadd.f32 v16, v60;
	v1 =	vmax.f32 v1, $0.0e+00;
	v6 =	vld [tilespmem:s17+$0xE0];
	[tilespmem:$0x1FC50] =	vst v4;
	v4 =	vadd.f32 v24, v49  }
0x564: {  	v31 =	vmul.f32 v31, v51;
	v29 =	vmul.f32 v29, v52;
	[tilespmem:s2+$0xFFFFFF10] =	vst v1;
	v54 =	vmax.f32 v11, $0.0e+00;
	v11 =	vld [tilespmem:s4+$0xF0]  }
0x565: {  	v22 =	vmul.f32 v22, v59;
	v17 =	vadd.f32 v17, v47;
	v30 =	vld [tilespmem:s4+$0xE0];
	[tilespmem:$0x1FC60] =	vst v4;
	v4 =	vadd.f32 v25, v61  }
0x566: {  	v12 =	vmul.f32 v33, v46;
	v2 =	vadd.f32 v2, v56;
	[tilespmem:s2+$0xFFFFFF20] =	vst v54;
	v19 =	vadd.f32 v34, v61;
	v34 =	vld [tilespmem:s17+$0xA0]  }
0x567: {  	v3 =	vadd.f32 v3, v58;
	v45 =	vadd.f32 v31, v49;
	v55 =	vmax.f32 v15, $0.0e+00;
	[tilespmem:$0x1FC70] =	vst v4;
	v4 =	vld [tilespmem:$0x1FED0]  }
0x568: {  	v53 =	vadd.f32 v29, v58;
	v33 =	vadd.f32 v48, v57;
	v51 =	vld [tilespmem:s4+$0xFFFFFF00];
	[tilespmem:s2+$0xFFFFFF30] =	vst v55;
	v57 =	vmax.f32 v19, $0.0e+00  }
0x569: {  	v12 =	vadd.f32 v12, v35;
	v59 =	vadd.f32 v62, v20;
	v62 =	vmax.f32 v2, $0.0e+00;
	v15 =	vld [tilespmem:s17+$0xFFFFFF10];
	[tilespmem:s2+$0xFFFFFF40] =	vst v57  }
0x56a: {  	v48 =	vmax.f32 v3, $0.0e+00;
	v56 =	vadd.f32 v32, v61;
	v32 =	vadd.f32 v27, v60;
	v1 =	vld [tilespmem:s4+$0xFFFFFF10];
	[tilespmem:s2+$0xFFFFFF50] =	vst v62  }
0x56b: {  	v42 =	vmul.f32 v23, v52;
	v60 =	vadd.f32 v10, v0;
	v28 =	vadd.f32 v43, v41;
	[tilespmem:s2+$0xFFFFFF60] =	vst v48;
	v2 =	vld [tilespmem:s17+$0xFFFFFF20]  }
0x56c: {  	v50 =	vmax.f32 v12, $0.0e+00;
	v29 =	vadd.f32 v7, v44;
	v3 =	vld [tilespmem:s4+$0xFFFFFF20];
	v4 =	vadd.f32 v22, v4  }
0x56d: {  	v16 =	vmax.f32 v16, $0.0e+00;
	v55 =	vadd.f32 v11, v38;
	v30 =	vadd.f32 v30, v6;
	[tilespmem:s2+$0xFFFFFF70] =	vst v50;
	v6 =	vld [tilespmem:s17+$0xFFFFFF30]  }
0x56e: {  	v20 =	vadd.f32 v40, v39;
	v11 =	vmul.f32 v60, v60;
	v0 =	vld [tilespmem:s4+$0xFFFFFF30];
	[tilespmem:$0x1FCC0] =	vst v4;
	v4 =	vadd.f32 v42, v58  }
0x56f: {  	v57 =	vmax.f32 v13, $0.0e+00;
	v52 =	vmul.f32 v29, v29;
	v19 =	vadd.f32 v55, v30;
	v38 =	vld [tilespmem:s4+$0xFFFFFF60]  }
0x570: {  	v62 =	vmul.f32 v20, v20;
	v42 =	vadd.f32 v36, v34;
	v34 =	vld [tilespmem:s17+$0xFFFFFF60];
	[tilespmem:$0x1FCD0] =	vst v4;
	v4 =	vadd.f32 v18, v14  }
0x571: {  	v48 =	vmul.f32 v28, v28;
	v50 =	vld [tilespmem:s4+$0xFFFFFF40];
	v39 =	vadd.f32 v1, v15;
	v58 =	vadd.f32 v29, v28  }
0x572: {  	[tilespmem:s2+$0xFFFFFF80] =	vst v57;
	v54 =	vmul.f32 v30, v30;
	v57 =	vld [tilespmem:s17+$0xFFFFFF50];
	v10 =	vadd.f32 v20, v42;
	v7 =	vadd.f32 v4, v60  }
0x573: {  	v15 =	vadd.f32 v52, v48;
	v48 =	vld [tilespmem:s4+$0xFFFFFF70];
	v44 =	vadd.f32 v3, v2;
	v14 =	vmul.f32 v42, v42  }
0x574: {  	v18 =	vld [tilespmem:s17+$0xFFFFFF40];
	v13 =	vmul.f32 v4, v4;
	v7 =	vadd.f32 v10, v7;
	v10 =	vadd.f32 v19, v58  }
0x575: {  	[tilespmem:$0x1FC90] =	vst v20;
	v20 =	vld [tilespmem:$0x1FFE0];
	v62 =	vadd.f32 v62, v14;
	v43 =	vadd.f32 v38, v34;
	v58 =	vmul.f32 v55, v55  }
0x576: {  	[tilespmem:s2+$0xFFFFFF90] =	vst v16;
	v34 =	vadd.f32 v8, v47;
	v8 =	vld [tilespmem:$0x1FFF0];
	v3 =	vadd.f32 v10, v7;
	v7 =	vmax.f32 v17, $0.0e+00  }
0x577: {  	v19 =	vld [tilespmem:s4+$0xFFFFFF50];
	v11 =	vadd.f32 v13, v11;
	v12 =	vadd.f32 v58, v54;
	[tilespmem:s2+$0xFFFFFFA0] =	vst v7;
	v7 =	vmax.f32 v45, $0.0e+00  }
0x578: {  	v26 =	vmul.f32 v26, v46;
	v10 =	vld [tilespmem:s17+$0xFFFFFF70];
	[tilespmem:s2+$0xFFFFFFB0] =	vst v7  }
0x579: {  	v11 =	vadd.f32 v62, v11;
	v12 =	vadd.f32 v12, v15;
	v52 =	vld [tilespmem:s17+$0xFFFFFF80]  }
0x57a: {  	v31 =	vadd.f32 v26, v35;
	v41 =	vadd.f32 v50, v18;
	v7 =	vperm.xlane v3, v63;
	v16 =	vld [tilespmem:s4+$0xFFFFFF80]  }
0x57b: {  	v40 =	vadd.f32 v0, v6;
	v50 =	vmul.f32 v44, v44;
	v2 =	vld [tilespmem:s17+$0xFFFFFF90];
	v11 =	vadd.f32 v12, v11  }
0x57c: {  	[tilespmem:$0x1FC80] =	vst v42;
	v58 =	vmul.f32 v41, v41;
	v42 =	vadd.f32 v19, v57;
	v54 =	vld [tilespmem:s17+$0xFFFFFFA0];
	v3 =	vadd.f32 v3, v7  }
0x57d: {  	v36 =	vadd.f32 v9, v35;
	v57 =	vmul.f32 v40, v40;
	v1 =	vld [tilespmem:s17+$0xFFFFFFC0];
	v62 =	vperm.xlane v11, v63  }
0x57e: {  	v17 =	vadd.f32 v42, v41;
	v24 =	vadd.f32 v48, v10;
	v63 =	vld [tilespmem:s4+$0xFFFFFF90];
	v10 =	vperm.xlane v3, v21  }
0x57f: {  	v0 =	vld [tilespmem:s17+$0xFFFFFFD0];
	v18 =	vmul.f32 v42, v42;
	v25 =	vadd.f32 v57, v50;
	v11 =	vadd.f32 v62, v11  }
0x580: {  	v50 =	vld [tilespmem:s4+$0xFFFFFFA0];
	v3 =	vadd.f32 v3, v10;
	v10 =	vadd.f32 v24, v43  }
0x581: {  	v45 =	vmul.f32 v43, v43;
	v48 =	vadd.f32 v18, v58;
	v18 =	vld [tilespmem:s4+$0xFFFFFFB0];
	v9 =	vperm.xlane v11, v21  }
0x582: {  	v57 =	vadd.f32 v16, v52;
	v62 =	vmul.f32 v24, v24;
	v23 =	vadd.f32 v10, v17;
	v10 =	vld [tilespmem:s4+$0xFFFFFFC0]  }
0x583: {  	v52 =	vld [tilespmem:s17+$0xFFFFFFB0];
	v58 =	vadd.f32 v63, v2;
	v63 =	vperm.xlane v3, v20;
	v11 =	vadd.f32 v9, v11  }
0x584: {  	v37 =	vadd.f32 v37, v49;
	v16 =	vld [tilespmem:s4+$0xFFFFFFF0];
	v9 =	vadd.f32 v62, v45  }
0x585: {  	v47 =	vadd.f32 v50, v54;
	v45 =	vld [tilespmem:s4+$0xFFFFFFD0];
	v2 =	vadd.f32 v3, v63;
	v3 =	vperm.xlane v11, v20  }
0x586: {  	v38 =	vmul.f32 v57, v57;
	v15 =	vadd.f32 v58, v57;
	v63 =	vld [tilespmem:s17+$0xFFFFFFE0];
	v62 =	vadd.f32 v9, v48  }
0x587: {  	v54 =	vmul.f32 v58, v58;
	v49 =	vadd.f32 v10, v1;
	v1 =	vld [tilespmem:s17+$0xFFFFFFF0];
	v3 =	vadd.f32 v3, v11  }
0x588: {  	v48 =	vadd.f32 v18, v52;
	v18 =	vmul.f32 v47, v47;
	v52 =	vperm.xlane v2, v8;
	v11 =	vld [tilespmem:s4+$0xFFFFFFE0]  }
0x589: {  	v14 =	vld [tilespmem:s4+$0x0];
	v12 =	vadd.f32 v54, v38;
	v38 =	vadd.f32 v5, v61;
	v10 =	vperm.xlane v3, v8  }
0x58a: {  	v9 =	vld [tilespmem:s17+$0x60];
	v54 =	vadd.f32 v48, v47;
	v19 =	vmul.f32 v48, v48;
	v2 =	vadd.f32 v2, v52  }
0x58b: {  	v50 =	vadd.f32 v45, v0;
	v0 =	vld [tilespmem:s17+$0x0];
	v5 =	vmul.f32 v49, v49;
	v61 =	vadd.f32 v10, v3  }
0x58c: {  	v45 =	vmul.f32 $7.812500000e-03, v2;
	v3 =	vadd.f32 v54, v15;
	v54 =	vadd.f32 v16, v1;
	v16 =	vld [tilespmem:s17+$0x20]  }
0x58d: {  	v10 =	vadd.f32 v19, v18;
	v18 =	vmax.f32 v56, $0.0e+00;
	v52 =	vadd.f32 v11, v63;
	v11 =	vld [tilespmem:s17+$0x10]  }
0x58e: {  	v26 =	vadd.f32 v40, v44;
	v13 =	vmul.f32 v45, v45;
	[tilespmem:s2+$0xFFFFFFC0] =	vst v18;
	v18 =	vld [tilespmem:s4+$0x30];
	v2 =	vmul.f32 $7.812500000e-03, v61  }
0x58f: {  	v15 =	vadd.f32 v50, v49;
	v63 =	vmul.f32 v50, v50;
	v17 =	vsub.f32 v60, v45;
	v61 =	vld [tilespmem:s4+$0x10]  }
0x590: {  	v19 =	vmul.f32 v54, v54;
	v56 =	vadd.f32 v14, v0;
	v0 =	vld [tilespmem:s17+$0x30];
	v2 =	vsub.f32 v2, v13  }
0x591: {  	v1 =	vmul.f32 v52, v52;
	v5 =	vadd.f32 v63, v5;
	v63 =	vld [tilespmem:s4+$0x20];
	v60 =	vadd.f32 v54, v52  }
0x592: {  	v22 =	vsub.f32 v4, v45;
	v4 =	vmax.f32 v59, $0.0e+00;
	v14 =	vld [tilespmem:s4+$0x40];
	v2 =	vadd.f32 $9.999999740e-06, v2  }
0x593: {  	v53 =	vmax.f32 v53, $0.0e+00;
	[tilespmem:s2+$0xFFFFFFD0] =	vst v4;
	v13 =	vld [tilespmem:s17+$0x50];
	v4 =	vadd.f32 v60, v15;
	v1 =	vadd.f32 v19, v1  }
0x594: {  	v59 =	vadd.f32 v61, v11;
	v11 =	vld [tilespmem:s17+$0x40];
	v61 =	vshrl.u32 v2, $0x1;
	v6 =	vmul.f32 $5.000000000e-01, v2  }
0x595: {  	v10 =	vadd.f32 v10, v12;
	v3 =	vadd.f32 v4, v3;
	v4 =	vld [tilespmem:s4+$0x50];
	v12 =	vsub.s32 $0x5F3759DF, v61  }
0x596: {  	v5 =	vadd.f32 v1, v5;
	v1 =	vld [tilespmem:s17+$0xFFFFFF00];
	v60 =	vadd.f32 v63, v16;
	v63 =	vmul.f32 v12, v6  }
0x597: {  	v15 =	vmul.f32 v56, v56;
	v19 =	vmul.f32 v59, v59;
	v61 =	vadd.f32 v18, v0;
	v0 =	vld [tilespmem:$0x1FFC0]  }
0x598: {  	v30 =	vsub.f32 v30, v45;
	v2 =	vld [tilespmem:s4+$0x60];
	v16 =	vadd.f32 v59, v56;
	v63 =	vmul.f32 v12, v63  }
0x599: {  	v27 =	vmul.f32 v39, v39;
	v10 =	vadd.f32 v5, v10;
	v5 =	vld [tilespmem:s4+$0x70];
	v15 =	vadd.f32 v19, v15  }
0x59a: {  	v18 =	vmul.f32 v60, v60;
	v11 =	vadd.f32 v14, v11;
	v14 =	vld [tilespmem:s17+$0x70];
	v63 =	vsub.f32 $1.500000000e+00, v63  }
0x59b: {  	v19 =	vmul.f32 v61, v61;
	v13 =	vadd.f32 v4, v13;
	v1 =	vadd.f32 v51, v1  }
0x59c: {  	v7 =	vperm.xlane v3, v0;
	v0 =	vadd.f32 v61, v60;
	v12 =	vmul.f32 v12, v63  }
0x59d: {  	v18 =	vadd.f32 v19, v18;
	v4 =	vmul.f32 v11, v11;
	v19 =	vadd.f32 v39, v1;
	v63 =	vld [tilespmem:$0x1FFC0]  }
0x59e: {  	v16 =	vadd.f32 v0, v16;
	v0 =	vadd.f32 v2, v9;
	v6 =	vmul.f32 v12, v6  }
0x59f: {  	v3 =	vadd.f32 v3, v7;
	v7 =	vmul.f32 v13, v13;
	v5 =	vadd.f32 v5, v14  }
0x5a0: {  	v2 =	vadd.f32 v13, v11;
	v9 =	vadd.f32 v18, v15;
	v6 =	vmul.f32 v6, v12  }
0x5a1: {  	v15 =	vperm.xlane v3, v21;
	v4 =	vadd.f32 v7, v4;
	v7 =	vadd.f32 v5, v0  }
0x5a2: {  	[tilespmem:s2+$0xFFFFFFE0] =	vst v53;
	v53 =	vperm.xlane v10, v63;
	v63 =	vmul.f32 v1, v1;
	v6 =	vsub.f32 $1.500000000e+00, v6  }
0x5a3: {  	v14 =	vmul.f32 v0, v0;
	v18 =	vmul.f32 v5, v5;
	v3 =	vadd.f32 v3, v15  }
0x5a4: {  	v2 =	vadd.f32 v7, v2;
	v51 =	vmul.f32 v6, v12;
	v12 =	vadd.f32 v27, v63;
	v63 =	vld [tilespmem:$0x1FFC0]  }
0x5a5: {  	v7 =	vadd.f32 v26, v19;
	v6 =	vsub.f32 v55, v45  }
0x5a6: {  	v14 =	vadd.f32 v18, v14;
	v10 =	vadd.f32 v53, v10  }
0x5a7: {  	v7 =	vadd.f32 v23, v7;
	v6 =	vmul.f32 v51, v6;
	v12 =	vadd.f32 v25, v12  }
0x5a8: {  	v2 =	vadd.f32 v2, v16;
	v4 =	vadd.f32 v14, v4  }
0x5a9: {  	v6 =	vmul.f32 v6, v46;
	v12 =	vadd.f32 v62, v12;
	v46 =	vperm.xlane v7, v63  }
0x5aa: {  	v19 =	vperm.xlane v10, v21;
	v4 =	vadd.f32 v4, v9;
	v14 =	vperm.xlane v2, v63  }
0x5ab: {  	v16 =	vmul.f32 v51, v17;
	v9 =	vperm.xlane v12, v63;
	v7 =	vadd.f32 v7, v46  }
0x5ac: {  	v10 =	vadd.f32 v19, v10;
	v62 =	vperm.xlane v4, v63;
	v2 =	vadd.f32 v2, v14  }
0x5ad: {  	v6 =	vadd.f32 v6, v35;
	v9 =	vadd.f32 v9, v12;
	v17 =	vperm.xlane v7, v21  }
0x5ae: {  	v14 =	vperm.xlane v3, v20;
	v4 =	vadd.f32 v62, v4;
	v35 =	vperm.xlane v2, v21  }
0x5af: {  	v53 =	vld [tilespmem:$0x1FEF0];
	v12 =	vperm.xlane v10, v20;
	v46 =	vperm.xlane v9, v21;
	v7 =	vadd.f32 v7, v17  }
0x5b0: {  	v3 =	vadd.f32 v3, v14;
	v14 =	vperm.xlane v4, v21;
	v2 =	vadd.f32 v2, v35  }
0x5b1: {  	v6 =	vmax.f32 v6, $0.0e+00;
	v9 =	vadd.f32 v46, v9;
	v62 =	vperm.xlane v7, v20  }
0x5b2: {  	v10 =	vadd.f32 v12, v10;
	v4 =	vadd.f32 v14, v4;
	v35 =	vperm.xlane v2, v20  }
0x5b3: {  	v46 =	vperm.xlane v3, v8;
	v7 =	vadd.f32 v7, v62;
	v62 =	vperm.xlane v9, v20  }
0x5b4: {  	[tilespmem:s17+$0xF0] =	vst v6;
	v6 =	vmul.f32 v16, v53;
	v2 =	vadd.f32 v2, v35;
	v35 =	vperm.xlane v10, v8  }
0x5b5: {  	v3 =	vadd.f32 v3, v46;
	v46 =	vperm.xlane v4, v20;
	v9 =	vadd.f32 v62, v9  }
0x5b6: {  	v16 =	vperm.xlane v7, v8;
	v62 =	vperm.xlane v2, v8;
	v10 =	vadd.f32 v35, v10  }
0x5b7: {  	v3 =	vmul.f32 $7.812500000e-03, v3;
	v4 =	vadd.f32 v46, v4;
	v46 =	vperm.xlane v9, v8  }
0x5b8: {  	v35 =	vadd.f32 v7, v16;
	v2 =	vadd.f32 v2, v62;
	v10 =	vmul.f32 $7.812500000e-03, v10  }
0x5b9: {  	v7 =	vsub.f32 v57, v3;
	v62 =	vperm.xlane v4, v8;
	v9 =	vadd.f32 v46, v9  }
0x5ba: {  	v16 =	vsub.f32 v58, v3;
	v14 =	vmul.f32 $7.812500000e-03, v35;
	v35 =	vmul.f32 v3, v3  }
0x5bb: {  	v2 =	vmul.f32 $7.812500000e-03, v2;
	v4 =	vadd.f32 v62, v4;
	v62 =	vld [tilespmem:$0x1FF00];
	v9 =	vmul.f32 $7.812500000e-03, v9  }
0x5bc: {  	v46 =	vmul.f32 v14, v14;
	v1 =	vsub.f32 v1, v14;
	v10 =	vsub.f32 v10, v35  }
0x5bd: {  	v4 =	vmul.f32 $7.812500000e-03, v4;
	v57 =	vmul.f32 v2, v2;
	v12 =	vsub.f32 v39, v14  }
0x5be: {  	v18 =	vmul.f32 v51, v22;
	v17 =	vsub.f32 v44, v14;
	v9 =	vsub.f32 v9, v46  }
0x5bf: {  	v35 =	vmax.f32 v31, $0.0e+00;
	v10 =	vadd.f32 $9.999999740e-06, v10;
	v4 =	vsub.f32 v4, v57  }
0x5c0: {  	v39 =	vmax.f32 v33, $0.0e+00;
	v22 =	vsub.f32 v40, v14;
	v8 =	vmul.f32 v18, v62  }
0x5c1: {  	v9 =	vadd.f32 $9.999999740e-06, v9;
	v18 =	vshrl.u32 v10, $0x1;
	v4 =	vadd.f32 $9.999999740e-06, v4  }
0x5c2: {  	v23 =	vsub.f32 v41, v14;
	v10 =	vmul.f32 $5.000000000e-01, v10;
	v18 =	vsub.s32 $0x5F3759DF, v18  }
0x5c3: {  	v44 =	vshrl.u32 v9, $0x1;
	v9 =	vmul.f32 $5.000000000e-01, v9;
	v19 =	vshrl.u32 v4, $0x1  }
0x5c4: {  	v4 =	vmul.f32 $5.000000000e-01, v4;
	v21 =	vmul.f32 v18, v10;
	v15 =	vsub.s32 $0x5F3759DF, v44  }
0x5c5: {  	v11 =	vsub.f32 v11, v2;
	v19 =	vsub.s32 $0x5F3759DF, v19;
	v20 =	vmul.f32 v15, v9  }
0x5c6: {  	[tilespmem:s2+$0xFFFFFFF0] =	vst v35;
	v35 =	vsub.f32 v42, v14;
	v46 =	vmul.f32 v19, v4;
	v21 =	vmul.f32 v18, v21  }
0x5c7: {  	[tilespmem:s2+$0x0] =	vst v39;
	v39 =	vsub.f32 v43, v14;
	v14 =	vsub.f32 v24, v14;
	v24 =	vld [tilespmem:$0x1FC50];
	v20 =	vmul.f32 v15, v20  }
0x5c8: {  	v13 =	vsub.f32 v13, v2;
	v57 =	vld [tilespmem:$0x1FF50];
	v33 =	vmul.f32 v19, v46;
	v21 =	vsub.f32 $1.500000000e+00, v21  }
0x5c9: {  	v32 =	vmax.f32 v32, $0.0e+00;
	v0 =	vsub.f32 v0, v2;
	v20 =	vsub.f32 $1.500000000e+00, v20  }
0x5ca: {  	v42 =	vsub.f32 v47, v3;
	v33 =	vsub.f32 $1.500000000e+00, v33;
	v18 =	vmul.f32 v18, v21  }
0x5cb: {  	v43 =	vsub.f32 v50, v3;
	v47 =	vsub.f32 v59, v2;
	v15 =	vmul.f32 v15, v20  }
0x5cc: {  	v50 =	vsub.f32 v61, v2;
	v19 =	vmul.f32 v19, v33;
	v10 =	vmul.f32 v18, v10  }
0x5cd: {  	v31 =	vmax.f32 v24, $0.0e+00;
	v24 =	vld [tilespmem:$0x1FC60];
	v6 =	vadd.f32 v6, v57;
	v9 =	vmul.f32 v15, v9  }
0x5ce: {  	v46 =	vsub.f32 v56, v2;
	v4 =	vmul.f32 v19, v4;
	v10 =	vmul.f32 v10, v18  }
0x5cf: {  	v21 =	vsub.f32 v49, v3;
	v49 =	vsub.f32 v60, v2;
	v9 =	vmul.f32 v9, v15  }
0x5d0: {  	v2 =	vsub.f32 v5, v2;
	v5 =	vld [tilespmem:$0x1FC80];
	v4 =	vmul.f32 v4, v19;
	v10 =	vsub.f32 $1.500000000e+00, v10  }
0x5d1: {  	v44 =	vsub.f32 v52, v3;
	v6 =	vmax.f32 v6, $0.0e+00;
	v9 =	vsub.f32 $1.500000000e+00, v9  }
0x5d2: {  	v27 =	vmax.f32 v24, $0.0e+00;
	v24 =	vld [tilespmem:$0x1FC70];
	v4 =	vsub.f32 $1.500000000e+00, v4;
	v10 =	vmul.f32 v10, v18  }
0x5d3: {  	v56 =	vld [tilespmem:$0x1FED0];
	[tilespmem:s17+$0x80] =	vst v6;
	v6 =	vmul.f32 v51, v30;
	v20 =	vsub.f32 v48, v3;
	v9 =	vmul.f32 v9, v15  }
0x5d4: {  	[tilespmem:s2+$0x10] =	vst v32;
	v3 =	vsub.f32 v54, v3;
	v4 =	vmul.f32 v4, v19;
	v41 =	vmul.f32 v10, v7;
	v7 =	vld [tilespmem:$0x1FCA0]  }
0x5d5: {  	[tilespmem:s2+$0x20] =	vst v31;
	v52 =	vld [tilespmem:$0x1FC90];
	v5 =	vsub.f32 v5, v45;
	v31 =	vmul.f32 v10, v20;
	v32 =	vmul.f32 v10, v21  }
0x5d6: {  	v60 =	vld [tilespmem:$0x1FF60];
	v19 =	vsub.f32 v29, v45;
	v29 =	vmul.f32 v10, v44;
	v26 =	vmul.f32 v10, v3  }
0x5d7: {  	v24 =	vmax.f32 v24, $0.0e+00;
	v3 =	vld [tilespmem:$0x1FCD0];
	v21 =	vmul.f32 v51, v5;
	v1 =	vmul.f32 v9, v1  }
0x5d8: {  	v58 =	vld [tilespmem:$0x1FEE0];
	v18 =	vsub.f32 v28, v45;
	v12 =	vmul.f32 v9, v12;
	v17 =	vmul.f32 v9, v17  }
0x5d9: {  	v48 =	vmul.f32 v9, v35;
	v35 =	vmul.f32 v10, v16;
	v16 =	vadd.f32 v7, v56;
	v7 =	vld [tilespmem:$0x1FCB0]  }
0x5da: {  	v15 =	vsub.f32 v52, v45;
	v52 =	vmul.f32 v9, v22;
	v45 =	vmul.f32 v9, v23  }
0x5db: {  	[tilespmem:s2+$0x30] =	vst v27;
	v40 =	vmul.f32 v9, v39;
	v33 =	vmul.f32 v9, v14;
	v14 =	vadd.f32 v8, v60  }
0x5dc: {  	v55 =	vld [tilespmem:$0x1FF30];
	[tilespmem:s2+$0x40] =	vst v24;
	v39 =	vmul.f32 v10, v42;
	v9 =	vmul.f32 v10, v43;
	v3 =	vmax.f32 v3, $0.0e+00  }
0x5dd: {  	v54 =	vld [tilespmem:$0x1FF00];
	v8 =	vmul.f32 v4, v46;
	v27 =	vmul.f32 v4, v47;
	[tilespmem:s2+$0x60] =	vst v3;
	v3 =	vmax.f32 v36, $0.0e+00  }
0x5de: {  	v28 =	vmul.f32 v4, v49;
	[tilespmem:s2+$0x70] =	vst v3;
	v3 =	vmax.f32 v14, $0.0e+00;
	v62 =	vadd.f32 v7, v58;
	v7 =	vld [tilespmem:$0x1FCC0]  }
0x5df: {  	s16 =	sadd.s32 $0x4, s16;
	v24 =	vmul.f32 v4, v50;
	v25 =	vmul.f32 v4, v11;
	v50 =	vld [tilespmem:$0x1FF10];
	v46 =	vmax.f32 v16, $0.0e+00;
	[tilespmem:s17+$0x90] =	vst v3  }
0x5e0: {  	p1 =	slt.u32 s16, $0x3C;
	v22 =	vmul.f32 v4, v13;
	v36 =	vmax.f32 v34, $0.0e+00;
	[tilespmem:s2+$0xD0] =	vst v46;
	v47 =	vmax.f32 v62, $0.0e+00;
	v62 =	vld [tilespmem:$0x1FF20]  }
.Ltmp8:
0x5e1: {  	v23 =	vmul.f32 v4, v0;
	v20 =	vmul.f32 v4, v2;
	v43 =	vmax.f32 v37, $0.0e+00;
	[tilespmem:s2+$0xA0] =	vst v36;
	(pc) =	sbr.rel @p1 .LBB2_12-.Ltmp8, $4  }
0x5e2: {  	v59 =	vld [tilespmem:$0x1FF40];
	v44 =	vmax.f32 v38, $0.0e+00;
	v5 =	vmul.f32 v51, v15;
	v4 =	vmul.f32 v51, v19;
	[tilespmem:s2+$0xB0] =	vst v43  }
0x5e3: {  	v61 =	vld [tilespmem:$0x1FF80];
	v1 =	vmul.f32 v1, v53;
	v38 =	vmul.f32 v12, v54;
	[tilespmem:s2+$0xC0] =	vst v44;
	v7 =	vmax.f32 v7, $0.0e+00  }
0x5e4: {  	v34 =	vmul.f32 v45, v55;
	[tilespmem:s2+$0x50] =	vst v7;
	v7 =	vmul.f32 v51, v18;
	v51 =	vld [tilespmem:$0x1FF20]  }
0x5e5: {  	v30 =	vadd.f32 v1, v57;
	v36 =	vmul.f32 v17, v50;
	[tilespmem:s2+$0xE0] =	vst v47;
	s2 =	smov.u32 s17;
	s17 =	sadd.s32 $0x200, s17;
	v37 =	vmul.f32 v52, v62;
	v52 =	vld [tilespmem:$0x1FF70]  }
0x5e6: {  	_ = 	snop  }
0x5e7: {  	v0 =	vadd.f32 v38, v60;
	v2 =	vmax.f32 v30, $0.0e+00;
	v30 =	vld [tilespmem:$0x1FF90];
	_ =	sdelay $0x1  }
0x5e8: {  	[tilespmem:s2+$0xFFFFFF00] =	vst v2;
	v0 =	vmax.f32 v0, $0.0e+00  }
0x5e9: {  	v18 =	vld [tilespmem:$0x1FFB0];
	[tilespmem:s2+$0xFFFFFF10] =	vst v0  }
0x5ea: {  	v3 =	vmul.f32 v48, v59;
	v1 =	vadd.f32 v36, v61;
	v12 =	vld [tilespmem:$0x1FEC0]  }
0x5eb: {  	v19 =	vmul.f32 v41, v53;
	v49 =	vmul.f32 v40, v52;
	v10 =	vadd.f32 v37, v30  }
0x5ec: {  	v39 =	vmul.f32 v39, v50;
	v3 =	vadd.f32 v3, v56;
	v62 =	vmax.f32 v1, $0.0e+00  }
0x5ed: {  	v46 =	vmul.f32 v29, v52;
	[tilespmem:s2+$0xFFFFFF20] =	vst v62;
	v2 =	vadd.f32 v49, v58;
	v17 =	vmax.f32 v10, $0.0e+00  }
0x5ee: {  	v41 =	vmul.f32 v31, v51;
	v38 =	vmax.f32 v3, $0.0e+00;
	v3 =	vadd.f32 v39, v61;
	[tilespmem:s2+$0xFFFFFF30] =	vst v17  }
0x5ef: {  	v13 =	vadd.f32 v46, v58;
	v40 =	vmax.f32 v2, $0.0e+00;
	v16 =	vmul.f32 v33, v12;
	v33 =	vld [tilespmem:$0x1FFA0];
	[tilespmem:s2+$0xFFFFFF50] =	vst v38  }
0x5f0: {  	v24 =	vmul.f32 v24, v51;
	v47 =	vmax.f32 v3, $0.0e+00;
	v11 =	vadd.f32 v34, v18;
	[tilespmem:s2+$0xFFFFFF60] =	vst v40  }
0x5f1: {  	v62 =	vmul.f32 v8, v53;
	v10 =	vadd.f32 v19, v57;
	v19 =	vmax.f32 v13, $0.0e+00;
	[tilespmem:s2+$0xFFFFFFA0] =	vst v47  }
0x5f2: {  	v37 =	vmul.f32 v35, v54;
	v2 =	vadd.f32 v41, v30;
	v36 =	vmax.f32 v11, $0.0e+00;
	[tilespmem:s2+$0xFFFFFFE0] =	vst v19  }
0x5f3: {  	v29 =	vmul.f32 v22, v59;
	v8 =	vadd.f32 v24, v30;
	v44 =	vmax.f32 v10, $0.0e+00;
	[tilespmem:s2+$0xFFFFFF40] =	vst v36  }
0x5f4: {  	v11 =	vadd.f32 v37, v60;
	v49 =	vmax.f32 v2, $0.0e+00;
	v2 =	vadd.f32 v62, v57;
	[tilespmem:s2+$0xFFFFFF80] =	vst v44  }
0x5f5: {  	v9 =	vmul.f32 v9, v59;
	v17 =	vmul.f32 v28, v50;
	[tilespmem:s2+$0xFFFFFFB0] =	vst v49;
	v36 =	vmax.f32 v8, $0.0e+00  }
0x5f6: {  	v45 =	vmax.f32 v11, $0.0e+00;
	v28 =	vmax.f32 v2, $0.0e+00;
	v2 =	vadd.f32 v29, v56;
	[tilespmem:s2+$0x30] =	vst v36  }
0x5f7: {  	v9 =	vadd.f32 v9, v56;
	v48 =	vmul.f32 v26, v12;
	[tilespmem:s2+$0xFFFFFF90] =	vst v45  }
0x5f8: {  	v43 =	vmul.f32 v32, v55;
	[tilespmem:s2+$0x0] =	vst v28;
	v41 =	vmax.f32 v2, $0.0e+00;
	v1 =	vadd.f32 v16, v33  }
0x5f9: {  	v35 =	vmul.f32 v20, v12;
	v3 =	vadd.f32 v48, v33;
	v16 =	vmax.f32 v9, $0.0e+00;
	[tilespmem:s2+$0x50] =	vst v41  }
0x5fa: {  	v15 =	vmul.f32 v27, v54;
	v9 =	vadd.f32 v17, v61;
	[tilespmem:s2+$0xFFFFFFD0] =	vst v16;
	v42 =	vmax.f32 v1, $0.0e+00  }
0x5fb: {  	v27 =	vmul.f32 v25, v55;
	v40 =	vadd.f32 v35, v33;
	v26 =	vmax.f32 v3, $0.0e+00;
	[tilespmem:s2+$0xFFFFFF70] =	vst v42  }
0x5fc: {  	v37 =	vmul.f32 v21, v50;
	v1 =	vadd.f32 v43, v18;
	v34 =	vmax.f32 v9, $0.0e+00;
	[tilespmem:s2+$0xFFFFFFF0] =	vst v26  }
0x5fd: {  	v3 =	vadd.f32 v27, v18;
	v46 =	vmax.f32 v40, $0.0e+00;
	[tilespmem:s2+$0x20] =	vst v34  }
0x5fe: {  	v39 =	vmul.f32 v5, v51;
	v43 =	vadd.f32 v37, v61;
	[tilespmem:s2+$0x70] =	vst v46;
	v14 =	vmax.f32 v1, $0.0e+00  }
0x5ff: {  	v32 =	vmul.f32 v23, v52;
	v1 =	vadd.f32 v15, v60;
	v38 =	vmax.f32 v3, $0.0e+00;
	[tilespmem:s2+$0xFFFFFFC0] =	vst v14  }
0x600: {  	v42 =	vmul.f32 v7, v55;
	v3 =	vadd.f32 v39, v30;
	v48 =	vmax.f32 v43, $0.0e+00;
	[tilespmem:s2+$0x40] =	vst v38  }
0x601: {  	v45 =	vmul.f32 v4, v59;
	[tilespmem:s2+$0xA0] =	vst v48;
	v31 =	vmax.f32 v1, $0.0e+00;
	v1 =	vadd.f32 v32, v58  }
0x602: {  	v47 =	vmul.f32 v6, v52;
	v2 =	vadd.f32 v42, v18;
	v49 =	vmax.f32 v3, $0.0e+00;
	[tilespmem:s2+$0x10] =	vst v31  }
0x603: {  	[tilespmem:s2+$0xB0] =	vst v49;
	v44 =	vmax.f32 v1, $0.0e+00;
	v1 =	vadd.f32 v45, v56  }
0x604: {  	v56 =	vadd.f32 v47, v58;
	v58 =	vmax.f32 v2, $0.0e+00;
	[tilespmem:s2+$0x60] =	vst v44  }
0x605: {  	[tilespmem:s2+$0xC0] =	vst v58;
	v61 =	vmax.f32 v1, $0.0e+00  }
0x606: {  	v62 =	vmax.f32 v56, $0.0e+00;
	[tilespmem:s2+$0xD0] =	vst v61  }
0x607: {  	p1 =	sne.s32 s3, $0x38;
	[tilespmem:s2+$0xE0] =	vst v62  }
0x608: {  	[spmem:s5] =	stream.indirect.scatter.add.f32 [tilespmem:s24], [sflag:$0x5], $0x80, s25, s18, $0xb8;
	[tilespmem:$0x1F300] =	vst v63  }
.Ltmp9:
0x609: {  	_ = 	snop;
	(pc) =	sbr.rel @p1 .LBB2_9-.Ltmp9, $4  }
.Ltmp10:
0x60a: {  	_ =	swait.ge [sflag:s15], $0x2000;
	(pc) =	sbr.rel @!p1 .LBB2_14-.Ltmp10, $4  }
0x60b: {  	v62 =	vld [tilespmem:$0x1FFD0]  }
0x60c: {  	[sflag:s15] =	ssyncset.done $0x0;
	v56 =	vld [tilespmem:$0x1FFE0]  }
0x60d: {  	s2 =	smov.u32 s3;
	v58 =	vld [tilespmem:$0x1FFF0];
	[sflag:s15] =	ssyncadd.s32 $0xFFFFE000  }
0x60e: {  	_ = 	snop  }
.LBB2_15:
0x60f: {  	_ =	sfence.sel $0x180000  }
0x610: {  	[bflag:$0x0] =	sbarrier.arrive $0xFFFF  }
0x611: {  	_ =	strace $0x90000047  }
0x612: {  	s0 =	stileid.u32;
	[bflag:$0x2] =	sbarrier.arrive $0xFFFF  }
0x613: {  	p0 =	sne.s32 s0, $0x0;
	s0 =	rddreg [dreg:$0x5]  }
0x614: {  	s0 =	sadd.s32 @!p0 $0x100000, s0  }
0x615: {  	[sflag:s0] =	ssyncadd.tile.s32 @!p0 $0x1;
	_ =	shalt  }
.Lfunc_end2:
_tile_overlayer_lowered:
.L_overlay_start_2:
0x616: {  	(tag) =	ssettag $0x2  }
0x617: {  	s0 =	rddreg [dreg:$0x0];
	s2 =	stileid.u32  }
0x618: {  	s1 =	rddreg [dreg:$0x1];
	p0 =	sne.s32 s2, $0x0  }
0x619: {  	s3 =	rddreg [dreg:$0x2];
	[bflag:$0x3] =	sbarrier.arrive $0xFFFF;
	s2 =	simm.s32 @!p0 $0x1C05  }
0x61a: {  	[timem:s3], [sflag:s2] =	dma.local @!p0 [hbm:s0], s1  }
0x61b: {  	s0 =	simm.s32 @!p0 $0x5  }
0x61c: {  	_ =	swait.ge @!p0 [sflag:s0], s1  }
0x61d: {  	s1 =	ssub.s32 @!p0 $0x0, s1;
	[sflag:s0] =	ssyncset.done @!p0 $0x0  }
0x61e: {  	[sflag:s0] =	ssyncadd.s32 @!p0 s1  }
0x61f: {  	[bflag:$0x3] =	sbarrier.arrive $0xFFFF  }
0x620: {  	_ =	shalt  }

</sc_bundles>
